<compile_context>
chip_gen: v7x
topology: tpu7x:2x2x1
jax: 0.10.2.dev20260603
libtpu: 0.0.44.dev20260713+nightly
codegen_flags: <defaults>
</compile_context>

<pallas_src>
import functools

import jax
import jax.numpy as jnp
from jax import lax
from jax.experimental import pallas as pl
from jax.experimental.pallas import tpu as pltpu
from jax.experimental.pallas import tpu_sc as plsc

N_NODES = 10000
N_EDGES = 320000
HIDDEN = 128
HEADS = 16
HEAD_DIM = HIDDEN // HEADS
SCALE = 1.0 / (HEAD_DIM ** 0.5)
PAYLOAD = HIDDEN + HEADS

NC = 2
NS = 16
NW = NC * NS
E_PER_W = N_EDGES // NW
CHUNK = 40
N_CHUNKS = E_PER_W // CHUNK
ACC_ROWS = 10240
ROWS_PER_TILE = ACC_ROWS // NS



def _qkv_body(x_ref, wq_ref, wkv_ref, bq_ref, bkv_ref, q_ref, kv_ref):
    xb = x_ref[...]
    q_ref[...] = jnp.dot(xb, wq_ref[...], preferred_element_type=jnp.float32) + bq_ref[...]
    kv_ref[...] = jnp.dot(xb, wkv_ref[...], preferred_element_type=jnp.float32) + bkv_ref[...]


def _qkv_project(x, wqt, wkvt, bq, bkv):
    blk = 1000
    grid = (N_NODES // blk,)
    return pl.pallas_call(
        _qkv_body,
        grid=grid,
        in_specs=[pl.BlockSpec((blk, HIDDEN), lambda i: (i, 0)),
                  pl.BlockSpec((HIDDEN, HIDDEN), lambda i: (0, 0)),
                  pl.BlockSpec((HIDDEN, 2 * HIDDEN), lambda i: (0, 0)),
                  pl.BlockSpec((1, HIDDEN), lambda i: (0, 0)),
                  pl.BlockSpec((1, 2 * HIDDEN), lambda i: (0, 0))],
        out_specs=[pl.BlockSpec((blk, HIDDEN), lambda i: (i, 0)),
                   pl.BlockSpec((blk, 2 * HIDDEN), lambda i: (i, 0))],
        out_shape=[jax.ShapeDtypeStruct((N_NODES, HIDDEN), jnp.float32),
                   jax.ShapeDtypeStruct((N_NODES, 2 * HIDDEN), jnp.float32)],
    )(x, wqt, wkvt, bq[None, :], bkv[None, :])


def _bias_body(e_ref, w_ref, b_ref, o_ref):
    o_ref[...] = jnp.dot(e_ref[...], w_ref[...], preferred_element_type=jnp.float32) + b_ref[...]


def _edge_bias(edge_emb, webt, beb):
    blk = 4000
    grid = (N_EDGES // blk,)
    return pl.pallas_call(
        _bias_body,
        grid=grid,
        in_specs=[pl.BlockSpec((blk, HIDDEN), lambda i: (i, 0)),
                  pl.BlockSpec((HIDDEN, HEADS), lambda i: (0, 0)),
                  pl.BlockSpec((1, HEADS), lambda i: (0, 0))],
        out_specs=pl.BlockSpec((blk, HEADS), lambda i: (i, 0)),
        out_shape=jax.ShapeDtypeStruct((N_EDGES, HEADS), jnp.float32),
    )(edge_emb, webt, beb[None, :])


def _final_body(p0_ref, p1_ref, wot_ref, bo_ref, o_ref):
    a = p0_ref[...] + p1_ref[...]
    bsum = a[:, :HIDDEN]
    ssum = a[:, HIDDEN:] + 1e-10
    den = jnp.concatenate([ssum] * HEAD_DIM, axis=1)
    o_ref[...] = jnp.dot(bsum / den, wot_ref[...],
                         preferred_element_type=jnp.float32) + bo_ref[...]


def _finalize(part, wot, bo):
    blk = 80
    nb = N_NODES // blk
    off = ACC_ROWS // blk
    grid = (nb,)
    return pl.pallas_call(
        _final_body,
        grid=grid,
        in_specs=[pl.BlockSpec((blk, PAYLOAD), lambda i: (i, 0)),
                  pl.BlockSpec((blk, PAYLOAD), lambda i: (i + off, 0)),
                  pl.BlockSpec((HIDDEN, HIDDEN), lambda i: (0, 0)),
                  pl.BlockSpec((1, HIDDEN), lambda i: (0, 0))],
        out_specs=pl.BlockSpec((blk, HIDDEN), lambda i: (i, 0)),
        out_shape=jax.ShapeDtypeStruct((N_NODES, HIDDEN), jnp.float32),
    )(part, part, wot, bo[None, :])



def _edge_pass_body(q_hbm, kv_hbm, bias_hbm, row_hbm, col_hbm,
                    part_hbm,
                    ar0, ar1, ac0, ac1, br0, br1,
                    q0, q1, kv0, kv1, bb0, bb1, s0,
                    acc,
                    sg0, sg1, ss0, ss1, si0, si1, sb0, sb1):
    ar = [ar0, ar1]
    ac = [ac0, ac1]
    br = [br0, br1]
    bb = [bb0, bb1]
    qb = [q0, q1]
    kvb = [kv0, kv1]
    sg = [sg0, sg1]
    ss = [ss0, ss1]
    si = [si0, si1]
    sb = [sb0, sb1]

    cid = lax.axis_index("c")
    sid = lax.axis_index("s")
    wid = sid * NC + cid
    zeros16 = jnp.zeros((16,), jnp.float32)

    def _zs(i, c):
        s0[i // (PAYLOAD // 16), pl.ds((i % (PAYLOAD // 16)) * 16, 16)] = zeros16
        return c
    lax.fori_loop(0, CHUNK * (PAYLOAD // 16), _zs, 0)

    r0 = sid * ROWS_PER_TILE
    for j in range(ROWS_PER_TILE // CHUNK):
        pltpu.sync_copy(s0, acc.at[pl.ds(r0 + j * CHUNK, CHUNK)])
    plsc.subcore_barrier()

    ebase = wid * E_PER_W

    def _fetch_a(ci, b):
        off = ebase + ci * CHUNK
        pltpu.async_copy(row_hbm.at[pl.ds(off, CHUNK)], ar[b], si[b])
        pltpu.async_copy(col_hbm.at[pl.ds(off, CHUNK)], ac[b], si[b])
        pltpu.async_copy(bias_hbm.at[pl.ds(off, CHUNK)], bb[b], si[b])

    def _wait_a(b):
        pltpu.make_async_copy(row_hbm.at[pl.ds(0, CHUNK)], ar[b], si[b]).wait()
        pltpu.make_async_copy(col_hbm.at[pl.ds(0, CHUNK)], ac[b], si[b]).wait()
        pltpu.make_async_copy(bias_hbm.at[pl.ds(0, CHUNK)], bb[b], si[b]).wait()

    def _fetch_b(ci, b):
        off = ebase + ci * CHUNK
        pltpu.async_copy(row_hbm.at[pl.ds(off, CHUNK)], br[b], sb[b])

    def _wait_b(b):
        pltpu.make_async_copy(row_hbm.at[pl.ds(0, CHUNK)], br[b], sb[b]).wait()

    def _issue_gathers(b):
        pltpu.async_copy(q_hbm.at[ar[b]], qb[b], sg[b])
        pltpu.async_copy(kv_hbm.at[ac[b]], kvb[b], sg[b])

    def _wait_gathers(b):
        pltpu.make_async_copy(q_hbm.at[ar[b]], qb[b], sg[b]).wait()
        pltpu.make_async_copy(kv_hbm.at[ac[b]], kvb[b], sg[b]).wait()

    def _issue_scatter(b):
        pltpu.async_copy(s0, acc.at[br[b]], ss[b], add=True)

    def _wait_scatter(b):
        pltpu.make_async_copy(s0, acc.at[br[b]], ss[b]).wait()

    def _compute(b):
        bir, qr, kvr = bb[b], qb[b], kvb[b]

        @plsc.parallel_loop(0, CHUNK, unroll=4)
        def _edge(e):
            dot = qr[e, pl.ds(0, 16)] * kvr[e, pl.ds(0, 16)]
            for d in range(1, HEAD_DIM):
                dot = dot + qr[e, pl.ds(d * 16, 16)] * kvr[e, pl.ds(d * 16, 16)]
            p = jnp.exp(dot * SCALE + bir[e, :])
            for d in range(HEAD_DIM):
                s0[e, pl.ds(d * 16, 16)] = kvr[e, pl.ds(HIDDEN + d * 16, 16)] * p
            s0[e, pl.ds(HIDDEN, 16)] = p

    off0 = ebase
    pltpu.sync_copy(row_hbm.at[pl.ds(off0, CHUNK)], ar[0])
    pltpu.sync_copy(col_hbm.at[pl.ds(off0, CHUNK)], ac[0])
    pltpu.sync_copy(bias_hbm.at[pl.ds(off0, CHUNK)], bb[0])
    pltpu.sync_copy(row_hbm.at[pl.ds(off0, CHUNK)], br[0])
    _issue_gathers(0)
    _fetch_a(1, 1)

    def _pair(i, carry):
        for u in (0, 1):
            ci = 2 * i + u
            nu = 1 - u
            not_first = jnp.logical_or(i > 0, u > 0)
            not_last_pair = i < N_CHUNKS // 2 - 1
            _wait_gathers(u)

            if u == 0:
                _wait_a(1)
                _issue_gathers(1)
            else:
                @pl.when(not_last_pair)
                def _():
                    _wait_a(0)
                    _issue_gathers(0)

            @pl.when(not_first)
            def _():
                _wait_scatter(nu)
            if u == 0:
                _fetch_b(ci + 1, 1)
            else:
                @pl.when(not_last_pair)
                def _():
                    _fetch_b(ci + 1, 0)

            _compute(u)

            @pl.when(not_first)
            def _():
                _wait_b(u)
            _issue_scatter(u)

            @pl.when(not_last_pair)
            def _():
                _fetch_a(ci + 2, u)
        return carry

    lax.fori_loop(0, N_CHUNKS // 2, _pair, 0)
    _wait_scatter(1)

    plsc.subcore_barrier()
    out0 = cid * ACC_ROWS + r0
    for j in range(ROWS_PER_TILE // CHUNK):
        pltpu.sync_copy(acc.at[pl.ds(r0 + j * CHUNK, CHUNK)], s0)
        pltpu.sync_copy(s0, part_hbm.at[pl.ds(out0 + j * CHUNK, CHUNK)])


def _edge_pass(qt, kvt, bias, row, col):
    mesh = plsc.VectorSubcoreMesh(core_axis_name="c", subcore_axis_name="s")
    fn = pl.kernel(
        _edge_pass_body,
        out_type=[jax.ShapeDtypeStruct((NC * ACC_ROWS, PAYLOAD), jnp.float32)],
        mesh=mesh,
        scratch_types=(
            [pltpu.VMEM((CHUNK,), jnp.int32)] * 6
            + [pltpu.VMEM((CHUNK, HIDDEN), jnp.float32)] * 2
            + [pltpu.VMEM((CHUNK, 2 * HIDDEN), jnp.float32)] * 2
            + [pltpu.VMEM((CHUNK, HEADS), jnp.float32)] * 2
            + [pltpu.VMEM((CHUNK, PAYLOAD), jnp.float32)]
            + [pltpu.VMEM_SHARED((ACC_ROWS, PAYLOAD), jnp.float32)]
            + [pltpu.SemaphoreType.DMA] * 8
        ),
        compiler_params=pltpu.CompilerParams(use_tc_tiling_on_sc=False),
    )
    return fn(qt, kvt, bias, row, col)



def kernel(x, edge_index, edge_emb, Wq, bq, Wk, bk, Wv, bv, Wo, bo, Web, beb):
    c = jnp.arange(HIDDEN)
    perm = (c % HEADS) * HEAD_DIM + c // HEADS
    wqt = Wq.T[:, perm]
    wkvt = jnp.concatenate([Wk.T[:, perm], Wv.T[:, perm]], axis=1)
    wot = Wo.T[perm, :]
    bq_p = bq[perm]
    bkv_p = jnp.concatenate([bk[perm], bv[perm]])

    row = edge_index[0].astype(jnp.int32)
    col = edge_index[1].astype(jnp.int32)

    qt, kvt = _qkv_project(x, wqt, wkvt, bq_p, bkv_p)
    bias = _edge_bias(edge_emb, Web.T, beb)
    part, = _edge_pass(qt, kvt, bias, row, col)
    return _finalize(part, wot, bo)

# --- scband reference (transcript-rebuilt; emitter-appended) ---
"""Pipeline reference for scband-multi-head-attention-with-edge-bias2-d-17721035063345 (READ-ONLY COPY).

The authoritative reference and input builder live on the scoring server;
editing this copy changes nothing except your own understanding.
"""

import jax, jax.numpy as jnp
import numpy as np

N_NODES = 10000
N_EDGES = 320000
HIDDEN = 128
HEADS = 16


def setup_inputs(seed: int = 0) -> dict:
    key = jax.random.key(seed)
    ks = [jax.random.fold_in(key, i) for i in range(16)]
    x = jax.random.normal(ks[0], (N_NODES, HIDDEN), dtype=jnp.float32)
    edge_index = jax.random.randint(ks[1], (2, N_EDGES), 0, N_NODES, dtype=jnp.int64)
    edge_emb = jax.random.normal(ks[2], (N_EDGES, HIDDEN), dtype=jnp.float32)
    s = 1.0 / np.sqrt(HIDDEN)
    Wq = jax.random.uniform(ks[3], (HIDDEN, HIDDEN), jnp.float32, -s, s)
    bq = jax.random.uniform(ks[4], (HIDDEN,), jnp.float32, -s, s)
    Wk = jax.random.uniform(ks[5], (HIDDEN, HIDDEN), jnp.float32, -s, s)
    bk = jax.random.uniform(ks[6], (HIDDEN,), jnp.float32, -s, s)
    Wv = jax.random.uniform(ks[7], (HIDDEN, HIDDEN), jnp.float32, -s, s)
    bv = jax.random.uniform(ks[8], (HIDDEN,), jnp.float32, -s, s)
    Wo = jax.random.uniform(ks[9], (HIDDEN, HIDDEN), jnp.float32, -s, s)
    bo = jax.random.uniform(ks[10], (HIDDEN,), jnp.float32, -s, s)
    Web = jax.random.uniform(ks[11], (HEADS, HIDDEN), jnp.float32, -s, s)
    beb = jax.random.uniform(ks[12], (HEADS,), jnp.float32, -s, s)
    return {"x": x, "edge_index": edge_index, "edge_emb": edge_emb,
            "Wq": Wq, "bq": bq, "Wk": Wk, "bk": bk, "Wv": Wv, "bv": bv,
            "Wo": Wo, "bo": bo, "Web": Web, "beb": beb}


def reference(x, edge_index, edge_emb, Wq, bq, Wk, bk, Wv, bv, Wo, bo, Web, beb):
    num_nodes = x.shape[0]
    hidden = x.shape[1]
    num_heads = Web.shape[0]
    head_dim = hidden // num_heads
    q = (x @ Wq.T + bq).reshape(num_nodes, num_heads, head_dim)
    k = (x @ Wk.T + bk).reshape(num_nodes, num_heads, head_dim)
    v = (x @ Wv.T + bv).reshape(num_nodes, num_heads, head_dim)
    row = edge_index[0]
    col = edge_index[1]
    k_gather = k[col]
    v_gather = v[col]
    q_gather = q[row]
    attn_scores = (q_gather * k_gather).sum(axis=-1) / (head_dim ** 0.5)
    edge_bias = edge_emb @ Web.T + beb
    attn_scores = attn_scores + edge_bias
    max_scores = jax.ops.segment_max(attn_scores, row, num_segments=num_nodes)
    max_scores = max_scores[row]
    exp_scores = jnp.exp(attn_scores - max_scores)
    sum_exp = jax.ops.segment_sum(exp_scores, row, num_segments=num_nodes)
    sum_exp = sum_exp[row] + 1e-10
    attn_probs = exp_scores / sum_exp
    weighted_v = attn_probs[:, :, None] * v_gather
    out = jax.ops.segment_sum(weighted_v, row, num_segments=num_nodes)
    out = out.reshape(num_nodes, hidden)
    out = out @ Wo.T + bo
    return out

if __name__ == "__main__":
    import jax
    _d = setup_inputs()
    print(jax.jit(kernel)(*tuple(_d.values())))

</pallas_src>

<mosaic_0001>
#map = affine_map<(d0, d1) -> (0, 0)>
#map1 = affine_map<(d0, d1) -> (0)>
module attributes {stable_mosaic.version = 14 : i64} {
  func.func @_edge_pass_body(%arg0: i32, %arg1: i32, %arg2: memref<10000x128xf32, #tpu.memory_space<hbm>>, %arg3: memref<10000x256xf32, #tpu.memory_space<hbm>>, %arg4: memref<320000x16xf32, #tpu.memory_space<hbm>>, %arg5: memref<320000xi32, #tpu.memory_space<hbm>>, %arg6: memref<320000xi32, #tpu.memory_space<hbm>>, %arg7: memref<20480x144xf32, #tpu.memory_space<hbm>>, %arg8: memref<40xi32, #tpu.memory_space<vmem>>, %arg9: memref<40xi32, #tpu.memory_space<vmem>>, %arg10: memref<40xi32, #tpu.memory_space<vmem>>, %arg11: memref<40xi32, #tpu.memory_space<vmem>>, %arg12: memref<40xi32, #tpu.memory_space<vmem>>, %arg13: memref<40xi32, #tpu.memory_space<vmem>>, %arg14: memref<40x128xf32, #tpu.memory_space<vmem>>, %arg15: memref<40x128xf32, #tpu.memory_space<vmem>>, %arg16: memref<40x256xf32, #tpu.memory_space<vmem>>, %arg17: memref<40x256xf32, #tpu.memory_space<vmem>>, %arg18: memref<40x16xf32, #tpu.memory_space<vmem>>, %arg19: memref<40x16xf32, #tpu.memory_space<vmem>>, %arg20: memref<40x144xf32, #tpu.memory_space<vmem>>, %arg21: memref<10240x144xf32, #tpu.memory_space<vmem_shared>>, %arg22: memref<!tpu.dma_semaphore, #tpu.memory_space<semaphore_mem>>, %arg23: memref<!tpu.dma_semaphore, #tpu.memory_space<semaphore_mem>>, %arg24: memref<!tpu.dma_semaphore, #tpu.memory_space<semaphore_mem>>, %arg25: memref<!tpu.dma_semaphore, #tpu.memory_space<semaphore_mem>>, %arg26: memref<!tpu.dma_semaphore, #tpu.memory_space<semaphore_mem>>, %arg27: memref<!tpu.dma_semaphore, #tpu.memory_space<semaphore_mem>>, %arg28: memref<!tpu.dma_semaphore, #tpu.memory_space<semaphore_mem>>, %arg29: memref<!tpu.dma_semaphore, #tpu.memory_space<semaphore_mem>>) attributes {dimension_semantics = [#tpu.dimension_semantics<core_parallel>, #tpu.dimension_semantics<subcore_parallel>], iteration_bounds = array<i64: 2, 16>, scalar_prefetch = 0 : i64, scratch_operands = 22 : i64, tpu.core_type = #tpu.core_type<sc_vector_subcore>, window_params = [{transform_indices = #map}, {transform_indices = #map}, {transform_indices = #map}, {transform_indices = #map1}, {transform_indices = #map1}, {transform_indices = #map}]} {
    %mul3A = arith.constant 2 : i32
    %mul3A_0 = arith.muli %arg1, %mul3A : i32
    %add3A = arith.addi %mul3A_0, %arg0 : i32
    %broadcast_in_dim3A = arith.constant 0.000000e+00 : f32
    %broadcast_in_dim3A_1 = vector.broadcast %broadcast_in_dim3A : f32 to vector<16xf32>
    %scan3A = arith.constant 0 : i32
    %scan3A_2 = arith.constant 0 : i32
    %scan3A_3 = arith.constant 360 : i32
    %scan3A_4 = arith.addi %scan3A_2, %scan3A_3 : i32
    %scan3A_5 = arith.constant 1 : i32
    scf.for %scan3A_134 = %scan3A_2 to %scan3A_4 step %scan3A_5  : i32 {
      %jit3A = arith.constant 9 : i32
      %div3A = arith.divsi %scan3A_134, %jit3A : i32
      %sign3A = arith.constant 0 : i32
      %sign3A_135 = arith.cmpi sgt, %scan3A_134, %sign3A : i32
      %sign3A_136 = arith.extui %sign3A_135 : i1 to i32
      %sign3A_137 = arith.constant 0 : i32
      %sign3A_138 = arith.cmpi slt, %scan3A_134, %sign3A_137 : i32
      %sign3A_139 = arith.extui %sign3A_138 : i1 to i32
      %sign3A_140 = arith.subi %sign3A_136, %sign3A_139 : i32
      %sign3A_141 = arith.constant 0 : i32
      %sign3A_142 = arith.cmpi sgt, %jit3A, %sign3A_141 : i32
      %sign3A_143 = arith.extui %sign3A_142 : i1 to i32
      %sign3A_144 = arith.constant 0 : i32
      %sign3A_145 = arith.cmpi slt, %jit3A, %sign3A_144 : i32
      %sign3A_146 = arith.extui %sign3A_145 : i1 to i32
      %sign3A_147 = arith.subi %sign3A_143, %sign3A_146 : i32
      %ne3A = arith.cmpi ne, %sign3A_140, %sign3A_147 : i32
      %rem3A = arith.remsi %scan3A_134, %jit3A : i32
      %ne3A_148 = arith.constant 0 : i32
      %ne3A_149 = arith.cmpi ne, %rem3A, %ne3A_148 : i32
      %and3A = arith.andi %ne3A, %ne3A_149 : i1
      %sub3A = arith.constant 1 : i32
      %sub3A_150 = arith.subi %div3A, %sub3A : i32
      %select_n3A = arith.select %and3A, %sub3A_150, %div3A : i32
      %jit3A_151 = arith.constant 9 : i32
      %eq3A = arith.constant 0 : i32
      %eq3A_152 = arith.cmpi eq, %jit3A_151, %eq3A : i32
      %jit3A_153 = arith.constant 1 : i32
      %select_n3A_154 = arith.select %eq3A_152, %jit3A_153, %jit3A_151 : i32
      %rem3A_155 = arith.remsi %scan3A_134, %select_n3A_154 : i32
      %ne3A_156 = arith.constant 0 : i32
      %ne3A_157 = arith.cmpi ne, %rem3A_155, %ne3A_156 : i32
      %lt3A = arith.constant 0 : i32
      %lt3A_158 = arith.cmpi slt, %rem3A_155, %lt3A : i32
      %lt3A_159 = arith.constant 0 : i32
      %lt3A_160 = arith.cmpi slt, %select_n3A_154, %lt3A_159 : i32
      %ne3A_161 = arith.xori %lt3A_158, %lt3A_160 : i1
      %and3A_162 = arith.andi %ne3A_161, %ne3A_157 : i1
      %add3A_163 = arith.addi %rem3A_155, %select_n3A_154 : i32
      %select_n3A_164 = arith.select %and3A_162, %add3A_163, %rem3A_155 : i32
      %mul3A_165 = arith.constant 16 : i32
      %mul3A_166 = arith.muli %select_n3A_164, %mul3A_165 : i32
      %swap3A = arith.index_cast %select_n3A : i32 to index
      %swap3A_167 = arith.index_cast %mul3A_166 : i32 to index
      %swap3A_168 = tpu.vector_load %arg20[%swap3A, %swap3A_167] {strides = array<i32>} : memref<40x144xf32, #tpu.memory_space<vmem>>, vector<1x16xf32>,
      %swap3A_169 = vector.shape_cast %swap3A_168 : vector<1x16xf32> to vector<16xf32>
      %swap3A_170 = vector.shape_cast %broadcast_in_dim3A_1 : vector<16xf32> to vector<1x16xf32>
      tpu.vector_store %arg20[%swap3A, %swap3A_167], %swap3A_170 {strides = array<i32>} : memref<40x144xf32, #tpu.memory_space<vmem>>, vector<1x16xf32>,
    }
    %scan3A_6 = arith.constant 360 : i32
    %mul3A_7 = arith.constant 640 : i32
    %mul3A_8 = arith.muli %arg1, %mul3A_7 : i32
    %add3A_9 = arith.constant 0 : i32
    %add3A_10 = arith.addi %mul3A_8, %add3A_9 : i32
    "tpu.region"() ({
      %run_scoped3A = tpu.sem_alloc : memref<!tpu.dma_semaphore, #tpu.memory_space<semaphore_mem>>
      %dma_start3A_134 = arith.constant 0 : i32
      %dma_start3A_135 = tpu.memref_slice %arg21[%add3A_10, %dma_start3A_134] : memref<10240x144xf32, #tpu.memory_space<vmem_shared>> -> memref<40x144xf32, #tpu.memory_space<vmem_shared>>
      %dma_start3A_136 = arith.constant 0 : i32
      %dma_start3A_137 = tpu.memref_slice %arg21[%add3A_10, %dma_start3A_136] : memref<10240x144xf32, #tpu.memory_space<vmem_shared>> -> memref<40x144xf32, #tpu.memory_space<vmem_shared>>
      tpu.enqueue_dma source(%arg20 : memref<40x144xf32, #tpu.memory_space<vmem>>) target(%dma_start3A_137 : memref<40x144xf32, #tpu.memory_space<vmem_shared>>) target_semaphore(%run_scoped3A : memref<!tpu.dma_semaphore, #tpu.memory_space<semaphore_mem>>)
      %dma_wait3A_138 = arith.constant 0 : i32
      %dma_wait3A_139 = tpu.memref_slice %arg21[%add3A_10, %dma_wait3A_138] : memref<10240x144xf32, #tpu.memory_space<vmem_shared>> -> memref<40x144xf32, #tpu.memory_space<vmem_shared>>
      %dma_wait3A_140 = arith.constant 0 : i32
      %dma_wait3A_141 = tpu.memref_slice %arg21[%add3A_10, %dma_wait3A_140] : memref<10240x144xf32, #tpu.memory_space<vmem_shared>> -> memref<40x144xf32, #tpu.memory_space<vmem_shared>>
      tpu.wait_dma2 semaphore(%run_scoped3A : memref<!tpu.dma_semaphore, #tpu.memory_space<semaphore_mem>>) src(%arg20 : memref<40x144xf32, #tpu.memory_space<vmem>>) dst(%dma_wait3A_141 : memref<40x144xf32, #tpu.memory_space<vmem_shared>>)
      tpu.yield
    }) : () -> ()
    %add3A_11 = arith.constant 40 : i32
    %add3A_12 = arith.addi %mul3A_8, %add3A_11 : i32
    "tpu.region"() ({
      %run_scoped3A = tpu.sem_alloc : memref<!tpu.dma_semaphore, #tpu.memory_space<semaphore_mem>>
      %dma_start3A_134 = arith.constant 0 : i32
      %dma_start3A_135 = tpu.memref_slice %arg21[%add3A_12, %dma_start3A_134] : memref<10240x144xf32, #tpu.memory_space<vmem_shared>> -> memref<40x144xf32, #tpu.memory_space<vmem_shared>>
      %dma_start3A_136 = arith.constant 0 : i32
      %dma_start3A_137 = tpu.memref_slice %arg21[%add3A_12, %dma_start3A_136] : memref<10240x144xf32, #tpu.memory_space<vmem_shared>> -> memref<40x144xf32, #tpu.memory_space<vmem_shared>>
      tpu.enqueue_dma source(%arg20 : memref<40x144xf32, #tpu.memory_space<vmem>>) target(%dma_start3A_137 : memref<40x144xf32, #tpu.memory_space<vmem_shared>>) target_semaphore(%run_scoped3A : memref<!tpu.dma_semaphore, #tpu.memory_space<semaphore_mem>>)
      %dma_wait3A_138 = arith.constant 0 : i32
      %dma_wait3A_139 = tpu.memref_slice %arg21[%add3A_12, %dma_wait3A_138] : memref<10240x144xf32, #tpu.memory_space<vmem_shared>> -> memref<40x144xf32, #tpu.memory_space<vmem_shared>>
      %dma_wait3A_140 = arith.constant 0 : i32
      %dma_wait3A_141 = tpu.memref_slice %arg21[%add3A_12, %dma_wait3A_140] : memref<10240x144xf32, #tpu.memory_space<vmem_shared>> -> memref<40x144xf32, #tpu.memory_space<vmem_shared>>
      tpu.wait_dma2 semaphore(%run_scoped3A : memref<!tpu.dma_semaphore, #tpu.memory_space<semaphore_mem>>) src(%arg20 : memref<40x144xf32, #tpu.memory_space<vmem>>) dst(%dma_wait3A_141 : memref<40x144xf32, #tpu.memory_space<vmem_shared>>)
      tpu.yield
    }) : () -> ()
    %add3A_13 = arith.constant 80 : i32
    %add3A_14 = arith.addi %mul3A_8, %add3A_13 : i32
    "tpu.region"() ({
      %run_scoped3A = tpu.sem_alloc : memref<!tpu.dma_semaphore, #tpu.memory_space<semaphore_mem>>
      %dma_start3A_134 = arith.constant 0 : i32
      %dma_start3A_135 = tpu.memref_slice %arg21[%add3A_14, %dma_start3A_134] : memref<10240x144xf32, #tpu.memory_space<vmem_shared>> -> memref<40x144xf32, #tpu.memory_space<vmem_shared>>
      %dma_start3A_136 = arith.constant 0 : i32
      %dma_start3A_137 = tpu.memref_slice %arg21[%add3A_14, %dma_start3A_136] : memref<10240x144xf32, #tpu.memory_space<vmem_shared>> -> memref<40x144xf32, #tpu.memory_space<vmem_shared>>
      tpu.enqueue_dma source(%arg20 : memref<40x144xf32, #tpu.memory_space<vmem>>) target(%dma_start3A_137 : memref<40x144xf32, #tpu.memory_space<vmem_shared>>) target_semaphore(%run_scoped3A : memref<!tpu.dma_semaphore, #tpu.memory_space<semaphore_mem>>)
      %dma_wait3A_138 = arith.constant 0 : i32
      %dma_wait3A_139 = tpu.memref_slice %arg21[%add3A_14, %dma_wait3A_138] : memref<10240x144xf32, #tpu.memory_space<vmem_shared>> -> memref<40x144xf32, #tpu.memory_space<vmem_shared>>
      %dma_wait3A_140 = arith.constant 0 : i32
      %dma_wait3A_141 = tpu.memref_slice %arg21[%add3A_14, %dma_wait3A_140] : memref<10240x144xf32, #tpu.memory_space<vmem_shared>> -> memref<40x144xf32, #tpu.memory_space<vmem_shared>>
      tpu.wait_dma2 semaphore(%run_scoped3A : memref<!tpu.dma_semaphore, #tpu.memory_space<semaphore_mem>>) src(%arg20 : memref<40x144xf32, #tpu.memory_space<vmem>>) dst(%dma_wait3A_141 : memref<40x144xf32, #tpu.memory_space<vmem_shared>>)
      tpu.yield
    }) : () -> ()
    %add3A_15 = arith.constant 120 : i32
    %add3A_16 = arith.addi %mul3A_8, %add3A_15 : i32
    "tpu.region"() ({
      %run_scoped3A = tpu.sem_alloc : memref<!tpu.dma_semaphore, #tpu.memory_space<semaphore_mem>>
      %dma_start3A_134 = arith.constant 0 : i32
      %dma_start3A_135 = tpu.memref_slice %arg21[%add3A_16, %dma_start3A_134] : memref<10240x144xf32, #tpu.memory_space<vmem_shared>> -> memref<40x144xf32, #tpu.memory_space<vmem_shared>>
      %dma_start3A_136 = arith.constant 0 : i32
      %dma_start3A_137 = tpu.memref_slice %arg21[%add3A_16, %dma_start3A_136] : memref<10240x144xf32, #tpu.memory_space<vmem_shared>> -> memref<40x144xf32, #tpu.memory_space<vmem_shared>>
      tpu.enqueue_dma source(%arg20 : memref<40x144xf32, #tpu.memory_space<vmem>>) target(%dma_start3A_137 : memref<40x144xf32, #tpu.memory_space<vmem_shared>>) target_semaphore(%run_scoped3A : memref<!tpu.dma_semaphore, #tpu.memory_space<semaphore_mem>>)
      %dma_wait3A_138 = arith.constant 0 : i32
      %dma_wait3A_139 = tpu.memref_slice %arg21[%add3A_16, %dma_wait3A_138] : memref<10240x144xf32, #tpu.memory_space<vmem_shared>> -> memref<40x144xf32, #tpu.memory_space<vmem_shared>>
      %dma_wait3A_140 = arith.constant 0 : i32
      %dma_wait3A_141 = tpu.memref_slice %arg21[%add3A_16, %dma_wait3A_140] : memref<10240x144xf32, #tpu.memory_space<vmem_shared>> -> memref<40x144xf32, #tpu.memory_space<vmem_shared>>
      tpu.wait_dma2 semaphore(%run_scoped3A : memref<!tpu.dma_semaphore, #tpu.memory_space<semaphore_mem>>) src(%arg20 : memref<40x144xf32, #tpu.memory_space<vmem>>) dst(%dma_wait3A_141 : memref<40x144xf32, #tpu.memory_space<vmem_shared>>)
      tpu.yield
    }) : () -> ()
    %add3A_17 = arith.constant 160 : i32
    %add3A_18 = arith.addi %mul3A_8, %add3A_17 : i32
    "tpu.region"() ({
      %run_scoped3A = tpu.sem_alloc : memref<!tpu.dma_semaphore, #tpu.memory_space<semaphore_mem>>
      %dma_start3A_134 = arith.constant 0 : i32
      %dma_start3A_135 = tpu.memref_slice %arg21[%add3A_18, %dma_start3A_134] : memref<10240x144xf32, #tpu.memory_space<vmem_shared>> -> memref<40x144xf32, #tpu.memory_space<vmem_shared>>
      %dma_start3A_136 = arith.constant 0 : i32
      %dma_start3A_137 = tpu.memref_slice %arg21[%add3A_18, %dma_start3A_136] : memref<10240x144xf32, #tpu.memory_space<vmem_shared>> -> memref<40x144xf32, #tpu.memory_space<vmem_shared>>
      tpu.enqueue_dma source(%arg20 : memref<40x144xf32, #tpu.memory_space<vmem>>) target(%dma_start3A_137 : memref<40x144xf32, #tpu.memory_space<vmem_shared>>) target_semaphore(%run_scoped3A : memref<!tpu.dma_semaphore, #tpu.memory_space<semaphore_mem>>)
      %dma_wait3A_138 = arith.constant 0 : i32
      %dma_wait3A_139 = tpu.memref_slice %arg21[%add3A_18, %dma_wait3A_138] : memref<10240x144xf32, #tpu.memory_space<vmem_shared>> -> memref<40x144xf32, #tpu.memory_space<vmem_shared>>
      %dma_wait3A_140 = arith.constant 0 : i32
      %dma_wait3A_141 = tpu.memref_slice %arg21[%add3A_18, %dma_wait3A_140] : memref<10240x144xf32, #tpu.memory_space<vmem_shared>> -> memref<40x144xf32, #tpu.memory_space<vmem_shared>>
      tpu.wait_dma2 semaphore(%run_scoped3A : memref<!tpu.dma_semaphore, #tpu.memory_space<semaphore_mem>>) src(%arg20 : memref<40x144xf32, #tpu.memory_space<vmem>>) dst(%dma_wait3A_141 : memref<40x144xf32, #tpu.memory_space<vmem_shared>>)
      tpu.yield
    }) : () -> ()
    %add3A_19 = arith.constant 200 : i32
    %add3A_20 = arith.addi %mul3A_8, %add3A_19 : i32
    "tpu.region"() ({
      %run_scoped3A = tpu.sem_alloc : memref<!tpu.dma_semaphore, #tpu.memory_space<semaphore_mem>>
      %dma_start3A_134 = arith.constant 0 : i32
      %dma_start3A_135 = tpu.memref_slice %arg21[%add3A_20, %dma_start3A_134] : memref<10240x144xf32, #tpu.memory_space<vmem_shared>> -> memref<40x144xf32, #tpu.memory_space<vmem_shared>>
      %dma_start3A_136 = arith.constant 0 : i32
      %dma_start3A_137 = tpu.memref_slice %arg21[%add3A_20, %dma_start3A_136] : memref<10240x144xf32, #tpu.memory_space<vmem_shared>> -> memref<40x144xf32, #tpu.memory_space<vmem_shared>>
      tpu.enqueue_dma source(%arg20 : memref<40x144xf32, #tpu.memory_space<vmem>>) target(%dma_start3A_137 : memref<40x144xf32, #tpu.memory_space<vmem_shared>>) target_semaphore(%run_scoped3A : memref<!tpu.dma_semaphore, #tpu.memory_space<semaphore_mem>>)
      %dma_wait3A_138 = arith.constant 0 : i32
      %dma_wait3A_139 = tpu.memref_slice %arg21[%add3A_20, %dma_wait3A_138] : memref<10240x144xf32, #tpu.memory_space<vmem_shared>> -> memref<40x144xf32, #tpu.memory_space<vmem_shared>>
      %dma_wait3A_140 = arith.constant 0 : i32
      %dma_wait3A_141 = tpu.memref_slice %arg21[%add3A_20, %dma_wait3A_140] : memref<10240x144xf32, #tpu.memory_space<vmem_shared>> -> memref<40x144xf32, #tpu.memory_space<vmem_shared>>
      tpu.wait_dma2 semaphore(%run_scoped3A : memref<!tpu.dma_semaphore, #tpu.memory_space<semaphore_mem>>) src(%arg20 : memref<40x144xf32, #tpu.memory_space<vmem>>) dst(%dma_wait3A_141 : memref<40x144xf32, #tpu.memory_space<vmem_shared>>)
      tpu.yield
    }) : () -> ()
    %add3A_21 = arith.constant 240 : i32
    %add3A_22 = arith.addi %mul3A_8, %add3A_21 : i32
    "tpu.region"() ({
      %run_scoped3A = tpu.sem_alloc : memref<!tpu.dma_semaphore, #tpu.memory_space<semaphore_mem>>
      %dma_start3A_134 = arith.constant 0 : i32
      %dma_start3A_135 = tpu.memref_slice %arg21[%add3A_22, %dma_start3A_134] : memref<10240x144xf32, #tpu.memory_space<vmem_shared>> -> memref<40x144xf32, #tpu.memory_space<vmem_shared>>
      %dma_start3A_136 = arith.constant 0 : i32
      %dma_start3A_137 = tpu.memref_slice %arg21[%add3A_22, %dma_start3A_136] : memref<10240x144xf32, #tpu.memory_space<vmem_shared>> -> memref<40x144xf32, #tpu.memory_space<vmem_shared>>
      tpu.enqueue_dma source(%arg20 : memref<40x144xf32, #tpu.memory_space<vmem>>) target(%dma_start3A_137 : memref<40x144xf32, #tpu.memory_space<vmem_shared>>) target_semaphore(%run_scoped3A : memref<!tpu.dma_semaphore, #tpu.memory_space<semaphore_mem>>)
      %dma_wait3A_138 = arith.constant 0 : i32
      %dma_wait3A_139 = tpu.memref_slice %arg21[%add3A_22, %dma_wait3A_138] : memref<10240x144xf32, #tpu.memory_space<vmem_shared>> -> memref<40x144xf32, #tpu.memory_space<vmem_shared>>
      %dma_wait3A_140 = arith.constant 0 : i32
      %dma_wait3A_141 = tpu.memref_slice %arg21[%add3A_22, %dma_wait3A_140] : memref<10240x144xf32, #tpu.memory_space<vmem_shared>> -> memref<40x144xf32, #tpu.memory_space<vmem_shared>>
      tpu.wait_dma2 semaphore(%run_scoped3A : memref<!tpu.dma_semaphore, #tpu.memory_space<semaphore_mem>>) src(%arg20 : memref<40x144xf32, #tpu.memory_space<vmem>>) dst(%dma_wait3A_141 : memref<40x144xf32, #tpu.memory_space<vmem_shared>>)
      tpu.yield
    }) : () -> ()
    %add3A_23 = arith.constant 280 : i32
    %add3A_24 = arith.addi %mul3A_8, %add3A_23 : i32
    "tpu.region"() ({
      %run_scoped3A = tpu.sem_alloc : memref<!tpu.dma_semaphore, #tpu.memory_space<semaphore_mem>>
      %dma_start3A_134 = arith.constant 0 : i32
      %dma_start3A_135 = tpu.memref_slice %arg21[%add3A_24, %dma_start3A_134] : memref<10240x144xf32, #tpu.memory_space<vmem_shared>> -> memref<40x144xf32, #tpu.memory_space<vmem_shared>>
      %dma_start3A_136 = arith.constant 0 : i32
      %dma_start3A_137 = tpu.memref_slice %arg21[%add3A_24, %dma_start3A_136] : memref<10240x144xf32, #tpu.memory_space<vmem_shared>> -> memref<40x144xf32, #tpu.memory_space<vmem_shared>>
      tpu.enqueue_dma source(%arg20 : memref<40x144xf32, #tpu.memory_space<vmem>>) target(%dma_start3A_137 : memref<40x144xf32, #tpu.memory_space<vmem_shared>>) target_semaphore(%run_scoped3A : memref<!tpu.dma_semaphore, #tpu.memory_space<semaphore_mem>>)
      %dma_wait3A_138 = arith.constant 0 : i32
      %dma_wait3A_139 = tpu.memref_slice %arg21[%add3A_24, %dma_wait3A_138] : memref<10240x144xf32, #tpu.memory_space<vmem_shared>> -> memref<40x144xf32, #tpu.memory_space<vmem_shared>>
      %dma_wait3A_140 = arith.constant 0 : i32
      %dma_wait3A_141 = tpu.memref_slice %arg21[%add3A_24, %dma_wait3A_140] : memref<10240x144xf32, #tpu.memory_space<vmem_shared>> -> memref<40x144xf32, #tpu.memory_space<vmem_shared>>
      tpu.wait_dma2 semaphore(%run_scoped3A : memref<!tpu.dma_semaphore, #tpu.memory_space<semaphore_mem>>) src(%arg20 : memref<40x144xf32, #tpu.memory_space<vmem>>) dst(%dma_wait3A_141 : memref<40x144xf32, #tpu.memory_space<vmem_shared>>)
      tpu.yield
    }) : () -> ()
    %add3A_25 = arith.constant 320 : i32
    %add3A_26 = arith.addi %mul3A_8, %add3A_25 : i32
    "tpu.region"() ({
      %run_scoped3A = tpu.sem_alloc : memref<!tpu.dma_semaphore, #tpu.memory_space<semaphore_mem>>
      %dma_start3A_134 = arith.constant 0 : i32
      %dma_start3A_135 = tpu.memref_slice %arg21[%add3A_26, %dma_start3A_134] : memref<10240x144xf32, #tpu.memory_space<vmem_shared>> -> memref<40x144xf32, #tpu.memory_space<vmem_shared>>
      %dma_start3A_136 = arith.constant 0 : i32
      %dma_start3A_137 = tpu.memref_slice %arg21[%add3A_26, %dma_start3A_136] : memref<10240x144xf32, #tpu.memory_space<vmem_shared>> -> memref<40x144xf32, #tpu.memory_space<vmem_shared>>
      tpu.enqueue_dma source(%arg20 : memref<40x144xf32, #tpu.memory_space<vmem>>) target(%dma_start3A_137 : memref<40x144xf32, #tpu.memory_space<vmem_shared>>) target_semaphore(%run_scoped3A : memref<!tpu.dma_semaphore, #tpu.memory_space<semaphore_mem>>)
      %dma_wait3A_138 = arith.constant 0 : i32
      %dma_wait3A_139 = tpu.memref_slice %arg21[%add3A_26, %dma_wait3A_138] : memref<10240x144xf32, #tpu.memory_space<vmem_shared>> -> memref<40x144xf32, #tpu.memory_space<vmem_shared>>
      %dma_wait3A_140 = arith.constant 0 : i32
      %dma_wait3A_141 = tpu.memref_slice %arg21[%add3A_26, %dma_wait3A_140] : memref<10240x144xf32, #tpu.memory_space<vmem_shared>> -> memref<40x144xf32, #tpu.memory_space<vmem_shared>>
      tpu.wait_dma2 semaphore(%run_scoped3A : memref<!tpu.dma_semaphore, #tpu.memory_space<semaphore_mem>>) src(%arg20 : memref<40x144xf32, #tpu.memory_space<vmem>>) dst(%dma_wait3A_141 : memref<40x144xf32, #tpu.memory_space<vmem_shared>>)
      tpu.yield
    }) : () -> ()
    %add3A_27 = arith.constant 360 : i32
    %add3A_28 = arith.addi %mul3A_8, %add3A_27 : i32
    "tpu.region"() ({
      %run_scoped3A = tpu.sem_alloc : memref<!tpu.dma_semaphore, #tpu.memory_space<semaphore_mem>>
      %dma_start3A_134 = arith.constant 0 : i32
      %dma_start3A_135 = tpu.memref_slice %arg21[%add3A_28, %dma_start3A_134] : memref<10240x144xf32, #tpu.memory_space<vmem_shared>> -> memref<40x144xf32, #tpu.memory_space<vmem_shared>>
      %dma_start3A_136 = arith.constant 0 : i32
      %dma_start3A_137 = tpu.memref_slice %arg21[%add3A_28, %dma_start3A_136] : memref<10240x144xf32, #tpu.memory_space<vmem_shared>> -> memref<40x144xf32, #tpu.memory_space<vmem_shared>>
      tpu.enqueue_dma source(%arg20 : memref<40x144xf32, #tpu.memory_space<vmem>>) target(%dma_start3A_137 : memref<40x144xf32, #tpu.memory_space<vmem_shared>>) target_semaphore(%run_scoped3A : memref<!tpu.dma_semaphore, #tpu.memory_space<semaphore_mem>>)
      %dma_wait3A_138 = arith.constant 0 : i32
      %dma_wait3A_139 = tpu.memref_slice %arg21[%add3A_28, %dma_wait3A_138] : memref<10240x144xf32, #tpu.memory_space<vmem_shared>> -> memref<40x144xf32, #tpu.memory_space<vmem_shared>>
      %dma_wait3A_140 = arith.constant 0 : i32
      %dma_wait3A_141 = tpu.memref_slice %arg21[%add3A_28, %dma_wait3A_140] : memref<10240x144xf32, #tpu.memory_space<vmem_shared>> -> memref<40x144xf32, #tpu.memory_space<vmem_shared>>
      tpu.wait_dma2 semaphore(%run_scoped3A : memref<!tpu.dma_semaphore, #tpu.memory_space<semaphore_mem>>) src(%arg20 : memref<40x144xf32, #tpu.memory_space<vmem>>) dst(%dma_wait3A_141 : memref<40x144xf32, #tpu.memory_space<vmem_shared>>)
      tpu.yield
    }) : () -> ()
    %add3A_29 = arith.constant 400 : i32
    %add3A_30 = arith.addi %mul3A_8, %add3A_29 : i32
    "tpu.region"() ({
      %run_scoped3A = tpu.sem_alloc : memref<!tpu.dma_semaphore, #tpu.memory_space<semaphore_mem>>
      %dma_start3A_134 = arith.constant 0 : i32
      %dma_start3A_135 = tpu.memref_slice %arg21[%add3A_30, %dma_start3A_134] : memref<10240x144xf32, #tpu.memory_space<vmem_shared>> -> memref<40x144xf32, #tpu.memory_space<vmem_shared>>
      %dma_start3A_136 = arith.constant 0 : i32
      %dma_start3A_137 = tpu.memref_slice %arg21[%add3A_30, %dma_start3A_136] : memref<10240x144xf32, #tpu.memory_space<vmem_shared>> -> memref<40x144xf32, #tpu.memory_space<vmem_shared>>
      tpu.enqueue_dma source(%arg20 : memref<40x144xf32, #tpu.memory_space<vmem>>) target(%dma_start3A_137 : memref<40x144xf32, #tpu.memory_space<vmem_shared>>) target_semaphore(%run_scoped3A : memref<!tpu.dma_semaphore, #tpu.memory_space<semaphore_mem>>)
      %dma_wait3A_138 = arith.constant 0 : i32
      %dma_wait3A_139 = tpu.memref_slice %arg21[%add3A_30, %dma_wait3A_138] : memref<10240x144xf32, #tpu.memory_space<vmem_shared>> -> memref<40x144xf32, #tpu.memory_space<vmem_shared>>
      %dma_wait3A_140 = arith.constant 0 : i32
      %dma_wait3A_141 = tpu.memref_slice %arg21[%add3A_30, %dma_wait3A_140] : memref<10240x144xf32, #tpu.memory_space<vmem_shared>> -> memref<40x144xf32, #tpu.memory_space<vmem_shared>>
      tpu.wait_dma2 semaphore(%run_scoped3A : memref<!tpu.dma_semaphore, #tpu.memory_space<semaphore_mem>>) src(%arg20 : memref<40x144xf32, #tpu.memory_space<vmem>>) dst(%dma_wait3A_141 : memref<40x144xf32, #tpu.memory_space<vmem_shared>>)
      tpu.yield
    }) : () -> ()
    %add3A_31 = arith.constant 440 : i32
    %add3A_32 = arith.addi %mul3A_8, %add3A_31 : i32
    "tpu.region"() ({
      %run_scoped3A = tpu.sem_alloc : memref<!tpu.dma_semaphore, #tpu.memory_space<semaphore_mem>>
      %dma_start3A_134 = arith.constant 0 : i32
      %dma_start3A_135 = tpu.memref_slice %arg21[%add3A_32, %dma_start3A_134] : memref<10240x144xf32, #tpu.memory_space<vmem_shared>> -> memref<40x144xf32, #tpu.memory_space<vmem_shared>>
      %dma_start3A_136 = arith.constant 0 : i32
      %dma_start3A_137 = tpu.memref_slice %arg21[%add3A_32, %dma_start3A_136] : memref<10240x144xf32, #tpu.memory_space<vmem_shared>> -> memref<40x144xf32, #tpu.memory_space<vmem_shared>>
      tpu.enqueue_dma source(%arg20 : memref<40x144xf32, #tpu.memory_space<vmem>>) target(%dma_start3A_137 : memref<40x144xf32, #tpu.memory_space<vmem_shared>>) target_semaphore(%run_scoped3A : memref<!tpu.dma_semaphore, #tpu.memory_space<semaphore_mem>>)
      %dma_wait3A_138 = arith.constant 0 : i32
      %dma_wait3A_139 = tpu.memref_slice %arg21[%add3A_32, %dma_wait3A_138] : memref<10240x144xf32, #tpu.memory_space<vmem_shared>> -> memref<40x144xf32, #tpu.memory_space<vmem_shared>>
      %dma_wait3A_140 = arith.constant 0 : i32
      %dma_wait3A_141 = tpu.memref_slice %arg21[%add3A_32, %dma_wait3A_140] : memref<10240x144xf32, #tpu.memory_space<vmem_shared>> -> memref<40x144xf32, #tpu.memory_space<vmem_shared>>
      tpu.wait_dma2 semaphore(%run_scoped3A : memref<!tpu.dma_semaphore, #tpu.memory_space<semaphore_mem>>) src(%arg20 : memref<40x144xf32, #tpu.memory_space<vmem>>) dst(%dma_wait3A_141 : memref<40x144xf32, #tpu.memory_space<vmem_shared>>)
      tpu.yield
    }) : () -> ()
    %add3A_33 = arith.constant 480 : i32
    %add3A_34 = arith.addi %mul3A_8, %add3A_33 : i32
    "tpu.region"() ({
      %run_scoped3A = tpu.sem_alloc : memref<!tpu.dma_semaphore, #tpu.memory_space<semaphore_mem>>
      %dma_start3A_134 = arith.constant 0 : i32
      %dma_start3A_135 = tpu.memref_slice %arg21[%add3A_34, %dma_start3A_134] : memref<10240x144xf32, #tpu.memory_space<vmem_shared>> -> memref<40x144xf32, #tpu.memory_space<vmem_shared>>
      %dma_start3A_136 = arith.constant 0 : i32
      %dma_start3A_137 = tpu.memref_slice %arg21[%add3A_34, %dma_start3A_136] : memref<10240x144xf32, #tpu.memory_space<vmem_shared>> -> memref<40x144xf32, #tpu.memory_space<vmem_shared>>
      tpu.enqueue_dma source(%arg20 : memref<40x144xf32, #tpu.memory_space<vmem>>) target(%dma_start3A_137 : memref<40x144xf32, #tpu.memory_space<vmem_shared>>) target_semaphore(%run_scoped3A : memref<!tpu.dma_semaphore, #tpu.memory_space<semaphore_mem>>)
      %dma_wait3A_138 = arith.constant 0 : i32
      %dma_wait3A_139 = tpu.memref_slice %arg21[%add3A_34, %dma_wait3A_138] : memref<10240x144xf32, #tpu.memory_space<vmem_shared>> -> memref<40x144xf32, #tpu.memory_space<vmem_shared>>
      %dma_wait3A_140 = arith.constant 0 : i32
      %dma_wait3A_141 = tpu.memref_slice %arg21[%add3A_34, %dma_wait3A_140] : memref<10240x144xf32, #tpu.memory_space<vmem_shared>> -> memref<40x144xf32, #tpu.memory_space<vmem_shared>>
      tpu.wait_dma2 semaphore(%run_scoped3A : memref<!tpu.dma_semaphore, #tpu.memory_space<semaphore_mem>>) src(%arg20 : memref<40x144xf32, #tpu.memory_space<vmem>>) dst(%dma_wait3A_141 : memref<40x144xf32, #tpu.memory_space<vmem_shared>>)
      tpu.yield
    }) : () -> ()
    %add3A_35 = arith.constant 520 : i32
    %add3A_36 = arith.addi %mul3A_8, %add3A_35 : i32
    "tpu.region"() ({
      %run_scoped3A = tpu.sem_alloc : memref<!tpu.dma_semaphore, #tpu.memory_space<semaphore_mem>>
      %dma_start3A_134 = arith.constant 0 : i32
      %dma_start3A_135 = tpu.memref_slice %arg21[%add3A_36, %dma_start3A_134] : memref<10240x144xf32, #tpu.memory_space<vmem_shared>> -> memref<40x144xf32, #tpu.memory_space<vmem_shared>>
      %dma_start3A_136 = arith.constant 0 : i32
      %dma_start3A_137 = tpu.memref_slice %arg21[%add3A_36, %dma_start3A_136] : memref<10240x144xf32, #tpu.memory_space<vmem_shared>> -> memref<40x144xf32, #tpu.memory_space<vmem_shared>>
      tpu.enqueue_dma source(%arg20 : memref<40x144xf32, #tpu.memory_space<vmem>>) target(%dma_start3A_137 : memref<40x144xf32, #tpu.memory_space<vmem_shared>>) target_semaphore(%run_scoped3A : memref<!tpu.dma_semaphore, #tpu.memory_space<semaphore_mem>>)
      %dma_wait3A_138 = arith.constant 0 : i32
      %dma_wait3A_139 = tpu.memref_slice %arg21[%add3A_36, %dma_wait3A_138] : memref<10240x144xf32, #tpu.memory_space<vmem_shared>> -> memref<40x144xf32, #tpu.memory_space<vmem_shared>>
      %dma_wait3A_140 = arith.constant 0 : i32
      %dma_wait3A_141 = tpu.memref_slice %arg21[%add3A_36, %dma_wait3A_140] : memref<10240x144xf32, #tpu.memory_space<vmem_shared>> -> memref<40x144xf32, #tpu.memory_space<vmem_shared>>
      tpu.wait_dma2 semaphore(%run_scoped3A : memref<!tpu.dma_semaphore, #tpu.memory_space<semaphore_mem>>) src(%arg20 : memref<40x144xf32, #tpu.memory_space<vmem>>) dst(%dma_wait3A_141 : memref<40x144xf32, #tpu.memory_space<vmem_shared>>)
      tpu.yield
    }) : () -> ()
    %add3A_37 = arith.constant 560 : i32
    %add3A_38 = arith.addi %mul3A_8, %add3A_37 : i32
    "tpu.region"() ({
      %run_scoped3A = tpu.sem_alloc : memref<!tpu.dma_semaphore, #tpu.memory_space<semaphore_mem>>
      %dma_start3A_134 = arith.constant 0 : i32
      %dma_start3A_135 = tpu.memref_slice %arg21[%add3A_38, %dma_start3A_134] : memref<10240x144xf32, #tpu.memory_space<vmem_shared>> -> memref<40x144xf32, #tpu.memory_space<vmem_shared>>
      %dma_start3A_136 = arith.constant 0 : i32
      %dma_start3A_137 = tpu.memref_slice %arg21[%add3A_38, %dma_start3A_136] : memref<10240x144xf32, #tpu.memory_space<vmem_shared>> -> memref<40x144xf32, #tpu.memory_space<vmem_shared>>
      tpu.enqueue_dma source(%arg20 : memref<40x144xf32, #tpu.memory_space<vmem>>) target(%dma_start3A_137 : memref<40x144xf32, #tpu.memory_space<vmem_shared>>) target_semaphore(%run_scoped3A : memref<!tpu.dma_semaphore, #tpu.memory_space<semaphore_mem>>)
      %dma_wait3A_138 = arith.constant 0 : i32
      %dma_wait3A_139 = tpu.memref_slice %arg21[%add3A_38, %dma_wait3A_138] : memref<10240x144xf32, #tpu.memory_space<vmem_shared>> -> memref<40x144xf32, #tpu.memory_space<vmem_shared>>
      %dma_wait3A_140 = arith.constant 0 : i32
      %dma_wait3A_141 = tpu.memref_slice %arg21[%add3A_38, %dma_wait3A_140] : memref<10240x144xf32, #tpu.memory_space<vmem_shared>> -> memref<40x144xf32, #tpu.memory_space<vmem_shared>>
      tpu.wait_dma2 semaphore(%run_scoped3A : memref<!tpu.dma_semaphore, #tpu.memory_space<semaphore_mem>>) src(%arg20 : memref<40x144xf32, #tpu.memory_space<vmem>>) dst(%dma_wait3A_141 : memref<40x144xf32, #tpu.memory_space<vmem_shared>>)
      tpu.yield
    }) : () -> ()
    %add3A_39 = arith.constant 600 : i32
    %add3A_40 = arith.addi %mul3A_8, %add3A_39 : i32
    "tpu.region"() ({
      %run_scoped3A = tpu.sem_alloc : memref<!tpu.dma_semaphore, #tpu.memory_space<semaphore_mem>>
      %dma_start3A_134 = arith.constant 0 : i32
      %dma_start3A_135 = tpu.memref_slice %arg21[%add3A_40, %dma_start3A_134] : memref<10240x144xf32, #tpu.memory_space<vmem_shared>> -> memref<40x144xf32, #tpu.memory_space<vmem_shared>>
      %dma_start3A_136 = arith.constant 0 : i32
      %dma_start3A_137 = tpu.memref_slice %arg21[%add3A_40, %dma_start3A_136] : memref<10240x144xf32, #tpu.memory_space<vmem_shared>> -> memref<40x144xf32, #tpu.memory_space<vmem_shared>>
      tpu.enqueue_dma source(%arg20 : memref<40x144xf32, #tpu.memory_space<vmem>>) target(%dma_start3A_137 : memref<40x144xf32, #tpu.memory_space<vmem_shared>>) target_semaphore(%run_scoped3A : memref<!tpu.dma_semaphore, #tpu.memory_space<semaphore_mem>>)
      %dma_wait3A_138 = arith.constant 0 : i32
      %dma_wait3A_139 = tpu.memref_slice %arg21[%add3A_40, %dma_wait3A_138] : memref<10240x144xf32, #tpu.memory_space<vmem_shared>> -> memref<40x144xf32, #tpu.memory_space<vmem_shared>>
      %dma_wait3A_140 = arith.constant 0 : i32
      %dma_wait3A_141 = tpu.memref_slice %arg21[%add3A_40, %dma_wait3A_140] : memref<10240x144xf32, #tpu.memory_space<vmem_shared>> -> memref<40x144xf32, #tpu.memory_space<vmem_shared>>
      tpu.wait_dma2 semaphore(%run_scoped3A : memref<!tpu.dma_semaphore, #tpu.memory_space<semaphore_mem>>) src(%arg20 : memref<40x144xf32, #tpu.memory_space<vmem>>) dst(%dma_wait3A_141 : memref<40x144xf32, #tpu.memory_space<vmem_shared>>)
      tpu.yield
    }) : () -> ()
    %barrier3A = arith.constant 0 : index
    tpu.barrier barrier_id(%barrier3A)
    %mul3A_41 = arith.constant 10000 : i32
    %mul3A_42 = arith.muli %add3A, %mul3A_41 : i32
    "tpu.region"() ({
      %run_scoped3A = tpu.sem_alloc : memref<!tpu.dma_semaphore, #tpu.memory_space<semaphore_mem>>
      %dma_start3A_134 = tpu.memref_slice %arg5[%mul3A_42] : memref<320000xi32, #tpu.memory_space<hbm>> -> memref<40xi32, #tpu.memory_space<hbm>>
      %dma_start3A_135 = tpu.memref_slice %arg5[%mul3A_42] : memref<320000xi32, #tpu.memory_space<hbm>> -> memref<40xi32, #tpu.memory_space<hbm>>
      tpu.enqueue_dma source(%dma_start3A_135 : memref<40xi32, #tpu.memory_space<hbm>>) target(%arg8 : memref<40xi32, #tpu.memory_space<vmem>>) target_semaphore(%run_scoped3A : memref<!tpu.dma_semaphore, #tpu.memory_space<semaphore_mem>>)
      %dma_wait3A_136 = tpu.memref_slice %arg5[%mul3A_42] : memref<320000xi32, #tpu.memory_space<hbm>> -> memref<40xi32, #tpu.memory_space<hbm>>
      %dma_wait3A_137 = tpu.memref_slice %arg5[%mul3A_42] : memref<320000xi32, #tpu.memory_space<hbm>> -> memref<40xi32, #tpu.memory_space<hbm>>
      tpu.wait_dma2 semaphore(%run_scoped3A : memref<!tpu.dma_semaphore, #tpu.memory_space<semaphore_mem>>) src(%dma_wait3A_137 : memref<40xi32, #tpu.memory_space<hbm>>) dst(%arg8 : memref<40xi32, #tpu.memory_space<vmem>>)
      tpu.yield
    }) : () -> ()
    "tpu.region"() ({
      %run_scoped3A = tpu.sem_alloc : memref<!tpu.dma_semaphore, #tpu.memory_space<semaphore_mem>>
      %dma_start3A_134 = tpu.memref_slice %arg6[%mul3A_42] : memref<320000xi32, #tpu.memory_space<hbm>> -> memref<40xi32, #tpu.memory_space<hbm>>
      %dma_start3A_135 = tpu.memref_slice %arg6[%mul3A_42] : memref<320000xi32, #tpu.memory_space<hbm>> -> memref<40xi32, #tpu.memory_space<hbm>>
      tpu.enqueue_dma source(%dma_start3A_135 : memref<40xi32, #tpu.memory_space<hbm>>) target(%arg10 : memref<40xi32, #tpu.memory_space<vmem>>) target_semaphore(%run_scoped3A : memref<!tpu.dma_semaphore, #tpu.memory_space<semaphore_mem>>)
      %dma_wait3A_136 = tpu.memref_slice %arg6[%mul3A_42] : memref<320000xi32, #tpu.memory_space<hbm>> -> memref<40xi32, #tpu.memory_space<hbm>>
      %dma_wait3A_137 = tpu.memref_slice %arg6[%mul3A_42] : memref<320000xi32, #tpu.memory_space<hbm>> -> memref<40xi32, #tpu.memory_space<hbm>>
      tpu.wait_dma2 semaphore(%run_scoped3A : memref<!tpu.dma_semaphore, #tpu.memory_space<semaphore_mem>>) src(%dma_wait3A_137 : memref<40xi32, #tpu.memory_space<hbm>>) dst(%arg10 : memref<40xi32, #tpu.memory_space<vmem>>)
      tpu.yield
    }) : () -> ()
    "tpu.region"() ({
      %run_scoped3A = tpu.sem_alloc : memref<!tpu.dma_semaphore, #tpu.memory_space<semaphore_mem>>
      %dma_start3A_134 = arith.constant 0 : i32
      %dma_start3A_135 = tpu.memref_slice %arg4[%mul3A_42, %dma_start3A_134] : memref<320000x16xf32, #tpu.memory_space<hbm>> -> memref<40x16xf32, #tpu.memory_space<hbm>>
      %dma_start3A_136 = arith.constant 0 : i32
      %dma_start3A_137 = tpu.memref_slice %arg4[%mul3A_42, %dma_start3A_136] : memref<320000x16xf32, #tpu.memory_space<hbm>> -> memref<40x16xf32, #tpu.memory_space<hbm>>
      tpu.enqueue_dma source(%dma_start3A_137 : memref<40x16xf32, #tpu.memory_space<hbm>>) target(%arg18 : memref<40x16xf32, #tpu.memory_space<vmem>>) target_semaphore(%run_scoped3A : memref<!tpu.dma_semaphore, #tpu.memory_space<semaphore_mem>>)
      %dma_wait3A_138 = arith.constant 0 : i32
      %dma_wait3A_139 = tpu.memref_slice %arg4[%mul3A_42, %dma_wait3A_138] : memref<320000x16xf32, #tpu.memory_space<hbm>> -> memref<40x16xf32, #tpu.memory_space<hbm>>
      %dma_wait3A_140 = arith.constant 0 : i32
      %dma_wait3A_141 = tpu.memref_slice %arg4[%mul3A_42, %dma_wait3A_140] : memref<320000x16xf32, #tpu.memory_space<hbm>> -> memref<40x16xf32, #tpu.memory_space<hbm>>
      tpu.wait_dma2 semaphore(%run_scoped3A : memref<!tpu.dma_semaphore, #tpu.memory_space<semaphore_mem>>) src(%dma_wait3A_141 : memref<40x16xf32, #tpu.memory_space<hbm>>) dst(%arg18 : memref<40x16xf32, #tpu.memory_space<vmem>>)
      tpu.yield
    }) : () -> ()
    "tpu.region"() ({
      %run_scoped3A = tpu.sem_alloc : memref<!tpu.dma_semaphore, #tpu.memory_space<semaphore_mem>>
      %dma_start3A_134 = tpu.memref_slice %arg5[%mul3A_42] : memref<320000xi32, #tpu.memory_space<hbm>> -> memref<40xi32, #tpu.memory_space<hbm>>
      %dma_start3A_135 = tpu.memref_slice %arg5[%mul3A_42] : memref<320000xi32, #tpu.memory_space<hbm>> -> memref<40xi32, #tpu.memory_space<hbm>>
      tpu.enqueue_dma source(%dma_start3A_135 : memref<40xi32, #tpu.memory_space<hbm>>) target(%arg12 : memref<40xi32, #tpu.memory_space<vmem>>) target_semaphore(%run_scoped3A : memref<!tpu.dma_semaphore, #tpu.memory_space<semaphore_mem>>)
      %dma_wait3A_136 = tpu.memref_slice %arg5[%mul3A_42] : memref<320000xi32, #tpu.memory_space<hbm>> -> memref<40xi32, #tpu.memory_space<hbm>>
      %dma_wait3A_137 = tpu.memref_slice %arg5[%mul3A_42] : memref<320000xi32, #tpu.memory_space<hbm>> -> memref<40xi32, #tpu.memory_space<hbm>>
      tpu.wait_dma2 semaphore(%run_scoped3A : memref<!tpu.dma_semaphore, #tpu.memory_space<semaphore_mem>>) src(%dma_wait3A_137 : memref<40xi32, #tpu.memory_space<hbm>>) dst(%arg12 : memref<40xi32, #tpu.memory_space<vmem>>)
      tpu.yield
    }) : () -> ()
    %dma_start3A = arith.constant 0 : i32
    %dma_start3A_43 = arith.constant 0 : i32
    %dma_start3A_44 = tpu.memref_slice %arg2[%dma_start3A, %dma_start3A_43] : memref<10000x128xf32, #tpu.memory_space<hbm>> -> memref<10000x128xf32, #tpu.memory_space<hbm>>
    tpu.enqueue_indirect_dma source(%dma_start3A_44 : memref<10000x128xf32, #tpu.memory_space<hbm>>) target(%arg14 : memref<40x128xf32, #tpu.memory_space<vmem>>) offsets(%arg8 : memref<40xi32, #tpu.memory_space<vmem>>) semaphore(%arg22 : memref<!tpu.dma_semaphore, #tpu.memory_space<semaphore_mem>>)
    %dma_start3A_45 = arith.constant 0 : i32
    %dma_start3A_46 = arith.constant 0 : i32
    %dma_start3A_47 = tpu.memref_slice %arg3[%dma_start3A_45, %dma_start3A_46] : memref<10000x256xf32, #tpu.memory_space<hbm>> -> memref<10000x256xf32, #tpu.memory_space<hbm>>
    tpu.enqueue_indirect_dma source(%dma_start3A_47 : memref<10000x256xf32, #tpu.memory_space<hbm>>) target(%arg16 : memref<40x256xf32, #tpu.memory_space<vmem>>) offsets(%arg10 : memref<40xi32, #tpu.memory_space<vmem>>) semaphore(%arg22 : memref<!tpu.dma_semaphore, #tpu.memory_space<semaphore_mem>>)
    %add3A_48 = arith.constant 40 : i32
    %add3A_49 = arith.addi %mul3A_42, %add3A_48 : i32
    %dma_start3A_50 = tpu.memref_slice %arg5[%add3A_49] : memref<320000xi32, #tpu.memory_space<hbm>> -> memref<40xi32, #tpu.memory_space<hbm>>
    %dma_start3A_51 = tpu.memref_slice %arg5[%add3A_49] : memref<320000xi32, #tpu.memory_space<hbm>> -> memref<40xi32, #tpu.memory_space<hbm>>
    tpu.enqueue_dma source(%dma_start3A_51 : memref<40xi32, #tpu.memory_space<hbm>>) target(%arg9 : memref<40xi32, #tpu.memory_space<vmem>>) target_semaphore(%arg27 : memref<!tpu.dma_semaphore, #tpu.memory_space<semaphore_mem>>)
    %dma_start3A_52 = tpu.memref_slice %arg6[%add3A_49] : memref<320000xi32, #tpu.memory_space<hbm>> -> memref<40xi32, #tpu.memory_space<hbm>>
    %dma_start3A_53 = tpu.memref_slice %arg6[%add3A_49] : memref<320000xi32, #tpu.memory_space<hbm>> -> memref<40xi32, #tpu.memory_space<hbm>>
    tpu.enqueue_dma source(%dma_start3A_53 : memref<40xi32, #tpu.memory_space<hbm>>) target(%arg11 : memref<40xi32, #tpu.memory_space<vmem>>) target_semaphore(%arg27 : memref<!tpu.dma_semaphore, #tpu.memory_space<semaphore_mem>>)
    %dma_start3A_54 = arith.constant 0 : i32
    %dma_start3A_55 = tpu.memref_slice %arg4[%add3A_49, %dma_start3A_54] : memref<320000x16xf32, #tpu.memory_space<hbm>> -> memref<40x16xf32, #tpu.memory_space<hbm>>
    %dma_start3A_56 = arith.constant 0 : i32
    %dma_start3A_57 = tpu.memref_slice %arg4[%add3A_49, %dma_start3A_56] : memref<320000x16xf32, #tpu.memory_space<hbm>> -> memref<40x16xf32, #tpu.memory_space<hbm>>
    tpu.enqueue_dma source(%dma_start3A_57 : memref<40x16xf32, #tpu.memory_space<hbm>>) target(%arg19 : memref<40x16xf32, #tpu.memory_space<vmem>>) target_semaphore(%arg27 : memref<!tpu.dma_semaphore, #tpu.memory_space<semaphore_mem>>)
    %scan3A_58 = arith.constant 0 : i32
    %scan3A_59 = arith.constant 0 : i32
    %scan3A_60 = arith.constant 125 : i32
    %scan3A_61 = arith.addi %scan3A_59, %scan3A_60 : i32
    %scan3A_62 = arith.constant 1 : i32
    scf.for %scan3A_134 = %scan3A_59 to %scan3A_61 step %scan3A_62  : i32 {
      %mul3A_135 = arith.constant 2 : i32
      %mul3A_136 = arith.muli %mul3A_135, %scan3A_134 : i32
      %add3A_137 = arith.constant 0 : i32
      %add3A_138 = arith.addi %mul3A_136, %add3A_137 : i32
      %gt3A = arith.constant 0 : i32
      %gt3A_139 = arith.cmpi sgt, %scan3A_134, %gt3A : i32
      %or3A = arith.constant false
      %or3A_140 = arith.ori %gt3A_139, %or3A : i1
      %lt3A = arith.constant 124 : i32
      %lt3A_141 = arith.cmpi slt, %scan3A_134, %lt3A : i32
      %dma_wait3A_142 = arith.constant 0 : i32
      %dma_wait3A_143 = arith.constant 0 : i32
      %dma_wait3A_144 = tpu.memref_slice %arg2[%dma_wait3A_142, %dma_wait3A_143] : memref<10000x128xf32, #tpu.memory_space<hbm>> -> memref<10000x128xf32, #tpu.memory_space<hbm>>
      tpu.wait_indirect_dma semaphore(%arg22 : memref<!tpu.dma_semaphore, #tpu.memory_space<semaphore_mem>>) src(%dma_wait3A_144 : memref<10000x128xf32, #tpu.memory_space<hbm>>) dst(%arg14 : memref<40x128xf32, #tpu.memory_space<vmem>>)
      %dma_wait3A_145 = arith.constant 0 : i32
      %dma_wait3A_146 = arith.constant 0 : i32
      %dma_wait3A_147 = tpu.memref_slice %arg3[%dma_wait3A_145, %dma_wait3A_146] : memref<10000x256xf32, #tpu.memory_space<hbm>> -> memref<10000x256xf32, #tpu.memory_space<hbm>>
      tpu.wait_indirect_dma semaphore(%arg22 : memref<!tpu.dma_semaphore, #tpu.memory_space<semaphore_mem>>) src(%dma_wait3A_147 : memref<10000x256xf32, #tpu.memory_space<hbm>>) dst(%arg16 : memref<40x256xf32, #tpu.memory_space<vmem>>)
      %dma_wait3A_148 = arith.constant 0 : i32
      %dma_wait3A_149 = tpu.memref_slice %arg5[%dma_wait3A_148] : memref<320000xi32, #tpu.memory_space<hbm>> -> memref<40xi32, #tpu.memory_space<hbm>>
      %dma_wait3A_150 = arith.constant 0 : i32
      %dma_wait3A_151 = tpu.memref_slice %arg5[%dma_wait3A_150] : memref<320000xi32, #tpu.memory_space<hbm>> -> memref<40xi32, #tpu.memory_space<hbm>>
      tpu.wait_dma2 semaphore(%arg27 : memref<!tpu.dma_semaphore, #tpu.memory_space<semaphore_mem>>) src(%dma_wait3A_151 : memref<40xi32, #tpu.memory_space<hbm>>) dst(%arg9 : memref<40xi32, #tpu.memory_space<vmem>>)
      %dma_wait3A_152 = arith.constant 0 : i32
      %dma_wait3A_153 = tpu.memref_slice %arg6[%dma_wait3A_152] : memref<320000xi32, #tpu.memory_space<hbm>> -> memref<40xi32, #tpu.memory_space<hbm>>
      %dma_wait3A_154 = arith.constant 0 : i32
      %dma_wait3A_155 = tpu.memref_slice %arg6[%dma_wait3A_154] : memref<320000xi32, #tpu.memory_space<hbm>> -> memref<40xi32, #tpu.memory_space<hbm>>
      tpu.wait_dma2 semaphore(%arg27 : memref<!tpu.dma_semaphore, #tpu.memory_space<semaphore_mem>>) src(%dma_wait3A_155 : memref<40xi32, #tpu.memory_space<hbm>>) dst(%arg11 : memref<40xi32, #tpu.memory_space<vmem>>)
      %dma_wait3A_156 = arith.constant 0 : i32
      %dma_wait3A_157 = arith.constant 0 : i32
      %dma_wait3A_158 = tpu.memref_slice %arg4[%dma_wait3A_156, %dma_wait3A_157] : memref<320000x16xf32, #tpu.memory_space<hbm>> -> memref<40x16xf32, #tpu.memory_space<hbm>>
      %dma_wait3A_159 = arith.constant 0 : i32
      %dma_wait3A_160 = arith.constant 0 : i32
      %dma_wait3A_161 = tpu.memref_slice %arg4[%dma_wait3A_159, %dma_wait3A_160] : memref<320000x16xf32, #tpu.memory_space<hbm>> -> memref<40x16xf32, #tpu.memory_space<hbm>>
      tpu.wait_dma2 semaphore(%arg27 : memref<!tpu.dma_semaphore, #tpu.memory_space<semaphore_mem>>) src(%dma_wait3A_161 : memref<40x16xf32, #tpu.memory_space<hbm>>) dst(%arg19 : memref<40x16xf32, #tpu.memory_space<vmem>>)
      %dma_start3A_162 = arith.constant 0 : i32
      %dma_start3A_163 = arith.constant 0 : i32
      %dma_start3A_164 = tpu.memref_slice %arg2[%dma_start3A_162, %dma_start3A_163] : memref<10000x128xf32, #tpu.memory_space<hbm>> -> memref<10000x128xf32, #tpu.memory_space<hbm>>
      tpu.enqueue_indirect_dma source(%dma_start3A_164 : memref<10000x128xf32, #tpu.memory_space<hbm>>) target(%arg15 : memref<40x128xf32, #tpu.memory_space<vmem>>) offsets(%arg9 : memref<40xi32, #tpu.memory_space<vmem>>) semaphore(%arg23 : memref<!tpu.dma_semaphore, #tpu.memory_space<semaphore_mem>>)
      %dma_start3A_165 = arith.constant 0 : i32
      %dma_start3A_166 = arith.constant 0 : i32
      %dma_start3A_167 = tpu.memref_slice %arg3[%dma_start3A_165, %dma_start3A_166] : memref<10000x256xf32, #tpu.memory_space<hbm>> -> memref<10000x256xf32, #tpu.memory_space<hbm>>
      tpu.enqueue_indirect_dma source(%dma_start3A_167 : memref<10000x256xf32, #tpu.memory_space<hbm>>) target(%arg17 : memref<40x256xf32, #tpu.memory_space<vmem>>) offsets(%arg11 : memref<40xi32, #tpu.memory_space<vmem>>) semaphore(%arg23 : memref<!tpu.dma_semaphore, #tpu.memory_space<semaphore_mem>>)
      %convert_element_type3A = arith.extui %or3A_140 : i1 to i32
      %cond3A = arith.constant 0 : i32
      %cond3A_168 = arith.cmpi ne, %convert_element_type3A, %cond3A : i32
      scf.if %cond3A_168 {
        %dma_wait3A_224 = arith.constant 0 : i32
        %dma_wait3A_225 = arith.constant 0 : i32
        %dma_wait3A_226 = tpu.memref_slice %arg21[%dma_wait3A_224, %dma_wait3A_225] : memref<10240x144xf32, #tpu.memory_space<vmem_shared>> -> memref<10240x144xf32, #tpu.memory_space<vmem_shared>>
        tpu.wait_indirect_dma semaphore(%arg25 : memref<!tpu.dma_semaphore, #tpu.memory_space<semaphore_mem>>) src(%arg20 : memref<40x144xf32, #tpu.memory_space<vmem>>) dst(%dma_wait3A_226 : memref<10240x144xf32, #tpu.memory_space<vmem_shared>>)
      } else {
      }
      %add3A_169 = arith.constant 1 : i32
      %add3A_170 = arith.addi %add3A_138, %add3A_169 : i32
      %mul3A_171 = arith.constant 40 : i32
      %mul3A_172 = arith.muli %add3A_170, %mul3A_171 : i32
      %add3A_173 = arith.addi %mul3A_42, %mul3A_172 : i32
      %dma_start3A_174 = tpu.memref_slice %arg5[%add3A_173] : memref<320000xi32, #tpu.memory_space<hbm>> -> memref<40xi32, #tpu.memory_space<hbm>>
      %dma_start3A_175 = tpu.memref_slice %arg5[%add3A_173] : memref<320000xi32, #tpu.memory_space<hbm>> -> memref<40xi32, #tpu.memory_space<hbm>>
      tpu.enqueue_dma source(%dma_start3A_175 : memref<40xi32, #tpu.memory_space<hbm>>) target(%arg13 : memref<40xi32, #tpu.memory_space<vmem>>) target_semaphore(%arg29 : memref<!tpu.dma_semaphore, #tpu.memory_space<semaphore_mem>>)
      %parallel_loop3A = arith.constant 0 : i32
      %parallel_loop3A_176 = arith.constant 40 : i32
      %parallel_loop3A_177 = arith.constant 1 : i32
      scf.for %parallel_loop3A_224 = %parallel_loop3A to %parallel_loop3A_176 step %parallel_loop3A_177  : i32 {
        %parallel_loop3A_225 = arith.index_cast %parallel_loop3A_224 : i32 to index
        %parallel_loop3A_226 = arith.constant 0 : index
        %parallel_loop3A_227 = tpu.vector_load %arg14[%parallel_loop3A_225, %parallel_loop3A_226] {strides = array<i32>} : memref<40x128xf32, #tpu.memory_space<vmem>>, vector<1x16xf32>,
        %parallel_loop3A_228 = vector.shape_cast %parallel_loop3A_227 : vector<1x16xf32> to vector<16xf32>
        %parallel_loop3A_229 = arith.index_cast %parallel_loop3A_224 : i32 to index
        %parallel_loop3A_230 = arith.constant 0 : index
        %parallel_loop3A_231 = tpu.vector_load %arg16[%parallel_loop3A_229, %parallel_loop3A_230] {strides = array<i32>} : memref<40x256xf32, #tpu.memory_space<vmem>>, vector<1x16xf32>,
        %parallel_loop3A_232 = vector.shape_cast %parallel_loop3A_231 : vector<1x16xf32> to vector<16xf32>
        %parallel_loop3A_233 = arith.mulf %parallel_loop3A_228, %parallel_loop3A_232 : vector<16xf32>
        %parallel_loop3A_234 = arith.index_cast %parallel_loop3A_224 : i32 to index
        %parallel_loop3A_235 = arith.constant 16 : index
        %parallel_loop3A_236 = tpu.vector_load %arg14[%parallel_loop3A_234, %parallel_loop3A_235] {strides = array<i32>} : memref<40x128xf32, #tpu.memory_space<vmem>>, vector<1x16xf32>,
        %parallel_loop3A_237 = vector.shape_cast %parallel_loop3A_236 : vector<1x16xf32> to vector<16xf32>
        %parallel_loop3A_238 = arith.index_cast %parallel_loop3A_224 : i32 to index
        %parallel_loop3A_239 = arith.constant 16 : index
        %parallel_loop3A_240 = tpu.vector_load %arg16[%parallel_loop3A_238, %parallel_loop3A_239] {strides = array<i32>} : memref<40x256xf32, #tpu.memory_space<vmem>>, vector<1x16xf32>,
        %parallel_loop3A_241 = vector.shape_cast %parallel_loop3A_240 : vector<1x16xf32> to vector<16xf32>
        %parallel_loop3A_242 = arith.mulf %parallel_loop3A_237, %parallel_loop3A_241 : vector<16xf32>
        %parallel_loop3A_243 = arith.addf %parallel_loop3A_233, %parallel_loop3A_242 : vector<16xf32>
        %parallel_loop3A_244 = arith.index_cast %parallel_loop3A_224 : i32 to index
        %parallel_loop3A_245 = arith.constant 32 : index
        %parallel_loop3A_246 = tpu.vector_load %arg14[%parallel_loop3A_244, %parallel_loop3A_245] {strides = array<i32>} : memref<40x128xf32, #tpu.memory_space<vmem>>, vector<1x16xf32>,
        %parallel_loop3A_247 = vector.shape_cast %parallel_loop3A_246 : vector<1x16xf32> to vector<16xf32>
        %parallel_loop3A_248 = arith.index_cast %parallel_loop3A_224 : i32 to index
        %parallel_loop3A_249 = arith.constant 32 : index
        %parallel_loop3A_250 = tpu.vector_load %arg16[%parallel_loop3A_248, %parallel_loop3A_249] {strides = array<i32>} : memref<40x256xf32, #tpu.memory_space<vmem>>, vector<1x16xf32>,
        %parallel_loop3A_251 = vector.shape_cast %parallel_loop3A_250 : vector<1x16xf32> to vector<16xf32>
        %parallel_loop3A_252 = arith.mulf %parallel_loop3A_247, %parallel_loop3A_251 : vector<16xf32>
        %parallel_loop3A_253 = arith.addf %parallel_loop3A_243, %parallel_loop3A_252 : vector<16xf32>
        %parallel_loop3A_254 = arith.index_cast %parallel_loop3A_224 : i32 to index
        %parallel_loop3A_255 = arith.constant 48 : index
        %parallel_loop3A_256 = tpu.vector_load %arg14[%parallel_loop3A_254, %parallel_loop3A_255] {strides = array<i32>} : memref<40x128xf32, #tpu.memory_space<vmem>>, vector<1x16xf32>,
        %parallel_loop3A_257 = vector.shape_cast %parallel_loop3A_256 : vector<1x16xf32> to vector<16xf32>
        %parallel_loop3A_258 = arith.index_cast %parallel_loop3A_224 : i32 to index
        %parallel_loop3A_259 = arith.constant 48 : index
        %parallel_loop3A_260 = tpu.vector_load %arg16[%parallel_loop3A_258, %parallel_loop3A_259] {strides = array<i32>} : memref<40x256xf32, #tpu.memory_space<vmem>>, vector<1x16xf32>,
        %parallel_loop3A_261 = vector.shape_cast %parallel_loop3A_260 : vector<1x16xf32> to vector<16xf32>
        %parallel_loop3A_262 = arith.mulf %parallel_loop3A_257, %parallel_loop3A_261 : vector<16xf32>
        %parallel_loop3A_263 = arith.addf %parallel_loop3A_253, %parallel_loop3A_262 : vector<16xf32>
        %parallel_loop3A_264 = arith.index_cast %parallel_loop3A_224 : i32 to index
        %parallel_loop3A_265 = arith.constant 64 : index
        %parallel_loop3A_266 = tpu.vector_load %arg14[%parallel_loop3A_264, %parallel_loop3A_265] {strides = array<i32>} : memref<40x128xf32, #tpu.memory_space<vmem>>, vector<1x16xf32>,
        %parallel_loop3A_267 = vector.shape_cast %parallel_loop3A_266 : vector<1x16xf32> to vector<16xf32>
        %parallel_loop3A_268 = arith.index_cast %parallel_loop3A_224 : i32 to index
        %parallel_loop3A_269 = arith.constant 64 : index
        %parallel_loop3A_270 = tpu.vector_load %arg16[%parallel_loop3A_268, %parallel_loop3A_269] {strides = array<i32>} : memref<40x256xf32, #tpu.memory_space<vmem>>, vector<1x16xf32>,
        %parallel_loop3A_271 = vector.shape_cast %parallel_loop3A_270 : vector<1x16xf32> to vector<16xf32>
        %parallel_loop3A_272 = arith.mulf %parallel_loop3A_267, %parallel_loop3A_271 : vector<16xf32>
        %parallel_loop3A_273 = arith.addf %parallel_loop3A_263, %parallel_loop3A_272 : vector<16xf32>
        %parallel_loop3A_274 = arith.index_cast %parallel_loop3A_224 : i32 to index
        %parallel_loop3A_275 = arith.constant 80 : index
        %parallel_loop3A_276 = tpu.vector_load %arg14[%parallel_loop3A_274, %parallel_loop3A_275] {strides = array<i32>} : memref<40x128xf32, #tpu.memory_space<vmem>>, vector<1x16xf32>,
        %parallel_loop3A_277 = vector.shape_cast %parallel_loop3A_276 : vector<1x16xf32> to vector<16xf32>
        %parallel_loop3A_278 = arith.index_cast %parallel_loop3A_224 : i32 to index
        %parallel_loop3A_279 = arith.constant 80 : index
        %parallel_loop3A_280 = tpu.vector_load %arg16[%parallel_loop3A_278, %parallel_loop3A_279] {strides = array<i32>} : memref<40x256xf32, #tpu.memory_space<vmem>>, vector<1x16xf32>,
        %parallel_loop3A_281 = vector.shape_cast %parallel_loop3A_280 : vector<1x16xf32> to vector<16xf32>
        %parallel_loop3A_282 = arith.mulf %parallel_loop3A_277, %parallel_loop3A_281 : vector<16xf32>
        %parallel_loop3A_283 = arith.addf %parallel_loop3A_273, %parallel_loop3A_282 : vector<16xf32>
        %parallel_loop3A_284 = arith.index_cast %parallel_loop3A_224 : i32 to index
        %parallel_loop3A_285 = arith.constant 96 : index
        %parallel_loop3A_286 = tpu.vector_load %arg14[%parallel_loop3A_284, %parallel_loop3A_285] {strides = array<i32>} : memref<40x128xf32, #tpu.memory_space<vmem>>, vector<1x16xf32>,
        %parallel_loop3A_287 = vector.shape_cast %parallel_loop3A_286 : vector<1x16xf32> to vector<16xf32>
        %parallel_loop3A_288 = arith.index_cast %parallel_loop3A_224 : i32 to index
        %parallel_loop3A_289 = arith.constant 96 : index
        %parallel_loop3A_290 = tpu.vector_load %arg16[%parallel_loop3A_288, %parallel_loop3A_289] {strides = array<i32>} : memref<40x256xf32, #tpu.memory_space<vmem>>, vector<1x16xf32>,
        %parallel_loop3A_291 = vector.shape_cast %parallel_loop3A_290 : vector<1x16xf32> to vector<16xf32>
        %parallel_loop3A_292 = arith.mulf %parallel_loop3A_287, %parallel_loop3A_291 : vector<16xf32>
        %parallel_loop3A_293 = arith.addf %parallel_loop3A_283, %parallel_loop3A_292 : vector<16xf32>
        %parallel_loop3A_294 = arith.index_cast %parallel_loop3A_224 : i32 to index
        %parallel_loop3A_295 = arith.constant 112 : index
        %parallel_loop3A_296 = tpu.vector_load %arg14[%parallel_loop3A_294, %parallel_loop3A_295] {strides = array<i32>} : memref<40x128xf32, #tpu.memory_space<vmem>>, vector<1x16xf32>,
        %parallel_loop3A_297 = vector.shape_cast %parallel_loop3A_296 : vector<1x16xf32> to vector<16xf32>
        %parallel_loop3A_298 = arith.index_cast %parallel_loop3A_224 : i32 to index
        %parallel_loop3A_299 = arith.constant 112 : index
        %parallel_loop3A_300 = tpu.vector_load %arg16[%parallel_loop3A_298, %parallel_loop3A_299] {strides = array<i32>} : memref<40x256xf32, #tpu.memory_space<vmem>>, vector<1x16xf32>,
        %parallel_loop3A_301 = vector.shape_cast %parallel_loop3A_300 : vector<1x16xf32> to vector<16xf32>
        %parallel_loop3A_302 = arith.mulf %parallel_loop3A_297, %parallel_loop3A_301 : vector<16xf32>
        %parallel_loop3A_303 = arith.addf %parallel_loop3A_293, %parallel_loop3A_302 : vector<16xf32>
        %parallel_loop3A_304 = arith.constant 0.353553385 : f32
        %parallel_loop3A_305 = vector.broadcast %parallel_loop3A_304 : f32 to vector<16xf32>
        %parallel_loop3A_306 = arith.mulf %parallel_loop3A_303, %parallel_loop3A_305 : vector<16xf32>
        %parallel_loop3A_307 = arith.index_cast %parallel_loop3A_224 : i32 to index
        %parallel_loop3A_308 = arith.constant 0 : index
        %parallel_loop3A_309 = tpu.vector_load %arg18[%parallel_loop3A_307, %parallel_loop3A_308] {strides = array<i32>} : memref<40x16xf32, #tpu.memory_space<vmem>>, vector<1x16xf32>,
        %parallel_loop3A_310 = vector.shape_cast %parallel_loop3A_309 : vector<1x16xf32> to vector<16xf32>
        %parallel_loop3A_311 = arith.addf %parallel_loop3A_306, %parallel_loop3A_310 : vector<16xf32>
        %parallel_loop3A_312 = math.exp %parallel_loop3A_311 : vector<16xf32>
        %parallel_loop3A_313 = arith.index_cast %parallel_loop3A_224 : i32 to index
        %parallel_loop3A_314 = arith.constant 128 : index
        %parallel_loop3A_315 = tpu.vector_load %arg16[%parallel_loop3A_313, %parallel_loop3A_314] {strides = array<i32>} : memref<40x256xf32, #tpu.memory_space<vmem>>, vector<1x16xf32>,
        %parallel_loop3A_316 = vector.shape_cast %parallel_loop3A_315 : vector<1x16xf32> to vector<16xf32>
        %parallel_loop3A_317 = arith.mulf %parallel_loop3A_316, %parallel_loop3A_312 : vector<16xf32>
        %parallel_loop3A_318 = arith.index_cast %parallel_loop3A_224 : i32 to index
        %parallel_loop3A_319 = arith.constant 0 : index
        %parallel_loop3A_320 = tpu.vector_load %arg20[%parallel_loop3A_318, %parallel_loop3A_319] {strides = array<i32>} : memref<40x144xf32, #tpu.memory_space<vmem>>, vector<1x16xf32>,
        %parallel_loop3A_321 = vector.shape_cast %parallel_loop3A_320 : vector<1x16xf32> to vector<16xf32>
        %parallel_loop3A_322 = vector.shape_cast %parallel_loop3A_317 : vector<16xf32> to vector<1x16xf32>
        tpu.vector_store %arg20[%parallel_loop3A_318, %parallel_loop3A_319], %parallel_loop3A_322 {strides = array<i32>} : memref<40x144xf32, #tpu.memory_space<vmem>>, vector<1x16xf32>,
        %parallel_loop3A_323 = arith.index_cast %parallel_loop3A_224 : i32 to index
        %parallel_loop3A_324 = arith.constant 144 : index
        %parallel_loop3A_325 = tpu.vector_load %arg16[%parallel_loop3A_323, %parallel_loop3A_324] {strides = array<i32>} : memref<40x256xf32, #tpu.memory_space<vmem>>, vector<1x16xf32>,
        %parallel_loop3A_326 = vector.shape_cast %parallel_loop3A_325 : vector<1x16xf32> to vector<16xf32>
        %parallel_loop3A_327 = arith.mulf %parallel_loop3A_326, %parallel_loop3A_312 : vector<16xf32>
        %parallel_loop3A_328 = arith.index_cast %parallel_loop3A_224 : i32 to index
        %parallel_loop3A_329 = arith.constant 16 : index
        %parallel_loop3A_330 = tpu.vector_load %arg20[%parallel_loop3A_328, %parallel_loop3A_329] {strides = array<i32>} : memref<40x144xf32, #tpu.memory_space<vmem>>, vector<1x16xf32>,
        %parallel_loop3A_331 = vector.shape_cast %parallel_loop3A_330 : vector<1x16xf32> to vector<16xf32>
        %parallel_loop3A_332 = vector.shape_cast %parallel_loop3A_327 : vector<16xf32> to vector<1x16xf32>
        tpu.vector_store %arg20[%parallel_loop3A_328, %parallel_loop3A_329], %parallel_loop3A_332 {strides = array<i32>} : memref<40x144xf32, #tpu.memory_space<vmem>>, vector<1x16xf32>,
        %parallel_loop3A_333 = arith.index_cast %parallel_loop3A_224 : i32 to index
        %parallel_loop3A_334 = arith.constant 160 : index
        %parallel_loop3A_335 = tpu.vector_load %arg16[%parallel_loop3A_333, %parallel_loop3A_334] {strides = array<i32>} : memref<40x256xf32, #tpu.memory_space<vmem>>, vector<1x16xf32>,
        %parallel_loop3A_336 = vector.shape_cast %parallel_loop3A_335 : vector<1x16xf32> to vector<16xf32>
        %parallel_loop3A_337 = arith.mulf %parallel_loop3A_336, %parallel_loop3A_312 : vector<16xf32>
        %parallel_loop3A_338 = arith.index_cast %parallel_loop3A_224 : i32 to index
        %parallel_loop3A_339 = arith.constant 32 : index
        %parallel_loop3A_340 = tpu.vector_load %arg20[%parallel_loop3A_338, %parallel_loop3A_339] {strides = array<i32>} : memref<40x144xf32, #tpu.memory_space<vmem>>, vector<1x16xf32>,
        %parallel_loop3A_341 = vector.shape_cast %parallel_loop3A_340 : vector<1x16xf32> to vector<16xf32>
        %parallel_loop3A_342 = vector.shape_cast %parallel_loop3A_337 : vector<16xf32> to vector<1x16xf32>
        tpu.vector_store %arg20[%parallel_loop3A_338, %parallel_loop3A_339], %parallel_loop3A_342 {strides = array<i32>} : memref<40x144xf32, #tpu.memory_space<vmem>>, vector<1x16xf32>,
        %parallel_loop3A_343 = arith.index_cast %parallel_loop3A_224 : i32 to index
        %parallel_loop3A_344 = arith.constant 176 : index
        %parallel_loop3A_345 = tpu.vector_load %arg16[%parallel_loop3A_343, %parallel_loop3A_344] {strides = array<i32>} : memref<40x256xf32, #tpu.memory_space<vmem>>, vector<1x16xf32>,
        %parallel_loop3A_346 = vector.shape_cast %parallel_loop3A_345 : vector<1x16xf32> to vector<16xf32>
        %parallel_loop3A_347 = arith.mulf %parallel_loop3A_346, %parallel_loop3A_312 : vector<16xf32>
        %parallel_loop3A_348 = arith.index_cast %parallel_loop3A_224 : i32 to index
        %parallel_loop3A_349 = arith.constant 48 : index
        %parallel_loop3A_350 = tpu.vector_load %arg20[%parallel_loop3A_348, %parallel_loop3A_349] {strides = array<i32>} : memref<40x144xf32, #tpu.memory_space<vmem>>, vector<1x16xf32>,
        %parallel_loop3A_351 = vector.shape_cast %parallel_loop3A_350 : vector<1x16xf32> to vector<16xf32>
        %parallel_loop3A_352 = vector.shape_cast %parallel_loop3A_347 : vector<16xf32> to vector<1x16xf32>
        tpu.vector_store %arg20[%parallel_loop3A_348, %parallel_loop3A_349], %parallel_loop3A_352 {strides = array<i32>} : memref<40x144xf32, #tpu.memory_space<vmem>>, vector<1x16xf32>,
        %parallel_loop3A_353 = arith.index_cast %parallel_loop3A_224 : i32 to index
        %parallel_loop3A_354 = arith.constant 192 : index
        %parallel_loop3A_355 = tpu.vector_load %arg16[%parallel_loop3A_353, %parallel_loop3A_354] {strides = array<i32>} : memref<40x256xf32, #tpu.memory_space<vmem>>, vector<1x16xf32>,
        %parallel_loop3A_356 = vector.shape_cast %parallel_loop3A_355 : vector<1x16xf32> to vector<16xf32>
        %parallel_loop3A_357 = arith.mulf %parallel_loop3A_356, %parallel_loop3A_312 : vector<16xf32>
        %parallel_loop3A_358 = arith.index_cast %parallel_loop3A_224 : i32 to index
        %parallel_loop3A_359 = arith.constant 64 : index
        %parallel_loop3A_360 = tpu.vector_load %arg20[%parallel_loop3A_358, %parallel_loop3A_359] {strides = array<i32>} : memref<40x144xf32, #tpu.memory_space<vmem>>, vector<1x16xf32>,
        %parallel_loop3A_361 = vector.shape_cast %parallel_loop3A_360 : vector<1x16xf32> to vector<16xf32>
        %parallel_loop3A_362 = vector.shape_cast %parallel_loop3A_357 : vector<16xf32> to vector<1x16xf32>
        tpu.vector_store %arg20[%parallel_loop3A_358, %parallel_loop3A_359], %parallel_loop3A_362 {strides = array<i32>} : memref<40x144xf32, #tpu.memory_space<vmem>>, vector<1x16xf32>,
        %parallel_loop3A_363 = arith.index_cast %parallel_loop3A_224 : i32 to index
        %parallel_loop3A_364 = arith.constant 208 : index
        %parallel_loop3A_365 = tpu.vector_load %arg16[%parallel_loop3A_363, %parallel_loop3A_364] {strides = array<i32>} : memref<40x256xf32, #tpu.memory_space<vmem>>, vector<1x16xf32>,
        %parallel_loop3A_366 = vector.shape_cast %parallel_loop3A_365 : vector<1x16xf32> to vector<16xf32>
        %parallel_loop3A_367 = arith.mulf %parallel_loop3A_366, %parallel_loop3A_312 : vector<16xf32>
        %parallel_loop3A_368 = arith.index_cast %parallel_loop3A_224 : i32 to index
        %parallel_loop3A_369 = arith.constant 80 : index
        %parallel_loop3A_370 = tpu.vector_load %arg20[%parallel_loop3A_368, %parallel_loop3A_369] {strides = array<i32>} : memref<40x144xf32, #tpu.memory_space<vmem>>, vector<1x16xf32>,
        %parallel_loop3A_371 = vector.shape_cast %parallel_loop3A_370 : vector<1x16xf32> to vector<16xf32>
        %parallel_loop3A_372 = vector.shape_cast %parallel_loop3A_367 : vector<16xf32> to vector<1x16xf32>
        tpu.vector_store %arg20[%parallel_loop3A_368, %parallel_loop3A_369], %parallel_loop3A_372 {strides = array<i32>} : memref<40x144xf32, #tpu.memory_space<vmem>>, vector<1x16xf32>,
        %parallel_loop3A_373 = arith.index_cast %parallel_loop3A_224 : i32 to index
        %parallel_loop3A_374 = arith.constant 224 : index
        %parallel_loop3A_375 = tpu.vector_load %arg16[%parallel_loop3A_373, %parallel_loop3A_374] {strides = array<i32>} : memref<40x256xf32, #tpu.memory_space<vmem>>, vector<1x16xf32>,
        %parallel_loop3A_376 = vector.shape_cast %parallel_loop3A_375 : vector<1x16xf32> to vector<16xf32>
        %parallel_loop3A_377 = arith.mulf %parallel_loop3A_376, %parallel_loop3A_312 : vector<16xf32>
        %parallel_loop3A_378 = arith.index_cast %parallel_loop3A_224 : i32 to index
        %parallel_loop3A_379 = arith.constant 96 : index
        %parallel_loop3A_380 = tpu.vector_load %arg20[%parallel_loop3A_378, %parallel_loop3A_379] {strides = array<i32>} : memref<40x144xf32, #tpu.memory_space<vmem>>, vector<1x16xf32>,
        %parallel_loop3A_381 = vector.shape_cast %parallel_loop3A_380 : vector<1x16xf32> to vector<16xf32>
        %parallel_loop3A_382 = vector.shape_cast %parallel_loop3A_377 : vector<16xf32> to vector<1x16xf32>
        tpu.vector_store %arg20[%parallel_loop3A_378, %parallel_loop3A_379], %parallel_loop3A_382 {strides = array<i32>} : memref<40x144xf32, #tpu.memory_space<vmem>>, vector<1x16xf32>,
        %parallel_loop3A_383 = arith.index_cast %parallel_loop3A_224 : i32 to index
        %parallel_loop3A_384 = arith.constant 240 : index
        %parallel_loop3A_385 = tpu.vector_load %arg16[%parallel_loop3A_383, %parallel_loop3A_384] {strides = array<i32>} : memref<40x256xf32, #tpu.memory_space<vmem>>, vector<1x16xf32>,
        %parallel_loop3A_386 = vector.shape_cast %parallel_loop3A_385 : vector<1x16xf32> to vector<16xf32>
        %parallel_loop3A_387 = arith.mulf %parallel_loop3A_386, %parallel_loop3A_312 : vector<16xf32>
        %parallel_loop3A_388 = arith.index_cast %parallel_loop3A_224 : i32 to index
        %parallel_loop3A_389 = arith.constant 112 : index
        %parallel_loop3A_390 = tpu.vector_load %arg20[%parallel_loop3A_388, %parallel_loop3A_389] {strides = array<i32>} : memref<40x144xf32, #tpu.memory_space<vmem>>, vector<1x16xf32>,
        %parallel_loop3A_391 = vector.shape_cast %parallel_loop3A_390 : vector<1x16xf32> to vector<16xf32>
        %parallel_loop3A_392 = vector.shape_cast %parallel_loop3A_387 : vector<16xf32> to vector<1x16xf32>
        tpu.vector_store %arg20[%parallel_loop3A_388, %parallel_loop3A_389], %parallel_loop3A_392 {strides = array<i32>} : memref<40x144xf32, #tpu.memory_space<vmem>>, vector<1x16xf32>,
        %parallel_loop3A_393 = arith.index_cast %parallel_loop3A_224 : i32 to index
        %parallel_loop3A_394 = arith.constant 128 : index
        %parallel_loop3A_395 = tpu.vector_load %arg20[%parallel_loop3A_393, %parallel_loop3A_394] {strides = array<i32>} : memref<40x144xf32, #tpu.memory_space<vmem>>, vector<1x16xf32>,
        %parallel_loop3A_396 = vector.shape_cast %parallel_loop3A_395 : vector<1x16xf32> to vector<16xf32>
        %parallel_loop3A_397 = vector.shape_cast %parallel_loop3A_312 : vector<16xf32> to vector<1x16xf32>
        tpu.vector_store %arg20[%parallel_loop3A_393, %parallel_loop3A_394], %parallel_loop3A_397 {strides = array<i32>} : memref<40x144xf32, #tpu.memory_space<vmem>>, vector<1x16xf32>,
      } {sc.loop_unroll_factor = 4 : i64, sc.parallel_access}
      %convert_element_type3A_178 = arith.extui %or3A_140 : i1 to i32
      %cond3A_179 = arith.constant 0 : i32
      %cond3A_180 = arith.cmpi ne, %convert_element_type3A_178, %cond3A_179 : i32
      scf.if %cond3A_180 {
        %dma_wait3A_224 = arith.constant 0 : i32
        %dma_wait3A_225 = tpu.memref_slice %arg5[%dma_wait3A_224] : memref<320000xi32, #tpu.memory_space<hbm>> -> memref<40xi32, #tpu.memory_space<hbm>>
        %dma_wait3A_226 = arith.constant 0 : i32
        %dma_wait3A_227 = tpu.memref_slice %arg5[%dma_wait3A_226] : memref<320000xi32, #tpu.memory_space<hbm>> -> memref<40xi32, #tpu.memory_space<hbm>>
        tpu.wait_dma2 semaphore(%arg28 : memref<!tpu.dma_semaphore, #tpu.memory_space<semaphore_mem>>) src(%dma_wait3A_227 : memref<40xi32, #tpu.memory_space<hbm>>) dst(%arg12 : memref<40xi32, #tpu.memory_space<vmem>>)
      } else {
      }
      %dma_start3A_181 = arith.constant 0 : i32
      %dma_start3A_182 = arith.constant 0 : i32
      %dma_start3A_183 = tpu.memref_slice %arg21[%dma_start3A_181, %dma_start3A_182] : memref<10240x144xf32, #tpu.memory_space<vmem_shared>> -> memref<10240x144xf32, #tpu.memory_space<vmem_shared>>
      tpu.enqueue_indirect_dma source(%arg20 : memref<40x144xf32, #tpu.memory_space<vmem>>) target(%dma_start3A_183 : memref<10240x144xf32, #tpu.memory_space<vmem_shared>>) offsets(%arg12 : memref<40xi32, #tpu.memory_space<vmem>>) semaphore(%arg24 : memref<!tpu.dma_semaphore, #tpu.memory_space<semaphore_mem>>) {add = true}
      %convert_element_type3A_184 = arith.extui %lt3A_141 : i1 to i32
      %cond3A_185 = arith.constant 0 : i32
      %cond3A_186 = arith.cmpi ne, %convert_element_type3A_184, %cond3A_185 : i32
      scf.if %cond3A_186 {
        %add3A_224 = arith.constant 2 : i32
        %add3A_225 = arith.addi %add3A_138, %add3A_224 : i32
        %mul3A_226 = arith.constant 40 : i32
        %mul3A_227 = arith.muli %add3A_225, %mul3A_226 : i32
        %add3A_228 = arith.addi %mul3A_42, %mul3A_227 : i32
        %dma_start3A_229 = tpu.memref_slice %arg5[%add3A_228] : memref<320000xi32, #tpu.memory_space<hbm>> -> memref<40xi32, #tpu.memory_space<hbm>>
        %dma_start3A_230 = tpu.memref_slice %arg5[%add3A_228] : memref<320000xi32, #tpu.memory_space<hbm>> -> memref<40xi32, #tpu.memory_space<hbm>>
        tpu.enqueue_dma source(%dma_start3A_230 : memref<40xi32, #tpu.memory_space<hbm>>) target(%arg8 : memref<40xi32, #tpu.memory_space<vmem>>) target_semaphore(%arg26 : memref<!tpu.dma_semaphore, #tpu.memory_space<semaphore_mem>>)
        %dma_start3A_231 = tpu.memref_slice %arg6[%add3A_228] : memref<320000xi32, #tpu.memory_space<hbm>> -> memref<40xi32, #tpu.memory_space<hbm>>
        %dma_start3A_232 = tpu.memref_slice %arg6[%add3A_228] : memref<320000xi32, #tpu.memory_space<hbm>> -> memref<40xi32, #tpu.memory_space<hbm>>
        tpu.enqueue_dma source(%dma_start3A_232 : memref<40xi32, #tpu.memory_space<hbm>>) target(%arg10 : memref<40xi32, #tpu.memory_space<vmem>>) target_semaphore(%arg26 : memref<!tpu.dma_semaphore, #tpu.memory_space<semaphore_mem>>)
        %dma_start3A_233 = arith.constant 0 : i32
        %dma_start3A_234 = tpu.memref_slice %arg4[%add3A_228, %dma_start3A_233] : memref<320000x16xf32, #tpu.memory_space<hbm>> -> memref<40x16xf32, #tpu.memory_space<hbm>>
        %dma_start3A_235 = arith.constant 0 : i32
        %dma_start3A_236 = tpu.memref_slice %arg4[%add3A_228, %dma_start3A_235] : memref<320000x16xf32, #tpu.memory_space<hbm>> -> memref<40x16xf32, #tpu.memory_space<hbm>>
        tpu.enqueue_dma source(%dma_start3A_236 : memref<40x16xf32, #tpu.memory_space<hbm>>) target(%arg18 : memref<40x16xf32, #tpu.memory_space<vmem>>) target_semaphore(%arg26 : memref<!tpu.dma_semaphore, #tpu.memory_space<semaphore_mem>>)
      } else {
      }
      %mul3A_187 = arith.constant 2 : i32
      %mul3A_188 = arith.muli %mul3A_187, %scan3A_134 : i32
      %add3A_189 = arith.constant 1 : i32
      %add3A_190 = arith.addi %mul3A_188, %add3A_189 : i32
      %gt3A_191 = arith.constant 0 : i32
      %gt3A_192 = arith.cmpi sgt, %scan3A_134, %gt3A_191 : i32
      %or3A_193 = arith.constant true
      %or3A_194 = arith.ori %gt3A_192, %or3A_193 : i1
      %lt3A_195 = arith.constant 124 : i32
      %lt3A_196 = arith.cmpi slt, %scan3A_134, %lt3A_195 : i32
      %dma_wait3A_197 = arith.constant 0 : i32
      %dma_wait3A_198 = arith.constant 0 : i32
      %dma_wait3A_199 = tpu.memref_slice %arg2[%dma_wait3A_197, %dma_wait3A_198] : memref<10000x128xf32, #tpu.memory_space<hbm>> -> memref<10000x128xf32, #tpu.memory_space<hbm>>
      tpu.wait_indirect_dma semaphore(%arg23 : memref<!tpu.dma_semaphore, #tpu.memory_space<semaphore_mem>>) src(%dma_wait3A_199 : memref<10000x128xf32, #tpu.memory_space<hbm>>) dst(%arg15 : memref<40x128xf32, #tpu.memory_space<vmem>>)
      %dma_wait3A_200 = arith.constant 0 : i32
      %dma_wait3A_201 = arith.constant 0 : i32
      %dma_wait3A_202 = tpu.memref_slice %arg3[%dma_wait3A_200, %dma_wait3A_201] : memref<10000x256xf32, #tpu.memory_space<hbm>> -> memref<10000x256xf32, #tpu.memory_space<hbm>>
      tpu.wait_indirect_dma semaphore(%arg23 : memref<!tpu.dma_semaphore, #tpu.memory_space<semaphore_mem>>) src(%dma_wait3A_202 : memref<10000x256xf32, #tpu.memory_space<hbm>>) dst(%arg17 : memref<40x256xf32, #tpu.memory_space<vmem>>)
      %convert_element_type3A_203 = arith.extui %lt3A_196 : i1 to i32
      %cond3A_204 = arith.constant 0 : i32
      %cond3A_205 = arith.cmpi ne, %convert_element_type3A_203, %cond3A_204 : i32
      scf.if %cond3A_205 {
        %dma_wait3A_224 = arith.constant 0 : i32
        %dma_wait3A_225 = tpu.memref_slice %arg5[%dma_wait3A_224] : memref<320000xi32, #tpu.memory_space<hbm>> -> memref<40xi32, #tpu.memory_space<hbm>>
        %dma_wait3A_226 = arith.constant 0 : i32
        %dma_wait3A_227 = tpu.memref_slice %arg5[%dma_wait3A_226] : memref<320000xi32, #tpu.memory_space<hbm>> -> memref<40xi32, #tpu.memory_space<hbm>>
        tpu.wait_dma2 semaphore(%arg26 : memref<!tpu.dma_semaphore, #tpu.memory_space<semaphore_mem>>) src(%dma_wait3A_227 : memref<40xi32, #tpu.memory_space<hbm>>) dst(%arg8 : memref<40xi32, #tpu.memory_space<vmem>>)
        %dma_wait3A_228 = arith.constant 0 : i32
        %dma_wait3A_229 = tpu.memref_slice %arg6[%dma_wait3A_228] : memref<320000xi32, #tpu.memory_space<hbm>> -> memref<40xi32, #tpu.memory_space<hbm>>
        %dma_wait3A_230 = arith.constant 0 : i32
        %dma_wait3A_231 = tpu.memref_slice %arg6[%dma_wait3A_230] : memref<320000xi32, #tpu.memory_space<hbm>> -> memref<40xi32, #tpu.memory_space<hbm>>
        tpu.wait_dma2 semaphore(%arg26 : memref<!tpu.dma_semaphore, #tpu.memory_space<semaphore_mem>>) src(%dma_wait3A_231 : memref<40xi32, #tpu.memory_space<hbm>>) dst(%arg10 : memref<40xi32, #tpu.memory_space<vmem>>)
        %dma_wait3A_232 = arith.constant 0 : i32
        %dma_wait3A_233 = arith.constant 0 : i32
        %dma_wait3A_234 = tpu.memref_slice %arg4[%dma_wait3A_232, %dma_wait3A_233] : memref<320000x16xf32, #tpu.memory_space<hbm>> -> memref<40x16xf32, #tpu.memory_space<hbm>>
        %dma_wait3A_235 = arith.constant 0 : i32
        %dma_wait3A_236 = arith.constant 0 : i32
        %dma_wait3A_237 = tpu.memref_slice %arg4[%dma_wait3A_235, %dma_wait3A_236] : memref<320000x16xf32, #tpu.memory_space<hbm>> -> memref<40x16xf32, #tpu.memory_space<hbm>>
        tpu.wait_dma2 semaphore(%arg26 : memref<!tpu.dma_semaphore, #tpu.memory_space<semaphore_mem>>) src(%dma_wait3A_237 : memref<40x16xf32, #tpu.memory_space<hbm>>) dst(%arg18 : memref<40x16xf32, #tpu.memory_space<vmem>>)
        %dma_start3A_238 = arith.constant 0 : i32
        %dma_start3A_239 = arith.constant 0 : i32
        %dma_start3A_240 = tpu.memref_slice %arg2[%dma_start3A_238, %dma_start3A_239] : memref<10000x128xf32, #tpu.memory_space<hbm>> -> memref<10000x128xf32, #tpu.memory_space<hbm>>
        tpu.enqueue_indirect_dma source(%dma_start3A_240 : memref<10000x128xf32, #tpu.memory_space<hbm>>) target(%arg14 : memref<40x128xf32, #tpu.memory_space<vmem>>) offsets(%arg8 : memref<40xi32, #tpu.memory_space<vmem>>) semaphore(%arg22 : memref<!tpu.dma_semaphore, #tpu.memory_space<semaphore_mem>>)
        %dma_start3A_241 = arith.constant 0 : i32
        %dma_start3A_242 = arith.constant 0 : i32
        %dma_start3A_243 = tpu.memref_slice %arg3[%dma_start3A_241, %dma_start3A_242] : memref<10000x256xf32, #tpu.memory_space<hbm>> -> memref<10000x256xf32, #tpu.memory_space<hbm>>
        tpu.enqueue_indirect_dma source(%dma_start3A_243 : memref<10000x256xf32, #tpu.memory_space<hbm>>) target(%arg16 : memref<40x256xf32, #tpu.memory_space<vmem>>) offsets(%arg10 : memref<40xi32, #tpu.memory_space<vmem>>) semaphore(%arg22 : memref<!tpu.dma_semaphore, #tpu.memory_space<semaphore_mem>>)
      } else {
      }
      %convert_element_type3A_206 = arith.extui %or3A_194 : i1 to i32
      %cond3A_207 = arith.constant 0 : i32
      %cond3A_208 = arith.cmpi ne, %convert_element_type3A_206, %cond3A_207 : i32
      scf.if %cond3A_208 {
        %dma_wait3A_224 = arith.constant 0 : i32
        %dma_wait3A_225 = arith.constant 0 : i32
        %dma_wait3A_226 = tpu.memref_slice %arg21[%dma_wait3A_224, %dma_wait3A_225] : memref<10240x144xf32, #tpu.memory_space<vmem_shared>> -> memref<10240x144xf32, #tpu.memory_space<vmem_shared>>
        tpu.wait_indirect_dma semaphore(%arg24 : memref<!tpu.dma_semaphore, #tpu.memory_space<semaphore_mem>>) src(%arg20 : memref<40x144xf32, #tpu.memory_space<vmem>>) dst(%dma_wait3A_226 : memref<10240x144xf32, #tpu.memory_space<vmem_shared>>)
      } else {
      }
      %convert_element_type3A_209 = arith.extui %lt3A_196 : i1 to i32
      %cond3A_210 = arith.constant 0 : i32
      %cond3A_211 = arith.cmpi ne, %convert_element_type3A_209, %cond3A_210 : i32
      scf.if %cond3A_211 {
        %add3A_224 = arith.constant 1 : i32
        %add3A_225 = arith.addi %add3A_190, %add3A_224 : i32
        %mul3A_226 = arith.constant 40 : i32
        %mul3A_227 = arith.muli %add3A_225, %mul3A_226 : i32
        %add3A_228 = arith.addi %mul3A_42, %mul3A_227 : i32
        %dma_start3A_229 = tpu.memref_slice %arg5[%add3A_228] : memref<320000xi32, #tpu.memory_space<hbm>> -> memref<40xi32, #tpu.memory_space<hbm>>
        %dma_start3A_230 = tpu.memref_slice %arg5[%add3A_228] : memref<320000xi32, #tpu.memory_space<hbm>> -> memref<40xi32, #tpu.memory_space<hbm>>
        tpu.enqueue_dma source(%dma_start3A_230 : memref<40xi32, #tpu.memory_space<hbm>>) target(%arg12 : memref<40xi32, #tpu.memory_space<vmem>>) target_semaphore(%arg28 : memref<!tpu.dma_semaphore, #tpu.memory_space<semaphore_mem>>)
      } else {
      }
      %parallel_loop3A_212 = arith.constant 0 : i32
      %parallel_loop3A_213 = arith.constant 40 : i32
      %parallel_loop3A_214 = arith.constant 1 : i32
      scf.for %parallel_loop3A_224 = %parallel_loop3A_212 to %parallel_loop3A_213 step %parallel_loop3A_214  : i32 {
        %parallel_loop3A_225 = arith.index_cast %parallel_loop3A_224 : i32 to index
        %parallel_loop3A_226 = arith.constant 0 : index
        %parallel_loop3A_227 = tpu.vector_load %arg15[%parallel_loop3A_225, %parallel_loop3A_226] {strides = array<i32>} : memref<40x128xf32, #tpu.memory_space<vmem>>, vector<1x16xf32>,
        %parallel_loop3A_228 = vector.shape_cast %parallel_loop3A_227 : vector<1x16xf32> to vector<16xf32>
        %parallel_loop3A_229 = arith.index_cast %parallel_loop3A_224 : i32 to index
        %parallel_loop3A_230 = arith.constant 0 : index
        %parallel_loop3A_231 = tpu.vector_load %arg17[%parallel_loop3A_229, %parallel_loop3A_230] {strides = array<i32>} : memref<40x256xf32, #tpu.memory_space<vmem>>, vector<1x16xf32>,
        %parallel_loop3A_232 = vector.shape_cast %parallel_loop3A_231 : vector<1x16xf32> to vector<16xf32>
        %parallel_loop3A_233 = arith.mulf %parallel_loop3A_228, %parallel_loop3A_232 : vector<16xf32>
        %parallel_loop3A_234 = arith.index_cast %parallel_loop3A_224 : i32 to index
        %parallel_loop3A_235 = arith.constant 16 : index
        %parallel_loop3A_236 = tpu.vector_load %arg15[%parallel_loop3A_234, %parallel_loop3A_235] {strides = array<i32>} : memref<40x128xf32, #tpu.memory_space<vmem>>, vector<1x16xf32>,
        %parallel_loop3A_237 = vector.shape_cast %parallel_loop3A_236 : vector<1x16xf32> to vector<16xf32>
        %parallel_loop3A_238 = arith.index_cast %parallel_loop3A_224 : i32 to index
        %parallel_loop3A_239 = arith.constant 16 : index
        %parallel_loop3A_240 = tpu.vector_load %arg17[%parallel_loop3A_238, %parallel_loop3A_239] {strides = array<i32>} : memref<40x256xf32, #tpu.memory_space<vmem>>, vector<1x16xf32>,
        %parallel_loop3A_241 = vector.shape_cast %parallel_loop3A_240 : vector<1x16xf32> to vector<16xf32>
        %parallel_loop3A_242 = arith.mulf %parallel_loop3A_237, %parallel_loop3A_241 : vector<16xf32>
        %parallel_loop3A_243 = arith.addf %parallel_loop3A_233, %parallel_loop3A_242 : vector<16xf32>
        %parallel_loop3A_244 = arith.index_cast %parallel_loop3A_224 : i32 to index
        %parallel_loop3A_245 = arith.constant 32 : index
        %parallel_loop3A_246 = tpu.vector_load %arg15[%parallel_loop3A_244, %parallel_loop3A_245] {strides = array<i32>} : memref<40x128xf32, #tpu.memory_space<vmem>>, vector<1x16xf32>,
        %parallel_loop3A_247 = vector.shape_cast %parallel_loop3A_246 : vector<1x16xf32> to vector<16xf32>
        %parallel_loop3A_248 = arith.index_cast %parallel_loop3A_224 : i32 to index
        %parallel_loop3A_249 = arith.constant 32 : index
        %parallel_loop3A_250 = tpu.vector_load %arg17[%parallel_loop3A_248, %parallel_loop3A_249] {strides = array<i32>} : memref<40x256xf32, #tpu.memory_space<vmem>>, vector<1x16xf32>,
        %parallel_loop3A_251 = vector.shape_cast %parallel_loop3A_250 : vector<1x16xf32> to vector<16xf32>
        %parallel_loop3A_252 = arith.mulf %parallel_loop3A_247, %parallel_loop3A_251 : vector<16xf32>
        %parallel_loop3A_253 = arith.addf %parallel_loop3A_243, %parallel_loop3A_252 : vector<16xf32>
        %parallel_loop3A_254 = arith.index_cast %parallel_loop3A_224 : i32 to index
        %parallel_loop3A_255 = arith.constant 48 : index
        %parallel_loop3A_256 = tpu.vector_load %arg15[%parallel_loop3A_254, %parallel_loop3A_255] {strides = array<i32>} : memref<40x128xf32, #tpu.memory_space<vmem>>, vector<1x16xf32>,
        %parallel_loop3A_257 = vector.shape_cast %parallel_loop3A_256 : vector<1x16xf32> to vector<16xf32>
        %parallel_loop3A_258 = arith.index_cast %parallel_loop3A_224 : i32 to index
        %parallel_loop3A_259 = arith.constant 48 : index
        %parallel_loop3A_260 = tpu.vector_load %arg17[%parallel_loop3A_258, %parallel_loop3A_259] {strides = array<i32>} : memref<40x256xf32, #tpu.memory_space<vmem>>, vector<1x16xf32>,
        %parallel_loop3A_261 = vector.shape_cast %parallel_loop3A_260 : vector<1x16xf32> to vector<16xf32>
        %parallel_loop3A_262 = arith.mulf %parallel_loop3A_257, %parallel_loop3A_261 : vector<16xf32>
        %parallel_loop3A_263 = arith.addf %parallel_loop3A_253, %parallel_loop3A_262 : vector<16xf32>
        %parallel_loop3A_264 = arith.index_cast %parallel_loop3A_224 : i32 to index
        %parallel_loop3A_265 = arith.constant 64 : index
        %parallel_loop3A_266 = tpu.vector_load %arg15[%parallel_loop3A_264, %parallel_loop3A_265] {strides = array<i32>} : memref<40x128xf32, #tpu.memory_space<vmem>>, vector<1x16xf32>,
        %parallel_loop3A_267 = vector.shape_cast %parallel_loop3A_266 : vector<1x16xf32> to vector<16xf32>
        %parallel_loop3A_268 = arith.index_cast %parallel_loop3A_224 : i32 to index
        %parallel_loop3A_269 = arith.constant 64 : index
        %parallel_loop3A_270 = tpu.vector_load %arg17[%parallel_loop3A_268, %parallel_loop3A_269] {strides = array<i32>} : memref<40x256xf32, #tpu.memory_space<vmem>>, vector<1x16xf32>,
        %parallel_loop3A_271 = vector.shape_cast %parallel_loop3A_270 : vector<1x16xf32> to vector<16xf32>
        %parallel_loop3A_272 = arith.mulf %parallel_loop3A_267, %parallel_loop3A_271 : vector<16xf32>
        %parallel_loop3A_273 = arith.addf %parallel_loop3A_263, %parallel_loop3A_272 : vector<16xf32>
        %parallel_loop3A_274 = arith.index_cast %parallel_loop3A_224 : i32 to index
        %parallel_loop3A_275 = arith.constant 80 : index
        %parallel_loop3A_276 = tpu.vector_load %arg15[%parallel_loop3A_274, %parallel_loop3A_275] {strides = array<i32>} : memref<40x128xf32, #tpu.memory_space<vmem>>, vector<1x16xf32>,
        %parallel_loop3A_277 = vector.shape_cast %parallel_loop3A_276 : vector<1x16xf32> to vector<16xf32>
        %parallel_loop3A_278 = arith.index_cast %parallel_loop3A_224 : i32 to index
        %parallel_loop3A_279 = arith.constant 80 : index
        %parallel_loop3A_280 = tpu.vector_load %arg17[%parallel_loop3A_278, %parallel_loop3A_279] {strides = array<i32>} : memref<40x256xf32, #tpu.memory_space<vmem>>, vector<1x16xf32>,
        %parallel_loop3A_281 = vector.shape_cast %parallel_loop3A_280 : vector<1x16xf32> to vector<16xf32>
        %parallel_loop3A_282 = arith.mulf %parallel_loop3A_277, %parallel_loop3A_281 : vector<16xf32>
        %parallel_loop3A_283 = arith.addf %parallel_loop3A_273, %parallel_loop3A_282 : vector<16xf32>
        %parallel_loop3A_284 = arith.index_cast %parallel_loop3A_224 : i32 to index
        %parallel_loop3A_285 = arith.constant 96 : index
        %parallel_loop3A_286 = tpu.vector_load %arg15[%parallel_loop3A_284, %parallel_loop3A_285] {strides = array<i32>} : memref<40x128xf32, #tpu.memory_space<vmem>>, vector<1x16xf32>,
        %parallel_loop3A_287 = vector.shape_cast %parallel_loop3A_286 : vector<1x16xf32> to vector<16xf32>
        %parallel_loop3A_288 = arith.index_cast %parallel_loop3A_224 : i32 to index
        %parallel_loop3A_289 = arith.constant 96 : index
        %parallel_loop3A_290 = tpu.vector_load %arg17[%parallel_loop3A_288, %parallel_loop3A_289] {strides = array<i32>} : memref<40x256xf32, #tpu.memory_space<vmem>>, vector<1x16xf32>,
        %parallel_loop3A_291 = vector.shape_cast %parallel_loop3A_290 : vector<1x16xf32> to vector<16xf32>
        %parallel_loop3A_292 = arith.mulf %parallel_loop3A_287, %parallel_loop3A_291 : vector<16xf32>
        %parallel_loop3A_293 = arith.addf %parallel_loop3A_283, %parallel_loop3A_292 : vector<16xf32>
        %parallel_loop3A_294 = arith.index_cast %parallel_loop3A_224 : i32 to index
        %parallel_loop3A_295 = arith.constant 112 : index
        %parallel_loop3A_296 = tpu.vector_load %arg15[%parallel_loop3A_294, %parallel_loop3A_295] {strides = array<i32>} : memref<40x128xf32, #tpu.memory_space<vmem>>, vector<1x16xf32>,
        %parallel_loop3A_297 = vector.shape_cast %parallel_loop3A_296 : vector<1x16xf32> to vector<16xf32>
        %parallel_loop3A_298 = arith.index_cast %parallel_loop3A_224 : i32 to index
        %parallel_loop3A_299 = arith.constant 112 : index
        %parallel_loop3A_300 = tpu.vector_load %arg17[%parallel_loop3A_298, %parallel_loop3A_299] {strides = array<i32>} : memref<40x256xf32, #tpu.memory_space<vmem>>, vector<1x16xf32>,
        %parallel_loop3A_301 = vector.shape_cast %parallel_loop3A_300 : vector<1x16xf32> to vector<16xf32>
        %parallel_loop3A_302 = arith.mulf %parallel_loop3A_297, %parallel_loop3A_301 : vector<16xf32>
        %parallel_loop3A_303 = arith.addf %parallel_loop3A_293, %parallel_loop3A_302 : vector<16xf32>
        %parallel_loop3A_304 = arith.constant 0.353553385 : f32
        %parallel_loop3A_305 = vector.broadcast %parallel_loop3A_304 : f32 to vector<16xf32>
        %parallel_loop3A_306 = arith.mulf %parallel_loop3A_303, %parallel_loop3A_305 : vector<16xf32>
        %parallel_loop3A_307 = arith.index_cast %parallel_loop3A_224 : i32 to index
        %parallel_loop3A_308 = arith.constant 0 : index
        %parallel_loop3A_309 = tpu.vector_load %arg19[%parallel_loop3A_307, %parallel_loop3A_308] {strides = array<i32>} : memref<40x16xf32, #tpu.memory_space<vmem>>, vector<1x16xf32>,
        %parallel_loop3A_310 = vector.shape_cast %parallel_loop3A_309 : vector<1x16xf32> to vector<16xf32>
        %parallel_loop3A_311 = arith.addf %parallel_loop3A_306, %parallel_loop3A_310 : vector<16xf32>
        %parallel_loop3A_312 = math.exp %parallel_loop3A_311 : vector<16xf32>
        %parallel_loop3A_313 = arith.index_cast %parallel_loop3A_224 : i32 to index
        %parallel_loop3A_314 = arith.constant 128 : index
        %parallel_loop3A_315 = tpu.vector_load %arg17[%parallel_loop3A_313, %parallel_loop3A_314] {strides = array<i32>} : memref<40x256xf32, #tpu.memory_space<vmem>>, vector<1x16xf32>,
        %parallel_loop3A_316 = vector.shape_cast %parallel_loop3A_315 : vector<1x16xf32> to vector<16xf32>
        %parallel_loop3A_317 = arith.mulf %parallel_loop3A_316, %parallel_loop3A_312 : vector<16xf32>
        %parallel_loop3A_318 = arith.index_cast %parallel_loop3A_224 : i32 to index
        %parallel_loop3A_319 = arith.constant 0 : index
        %parallel_loop3A_320 = tpu.vector_load %arg20[%parallel_loop3A_318, %parallel_loop3A_319] {strides = array<i32>} : memref<40x144xf32, #tpu.memory_space<vmem>>, vector<1x16xf32>,
        %parallel_loop3A_321 = vector.shape_cast %parallel_loop3A_320 : vector<1x16xf32> to vector<16xf32>
        %parallel_loop3A_322 = vector.shape_cast %parallel_loop3A_317 : vector<16xf32> to vector<1x16xf32>
        tpu.vector_store %arg20[%parallel_loop3A_318, %parallel_loop3A_319], %parallel_loop3A_322 {strides = array<i32>} : memref<40x144xf32, #tpu.memory_space<vmem>>, vector<1x16xf32>,
        %parallel_loop3A_323 = arith.index_cast %parallel_loop3A_224 : i32 to index
        %parallel_loop3A_324 = arith.constant 144 : index
        %parallel_loop3A_325 = tpu.vector_load %arg17[%parallel_loop3A_323, %parallel_loop3A_324] {strides = array<i32>} : memref<40x256xf32, #tpu.memory_space<vmem>>, vector<1x16xf32>,
        %parallel_loop3A_326 = vector.shape_cast %parallel_loop3A_325 : vector<1x16xf32> to vector<16xf32>
        %parallel_loop3A_327 = arith.mulf %parallel_loop3A_326, %parallel_loop3A_312 : vector<16xf32>
        %parallel_loop3A_328 = arith.index_cast %parallel_loop3A_224 : i32 to index
        %parallel_loop3A_329 = arith.constant 16 : index
        %parallel_loop3A_330 = tpu.vector_load %arg20[%parallel_loop3A_328, %parallel_loop3A_329] {strides = array<i32>} : memref<40x144xf32, #tpu.memory_space<vmem>>, vector<1x16xf32>,
        %parallel_loop3A_331 = vector.shape_cast %parallel_loop3A_330 : vector<1x16xf32> to vector<16xf32>
        %parallel_loop3A_332 = vector.shape_cast %parallel_loop3A_327 : vector<16xf32> to vector<1x16xf32>
        tpu.vector_store %arg20[%parallel_loop3A_328, %parallel_loop3A_329], %parallel_loop3A_332 {strides = array<i32>} : memref<40x144xf32, #tpu.memory_space<vmem>>, vector<1x16xf32>,
        %parallel_loop3A_333 = arith.index_cast %parallel_loop3A_224 : i32 to index
        %parallel_loop3A_334 = arith.constant 160 : index
        %parallel_loop3A_335 = tpu.vector_load %arg17[%parallel_loop3A_333, %parallel_loop3A_334] {strides = array<i32>} : memref<40x256xf32, #tpu.memory_space<vmem>>, vector<1x16xf32>,
        %parallel_loop3A_336 = vector.shape_cast %parallel_loop3A_335 : vector<1x16xf32> to vector<16xf32>
        %parallel_loop3A_337 = arith.mulf %parallel_loop3A_336, %parallel_loop3A_312 : vector<16xf32>
        %parallel_loop3A_338 = arith.index_cast %parallel_loop3A_224 : i32 to index
        %parallel_loop3A_339 = arith.constant 32 : index
        %parallel_loop3A_340 = tpu.vector_load %arg20[%parallel_loop3A_338, %parallel_loop3A_339] {strides = array<i32>} : memref<40x144xf32, #tpu.memory_space<vmem>>, vector<1x16xf32>,
        %parallel_loop3A_341 = vector.shape_cast %parallel_loop3A_340 : vector<1x16xf32> to vector<16xf32>
        %parallel_loop3A_342 = vector.shape_cast %parallel_loop3A_337 : vector<16xf32> to vector<1x16xf32>
        tpu.vector_store %arg20[%parallel_loop3A_338, %parallel_loop3A_339], %parallel_loop3A_342 {strides = array<i32>} : memref<40x144xf32, #tpu.memory_space<vmem>>, vector<1x16xf32>,
        %parallel_loop3A_343 = arith.index_cast %parallel_loop3A_224 : i32 to index
        %parallel_loop3A_344 = arith.constant 176 : index
        %parallel_loop3A_345 = tpu.vector_load %arg17[%parallel_loop3A_343, %parallel_loop3A_344] {strides = array<i32>} : memref<40x256xf32, #tpu.memory_space<vmem>>, vector<1x16xf32>,
        %parallel_loop3A_346 = vector.shape_cast %parallel_loop3A_345 : vector<1x16xf32> to vector<16xf32>
        %parallel_loop3A_347 = arith.mulf %parallel_loop3A_346, %parallel_loop3A_312 : vector<16xf32>
        %parallel_loop3A_348 = arith.index_cast %parallel_loop3A_224 : i32 to index
        %parallel_loop3A_349 = arith.constant 48 : index
        %parallel_loop3A_350 = tpu.vector_load %arg20[%parallel_loop3A_348, %parallel_loop3A_349] {strides = array<i32>} : memref<40x144xf32, #tpu.memory_space<vmem>>, vector<1x16xf32>,
        %parallel_loop3A_351 = vector.shape_cast %parallel_loop3A_350 : vector<1x16xf32> to vector<16xf32>
        %parallel_loop3A_352 = vector.shape_cast %parallel_loop3A_347 : vector<16xf32> to vector<1x16xf32>
        tpu.vector_store %arg20[%parallel_loop3A_348, %parallel_loop3A_349], %parallel_loop3A_352 {strides = array<i32>} : memref<40x144xf32, #tpu.memory_space<vmem>>, vector<1x16xf32>,
        %parallel_loop3A_353 = arith.index_cast %parallel_loop3A_224 : i32 to index
        %parallel_loop3A_354 = arith.constant 192 : index
        %parallel_loop3A_355 = tpu.vector_load %arg17[%parallel_loop3A_353, %parallel_loop3A_354] {strides = array<i32>} : memref<40x256xf32, #tpu.memory_space<vmem>>, vector<1x16xf32>,
        %parallel_loop3A_356 = vector.shape_cast %parallel_loop3A_355 : vector<1x16xf32> to vector<16xf32>
        %parallel_loop3A_357 = arith.mulf %parallel_loop3A_356, %parallel_loop3A_312 : vector<16xf32>
        %parallel_loop3A_358 = arith.index_cast %parallel_loop3A_224 : i32 to index
        %parallel_loop3A_359 = arith.constant 64 : index
        %parallel_loop3A_360 = tpu.vector_load %arg20[%parallel_loop3A_358, %parallel_loop3A_359] {strides = array<i32>} : memref<40x144xf32, #tpu.memory_space<vmem>>, vector<1x16xf32>,
        %parallel_loop3A_361 = vector.shape_cast %parallel_loop3A_360 : vector<1x16xf32> to vector<16xf32>
        %parallel_loop3A_362 = vector.shape_cast %parallel_loop3A_357 : vector<16xf32> to vector<1x16xf32>
        tpu.vector_store %arg20[%parallel_loop3A_358, %parallel_loop3A_359], %parallel_loop3A_362 {strides = array<i32>} : memref<40x144xf32, #tpu.memory_space<vmem>>, vector<1x16xf32>,
        %parallel_loop3A_363 = arith.index_cast %parallel_loop3A_224 : i32 to index
        %parallel_loop3A_364 = arith.constant 208 : index
        %parallel_loop3A_365 = tpu.vector_load %arg17[%parallel_loop3A_363, %parallel_loop3A_364] {strides = array<i32>} : memref<40x256xf32, #tpu.memory_space<vmem>>, vector<1x16xf32>,
        %parallel_loop3A_366 = vector.shape_cast %parallel_loop3A_365 : vector<1x16xf32> to vector<16xf32>
        %parallel_loop3A_367 = arith.mulf %parallel_loop3A_366, %parallel_loop3A_312 : vector<16xf32>
        %parallel_loop3A_368 = arith.index_cast %parallel_loop3A_224 : i32 to index
        %parallel_loop3A_369 = arith.constant 80 : index
        %parallel_loop3A_370 = tpu.vector_load %arg20[%parallel_loop3A_368, %parallel_loop3A_369] {strides = array<i32>} : memref<40x144xf32, #tpu.memory_space<vmem>>, vector<1x16xf32>,
        %parallel_loop3A_371 = vector.shape_cast %parallel_loop3A_370 : vector<1x16xf32> to vector<16xf32>
        %parallel_loop3A_372 = vector.shape_cast %parallel_loop3A_367 : vector<16xf32> to vector<1x16xf32>
        tpu.vector_store %arg20[%parallel_loop3A_368, %parallel_loop3A_369], %parallel_loop3A_372 {strides = array<i32>} : memref<40x144xf32, #tpu.memory_space<vmem>>, vector<1x16xf32>,
        %parallel_loop3A_373 = arith.index_cast %parallel_loop3A_224 : i32 to index
        %parallel_loop3A_374 = arith.constant 224 : index
        %parallel_loop3A_375 = tpu.vector_load %arg17[%parallel_loop3A_373, %parallel_loop3A_374] {strides = array<i32>} : memref<40x256xf32, #tpu.memory_space<vmem>>, vector<1x16xf32>,
        %parallel_loop3A_376 = vector.shape_cast %parallel_loop3A_375 : vector<1x16xf32> to vector<16xf32>
        %parallel_loop3A_377 = arith.mulf %parallel_loop3A_376, %parallel_loop3A_312 : vector<16xf32>
        %parallel_loop3A_378 = arith.index_cast %parallel_loop3A_224 : i32 to index
        %parallel_loop3A_379 = arith.constant 96 : index
        %parallel_loop3A_380 = tpu.vector_load %arg20[%parallel_loop3A_378, %parallel_loop3A_379] {strides = array<i32>} : memref<40x144xf32, #tpu.memory_space<vmem>>, vector<1x16xf32>,
        %parallel_loop3A_381 = vector.shape_cast %parallel_loop3A_380 : vector<1x16xf32> to vector<16xf32>
        %parallel_loop3A_382 = vector.shape_cast %parallel_loop3A_377 : vector<16xf32> to vector<1x16xf32>
        tpu.vector_store %arg20[%parallel_loop3A_378, %parallel_loop3A_379], %parallel_loop3A_382 {strides = array<i32>} : memref<40x144xf32, #tpu.memory_space<vmem>>, vector<1x16xf32>,
        %parallel_loop3A_383 = arith.index_cast %parallel_loop3A_224 : i32 to index
        %parallel_loop3A_384 = arith.constant 240 : index
        %parallel_loop3A_385 = tpu.vector_load %arg17[%parallel_loop3A_383, %parallel_loop3A_384] {strides = array<i32>} : memref<40x256xf32, #tpu.memory_space<vmem>>, vector<1x16xf32>,
        %parallel_loop3A_386 = vector.shape_cast %parallel_loop3A_385 : vector<1x16xf32> to vector<16xf32>
        %parallel_loop3A_387 = arith.mulf %parallel_loop3A_386, %parallel_loop3A_312 : vector<16xf32>
        %parallel_loop3A_388 = arith.index_cast %parallel_loop3A_224 : i32 to index
        %parallel_loop3A_389 = arith.constant 112 : index
        %parallel_loop3A_390 = tpu.vector_load %arg20[%parallel_loop3A_388, %parallel_loop3A_389] {strides = array<i32>} : memref<40x144xf32, #tpu.memory_space<vmem>>, vector<1x16xf32>,
        %parallel_loop3A_391 = vector.shape_cast %parallel_loop3A_390 : vector<1x16xf32> to vector<16xf32>
        %parallel_loop3A_392 = vector.shape_cast %parallel_loop3A_387 : vector<16xf32> to vector<1x16xf32>
        tpu.vector_store %arg20[%parallel_loop3A_388, %parallel_loop3A_389], %parallel_loop3A_392 {strides = array<i32>} : memref<40x144xf32, #tpu.memory_space<vmem>>, vector<1x16xf32>,
        %parallel_loop3A_393 = arith.index_cast %parallel_loop3A_224 : i32 to index
        %parallel_loop3A_394 = arith.constant 128 : index
        %parallel_loop3A_395 = tpu.vector_load %arg20[%parallel_loop3A_393, %parallel_loop3A_394] {strides = array<i32>} : memref<40x144xf32, #tpu.memory_space<vmem>>, vector<1x16xf32>,
        %parallel_loop3A_396 = vector.shape_cast %parallel_loop3A_395 : vector<1x16xf32> to vector<16xf32>
        %parallel_loop3A_397 = vector.shape_cast %parallel_loop3A_312 : vector<16xf32> to vector<1x16xf32>
        tpu.vector_store %arg20[%parallel_loop3A_393, %parallel_loop3A_394], %parallel_loop3A_397 {strides = array<i32>} : memref<40x144xf32, #tpu.memory_space<vmem>>, vector<1x16xf32>,
      } {sc.loop_unroll_factor = 4 : i64, sc.parallel_access}
      %convert_element_type3A_215 = arith.extui %or3A_194 : i1 to i32
      %cond3A_216 = arith.constant 0 : i32
      %cond3A_217 = arith.cmpi ne, %convert_element_type3A_215, %cond3A_216 : i32
      scf.if %cond3A_217 {
        %dma_wait3A_224 = arith.constant 0 : i32
        %dma_wait3A_225 = tpu.memref_slice %arg5[%dma_wait3A_224] : memref<320000xi32, #tpu.memory_space<hbm>> -> memref<40xi32, #tpu.memory_space<hbm>>
        %dma_wait3A_226 = arith.constant 0 : i32
        %dma_wait3A_227 = tpu.memref_slice %arg5[%dma_wait3A_226] : memref<320000xi32, #tpu.memory_space<hbm>> -> memref<40xi32, #tpu.memory_space<hbm>>
        tpu.wait_dma2 semaphore(%arg29 : memref<!tpu.dma_semaphore, #tpu.memory_space<semaphore_mem>>) src(%dma_wait3A_227 : memref<40xi32, #tpu.memory_space<hbm>>) dst(%arg13 : memref<40xi32, #tpu.memory_space<vmem>>)
      } else {
      }
      %dma_start3A_218 = arith.constant 0 : i32
      %dma_start3A_219 = arith.constant 0 : i32
      %dma_start3A_220 = tpu.memref_slice %arg21[%dma_start3A_218, %dma_start3A_219] : memref<10240x144xf32, #tpu.memory_space<vmem_shared>> -> memref<10240x144xf32, #tpu.memory_space<vmem_shared>>
      tpu.enqueue_indirect_dma source(%arg20 : memref<40x144xf32, #tpu.memory_space<vmem>>) target(%dma_start3A_220 : memref<10240x144xf32, #tpu.memory_space<vmem_shared>>) offsets(%arg13 : memref<40xi32, #tpu.memory_space<vmem>>) semaphore(%arg25 : memref<!tpu.dma_semaphore, #tpu.memory_space<semaphore_mem>>) {add = true}
      %convert_element_type3A_221 = arith.extui %lt3A_196 : i1 to i32
      %cond3A_222 = arith.constant 0 : i32
      %cond3A_223 = arith.cmpi ne, %convert_element_type3A_221, %cond3A_222 : i32
      scf.if %cond3A_223 {
        %add3A_224 = arith.constant 2 : i32
        %add3A_225 = arith.addi %add3A_190, %add3A_224 : i32
        %mul3A_226 = arith.constant 40 : i32
        %mul3A_227 = arith.muli %add3A_225, %mul3A_226 : i32
        %add3A_228 = arith.addi %mul3A_42, %mul3A_227 : i32
        %dma_start3A_229 = tpu.memref_slice %arg5[%add3A_228] : memref<320000xi32, #tpu.memory_space<hbm>> -> memref<40xi32, #tpu.memory_space<hbm>>
        %dma_start3A_230 = tpu.memref_slice %arg5[%add3A_228] : memref<320000xi32, #tpu.memory_space<hbm>> -> memref<40xi32, #tpu.memory_space<hbm>>
        tpu.enqueue_dma source(%dma_start3A_230 : memref<40xi32, #tpu.memory_space<hbm>>) target(%arg9 : memref<40xi32, #tpu.memory_space<vmem>>) target_semaphore(%arg27 : memref<!tpu.dma_semaphore, #tpu.memory_space<semaphore_mem>>)
        %dma_start3A_231 = tpu.memref_slice %arg6[%add3A_228] : memref<320000xi32, #tpu.memory_space<hbm>> -> memref<40xi32, #tpu.memory_space<hbm>>
        %dma_start3A_232 = tpu.memref_slice %arg6[%add3A_228] : memref<320000xi32, #tpu.memory_space<hbm>> -> memref<40xi32, #tpu.memory_space<hbm>>
        tpu.enqueue_dma source(%dma_start3A_232 : memref<40xi32, #tpu.memory_space<hbm>>) target(%arg11 : memref<40xi32, #tpu.memory_space<vmem>>) target_semaphore(%arg27 : memref<!tpu.dma_semaphore, #tpu.memory_space<semaphore_mem>>)
        %dma_start3A_233 = arith.constant 0 : i32
        %dma_start3A_234 = tpu.memref_slice %arg4[%add3A_228, %dma_start3A_233] : memref<320000x16xf32, #tpu.memory_space<hbm>> -> memref<40x16xf32, #tpu.memory_space<hbm>>
        %dma_start3A_235 = arith.constant 0 : i32
        %dma_start3A_236 = tpu.memref_slice %arg4[%add3A_228, %dma_start3A_235] : memref<320000x16xf32, #tpu.memory_space<hbm>> -> memref<40x16xf32, #tpu.memory_space<hbm>>
        tpu.enqueue_dma source(%dma_start3A_236 : memref<40x16xf32, #tpu.memory_space<hbm>>) target(%arg19 : memref<40x16xf32, #tpu.memory_space<vmem>>) target_semaphore(%arg27 : memref<!tpu.dma_semaphore, #tpu.memory_space<semaphore_mem>>)
      } else {
      }
    }
    %scan3A_63 = arith.constant 125 : i32
    %dma_wait3A = arith.constant 0 : i32
    %dma_wait3A_64 = arith.constant 0 : i32
    %dma_wait3A_65 = tpu.memref_slice %arg21[%dma_wait3A, %dma_wait3A_64] : memref<10240x144xf32, #tpu.memory_space<vmem_shared>> -> memref<10240x144xf32, #tpu.memory_space<vmem_shared>>
    tpu.wait_indirect_dma semaphore(%arg25 : memref<!tpu.dma_semaphore, #tpu.memory_space<semaphore_mem>>) src(%arg20 : memref<40x144xf32, #tpu.memory_space<vmem>>) dst(%dma_wait3A_65 : memref<10240x144xf32, #tpu.memory_space<vmem_shared>>)
    %barrier3A_66 = arith.constant 0 : index
    tpu.barrier barrier_id(%barrier3A_66)
    %mul3A_67 = arith.constant 10240 : i32
    %mul3A_68 = arith.muli %arg0, %mul3A_67 : i32
    %add3A_69 = arith.addi %mul3A_68, %mul3A_8 : i32
    %add3A_70 = arith.constant 0 : i32
    %add3A_71 = arith.addi %mul3A_8, %add3A_70 : i32
    "tpu.region"() ({
      %run_scoped3A = tpu.sem_alloc : memref<!tpu.dma_semaphore, #tpu.memory_space<semaphore_mem>>
      %dma_start3A_134 = arith.constant 0 : i32
      %dma_start3A_135 = tpu.memref_slice %arg21[%add3A_71, %dma_start3A_134] : memref<10240x144xf32, #tpu.memory_space<vmem_shared>> -> memref<40x144xf32, #tpu.memory_space<vmem_shared>>
      %dma_start3A_136 = arith.constant 0 : i32
      %dma_start3A_137 = tpu.memref_slice %arg21[%add3A_71, %dma_start3A_136] : memref<10240x144xf32, #tpu.memory_space<vmem_shared>> -> memref<40x144xf32, #tpu.memory_space<vmem_shared>>
      tpu.enqueue_dma source(%dma_start3A_137 : memref<40x144xf32, #tpu.memory_space<vmem_shared>>) target(%arg20 : memref<40x144xf32, #tpu.memory_space<vmem>>) target_semaphore(%run_scoped3A : memref<!tpu.dma_semaphore, #tpu.memory_space<semaphore_mem>>)
      %dma_wait3A_138 = arith.constant 0 : i32
      %dma_wait3A_139 = tpu.memref_slice %arg21[%add3A_71, %dma_wait3A_138] : memref<10240x144xf32, #tpu.memory_space<vmem_shared>> -> memref<40x144xf32, #tpu.memory_space<vmem_shared>>
      %dma_wait3A_140 = arith.constant 0 : i32
      %dma_wait3A_141 = tpu.memref_slice %arg21[%add3A_71, %dma_wait3A_140] : memref<10240x144xf32, #tpu.memory_space<vmem_shared>> -> memref<40x144xf32, #tpu.memory_space<vmem_shared>>
      tpu.wait_dma2 semaphore(%run_scoped3A : memref<!tpu.dma_semaphore, #tpu.memory_space<semaphore_mem>>) src(%dma_wait3A_141 : memref<40x144xf32, #tpu.memory_space<vmem_shared>>) dst(%arg20 : memref<40x144xf32, #tpu.memory_space<vmem>>)
      tpu.yield
    }) : () -> ()
    %add3A_72 = arith.constant 0 : i32
    %add3A_73 = arith.addi %add3A_69, %add3A_72 : i32
    "tpu.region"() ({
      %run_scoped3A = tpu.sem_alloc : memref<!tpu.dma_semaphore, #tpu.memory_space<semaphore_mem>>
      %dma_start3A_134 = arith.constant 0 : i32
      %dma_start3A_135 = tpu.memref_slice %arg7[%add3A_73, %dma_start3A_134] : memref<20480x144xf32, #tpu.memory_space<hbm>> -> memref<40x144xf32, #tpu.memory_space<hbm>>
      %dma_start3A_136 = arith.constant 0 : i32
      %dma_start3A_137 = tpu.memref_slice %arg7[%add3A_73, %dma_start3A_136] : memref<20480x144xf32, #tpu.memory_space<hbm>> -> memref<40x144xf32, #tpu.memory_space<hbm>>
      tpu.enqueue_dma source(%arg20 : memref<40x144xf32, #tpu.memory_space<vmem>>) target(%dma_start3A_137 : memref<40x144xf32, #tpu.memory_space<hbm>>) target_semaphore(%run_scoped3A : memref<!tpu.dma_semaphore, #tpu.memory_space<semaphore_mem>>)
      %dma_wait3A_138 = arith.constant 0 : i32
      %dma_wait3A_139 = tpu.memref_slice %arg7[%add3A_73, %dma_wait3A_138] : memref<20480x144xf32, #tpu.memory_space<hbm>> -> memref<40x144xf32, #tpu.memory_space<hbm>>
      %dma_wait3A_140 = arith.constant 0 : i32
      %dma_wait3A_141 = tpu.memref_slice %arg7[%add3A_73, %dma_wait3A_140] : memref<20480x144xf32, #tpu.memory_space<hbm>> -> memref<40x144xf32, #tpu.memory_space<hbm>>
      tpu.wait_dma2 semaphore(%run_scoped3A : memref<!tpu.dma_semaphore, #tpu.memory_space<semaphore_mem>>) src(%arg20 : memref<40x144xf32, #tpu.memory_space<vmem>>) dst(%dma_wait3A_141 : memref<40x144xf32, #tpu.memory_space<hbm>>)
      tpu.yield
    }) : () -> ()
    %add3A_74 = arith.constant 40 : i32
    %add3A_75 = arith.addi %mul3A_8, %add3A_74 : i32
    "tpu.region"() ({
      %run_scoped3A = tpu.sem_alloc : memref<!tpu.dma_semaphore, #tpu.memory_space<semaphore_mem>>
      %dma_start3A_134 = arith.constant 0 : i32
      %dma_start3A_135 = tpu.memref_slice %arg21[%add3A_75, %dma_start3A_134] : memref<10240x144xf32, #tpu.memory_space<vmem_shared>> -> memref<40x144xf32, #tpu.memory_space<vmem_shared>>
      %dma_start3A_136 = arith.constant 0 : i32
      %dma_start3A_137 = tpu.memref_slice %arg21[%add3A_75, %dma_start3A_136] : memref<10240x144xf32, #tpu.memory_space<vmem_shared>> -> memref<40x144xf32, #tpu.memory_space<vmem_shared>>
      tpu.enqueue_dma source(%dma_start3A_137 : memref<40x144xf32, #tpu.memory_space<vmem_shared>>) target(%arg20 : memref<40x144xf32, #tpu.memory_space<vmem>>) target_semaphore(%run_scoped3A : memref<!tpu.dma_semaphore, #tpu.memory_space<semaphore_mem>>)
      %dma_wait3A_138 = arith.constant 0 : i32
      %dma_wait3A_139 = tpu.memref_slice %arg21[%add3A_75, %dma_wait3A_138] : memref<10240x144xf32, #tpu.memory_space<vmem_shared>> -> memref<40x144xf32, #tpu.memory_space<vmem_shared>>
      %dma_wait3A_140 = arith.constant 0 : i32
      %dma_wait3A_141 = tpu.memref_slice %arg21[%add3A_75, %dma_wait3A_140] : memref<10240x144xf32, #tpu.memory_space<vmem_shared>> -> memref<40x144xf32, #tpu.memory_space<vmem_shared>>
      tpu.wait_dma2 semaphore(%run_scoped3A : memref<!tpu.dma_semaphore, #tpu.memory_space<semaphore_mem>>) src(%dma_wait3A_141 : memref<40x144xf32, #tpu.memory_space<vmem_shared>>) dst(%arg20 : memref<40x144xf32, #tpu.memory_space<vmem>>)
      tpu.yield
    }) : () -> ()
    %add3A_76 = arith.constant 40 : i32
    %add3A_77 = arith.addi %add3A_69, %add3A_76 : i32
    "tpu.region"() ({
      %run_scoped3A = tpu.sem_alloc : memref<!tpu.dma_semaphore, #tpu.memory_space<semaphore_mem>>
      %dma_start3A_134 = arith.constant 0 : i32
      %dma_start3A_135 = tpu.memref_slice %arg7[%add3A_77, %dma_start3A_134] : memref<20480x144xf32, #tpu.memory_space<hbm>> -> memref<40x144xf32, #tpu.memory_space<hbm>>
      %dma_start3A_136 = arith.constant 0 : i32
      %dma_start3A_137 = tpu.memref_slice %arg7[%add3A_77, %dma_start3A_136] : memref<20480x144xf32, #tpu.memory_space<hbm>> -> memref<40x144xf32, #tpu.memory_space<hbm>>
      tpu.enqueue_dma source(%arg20 : memref<40x144xf32, #tpu.memory_space<vmem>>) target(%dma_start3A_137 : memref<40x144xf32, #tpu.memory_space<hbm>>) target_semaphore(%run_scoped3A : memref<!tpu.dma_semaphore, #tpu.memory_space<semaphore_mem>>)
      %dma_wait3A_138 = arith.constant 0 : i32
      %dma_wait3A_139 = tpu.memref_slice %arg7[%add3A_77, %dma_wait3A_138] : memref<20480x144xf32, #tpu.memory_space<hbm>> -> memref<40x144xf32, #tpu.memory_space<hbm>>
      %dma_wait3A_140 = arith.constant 0 : i32
      %dma_wait3A_141 = tpu.memref_slice %arg7[%add3A_77, %dma_wait3A_140] : memref<20480x144xf32, #tpu.memory_space<hbm>> -> memref<40x144xf32, #tpu.memory_space<hbm>>
      tpu.wait_dma2 semaphore(%run_scoped3A : memref<!tpu.dma_semaphore, #tpu.memory_space<semaphore_mem>>) src(%arg20 : memref<40x144xf32, #tpu.memory_space<vmem>>) dst(%dma_wait3A_141 : memref<40x144xf32, #tpu.memory_space<hbm>>)
      tpu.yield
    }) : () -> ()
    %add3A_78 = arith.constant 80 : i32
    %add3A_79 = arith.addi %mul3A_8, %add3A_78 : i32
    "tpu.region"() ({
      %run_scoped3A = tpu.sem_alloc : memref<!tpu.dma_semaphore, #tpu.memory_space<semaphore_mem>>
      %dma_start3A_134 = arith.constant 0 : i32
      %dma_start3A_135 = tpu.memref_slice %arg21[%add3A_79, %dma_start3A_134] : memref<10240x144xf32, #tpu.memory_space<vmem_shared>> -> memref<40x144xf32, #tpu.memory_space<vmem_shared>>
      %dma_start3A_136 = arith.constant 0 : i32
      %dma_start3A_137 = tpu.memref_slice %arg21[%add3A_79, %dma_start3A_136] : memref<10240x144xf32, #tpu.memory_space<vmem_shared>> -> memref<40x144xf32, #tpu.memory_space<vmem_shared>>
      tpu.enqueue_dma source(%dma_start3A_137 : memref<40x144xf32, #tpu.memory_space<vmem_shared>>) target(%arg20 : memref<40x144xf32, #tpu.memory_space<vmem>>) target_semaphore(%run_scoped3A : memref<!tpu.dma_semaphore, #tpu.memory_space<semaphore_mem>>)
      %dma_wait3A_138 = arith.constant 0 : i32
      %dma_wait3A_139 = tpu.memref_slice %arg21[%add3A_79, %dma_wait3A_138] : memref<10240x144xf32, #tpu.memory_space<vmem_shared>> -> memref<40x144xf32, #tpu.memory_space<vmem_shared>>
      %dma_wait3A_140 = arith.constant 0 : i32
      %dma_wait3A_141 = tpu.memref_slice %arg21[%add3A_79, %dma_wait3A_140] : memref<10240x144xf32, #tpu.memory_space<vmem_shared>> -> memref<40x144xf32, #tpu.memory_space<vmem_shared>>
      tpu.wait_dma2 semaphore(%run_scoped3A : memref<!tpu.dma_semaphore, #tpu.memory_space<semaphore_mem>>) src(%dma_wait3A_141 : memref<40x144xf32, #tpu.memory_space<vmem_shared>>) dst(%arg20 : memref<40x144xf32, #tpu.memory_space<vmem>>)
      tpu.yield
    }) : () -> ()
    %add3A_80 = arith.constant 80 : i32
    %add3A_81 = arith.addi %add3A_69, %add3A_80 : i32
    "tpu.region"() ({
      %run_scoped3A = tpu.sem_alloc : memref<!tpu.dma_semaphore, #tpu.memory_space<semaphore_mem>>
      %dma_start3A_134 = arith.constant 0 : i32
      %dma_start3A_135 = tpu.memref_slice %arg7[%add3A_81, %dma_start3A_134] : memref<20480x144xf32, #tpu.memory_space<hbm>> -> memref<40x144xf32, #tpu.memory_space<hbm>>
      %dma_start3A_136 = arith.constant 0 : i32
      %dma_start3A_137 = tpu.memref_slice %arg7[%add3A_81, %dma_start3A_136] : memref<20480x144xf32, #tpu.memory_space<hbm>> -> memref<40x144xf32, #tpu.memory_space<hbm>>
      tpu.enqueue_dma source(%arg20 : memref<40x144xf32, #tpu.memory_space<vmem>>) target(%dma_start3A_137 : memref<40x144xf32, #tpu.memory_space<hbm>>) target_semaphore(%run_scoped3A : memref<!tpu.dma_semaphore, #tpu.memory_space<semaphore_mem>>)
      %dma_wait3A_138 = arith.constant 0 : i32
      %dma_wait3A_139 = tpu.memref_slice %arg7[%add3A_81, %dma_wait3A_138] : memref<20480x144xf32, #tpu.memory_space<hbm>> -> memref<40x144xf32, #tpu.memory_space<hbm>>
      %dma_wait3A_140 = arith.constant 0 : i32
      %dma_wait3A_141 = tpu.memref_slice %arg7[%add3A_81, %dma_wait3A_140] : memref<20480x144xf32, #tpu.memory_space<hbm>> -> memref<40x144xf32, #tpu.memory_space<hbm>>
      tpu.wait_dma2 semaphore(%run_scoped3A : memref<!tpu.dma_semaphore, #tpu.memory_space<semaphore_mem>>) src(%arg20 : memref<40x144xf32, #tpu.memory_space<vmem>>) dst(%dma_wait3A_141 : memref<40x144xf32, #tpu.memory_space<hbm>>)
      tpu.yield
    }) : () -> ()
    %add3A_82 = arith.constant 120 : i32
    %add3A_83 = arith.addi %mul3A_8, %add3A_82 : i32
    "tpu.region"() ({
      %run_scoped3A = tpu.sem_alloc : memref<!tpu.dma_semaphore, #tpu.memory_space<semaphore_mem>>
      %dma_start3A_134 = arith.constant 0 : i32
      %dma_start3A_135 = tpu.memref_slice %arg21[%add3A_83, %dma_start3A_134] : memref<10240x144xf32, #tpu.memory_space<vmem_shared>> -> memref<40x144xf32, #tpu.memory_space<vmem_shared>>
      %dma_start3A_136 = arith.constant 0 : i32
      %dma_start3A_137 = tpu.memref_slice %arg21[%add3A_83, %dma_start3A_136] : memref<10240x144xf32, #tpu.memory_space<vmem_shared>> -> memref<40x144xf32, #tpu.memory_space<vmem_shared>>
      tpu.enqueue_dma source(%dma_start3A_137 : memref<40x144xf32, #tpu.memory_space<vmem_shared>>) target(%arg20 : memref<40x144xf32, #tpu.memory_space<vmem>>) target_semaphore(%run_scoped3A : memref<!tpu.dma_semaphore, #tpu.memory_space<semaphore_mem>>)
      %dma_wait3A_138 = arith.constant 0 : i32
      %dma_wait3A_139 = tpu.memref_slice %arg21[%add3A_83, %dma_wait3A_138] : memref<10240x144xf32, #tpu.memory_space<vmem_shared>> -> memref<40x144xf32, #tpu.memory_space<vmem_shared>>
      %dma_wait3A_140 = arith.constant 0 : i32
      %dma_wait3A_141 = tpu.memref_slice %arg21[%add3A_83, %dma_wait3A_140] : memref<10240x144xf32, #tpu.memory_space<vmem_shared>> -> memref<40x144xf32, #tpu.memory_space<vmem_shared>>
      tpu.wait_dma2 semaphore(%run_scoped3A : memref<!tpu.dma_semaphore, #tpu.memory_space<semaphore_mem>>) src(%dma_wait3A_141 : memref<40x144xf32, #tpu.memory_space<vmem_shared>>) dst(%arg20 : memref<40x144xf32, #tpu.memory_space<vmem>>)
      tpu.yield
    }) : () -> ()
    %add3A_84 = arith.constant 120 : i32
    %add3A_85 = arith.addi %add3A_69, %add3A_84 : i32
    "tpu.region"() ({
      %run_scoped3A = tpu.sem_alloc : memref<!tpu.dma_semaphore, #tpu.memory_space<semaphore_mem>>
      %dma_start3A_134 = arith.constant 0 : i32
      %dma_start3A_135 = tpu.memref_slice %arg7[%add3A_85, %dma_start3A_134] : memref<20480x144xf32, #tpu.memory_space<hbm>> -> memref<40x144xf32, #tpu.memory_space<hbm>>
      %dma_start3A_136 = arith.constant 0 : i32
      %dma_start3A_137 = tpu.memref_slice %arg7[%add3A_85, %dma_start3A_136] : memref<20480x144xf32, #tpu.memory_space<hbm>> -> memref<40x144xf32, #tpu.memory_space<hbm>>
      tpu.enqueue_dma source(%arg20 : memref<40x144xf32, #tpu.memory_space<vmem>>) target(%dma_start3A_137 : memref<40x144xf32, #tpu.memory_space<hbm>>) target_semaphore(%run_scoped3A : memref<!tpu.dma_semaphore, #tpu.memory_space<semaphore_mem>>)
      %dma_wait3A_138 = arith.constant 0 : i32
      %dma_wait3A_139 = tpu.memref_slice %arg7[%add3A_85, %dma_wait3A_138] : memref<20480x144xf32, #tpu.memory_space<hbm>> -> memref<40x144xf32, #tpu.memory_space<hbm>>
      %dma_wait3A_140 = arith.constant 0 : i32
      %dma_wait3A_141 = tpu.memref_slice %arg7[%add3A_85, %dma_wait3A_140] : memref<20480x144xf32, #tpu.memory_space<hbm>> -> memref<40x144xf32, #tpu.memory_space<hbm>>
      tpu.wait_dma2 semaphore(%run_scoped3A : memref<!tpu.dma_semaphore, #tpu.memory_space<semaphore_mem>>) src(%arg20 : memref<40x144xf32, #tpu.memory_space<vmem>>) dst(%dma_wait3A_141 : memref<40x144xf32, #tpu.memory_space<hbm>>)
      tpu.yield
    }) : () -> ()
    %add3A_86 = arith.constant 160 : i32
    %add3A_87 = arith.addi %mul3A_8, %add3A_86 : i32
    "tpu.region"() ({
      %run_scoped3A = tpu.sem_alloc : memref<!tpu.dma_semaphore, #tpu.memory_space<semaphore_mem>>
      %dma_start3A_134 = arith.constant 0 : i32
      %dma_start3A_135 = tpu.memref_slice %arg21[%add3A_87, %dma_start3A_134] : memref<10240x144xf32, #tpu.memory_space<vmem_shared>> -> memref<40x144xf32, #tpu.memory_space<vmem_shared>>
      %dma_start3A_136 = arith.constant 0 : i32
      %dma_start3A_137 = tpu.memref_slice %arg21[%add3A_87, %dma_start3A_136] : memref<10240x144xf32, #tpu.memory_space<vmem_shared>> -> memref<40x144xf32, #tpu.memory_space<vmem_shared>>
      tpu.enqueue_dma source(%dma_start3A_137 : memref<40x144xf32, #tpu.memory_space<vmem_shared>>) target(%arg20 : memref<40x144xf32, #tpu.memory_space<vmem>>) target_semaphore(%run_scoped3A : memref<!tpu.dma_semaphore, #tpu.memory_space<semaphore_mem>>)
      %dma_wait3A_138 = arith.constant 0 : i32
      %dma_wait3A_139 = tpu.memref_slice %arg21[%add3A_87, %dma_wait3A_138] : memref<10240x144xf32, #tpu.memory_space<vmem_shared>> -> memref<40x144xf32, #tpu.memory_space<vmem_shared>>
      %dma_wait3A_140 = arith.constant 0 : i32
      %dma_wait3A_141 = tpu.memref_slice %arg21[%add3A_87, %dma_wait3A_140] : memref<10240x144xf32, #tpu.memory_space<vmem_shared>> -> memref<40x144xf32, #tpu.memory_space<vmem_shared>>
      tpu.wait_dma2 semaphore(%run_scoped3A : memref<!tpu.dma_semaphore, #tpu.memory_space<semaphore_mem>>) src(%dma_wait3A_141 : memref<40x144xf32, #tpu.memory_space<vmem_shared>>) dst(%arg20 : memref<40x144xf32, #tpu.memory_space<vmem>>)
      tpu.yield
    }) : () -> ()
    %add3A_88 = arith.constant 160 : i32
    %add3A_89 = arith.addi %add3A_69, %add3A_88 : i32
    "tpu.region"() ({
      %run_scoped3A = tpu.sem_alloc : memref<!tpu.dma_semaphore, #tpu.memory_space<semaphore_mem>>
      %dma_start3A_134 = arith.constant 0 : i32
      %dma_start3A_135 = tpu.memref_slice %arg7[%add3A_89, %dma_start3A_134] : memref<20480x144xf32, #tpu.memory_space<hbm>> -> memref<40x144xf32, #tpu.memory_space<hbm>>
      %dma_start3A_136 = arith.constant 0 : i32
      %dma_start3A_137 = tpu.memref_slice %arg7[%add3A_89, %dma_start3A_136] : memref<20480x144xf32, #tpu.memory_space<hbm>> -> memref<40x144xf32, #tpu.memory_space<hbm>>
      tpu.enqueue_dma source(%arg20 : memref<40x144xf32, #tpu.memory_space<vmem>>) target(%dma_start3A_137 : memref<40x144xf32, #tpu.memory_space<hbm>>) target_semaphore(%run_scoped3A : memref<!tpu.dma_semaphore, #tpu.memory_space<semaphore_mem>>)
      %dma_wait3A_138 = arith.constant 0 : i32
      %dma_wait3A_139 = tpu.memref_slice %arg7[%add3A_89, %dma_wait3A_138] : memref<20480x144xf32, #tpu.memory_space<hbm>> -> memref<40x144xf32, #tpu.memory_space<hbm>>
      %dma_wait3A_140 = arith.constant 0 : i32
      %dma_wait3A_141 = tpu.memref_slice %arg7[%add3A_89, %dma_wait3A_140] : memref<20480x144xf32, #tpu.memory_space<hbm>> -> memref<40x144xf32, #tpu.memory_space<hbm>>
      tpu.wait_dma2 semaphore(%run_scoped3A : memref<!tpu.dma_semaphore, #tpu.memory_space<semaphore_mem>>) src(%arg20 : memref<40x144xf32, #tpu.memory_space<vmem>>) dst(%dma_wait3A_141 : memref<40x144xf32, #tpu.memory_space<hbm>>)
      tpu.yield
    }) : () -> ()
    %add3A_90 = arith.constant 200 : i32
    %add3A_91 = arith.addi %mul3A_8, %add3A_90 : i32
    "tpu.region"() ({
      %run_scoped3A = tpu.sem_alloc : memref<!tpu.dma_semaphore, #tpu.memory_space<semaphore_mem>>
      %dma_start3A_134 = arith.constant 0 : i32
      %dma_start3A_135 = tpu.memref_slice %arg21[%add3A_91, %dma_start3A_134] : memref<10240x144xf32, #tpu.memory_space<vmem_shared>> -> memref<40x144xf32, #tpu.memory_space<vmem_shared>>
      %dma_start3A_136 = arith.constant 0 : i32
      %dma_start3A_137 = tpu.memref_slice %arg21[%add3A_91, %dma_start3A_136] : memref<10240x144xf32, #tpu.memory_space<vmem_shared>> -> memref<40x144xf32, #tpu.memory_space<vmem_shared>>
      tpu.enqueue_dma source(%dma_start3A_137 : memref<40x144xf32, #tpu.memory_space<vmem_shared>>) target(%arg20 : memref<40x144xf32, #tpu.memory_space<vmem>>) target_semaphore(%run_scoped3A : memref<!tpu.dma_semaphore, #tpu.memory_space<semaphore_mem>>)
      %dma_wait3A_138 = arith.constant 0 : i32
      %dma_wait3A_139 = tpu.memref_slice %arg21[%add3A_91, %dma_wait3A_138] : memref<10240x144xf32, #tpu.memory_space<vmem_shared>> -> memref<40x144xf32, #tpu.memory_space<vmem_shared>>
      %dma_wait3A_140 = arith.constant 0 : i32
      %dma_wait3A_141 = tpu.memref_slice %arg21[%add3A_91, %dma_wait3A_140] : memref<10240x144xf32, #tpu.memory_space<vmem_shared>> -> memref<40x144xf32, #tpu.memory_space<vmem_shared>>
      tpu.wait_dma2 semaphore(%run_scoped3A : memref<!tpu.dma_semaphore, #tpu.memory_space<semaphore_mem>>) src(%dma_wait3A_141 : memref<40x144xf32, #tpu.memory_space<vmem_shared>>) dst(%arg20 : memref<40x144xf32, #tpu.memory_space<vmem>>)
      tpu.yield
    }) : () -> ()
    %add3A_92 = arith.constant 200 : i32
    %add3A_93 = arith.addi %add3A_69, %add3A_92 : i32
    "tpu.region"() ({
      %run_scoped3A = tpu.sem_alloc : memref<!tpu.dma_semaphore, #tpu.memory_space<semaphore_mem>>
      %dma_start3A_134 = arith.constant 0 : i32
      %dma_start3A_135 = tpu.memref_slice %arg7[%add3A_93, %dma_start3A_134] : memref<20480x144xf32, #tpu.memory_space<hbm>> -> memref<40x144xf32, #tpu.memory_space<hbm>>
      %dma_start3A_136 = arith.constant 0 : i32
      %dma_start3A_137 = tpu.memref_slice %arg7[%add3A_93, %dma_start3A_136] : memref<20480x144xf32, #tpu.memory_space<hbm>> -> memref<40x144xf32, #tpu.memory_space<hbm>>
      tpu.enqueue_dma source(%arg20 : memref<40x144xf32, #tpu.memory_space<vmem>>) target(%dma_start3A_137 : memref<40x144xf32, #tpu.memory_space<hbm>>) target_semaphore(%run_scoped3A : memref<!tpu.dma_semaphore, #tpu.memory_space<semaphore_mem>>)
      %dma_wait3A_138 = arith.constant 0 : i32
      %dma_wait3A_139 = tpu.memref_slice %arg7[%add3A_93, %dma_wait3A_138] : memref<20480x144xf32, #tpu.memory_space<hbm>> -> memref<40x144xf32, #tpu.memory_space<hbm>>
      %dma_wait3A_140 = arith.constant 0 : i32
      %dma_wait3A_141 = tpu.memref_slice %arg7[%add3A_93, %dma_wait3A_140] : memref<20480x144xf32, #tpu.memory_space<hbm>> -> memref<40x144xf32, #tpu.memory_space<hbm>>
      tpu.wait_dma2 semaphore(%run_scoped3A : memref<!tpu.dma_semaphore, #tpu.memory_space<semaphore_mem>>) src(%arg20 : memref<40x144xf32, #tpu.memory_space<vmem>>) dst(%dma_wait3A_141 : memref<40x144xf32, #tpu.memory_space<hbm>>)
      tpu.yield
    }) : () -> ()
    %add3A_94 = arith.constant 240 : i32
    %add3A_95 = arith.addi %mul3A_8, %add3A_94 : i32
    "tpu.region"() ({
      %run_scoped3A = tpu.sem_alloc : memref<!tpu.dma_semaphore, #tpu.memory_space<semaphore_mem>>
      %dma_start3A_134 = arith.constant 0 : i32
      %dma_start3A_135 = tpu.memref_slice %arg21[%add3A_95, %dma_start3A_134] : memref<10240x144xf32, #tpu.memory_space<vmem_shared>> -> memref<40x144xf32, #tpu.memory_space<vmem_shared>>
      %dma_start3A_136 = arith.constant 0 : i32
      %dma_start3A_137 = tpu.memref_slice %arg21[%add3A_95, %dma_start3A_136] : memref<10240x144xf32, #tpu.memory_space<vmem_shared>> -> memref<40x144xf32, #tpu.memory_space<vmem_shared>>
      tpu.enqueue_dma source(%dma_start3A_137 : memref<40x144xf32, #tpu.memory_space<vmem_shared>>) target(%arg20 : memref<40x144xf32, #tpu.memory_space<vmem>>) target_semaphore(%run_scoped3A : memref<!tpu.dma_semaphore, #tpu.memory_space<semaphore_mem>>)
      %dma_wait3A_138 = arith.constant 0 : i32
      %dma_wait3A_139 = tpu.memref_slice %arg21[%add3A_95, %dma_wait3A_138] : memref<10240x144xf32, #tpu.memory_space<vmem_shared>> -> memref<40x144xf32, #tpu.memory_space<vmem_shared>>
      %dma_wait3A_140 = arith.constant 0 : i32
      %dma_wait3A_141 = tpu.memref_slice %arg21[%add3A_95, %dma_wait3A_140] : memref<10240x144xf32, #tpu.memory_space<vmem_shared>> -> memref<40x144xf32, #tpu.memory_space<vmem_shared>>
      tpu.wait_dma2 semaphore(%run_scoped3A : memref<!tpu.dma_semaphore, #tpu.memory_space<semaphore_mem>>) src(%dma_wait3A_141 : memref<40x144xf32, #tpu.memory_space<vmem_shared>>) dst(%arg20 : memref<40x144xf32, #tpu.memory_space<vmem>>)
      tpu.yield
    }) : () -> ()
    %add3A_96 = arith.constant 240 : i32
    %add3A_97 = arith.addi %add3A_69, %add3A_96 : i32
    "tpu.region"() ({
      %run_scoped3A = tpu.sem_alloc : memref<!tpu.dma_semaphore, #tpu.memory_space<semaphore_mem>>
      %dma_start3A_134 = arith.constant 0 : i32
      %dma_start3A_135 = tpu.memref_slice %arg7[%add3A_97, %dma_start3A_134] : memref<20480x144xf32, #tpu.memory_space<hbm>> -> memref<40x144xf32, #tpu.memory_space<hbm>>
      %dma_start3A_136 = arith.constant 0 : i32
      %dma_start3A_137 = tpu.memref_slice %arg7[%add3A_97, %dma_start3A_136] : memref<20480x144xf32, #tpu.memory_space<hbm>> -> memref<40x144xf32, #tpu.memory_space<hbm>>
      tpu.enqueue_dma source(%arg20 : memref<40x144xf32, #tpu.memory_space<vmem>>) target(%dma_start3A_137 : memref<40x144xf32, #tpu.memory_space<hbm>>) target_semaphore(%run_scoped3A : memref<!tpu.dma_semaphore, #tpu.memory_space<semaphore_mem>>)
      %dma_wait3A_138 = arith.constant 0 : i32
      %dma_wait3A_139 = tpu.memref_slice %arg7[%add3A_97, %dma_wait3A_138] : memref<20480x144xf32, #tpu.memory_space<hbm>> -> memref<40x144xf32, #tpu.memory_space<hbm>>
      %dma_wait3A_140 = arith.constant 0 : i32
      %dma_wait3A_141 = tpu.memref_slice %arg7[%add3A_97, %dma_wait3A_140] : memref<20480x144xf32, #tpu.memory_space<hbm>> -> memref<40x144xf32, #tpu.memory_space<hbm>>
      tpu.wait_dma2 semaphore(%run_scoped3A : memref<!tpu.dma_semaphore, #tpu.memory_space<semaphore_mem>>) src(%arg20 : memref<40x144xf32, #tpu.memory_space<vmem>>) dst(%dma_wait3A_141 : memref<40x144xf32, #tpu.memory_space<hbm>>)
      tpu.yield
    }) : () -> ()
    %add3A_98 = arith.constant 280 : i32
    %add3A_99 = arith.addi %mul3A_8, %add3A_98 : i32
    "tpu.region"() ({
      %run_scoped3A = tpu.sem_alloc : memref<!tpu.dma_semaphore, #tpu.memory_space<semaphore_mem>>
      %dma_start3A_134 = arith.constant 0 : i32
      %dma_start3A_135 = tpu.memref_slice %arg21[%add3A_99, %dma_start3A_134] : memref<10240x144xf32, #tpu.memory_space<vmem_shared>> -> memref<40x144xf32, #tpu.memory_space<vmem_shared>>
      %dma_start3A_136 = arith.constant 0 : i32
      %dma_start3A_137 = tpu.memref_slice %arg21[%add3A_99, %dma_start3A_136] : memref<10240x144xf32, #tpu.memory_space<vmem_shared>> -> memref<40x144xf32, #tpu.memory_space<vmem_shared>>
      tpu.enqueue_dma source(%dma_start3A_137 : memref<40x144xf32, #tpu.memory_space<vmem_shared>>) target(%arg20 : memref<40x144xf32, #tpu.memory_space<vmem>>) target_semaphore(%run_scoped3A : memref<!tpu.dma_semaphore, #tpu.memory_space<semaphore_mem>>)
      %dma_wait3A_138 = arith.constant 0 : i32
      %dma_wait3A_139 = tpu.memref_slice %arg21[%add3A_99, %dma_wait3A_138] : memref<10240x144xf32, #tpu.memory_space<vmem_shared>> -> memref<40x144xf32, #tpu.memory_space<vmem_shared>>
      %dma_wait3A_140 = arith.constant 0 : i32
      %dma_wait3A_141 = tpu.memref_slice %arg21[%add3A_99, %dma_wait3A_140] : memref<10240x144xf32, #tpu.memory_space<vmem_shared>> -> memref<40x144xf32, #tpu.memory_space<vmem_shared>>
      tpu.wait_dma2 semaphore(%run_scoped3A : memref<!tpu.dma_semaphore, #tpu.memory_space<semaphore_mem>>) src(%dma_wait3A_141 : memref<40x144xf32, #tpu.memory_space<vmem_shared>>) dst(%arg20 : memref<40x144xf32, #tpu.memory_space<vmem>>)
      tpu.yield
    }) : () -> ()
    %add3A_100 = arith.constant 280 : i32
    %add3A_101 = arith.addi %add3A_69, %add3A_100 : i32
    "tpu.region"() ({
      %run_scoped3A = tpu.sem_alloc : memref<!tpu.dma_semaphore, #tpu.memory_space<semaphore_mem>>
      %dma_start3A_134 = arith.constant 0 : i32
      %dma_start3A_135 = tpu.memref_slice %arg7[%add3A_101, %dma_start3A_134] : memref<20480x144xf32, #tpu.memory_space<hbm>> -> memref<40x144xf32, #tpu.memory_space<hbm>>
      %dma_start3A_136 = arith.constant 0 : i32
      %dma_start3A_137 = tpu.memref_slice %arg7[%add3A_101, %dma_start3A_136] : memref<20480x144xf32, #tpu.memory_space<hbm>> -> memref<40x144xf32, #tpu.memory_space<hbm>>
      tpu.enqueue_dma source(%arg20 : memref<40x144xf32, #tpu.memory_space<vmem>>) target(%dma_start3A_137 : memref<40x144xf32, #tpu.memory_space<hbm>>) target_semaphore(%run_scoped3A : memref<!tpu.dma_semaphore, #tpu.memory_space<semaphore_mem>>)
      %dma_wait3A_138 = arith.constant 0 : i32
      %dma_wait3A_139 = tpu.memref_slice %arg7[%add3A_101, %dma_wait3A_138] : memref<20480x144xf32, #tpu.memory_space<hbm>> -> memref<40x144xf32, #tpu.memory_space<hbm>>
      %dma_wait3A_140 = arith.constant 0 : i32
      %dma_wait3A_141 = tpu.memref_slice %arg7[%add3A_101, %dma_wait3A_140] : memref<20480x144xf32, #tpu.memory_space<hbm>> -> memref<40x144xf32, #tpu.memory_space<hbm>>
      tpu.wait_dma2 semaphore(%run_scoped3A : memref<!tpu.dma_semaphore, #tpu.memory_space<semaphore_mem>>) src(%arg20 : memref<40x144xf32, #tpu.memory_space<vmem>>) dst(%dma_wait3A_141 : memref<40x144xf32, #tpu.memory_space<hbm>>)
      tpu.yield
    }) : () -> ()
    %add3A_102 = arith.constant 320 : i32
    %add3A_103 = arith.addi %mul3A_8, %add3A_102 : i32
    "tpu.region"() ({
      %run_scoped3A = tpu.sem_alloc : memref<!tpu.dma_semaphore, #tpu.memory_space<semaphore_mem>>
      %dma_start3A_134 = arith.constant 0 : i32
      %dma_start3A_135 = tpu.memref_slice %arg21[%add3A_103, %dma_start3A_134] : memref<10240x144xf32, #tpu.memory_space<vmem_shared>> -> memref<40x144xf32, #tpu.memory_space<vmem_shared>>
      %dma_start3A_136 = arith.constant 0 : i32
      %dma_start3A_137 = tpu.memref_slice %arg21[%add3A_103, %dma_start3A_136] : memref<10240x144xf32, #tpu.memory_space<vmem_shared>> -> memref<40x144xf32, #tpu.memory_space<vmem_shared>>
      tpu.enqueue_dma source(%dma_start3A_137 : memref<40x144xf32, #tpu.memory_space<vmem_shared>>) target(%arg20 : memref<40x144xf32, #tpu.memory_space<vmem>>) target_semaphore(%run_scoped3A : memref<!tpu.dma_semaphore, #tpu.memory_space<semaphore_mem>>)
      %dma_wait3A_138 = arith.constant 0 : i32
      %dma_wait3A_139 = tpu.memref_slice %arg21[%add3A_103, %dma_wait3A_138] : memref<10240x144xf32, #tpu.memory_space<vmem_shared>> -> memref<40x144xf32, #tpu.memory_space<vmem_shared>>
      %dma_wait3A_140 = arith.constant 0 : i32
      %dma_wait3A_141 = tpu.memref_slice %arg21[%add3A_103, %dma_wait3A_140] : memref<10240x144xf32, #tpu.memory_space<vmem_shared>> -> memref<40x144xf32, #tpu.memory_space<vmem_shared>>
      tpu.wait_dma2 semaphore(%run_scoped3A : memref<!tpu.dma_semaphore, #tpu.memory_space<semaphore_mem>>) src(%dma_wait3A_141 : memref<40x144xf32, #tpu.memory_space<vmem_shared>>) dst(%arg20 : memref<40x144xf32, #tpu.memory_space<vmem>>)
      tpu.yield
    }) : () -> ()
    %add3A_104 = arith.constant 320 : i32
    %add3A_105 = arith.addi %add3A_69, %add3A_104 : i32
    "tpu.region"() ({
      %run_scoped3A = tpu.sem_alloc : memref<!tpu.dma_semaphore, #tpu.memory_space<semaphore_mem>>
      %dma_start3A_134 = arith.constant 0 : i32
      %dma_start3A_135 = tpu.memref_slice %arg7[%add3A_105, %dma_start3A_134] : memref<20480x144xf32, #tpu.memory_space<hbm>> -> memref<40x144xf32, #tpu.memory_space<hbm>>
      %dma_start3A_136 = arith.constant 0 : i32
      %dma_start3A_137 = tpu.memref_slice %arg7[%add3A_105, %dma_start3A_136] : memref<20480x144xf32, #tpu.memory_space<hbm>> -> memref<40x144xf32, #tpu.memory_space<hbm>>
      tpu.enqueue_dma source(%arg20 : memref<40x144xf32, #tpu.memory_space<vmem>>) target(%dma_start3A_137 : memref<40x144xf32, #tpu.memory_space<hbm>>) target_semaphore(%run_scoped3A : memref<!tpu.dma_semaphore, #tpu.memory_space<semaphore_mem>>)
      %dma_wait3A_138 = arith.constant 0 : i32
      %dma_wait3A_139 = tpu.memref_slice %arg7[%add3A_105, %dma_wait3A_138] : memref<20480x144xf32, #tpu.memory_space<hbm>> -> memref<40x144xf32, #tpu.memory_space<hbm>>
      %dma_wait3A_140 = arith.constant 0 : i32
      %dma_wait3A_141 = tpu.memref_slice %arg7[%add3A_105, %dma_wait3A_140] : memref<20480x144xf32, #tpu.memory_space<hbm>> -> memref<40x144xf32, #tpu.memory_space<hbm>>
      tpu.wait_dma2 semaphore(%run_scoped3A : memref<!tpu.dma_semaphore, #tpu.memory_space<semaphore_mem>>) src(%arg20 : memref<40x144xf32, #tpu.memory_space<vmem>>) dst(%dma_wait3A_141 : memref<40x144xf32, #tpu.memory_space<hbm>>)
      tpu.yield
    }) : () -> ()
    %add3A_106 = arith.constant 360 : i32
    %add3A_107 = arith.addi %mul3A_8, %add3A_106 : i32
    "tpu.region"() ({
      %run_scoped3A = tpu.sem_alloc : memref<!tpu.dma_semaphore, #tpu.memory_space<semaphore_mem>>
      %dma_start3A_134 = arith.constant 0 : i32
      %dma_start3A_135 = tpu.memref_slice %arg21[%add3A_107, %dma_start3A_134] : memref<10240x144xf32, #tpu.memory_space<vmem_shared>> -> memref<40x144xf32, #tpu.memory_space<vmem_shared>>
      %dma_start3A_136 = arith.constant 0 : i32
      %dma_start3A_137 = tpu.memref_slice %arg21[%add3A_107, %dma_start3A_136] : memref<10240x144xf32, #tpu.memory_space<vmem_shared>> -> memref<40x144xf32, #tpu.memory_space<vmem_shared>>
      tpu.enqueue_dma source(%dma_start3A_137 : memref<40x144xf32, #tpu.memory_space<vmem_shared>>) target(%arg20 : memref<40x144xf32, #tpu.memory_space<vmem>>) target_semaphore(%run_scoped3A : memref<!tpu.dma_semaphore, #tpu.memory_space<semaphore_mem>>)
      %dma_wait3A_138 = arith.constant 0 : i32
      %dma_wait3A_139 = tpu.memref_slice %arg21[%add3A_107, %dma_wait3A_138] : memref<10240x144xf32, #tpu.memory_space<vmem_shared>> -> memref<40x144xf32, #tpu.memory_space<vmem_shared>>
      %dma_wait3A_140 = arith.constant 0 : i32
      %dma_wait3A_141 = tpu.memref_slice %arg21[%add3A_107, %dma_wait3A_140] : memref<10240x144xf32, #tpu.memory_space<vmem_shared>> -> memref<40x144xf32, #tpu.memory_space<vmem_shared>>
      tpu.wait_dma2 semaphore(%run_scoped3A : memref<!tpu.dma_semaphore, #tpu.memory_space<semaphore_mem>>) src(%dma_wait3A_141 : memref<40x144xf32, #tpu.memory_space<vmem_shared>>) dst(%arg20 : memref<40x144xf32, #tpu.memory_space<vmem>>)
      tpu.yield
    }) : () -> ()
    %add3A_108 = arith.constant 360 : i32
    %add3A_109 = arith.addi %add3A_69, %add3A_108 : i32
    "tpu.region"() ({
      %run_scoped3A = tpu.sem_alloc : memref<!tpu.dma_semaphore, #tpu.memory_space<semaphore_mem>>
      %dma_start3A_134 = arith.constant 0 : i32
      %dma_start3A_135 = tpu.memref_slice %arg7[%add3A_109, %dma_start3A_134] : memref<20480x144xf32, #tpu.memory_space<hbm>> -> memref<40x144xf32, #tpu.memory_space<hbm>>
      %dma_start3A_136 = arith.constant 0 : i32
      %dma_start3A_137 = tpu.memref_slice %arg7[%add3A_109, %dma_start3A_136] : memref<20480x144xf32, #tpu.memory_space<hbm>> -> memref<40x144xf32, #tpu.memory_space<hbm>>
      tpu.enqueue_dma source(%arg20 : memref<40x144xf32, #tpu.memory_space<vmem>>) target(%dma_start3A_137 : memref<40x144xf32, #tpu.memory_space<hbm>>) target_semaphore(%run_scoped3A : memref<!tpu.dma_semaphore, #tpu.memory_space<semaphore_mem>>)
      %dma_wait3A_138 = arith.constant 0 : i32
      %dma_wait3A_139 = tpu.memref_slice %arg7[%add3A_109, %dma_wait3A_138] : memref<20480x144xf32, #tpu.memory_space<hbm>> -> memref<40x144xf32, #tpu.memory_space<hbm>>
      %dma_wait3A_140 = arith.constant 0 : i32
      %dma_wait3A_141 = tpu.memref_slice %arg7[%add3A_109, %dma_wait3A_140] : memref<20480x144xf32, #tpu.memory_space<hbm>> -> memref<40x144xf32, #tpu.memory_space<hbm>>
      tpu.wait_dma2 semaphore(%run_scoped3A : memref<!tpu.dma_semaphore, #tpu.memory_space<semaphore_mem>>) src(%arg20 : memref<40x144xf32, #tpu.memory_space<vmem>>) dst(%dma_wait3A_141 : memref<40x144xf32, #tpu.memory_space<hbm>>)
      tpu.yield
    }) : () -> ()
    %add3A_110 = arith.constant 400 : i32
    %add3A_111 = arith.addi %mul3A_8, %add3A_110 : i32
    "tpu.region"() ({
      %run_scoped3A = tpu.sem_alloc : memref<!tpu.dma_semaphore, #tpu.memory_space<semaphore_mem>>
      %dma_start3A_134 = arith.constant 0 : i32
      %dma_start3A_135 = tpu.memref_slice %arg21[%add3A_111, %dma_start3A_134] : memref<10240x144xf32, #tpu.memory_space<vmem_shared>> -> memref<40x144xf32, #tpu.memory_space<vmem_shared>>
      %dma_start3A_136 = arith.constant 0 : i32
      %dma_start3A_137 = tpu.memref_slice %arg21[%add3A_111, %dma_start3A_136] : memref<10240x144xf32, #tpu.memory_space<vmem_shared>> -> memref<40x144xf32, #tpu.memory_space<vmem_shared>>
      tpu.enqueue_dma source(%dma_start3A_137 : memref<40x144xf32, #tpu.memory_space<vmem_shared>>) target(%arg20 : memref<40x144xf32, #tpu.memory_space<vmem>>) target_semaphore(%run_scoped3A : memref<!tpu.dma_semaphore, #tpu.memory_space<semaphore_mem>>)
      %dma_wait3A_138 = arith.constant 0 : i32
      %dma_wait3A_139 = tpu.memref_slice %arg21[%add3A_111, %dma_wait3A_138] : memref<10240x144xf32, #tpu.memory_space<vmem_shared>> -> memref<40x144xf32, #tpu.memory_space<vmem_shared>>
      %dma_wait3A_140 = arith.constant 0 : i32
      %dma_wait3A_141 = tpu.memref_slice %arg21[%add3A_111, %dma_wait3A_140] : memref<10240x144xf32, #tpu.memory_space<vmem_shared>> -> memref<40x144xf32, #tpu.memory_space<vmem_shared>>
      tpu.wait_dma2 semaphore(%run_scoped3A : memref<!tpu.dma_semaphore, #tpu.memory_space<semaphore_mem>>) src(%dma_wait3A_141 : memref<40x144xf32, #tpu.memory_space<vmem_shared>>) dst(%arg20 : memref<40x144xf32, #tpu.memory_space<vmem>>)
      tpu.yield
    }) : () -> ()
    %add3A_112 = arith.constant 400 : i32
    %add3A_113 = arith.addi %add3A_69, %add3A_112 : i32
    "tpu.region"() ({
      %run_scoped3A = tpu.sem_alloc : memref<!tpu.dma_semaphore, #tpu.memory_space<semaphore_mem>>
      %dma_start3A_134 = arith.constant 0 : i32
      %dma_start3A_135 = tpu.memref_slice %arg7[%add3A_113, %dma_start3A_134] : memref<20480x144xf32, #tpu.memory_space<hbm>> -> memref<40x144xf32, #tpu.memory_space<hbm>>
      %dma_start3A_136 = arith.constant 0 : i32
      %dma_start3A_137 = tpu.memref_slice %arg7[%add3A_113, %dma_start3A_136] : memref<20480x144xf32, #tpu.memory_space<hbm>> -> memref<40x144xf32, #tpu.memory_space<hbm>>
      tpu.enqueue_dma source(%arg20 : memref<40x144xf32, #tpu.memory_space<vmem>>) target(%dma_start3A_137 : memref<40x144xf32, #tpu.memory_space<hbm>>) target_semaphore(%run_scoped3A : memref<!tpu.dma_semaphore, #tpu.memory_space<semaphore_mem>>)
      %dma_wait3A_138 = arith.constant 0 : i32
      %dma_wait3A_139 = tpu.memref_slice %arg7[%add3A_113, %dma_wait3A_138] : memref<20480x144xf32, #tpu.memory_space<hbm>> -> memref<40x144xf32, #tpu.memory_space<hbm>>
      %dma_wait3A_140 = arith.constant 0 : i32
      %dma_wait3A_141 = tpu.memref_slice %arg7[%add3A_113, %dma_wait3A_140] : memref<20480x144xf32, #tpu.memory_space<hbm>> -> memref<40x144xf32, #tpu.memory_space<hbm>>
      tpu.wait_dma2 semaphore(%run_scoped3A : memref<!tpu.dma_semaphore, #tpu.memory_space<semaphore_mem>>) src(%arg20 : memref<40x144xf32, #tpu.memory_space<vmem>>) dst(%dma_wait3A_141 : memref<40x144xf32, #tpu.memory_space<hbm>>)
      tpu.yield
    }) : () -> ()
    %add3A_114 = arith.constant 440 : i32
    %add3A_115 = arith.addi %mul3A_8, %add3A_114 : i32
    "tpu.region"() ({
      %run_scoped3A = tpu.sem_alloc : memref<!tpu.dma_semaphore, #tpu.memory_space<semaphore_mem>>
      %dma_start3A_134 = arith.constant 0 : i32
      %dma_start3A_135 = tpu.memref_slice %arg21[%add3A_115, %dma_start3A_134] : memref<10240x144xf32, #tpu.memory_space<vmem_shared>> -> memref<40x144xf32, #tpu.memory_space<vmem_shared>>
      %dma_start3A_136 = arith.constant 0 : i32
      %dma_start3A_137 = tpu.memref_slice %arg21[%add3A_115, %dma_start3A_136] : memref<10240x144xf32, #tpu.memory_space<vmem_shared>> -> memref<40x144xf32, #tpu.memory_space<vmem_shared>>
      tpu.enqueue_dma source(%dma_start3A_137 : memref<40x144xf32, #tpu.memory_space<vmem_shared>>) target(%arg20 : memref<40x144xf32, #tpu.memory_space<vmem>>) target_semaphore(%run_scoped3A : memref<!tpu.dma_semaphore, #tpu.memory_space<semaphore_mem>>)
      %dma_wait3A_138 = arith.constant 0 : i32
      %dma_wait3A_139 = tpu.memref_slice %arg21[%add3A_115, %dma_wait3A_138] : memref<10240x144xf32, #tpu.memory_space<vmem_shared>> -> memref<40x144xf32, #tpu.memory_space<vmem_shared>>
      %dma_wait3A_140 = arith.constant 0 : i32
      %dma_wait3A_141 = tpu.memref_slice %arg21[%add3A_115, %dma_wait3A_140] : memref<10240x144xf32, #tpu.memory_space<vmem_shared>> -> memref<40x144xf32, #tpu.memory_space<vmem_shared>>
      tpu.wait_dma2 semaphore(%run_scoped3A : memref<!tpu.dma_semaphore, #tpu.memory_space<semaphore_mem>>) src(%dma_wait3A_141 : memref<40x144xf32, #tpu.memory_space<vmem_shared>>) dst(%arg20 : memref<40x144xf32, #tpu.memory_space<vmem>>)
      tpu.yield
    }) : () -> ()
    %add3A_116 = arith.constant 440 : i32
    %add3A_117 = arith.addi %add3A_69, %add3A_116 : i32
    "tpu.region"() ({
      %run_scoped3A = tpu.sem_alloc : memref<!tpu.dma_semaphore, #tpu.memory_space<semaphore_mem>>
      %dma_start3A_134 = arith.constant 0 : i32
      %dma_start3A_135 = tpu.memref_slice %arg7[%add3A_117, %dma_start3A_134] : memref<20480x144xf32, #tpu.memory_space<hbm>> -> memref<40x144xf32, #tpu.memory_space<hbm>>
      %dma_start3A_136 = arith.constant 0 : i32
      %dma_start3A_137 = tpu.memref_slice %arg7[%add3A_117, %dma_start3A_136] : memref<20480x144xf32, #tpu.memory_space<hbm>> -> memref<40x144xf32, #tpu.memory_space<hbm>>
      tpu.enqueue_dma source(%arg20 : memref<40x144xf32, #tpu.memory_space<vmem>>) target(%dma_start3A_137 : memref<40x144xf32, #tpu.memory_space<hbm>>) target_semaphore(%run_scoped3A : memref<!tpu.dma_semaphore, #tpu.memory_space<semaphore_mem>>)
      %dma_wait3A_138 = arith.constant 0 : i32
      %dma_wait3A_139 = tpu.memref_slice %arg7[%add3A_117, %dma_wait3A_138] : memref<20480x144xf32, #tpu.memory_space<hbm>> -> memref<40x144xf32, #tpu.memory_space<hbm>>
      %dma_wait3A_140 = arith.constant 0 : i32
      %dma_wait3A_141 = tpu.memref_slice %arg7[%add3A_117, %dma_wait3A_140] : memref<20480x144xf32, #tpu.memory_space<hbm>> -> memref<40x144xf32, #tpu.memory_space<hbm>>
      tpu.wait_dma2 semaphore(%run_scoped3A : memref<!tpu.dma_semaphore, #tpu.memory_space<semaphore_mem>>) src(%arg20 : memref<40x144xf32, #tpu.memory_space<vmem>>) dst(%dma_wait3A_141 : memref<40x144xf32, #tpu.memory_space<hbm>>)
      tpu.yield
    }) : () -> ()
    %add3A_118 = arith.constant 480 : i32
    %add3A_119 = arith.addi %mul3A_8, %add3A_118 : i32
    "tpu.region"() ({
      %run_scoped3A = tpu.sem_alloc : memref<!tpu.dma_semaphore, #tpu.memory_space<semaphore_mem>>
      %dma_start3A_134 = arith.constant 0 : i32
      %dma_start3A_135 = tpu.memref_slice %arg21[%add3A_119, %dma_start3A_134] : memref<10240x144xf32, #tpu.memory_space<vmem_shared>> -> memref<40x144xf32, #tpu.memory_space<vmem_shared>>
      %dma_start3A_136 = arith.constant 0 : i32
      %dma_start3A_137 = tpu.memref_slice %arg21[%add3A_119, %dma_start3A_136] : memref<10240x144xf32, #tpu.memory_space<vmem_shared>> -> memref<40x144xf32, #tpu.memory_space<vmem_shared>>
      tpu.enqueue_dma source(%dma_start3A_137 : memref<40x144xf32, #tpu.memory_space<vmem_shared>>) target(%arg20 : memref<40x144xf32, #tpu.memory_space<vmem>>) target_semaphore(%run_scoped3A : memref<!tpu.dma_semaphore, #tpu.memory_space<semaphore_mem>>)
      %dma_wait3A_138 = arith.constant 0 : i32
      %dma_wait3A_139 = tpu.memref_slice %arg21[%add3A_119, %dma_wait3A_138] : memref<10240x144xf32, #tpu.memory_space<vmem_shared>> -> memref<40x144xf32, #tpu.memory_space<vmem_shared>>
      %dma_wait3A_140 = arith.constant 0 : i32
      %dma_wait3A_141 = tpu.memref_slice %arg21[%add3A_119, %dma_wait3A_140] : memref<10240x144xf32, #tpu.memory_space<vmem_shared>> -> memref<40x144xf32, #tpu.memory_space<vmem_shared>>
      tpu.wait_dma2 semaphore(%run_scoped3A : memref<!tpu.dma_semaphore, #tpu.memory_space<semaphore_mem>>) src(%dma_wait3A_141 : memref<40x144xf32, #tpu.memory_space<vmem_shared>>) dst(%arg20 : memref<40x144xf32, #tpu.memory_space<vmem>>)
      tpu.yield
    }) : () -> ()
    %add3A_120 = arith.constant 480 : i32
    %add3A_121 = arith.addi %add3A_69, %add3A_120 : i32
    "tpu.region"() ({
      %run_scoped3A = tpu.sem_alloc : memref<!tpu.dma_semaphore, #tpu.memory_space<semaphore_mem>>
      %dma_start3A_134 = arith.constant 0 : i32
      %dma_start3A_135 = tpu.memref_slice %arg7[%add3A_121, %dma_start3A_134] : memref<20480x144xf32, #tpu.memory_space<hbm>> -> memref<40x144xf32, #tpu.memory_space<hbm>>
      %dma_start3A_136 = arith.constant 0 : i32
      %dma_start3A_137 = tpu.memref_slice %arg7[%add3A_121, %dma_start3A_136] : memref<20480x144xf32, #tpu.memory_space<hbm>> -> memref<40x144xf32, #tpu.memory_space<hbm>>
      tpu.enqueue_dma source(%arg20 : memref<40x144xf32, #tpu.memory_space<vmem>>) target(%dma_start3A_137 : memref<40x144xf32, #tpu.memory_space<hbm>>) target_semaphore(%run_scoped3A : memref<!tpu.dma_semaphore, #tpu.memory_space<semaphore_mem>>)
      %dma_wait3A_138 = arith.constant 0 : i32
      %dma_wait3A_139 = tpu.memref_slice %arg7[%add3A_121, %dma_wait3A_138] : memref<20480x144xf32, #tpu.memory_space<hbm>> -> memref<40x144xf32, #tpu.memory_space<hbm>>
      %dma_wait3A_140 = arith.constant 0 : i32
      %dma_wait3A_141 = tpu.memref_slice %arg7[%add3A_121, %dma_wait3A_140] : memref<20480x144xf32, #tpu.memory_space<hbm>> -> memref<40x144xf32, #tpu.memory_space<hbm>>
      tpu.wait_dma2 semaphore(%run_scoped3A : memref<!tpu.dma_semaphore, #tpu.memory_space<semaphore_mem>>) src(%arg20 : memref<40x144xf32, #tpu.memory_space<vmem>>) dst(%dma_wait3A_141 : memref<40x144xf32, #tpu.memory_space<hbm>>)
      tpu.yield
    }) : () -> ()
    %add3A_122 = arith.constant 520 : i32
    %add3A_123 = arith.addi %mul3A_8, %add3A_122 : i32
    "tpu.region"() ({
      %run_scoped3A = tpu.sem_alloc : memref<!tpu.dma_semaphore, #tpu.memory_space<semaphore_mem>>
      %dma_start3A_134 = arith.constant 0 : i32
      %dma_start3A_135 = tpu.memref_slice %arg21[%add3A_123, %dma_start3A_134] : memref<10240x144xf32, #tpu.memory_space<vmem_shared>> -> memref<40x144xf32, #tpu.memory_space<vmem_shared>>
      %dma_start3A_136 = arith.constant 0 : i32
      %dma_start3A_137 = tpu.memref_slice %arg21[%add3A_123, %dma_start3A_136] : memref<10240x144xf32, #tpu.memory_space<vmem_shared>> -> memref<40x144xf32, #tpu.memory_space<vmem_shared>>
      tpu.enqueue_dma source(%dma_start3A_137 : memref<40x144xf32, #tpu.memory_space<vmem_shared>>) target(%arg20 : memref<40x144xf32, #tpu.memory_space<vmem>>) target_semaphore(%run_scoped3A : memref<!tpu.dma_semaphore, #tpu.memory_space<semaphore_mem>>)
      %dma_wait3A_138 = arith.constant 0 : i32
      %dma_wait3A_139 = tpu.memref_slice %arg21[%add3A_123, %dma_wait3A_138] : memref<10240x144xf32, #tpu.memory_space<vmem_shared>> -> memref<40x144xf32, #tpu.memory_space<vmem_shared>>
      %dma_wait3A_140 = arith.constant 0 : i32
      %dma_wait3A_141 = tpu.memref_slice %arg21[%add3A_123, %dma_wait3A_140] : memref<10240x144xf32, #tpu.memory_space<vmem_shared>> -> memref<40x144xf32, #tpu.memory_space<vmem_shared>>
      tpu.wait_dma2 semaphore(%run_scoped3A : memref<!tpu.dma_semaphore, #tpu.memory_space<semaphore_mem>>) src(%dma_wait3A_141 : memref<40x144xf32, #tpu.memory_space<vmem_shared>>) dst(%arg20 : memref<40x144xf32, #tpu.memory_space<vmem>>)
      tpu.yield
    }) : () -> ()
    %add3A_124 = arith.constant 520 : i32
    %add3A_125 = arith.addi %add3A_69, %add3A_124 : i32
    "tpu.region"() ({
      %run_scoped3A = tpu.sem_alloc : memref<!tpu.dma_semaphore, #tpu.memory_space<semaphore_mem>>
      %dma_start3A_134 = arith.constant 0 : i32
      %dma_start3A_135 = tpu.memref_slice %arg7[%add3A_125, %dma_start3A_134] : memref<20480x144xf32, #tpu.memory_space<hbm>> -> memref<40x144xf32, #tpu.memory_space<hbm>>
      %dma_start3A_136 = arith.constant 0 : i32
      %dma_start3A_137 = tpu.memref_slice %arg7[%add3A_125, %dma_start3A_136] : memref<20480x144xf32, #tpu.memory_space<hbm>> -> memref<40x144xf32, #tpu.memory_space<hbm>>
      tpu.enqueue_dma source(%arg20 : memref<40x144xf32, #tpu.memory_space<vmem>>) target(%dma_start3A_137 : memref<40x144xf32, #tpu.memory_space<hbm>>) target_semaphore(%run_scoped3A : memref<!tpu.dma_semaphore, #tpu.memory_space<semaphore_mem>>)
      %dma_wait3A_138 = arith.constant 0 : i32
      %dma_wait3A_139 = tpu.memref_slice %arg7[%add3A_125, %dma_wait3A_138] : memref<20480x144xf32, #tpu.memory_space<hbm>> -> memref<40x144xf32, #tpu.memory_space<hbm>>
      %dma_wait3A_140 = arith.constant 0 : i32
      %dma_wait3A_141 = tpu.memref_slice %arg7[%add3A_125, %dma_wait3A_140] : memref<20480x144xf32, #tpu.memory_space<hbm>> -> memref<40x144xf32, #tpu.memory_space<hbm>>
      tpu.wait_dma2 semaphore(%run_scoped3A : memref<!tpu.dma_semaphore, #tpu.memory_space<semaphore_mem>>) src(%arg20 : memref<40x144xf32, #tpu.memory_space<vmem>>) dst(%dma_wait3A_141 : memref<40x144xf32, #tpu.memory_space<hbm>>)
      tpu.yield
    }) : () -> ()
    %add3A_126 = arith.constant 560 : i32
    %add3A_127 = arith.addi %mul3A_8, %add3A_126 : i32
    "tpu.region"() ({
      %run_scoped3A = tpu.sem_alloc : memref<!tpu.dma_semaphore, #tpu.memory_space<semaphore_mem>>
      %dma_start3A_134 = arith.constant 0 : i32
      %dma_start3A_135 = tpu.memref_slice %arg21[%add3A_127, %dma_start3A_134] : memref<10240x144xf32, #tpu.memory_space<vmem_shared>> -> memref<40x144xf32, #tpu.memory_space<vmem_shared>>
      %dma_start3A_136 = arith.constant 0 : i32
      %dma_start3A_137 = tpu.memref_slice %arg21[%add3A_127, %dma_start3A_136] : memref<10240x144xf32, #tpu.memory_space<vmem_shared>> -> memref<40x144xf32, #tpu.memory_space<vmem_shared>>
      tpu.enqueue_dma source(%dma_start3A_137 : memref<40x144xf32, #tpu.memory_space<vmem_shared>>) target(%arg20 : memref<40x144xf32, #tpu.memory_space<vmem>>) target_semaphore(%run_scoped3A : memref<!tpu.dma_semaphore, #tpu.memory_space<semaphore_mem>>)
      %dma_wait3A_138 = arith.constant 0 : i32
      %dma_wait3A_139 = tpu.memref_slice %arg21[%add3A_127, %dma_wait3A_138] : memref<10240x144xf32, #tpu.memory_space<vmem_shared>> -> memref<40x144xf32, #tpu.memory_space<vmem_shared>>
      %dma_wait3A_140 = arith.constant 0 : i32
      %dma_wait3A_141 = tpu.memref_slice %arg21[%add3A_127, %dma_wait3A_140] : memref<10240x144xf32, #tpu.memory_space<vmem_shared>> -> memref<40x144xf32, #tpu.memory_space<vmem_shared>>
      tpu.wait_dma2 semaphore(%run_scoped3A : memref<!tpu.dma_semaphore, #tpu.memory_space<semaphore_mem>>) src(%dma_wait3A_141 : memref<40x144xf32, #tpu.memory_space<vmem_shared>>) dst(%arg20 : memref<40x144xf32, #tpu.memory_space<vmem>>)
      tpu.yield
    }) : () -> ()
    %add3A_128 = arith.constant 560 : i32
    %add3A_129 = arith.addi %add3A_69, %add3A_128 : i32
    "tpu.region"() ({
      %run_scoped3A = tpu.sem_alloc : memref<!tpu.dma_semaphore, #tpu.memory_space<semaphore_mem>>
      %dma_start3A_134 = arith.constant 0 : i32
      %dma_start3A_135 = tpu.memref_slice %arg7[%add3A_129, %dma_start3A_134] : memref<20480x144xf32, #tpu.memory_space<hbm>> -> memref<40x144xf32, #tpu.memory_space<hbm>>
      %dma_start3A_136 = arith.constant 0 : i32
      %dma_start3A_137 = tpu.memref_slice %arg7[%add3A_129, %dma_start3A_136] : memref<20480x144xf32, #tpu.memory_space<hbm>> -> memref<40x144xf32, #tpu.memory_space<hbm>>
      tpu.enqueue_dma source(%arg20 : memref<40x144xf32, #tpu.memory_space<vmem>>) target(%dma_start3A_137 : memref<40x144xf32, #tpu.memory_space<hbm>>) target_semaphore(%run_scoped3A : memref<!tpu.dma_semaphore, #tpu.memory_space<semaphore_mem>>)
      %dma_wait3A_138 = arith.constant 0 : i32
      %dma_wait3A_139 = tpu.memref_slice %arg7[%add3A_129, %dma_wait3A_138] : memref<20480x144xf32, #tpu.memory_space<hbm>> -> memref<40x144xf32, #tpu.memory_space<hbm>>
      %dma_wait3A_140 = arith.constant 0 : i32
      %dma_wait3A_141 = tpu.memref_slice %arg7[%add3A_129, %dma_wait3A_140] : memref<20480x144xf32, #tpu.memory_space<hbm>> -> memref<40x144xf32, #tpu.memory_space<hbm>>
      tpu.wait_dma2 semaphore(%run_scoped3A : memref<!tpu.dma_semaphore, #tpu.memory_space<semaphore_mem>>) src(%arg20 : memref<40x144xf32, #tpu.memory_space<vmem>>) dst(%dma_wait3A_141 : memref<40x144xf32, #tpu.memory_space<hbm>>)
      tpu.yield
    }) : () -> ()
    %add3A_130 = arith.constant 600 : i32
    %add3A_131 = arith.addi %mul3A_8, %add3A_130 : i32
    "tpu.region"() ({
      %run_scoped3A = tpu.sem_alloc : memref<!tpu.dma_semaphore, #tpu.memory_space<semaphore_mem>>
      %dma_start3A_134 = arith.constant 0 : i32
      %dma_start3A_135 = tpu.memref_slice %arg21[%add3A_131, %dma_start3A_134] : memref<10240x144xf32, #tpu.memory_space<vmem_shared>> -> memref<40x144xf32, #tpu.memory_space<vmem_shared>>
      %dma_start3A_136 = arith.constant 0 : i32
      %dma_start3A_137 = tpu.memref_slice %arg21[%add3A_131, %dma_start3A_136] : memref<10240x144xf32, #tpu.memory_space<vmem_shared>> -> memref<40x144xf32, #tpu.memory_space<vmem_shared>>
      tpu.enqueue_dma source(%dma_start3A_137 : memref<40x144xf32, #tpu.memory_space<vmem_shared>>) target(%arg20 : memref<40x144xf32, #tpu.memory_space<vmem>>) target_semaphore(%run_scoped3A : memref<!tpu.dma_semaphore, #tpu.memory_space<semaphore_mem>>)
      %dma_wait3A_138 = arith.constant 0 : i32
      %dma_wait3A_139 = tpu.memref_slice %arg21[%add3A_131, %dma_wait3A_138] : memref<10240x144xf32, #tpu.memory_space<vmem_shared>> -> memref<40x144xf32, #tpu.memory_space<vmem_shared>>
      %dma_wait3A_140 = arith.constant 0 : i32
      %dma_wait3A_141 = tpu.memref_slice %arg21[%add3A_131, %dma_wait3A_140] : memref<10240x144xf32, #tpu.memory_space<vmem_shared>> -> memref<40x144xf32, #tpu.memory_space<vmem_shared>>
      tpu.wait_dma2 semaphore(%run_scoped3A : memref<!tpu.dma_semaphore, #tpu.memory_space<semaphore_mem>>) src(%dma_wait3A_141 : memref<40x144xf32, #tpu.memory_space<vmem_shared>>) dst(%arg20 : memref<40x144xf32, #tpu.memory_space<vmem>>)
      tpu.yield
    }) : () -> ()
    %add3A_132 = arith.constant 600 : i32
    %add3A_133 = arith.addi %add3A_69, %add3A_132 : i32
    "tpu.region"() ({
      %run_scoped3A = tpu.sem_alloc : memref<!tpu.dma_semaphore, #tpu.memory_space<semaphore_mem>>
      %dma_start3A_134 = arith.constant 0 : i32
      %dma_start3A_135 = tpu.memref_slice %arg7[%add3A_133, %dma_start3A_134] : memref<20480x144xf32, #tpu.memory_space<hbm>> -> memref<40x144xf32, #tpu.memory_space<hbm>>
      %dma_start3A_136 = arith.constant 0 : i32
      %dma_start3A_137 = tpu.memref_slice %arg7[%add3A_133, %dma_start3A_136] : memref<20480x144xf32, #tpu.memory_space<hbm>> -> memref<40x144xf32, #tpu.memory_space<hbm>>
      tpu.enqueue_dma source(%arg20 : memref<40x144xf32, #tpu.memory_space<vmem>>) target(%dma_start3A_137 : memref<40x144xf32, #tpu.memory_space<hbm>>) target_semaphore(%run_scoped3A : memref<!tpu.dma_semaphore, #tpu.memory_space<semaphore_mem>>)
      %dma_wait3A_138 = arith.constant 0 : i32
      %dma_wait3A_139 = tpu.memref_slice %arg7[%add3A_133, %dma_wait3A_138] : memref<20480x144xf32, #tpu.memory_space<hbm>> -> memref<40x144xf32, #tpu.memory_space<hbm>>
      %dma_wait3A_140 = arith.constant 0 : i32
      %dma_wait3A_141 = tpu.memref_slice %arg7[%add3A_133, %dma_wait3A_140] : memref<20480x144xf32, #tpu.memory_space<hbm>> -> memref<40x144xf32, #tpu.memory_space<hbm>>
      tpu.wait_dma2 semaphore(%run_scoped3A : memref<!tpu.dma_semaphore, #tpu.memory_space<semaphore_mem>>) src(%arg20 : memref<40x144xf32, #tpu.memory_space<vmem>>) dst(%dma_wait3A_141 : memref<40x144xf32, #tpu.memory_space<hbm>>)
      tpu.yield
    }) : () -> ()
    return
  }
}

module attributes {stable_mosaic.version = 14 : i64} {
  func.func @_qkv_body(%arg0: i32, %arg1: memref<1000x128xf32, #tpu.memory_space<vmem>>, %arg2: memref<128x128xf32, #tpu.memory_space<vmem>>, %arg3: memref<128x256xf32, #tpu.memory_space<vmem>>, %arg4: memref<1x128xf32, #tpu.memory_space<vmem>>, %arg5: memref<1x256xf32, #tpu.memory_space<vmem>>, %arg6: memref<1000x128xf32, #tpu.memory_space<vmem>>, %arg7: memref<1000x256xf32, #tpu.memory_space<vmem>>) attributes {dimension_semantics = [#tpu.dimension_semantics<arbitrary>], iteration_bounds = array<i64: 10>, scalar_prefetch = 0 : i64, scratch_operands = 0 : i64, tpu.core_type = #tpu.core_type<tc>, window_params = [{transform_indices = @transform_0, window_bounds = array<i64: 1000, 128>}, {pipeline_mode = #tpu.pipeline_mode<synchronous>, transform_indices = @transform_1, window_bounds = array<i64: 128, 128>}, {pipeline_mode = #tpu.pipeline_mode<synchronous>, transform_indices = @transform_2, window_bounds = array<i64: 128, 256>}, {pipeline_mode = #tpu.pipeline_mode<synchronous>, transform_indices = @transform_3, window_bounds = array<i64: 1, 128>}, {pipeline_mode = #tpu.pipeline_mode<synchronous>, transform_indices = @transform_4, window_bounds = array<i64: 1, 256>}, {transform_indices = @transform_5, window_bounds = array<i64: 1000, 128>}, {transform_indices = @transform_6, window_bounds = array<i64: 1000, 256>}]} {
    %get3A = arith.constant 0 : index
    %get3A_0 = arith.constant 0 : index
    %get3A_1 = vector.load %arg1[%get3A, %get3A_0] : memref<1000x128xf32, #tpu.memory_space<vmem>>, vector<1000x128xf32>
    %get3A_2 = arith.constant 0 : index
    %get3A_3 = arith.constant 0 : index
    %get3A_4 = vector.load %arg2[%get3A_2, %get3A_3] : memref<128x128xf32, #tpu.memory_space<vmem>>, vector<128x128xf32>
    %dot_general3A = arith.constant dense<0.000000e+00> : vector<1000x128xf32>
    %dot_general3A_5 = tpu.matmul %get3A_1, %get3A_4, %dot_general3A {dimension_numbers = #tpu.dot_dimension_numbers<[1], [0], [0], [1], [0, 0, 1, 1], [], []>, transpose_lhs_hint = false} : vector<1000x128xf32>, vector<128x128xf32>, vector<1000x128xf32> -> vector<1000x128xf32>
    %get3A_6 = arith.constant 0 : index
    %get3A_7 = arith.constant 0 : index
    %get3A_8 = vector.load %arg4[%get3A_6, %get3A_7] : memref<1x128xf32, #tpu.memory_space<vmem>>, vector<1x128xf32>
    %add3A = vector.broadcast %get3A_8 : vector<1x128xf32> to vector<1000x128xf32>
    %add3A_9 = arith.addf %dot_general3A_5, %add3A : vector<1000x128xf32>
    %swap3A = arith.constant 0 : index
    %swap3A_10 = arith.constant 0 : index
    %swap3A_11 = vector.load %arg6[%swap3A, %swap3A_10] : memref<1000x128xf32, #tpu.memory_space<vmem>>, vector<1000x128xf32>
    tpu.vector_store %arg6[%swap3A, %swap3A_10], %add3A_9 {strides = array<i32>} : memref<1000x128xf32, #tpu.memory_space<vmem>>, vector<1000x128xf32>,
    %get3A_12 = arith.constant 0 : index
    %get3A_13 = arith.constant 0 : index
    %get3A_14 = vector.load %arg3[%get3A_12, %get3A_13] : memref<128x256xf32, #tpu.memory_space<vmem>>, vector<128x256xf32>
    %dot_general3A_15 = arith.constant dense<0.000000e+00> : vector<1000x256xf32>
    %dot_general3A_16 = tpu.matmul %get3A_1, %get3A_14, %dot_general3A_15 {dimension_numbers = #tpu.dot_dimension_numbers<[1], [0], [0], [1], [0, 0, 1, 1], [], []>, transpose_lhs_hint = false} : vector<1000x128xf32>, vector<128x256xf32>, vector<1000x256xf32> -> vector<1000x256xf32>
    %get3A_17 = arith.constant 0 : index
    %get3A_18 = arith.constant 0 : index
    %get3A_19 = vector.load %arg5[%get3A_17, %get3A_18] : memref<1x256xf32, #tpu.memory_space<vmem>>, vector<1x256xf32>
    %add3A_20 = vector.broadcast %get3A_19 : vector<1x256xf32> to vector<1000x256xf32>
    %add3A_21 = arith.addf %dot_general3A_16, %add3A_20 : vector<1000x256xf32>
    %swap3A_22 = arith.constant 0 : index
    %swap3A_23 = arith.constant 0 : index
    %swap3A_24 = vector.load %arg7[%swap3A_22, %swap3A_23] : memref<1000x256xf32, #tpu.memory_space<vmem>>, vector<1000x256xf32>
    tpu.vector_store %arg7[%swap3A_22, %swap3A_23], %add3A_21 {strides = array<i32>} : memref<1000x256xf32, #tpu.memory_space<vmem>>, vector<1000x256xf32>,
    return
  }
  func.func @transform_0(%arg0: i32) -> (i32, i32) {
    %c0_i32 = arith.constant 0 : i32
    %c0_i32_0 = arith.constant 0 : i32
    return %arg0, %c0_i32 : i32, i32
  }
  func.func @transform_1(%arg0: i32) -> (i32, i32) {
    %c0_i32 = arith.constant 0 : i32
    %c0_i32_0 = arith.constant 0 : i32
    %c0_i32_1 = arith.constant 0 : i32
    return %c0_i32, %c0_i32_0 : i32, i32
  }
  func.func @transform_2(%arg0: i32) -> (i32, i32) {
    %c0_i32 = arith.constant 0 : i32
    %c0_i32_0 = arith.constant 0 : i32
    %c0_i32_1 = arith.constant 0 : i32
    return %c0_i32, %c0_i32_0 : i32, i32
  }
  func.func @transform_3(%arg0: i32) -> (i32, i32) {
    %c0_i32 = arith.constant 0 : i32
    %c0_i32_0 = arith.constant 0 : i32
    %c0_i32_1 = arith.constant 0 : i32
    return %c0_i32, %c0_i32_0 : i32, i32
  }
  func.func @transform_4(%arg0: i32) -> (i32, i32) {
    %c0_i32 = arith.constant 0 : i32
    %c0_i32_0 = arith.constant 0 : i32
    %c0_i32_1 = arith.constant 0 : i32
    return %c0_i32, %c0_i32_0 : i32, i32
  }
  func.func @transform_5(%arg0: i32) -> (i32, i32) {
    %c0_i32 = arith.constant 0 : i32
    %c0_i32_0 = arith.constant 0 : i32
    return %arg0, %c0_i32 : i32, i32
  }
  func.func @transform_6(%arg0: i32) -> (i32, i32) {
    %c0_i32 = arith.constant 0 : i32
    %c0_i32_0 = arith.constant 0 : i32
    return %arg0, %c0_i32 : i32, i32
  }
}

module attributes {stable_mosaic.version = 14 : i64} {
  func.func @_bias_body(%arg0: i32, %arg1: memref<4000x128xf32, #tpu.memory_space<vmem>>, %arg2: memref<128x16xf32, #tpu.memory_space<vmem>>, %arg3: memref<1x16xf32, #tpu.memory_space<vmem>>, %arg4: memref<4000x16xf32, #tpu.memory_space<vmem>>) attributes {dimension_semantics = [#tpu.dimension_semantics<arbitrary>], iteration_bounds = array<i64: 80>, scalar_prefetch = 0 : i64, scratch_operands = 0 : i64, tpu.core_type = #tpu.core_type<tc>, window_params = [{transform_indices = @transform_0, window_bounds = array<i64: 4000, 128>}, {pipeline_mode = #tpu.pipeline_mode<synchronous>, transform_indices = @transform_1, window_bounds = array<i64: 128, 16>}, {pipeline_mode = #tpu.pipeline_mode<synchronous>, transform_indices = @transform_2, window_bounds = array<i64: 1, 16>}, {transform_indices = @transform_3, window_bounds = array<i64: 4000, 16>}]} {
    %get3A = arith.constant 0 : index
    %get3A_0 = arith.constant 0 : index
    %get3A_1 = vector.load %arg1[%get3A, %get3A_0] : memref<4000x128xf32, #tpu.memory_space<vmem>>, vector<4000x128xf32>
    %get3A_2 = arith.constant 0 : index
    %get3A_3 = arith.constant 0 : index
    %get3A_4 = vector.load %arg2[%get3A_2, %get3A_3] : memref<128x16xf32, #tpu.memory_space<vmem>>, vector<128x16xf32>
    %dot_general3A = arith.constant dense<0.000000e+00> : vector<4000x16xf32>
    %dot_general3A_5 = tpu.matmul %get3A_1, %get3A_4, %dot_general3A {dimension_numbers = #tpu.dot_dimension_numbers<[1], [0], [0], [1], [0, 0, 1, 1], [], []>, transpose_lhs_hint = false} : vector<4000x128xf32>, vector<128x16xf32>, vector<4000x16xf32> -> vector<4000x16xf32>
    %get3A_6 = arith.constant 0 : index
    %get3A_7 = arith.constant 0 : index
    %get3A_8 = vector.load %arg3[%get3A_6, %get3A_7] : memref<1x16xf32, #tpu.memory_space<vmem>>, vector<1x16xf32>
    %add3A = vector.broadcast %get3A_8 : vector<1x16xf32> to vector<4000x16xf32>
    %add3A_9 = arith.addf %dot_general3A_5, %add3A : vector<4000x16xf32>
    %swap3A = arith.constant 0 : index
    %swap3A_10 = arith.constant 0 : index
    %swap3A_11 = vector.load %arg4[%swap3A, %swap3A_10] : memref<4000x16xf32, #tpu.memory_space<vmem>>, vector<4000x16xf32>
    tpu.vector_store %arg4[%swap3A, %swap3A_10], %add3A_9 {strides = array<i32>} : memref<4000x16xf32, #tpu.memory_space<vmem>>, vector<4000x16xf32>,
    return
  }
  func.func @transform_0(%arg0: i32) -> (i32, i32) {
    %c0_i32 = arith.constant 0 : i32
    %c0_i32_0 = arith.constant 0 : i32
    return %arg0, %c0_i32 : i32, i32
  }
  func.func @transform_1(%arg0: i32) -> (i32, i32) {
    %c0_i32 = arith.constant 0 : i32
    %c0_i32_0 = arith.constant 0 : i32
    %c0_i32_1 = arith.constant 0 : i32
    return %c0_i32, %c0_i32_0 : i32, i32
  }
  func.func @transform_2(%arg0: i32) -> (i32, i32) {
    %c0_i32 = arith.constant 0 : i32
    %c0_i32_0 = arith.constant 0 : i32
    %c0_i32_1 = arith.constant 0 : i32
    return %c0_i32, %c0_i32_0 : i32, i32
  }
  func.func @transform_3(%arg0: i32) -> (i32, i32) {
    %c0_i32 = arith.constant 0 : i32
    %c0_i32_0 = arith.constant 0 : i32
    return %arg0, %c0_i32 : i32, i32
  }
}

module attributes {stable_mosaic.version = 14 : i64} {
  func.func @_final_body(%arg0: i32, %arg1: memref<80x144xf32, #tpu.memory_space<vmem>>, %arg2: memref<80x144xf32, #tpu.memory_space<vmem>>, %arg3: memref<128x128xf32, #tpu.memory_space<vmem>>, %arg4: memref<1x128xf32, #tpu.memory_space<vmem>>, %arg5: memref<80x128xf32, #tpu.memory_space<vmem>>) attributes {dimension_semantics = [#tpu.dimension_semantics<arbitrary>], iteration_bounds = array<i64: 125>, scalar_prefetch = 0 : i64, scratch_operands = 0 : i64, tpu.core_type = #tpu.core_type<tc>, window_params = [{transform_indices = @transform_0, window_bounds = array<i64: 80, 144>}, {transform_indices = @transform_1, window_bounds = array<i64: 80, 144>}, {pipeline_mode = #tpu.pipeline_mode<synchronous>, transform_indices = @transform_2, window_bounds = array<i64: 128, 128>}, {pipeline_mode = #tpu.pipeline_mode<synchronous>, transform_indices = @transform_3, window_bounds = array<i64: 1, 128>}, {transform_indices = @transform_4, window_bounds = array<i64: 80, 128>}]} {
    %get3A = arith.constant 0 : index
    %get3A_0 = arith.constant 0 : index
    %get3A_1 = vector.load %arg1[%get3A, %get3A_0] : memref<80x144xf32, #tpu.memory_space<vmem>>, vector<80x144xf32>
    %get3A_2 = arith.constant 0 : index
    %get3A_3 = arith.constant 0 : index
    %get3A_4 = vector.load %arg2[%get3A_2, %get3A_3] : memref<80x144xf32, #tpu.memory_space<vmem>>, vector<80x144xf32>
    %add3A = arith.addf %get3A_1, %get3A_4 : vector<80x144xf32>
    %slice3A = vector.extract_strided_slice %add3A {offsets = [0, 0], sizes = [80, 128], strides = [1, 1]} : vector<80x144xf32> to vector<80x128xf32>
    %slice3A_5 = vector.extract_strided_slice %add3A {offsets = [0, 128], sizes = [80, 16], strides = [1, 1]} : vector<80x144xf32> to vector<80x16xf32>
    %add3A_6 = arith.constant 1.000000e-10 : f32
    %add3A_7 = vector.broadcast %add3A_6 : f32 to vector<80x16xf32>
    %add3A_8 = arith.addf %slice3A_5, %add3A_7 : vector<80x16xf32>
    %concatenate3A = tpu.concatenate %add3A_8, %add3A_8, %add3A_8, %add3A_8, %add3A_8, %add3A_8, %add3A_8, %add3A_8 in 1 : vector<80x16xf32>, vector<80x16xf32>, vector<80x16xf32>, vector<80x16xf32>, vector<80x16xf32>, vector<80x16xf32>, vector<80x16xf32>, vector<80x16xf32> -> vector<80x128xf32>
    %div3A = arith.divf %slice3A, %concatenate3A : vector<80x128xf32>
    %get3A_9 = arith.constant 0 : index
    %get3A_10 = arith.constant 0 : index
    %get3A_11 = vector.load %arg3[%get3A_9, %get3A_10] : memref<128x128xf32, #tpu.memory_space<vmem>>, vector<128x128xf32>
    %dot_general3A = arith.constant dense<0.000000e+00> : vector<80x128xf32>
    %dot_general3A_12 = tpu.matmul %div3A, %get3A_11, %dot_general3A {dimension_numbers = #tpu.dot_dimension_numbers<[1], [0], [0], [1], [0, 0, 1, 1], [], []>, transpose_lhs_hint = false} : vector<80x128xf32>, vector<128x128xf32>, vector<80x128xf32> -> vector<80x128xf32>
    %get3A_13 = arith.constant 0 : index
    %get3A_14 = arith.constant 0 : index
    %get3A_15 = vector.load %arg4[%get3A_13, %get3A_14] : memref<1x128xf32, #tpu.memory_space<vmem>>, vector<1x128xf32>
    %add3A_16 = vector.broadcast %get3A_15 : vector<1x128xf32> to vector<80x128xf32>
    %add3A_17 = arith.addf %dot_general3A_12, %add3A_16 : vector<80x128xf32>
    %swap3A = arith.constant 0 : index
    %swap3A_18 = arith.constant 0 : index
    %swap3A_19 = vector.load %arg5[%swap3A, %swap3A_18] : memref<80x128xf32, #tpu.memory_space<vmem>>, vector<80x128xf32>
    tpu.vector_store %arg5[%swap3A, %swap3A_18], %add3A_17 {strides = array<i32>} : memref<80x128xf32, #tpu.memory_space<vmem>>, vector<80x128xf32>,
    return
  }
  func.func @transform_0(%arg0: i32) -> (i32, i32) {
    %c0_i32 = arith.constant 0 : i32
    %c0_i32_0 = arith.constant 0 : i32
    return %arg0, %c0_i32 : i32, i32
  }
  func.func @transform_1(%arg0: i32) -> (i32, i32) {
    %add3A = arith.constant 128 : i32
    %add3A_0 = arith.addi %arg0, %add3A : i32
    %c0_i32 = arith.constant 0 : i32
    %c0_i32_1 = arith.constant 0 : i32
    return %add3A_0, %c0_i32 : i32, i32
  }
  func.func @transform_2(%arg0: i32) -> (i32, i32) {
    %c0_i32 = arith.constant 0 : i32
    %c0_i32_0 = arith.constant 0 : i32
    %c0_i32_1 = arith.constant 0 : i32
    return %c0_i32, %c0_i32_0 : i32, i32
  }
  func.func @transform_3(%arg0: i32) -> (i32, i32) {
    %c0_i32 = arith.constant 0 : i32
    %c0_i32_0 = arith.constant 0 : i32
    %c0_i32_1 = arith.constant 0 : i32
    return %c0_i32, %c0_i32_0 : i32, i32
  }
  func.func @transform_4(%arg0: i32) -> (i32, i32) {
    %c0_i32 = arith.constant 0 : i32
    %c0_i32_0 = arith.constant 0 : i32
    return %arg0, %c0_i32 : i32, i32
  }
}

</mosaic_0001>

<sc_bundles>
// kernel: kernel.6.cloned.1.call-start
scs
__scs_entry_jumppad:
0x0: {  	(pc) =	sbr.rel $0x88, $3  }
0x1: {  	(tag) =	ssettag $0x0;
	lr =	simm.s32 $0x1  }
0x2: {  	[smem:$0x3F94] =	sst lr;
	_ =	strace $0xD0000000  }
0x3: {  	_ = 	snop  }
0x4: {  	_ = 	snop  }
0x5: {  	_ = 	snop  }
0x6: {  	_ = 	snop  }
0x7: {  	_ = 	snop  }
__scs_overlays_trampoline_lowered:
0x8: {  	[smem:$0x3FA3] =	sst s0  }
0x9: {  	[smem:$0x3FA4] =	sst s1  }
0xa: {  	[smem:$0x3FA5] =	sst s2  }
0xb: {  	[smem:$0x3FA6] =	sst s3  }
0xc: {  	[smem:$0x3FA7] =	sst s4  }
0xd: {  	[smem:$0x3FA8] =	sst s5  }
0xe: {  	[smem:$0x3FA9] =	sst s6  }
0xf: {  	[smem:$0x3FAA] =	sst s7  }
0x10: {  	[smem:$0x3FAB] =	sst s8  }
0x11: {  	[smem:$0x3FAC] =	sst s9;
	s0 =	simm.s32 @!p0 $0x0  }
0x12: {  	s1 =	sld [smem:$0x3F92];
	s0 =	simm.s32 @p0 $0x1  }
0x13: {  	[smem:$0x3FAD] =	sst s0;
	s0 =	simm.s32 @!p1 $0x0  }
0x14: {  	s2 =	sld [smem:$0x3F91];
	s0 =	simm.s32 @p1 $0x1  }
0x15: {  	[smem:$0x3FAE] =	sst s0;
	s0 =	simm.s32 @!p2 $0x0  }
0x16: {  	s3 =	sld [smem:$0x3FDB];
	s0 =	simm.s32 @p2 $0x1  }
0x17: {  	s4 =	simm.s32 $0x1BF5;
	[smem:$0x3FB0] =	sst s0  }
0x18: {  	s0 =	sld [smem:$0x3F93];
	_ =	swait.ge [sflag:s4], $0x0  }
0x19: {  	s7 =	sld [smem:$0x3F94]  }
0x1a: {  	s8 =	sadd.s32 $0xFFFFE003, lr  }
0x1b: {  	s9 =	sadd.s32 $0xFFFFFEF7, lr;
	s5 =	simm.s32 $0xFFFFFFFF;
	p2 =	slt.u32 s8, $0xFFFFF086  }
0x1c: {  	p1 =	slt.u32 s9, $0xF7A;
	s5 =	simm.s32 @!p2 $0x0  }
0x1d: {  	s5 =	simm.s32 @p1 $0x1;
	p0 =	seq.s32 s7, s2  }
0x1e: {  	s7 =	smul.u32 @!p0 $0xF7A, s2;
	p2 =	seq.s32 @!p0 s5, $0x0  }
0x1f: {  	s9 =	smul.u32 $0xF7A, s1;
	s8 =	simm.s32 @!p0 $0x1BF5;
	p2 =	por !p2, p0  }
0x20: {  	[sflag:s8] =	ssyncset.s32 @!p0 $0xFFFFF086;
	s6 =	sadd.s32 @!p0 s3, s7;
	s7 =	simm.s32 @!p0 $0x108  }
0x21: {  	s3 =	sadd.s32 s3, s9;
	s6 =	sadd.s32 @!p0 $0x88, s6;
	s7 =	simm.s32 @p2 $0x1082  }
0x22: {  	[simem:s7], [sflag:s8] =	dma.local @!p0 [hbm:s6], $0xF7A  }
0x23: {  	s9 =	sor.u32 $0xD0000000, s2;
	s6 =	simm.s32 $0x108;
	_ =	swait.ge @!p0 [sflag:s8], $0x0  }
0x24: {  	s3 =	sadd.s32 $0x88, s3;
	s6 =	simm.s32 @!p1 $0x1082;
	[sflag:s4] =	ssyncset.s32 $0xFFFFF086  }
0x25: {  	[simem:s6], [sflag:s4] =	dma.local [hbm:s3], $0xF7A  }
0x26: {  	[smem:$0x3F94] =	sst s1;
	(tag) =	ssettag s2;
	_ =	strace s9  }
0x27: {  	s1 =	sld [smem:$0x3FA4]  }
0x28: {  	s2 =	sld [smem:$0x3FA5]  }
0x29: {  	s4 =	sld [smem:$0x3FA7]  }
0x2a: {  	p0 =	seq.s32 s5, $0x0;
	s5 =	sld [smem:$0x3FA8]  }
0x2b: {  	s6 =	sld [smem:$0x3FA9]  }
0x2c: {  	s7 =	sld [smem:$0x3FAA]  }
0x2d: {  	s3 =	simm.s32 $0x108;
	s8 =	sld [smem:$0x3FAB]  }
0x2e: {  	s3 =	simm.s32 @!p0 $0x1082;
	s9 =	sld [smem:$0x3FAC]  }
0x2f: {  	lr =	sadd.s32 s0, s3;
	s0 =	sld [smem:$0x3FA3]  }
0x30: {  	s3 =	sld [smem:$0x3FA6]  }
0x31: {  	[smem:$0x3FAF] =	sst s10  }
0x32: {  	s10 =	sld [smem:$0x3FAD];
	_ =	sdelay $0x3  }
0x33: {  	p0 =	seq.s32 s10, $0x1;
	s10 =	sld [smem:$0x3FAF];
	_ =	sdelay $0x3  }
0x34: {  	[smem:$0x3FAF] =	sst s10  }
0x35: {  	s10 =	sld [smem:$0x3FAE];
	_ =	sdelay $0x3  }
0x36: {  	p1 =	seq.s32 s10, $0x1;
	s10 =	sld [smem:$0x3FAF];
	_ =	sdelay $0x3  }
0x37: {  	[smem:$0x3FAF] =	sst s10  }
0x38: {  	s10 =	sld [smem:$0x3FB0]  }
0x39: {  	_ = 	snop;
	(pc) =	sbr.ind lr, $3  }
0x3a: {  	_ = 	snop  }
0x3b: {  	_ = 	snop  }
0x3c: {  	p2 =	seq.s32 s10, $0x1;
	s10 =	sld [smem:$0x3FAF]  }
0x3d: {  	_ =	shalt  }
0x3e: {  	_ =	shalt  }
0x3f: {  	_ =	shalt  }
0x40: {  	_ =	shalt  }
0x41: {  	_ =	shalt  }
0x42: {  	_ =	shalt  }
0x43: {  	_ =	shalt  }
0x44: {  	_ =	shalt  }
0x45: {  	_ =	shalt  }
0x46: {  	_ =	shalt  }
0x47: {  	_ =	shalt  }
0x48: {  	_ =	shalt  }
0x49: {  	_ =	shalt  }
0x4a: {  	_ =	shalt  }
0x4b: {  	_ =	shalt  }
0x4c: {  	_ =	shalt  }
0x4d: {  	_ =	shalt  }
0x4e: {  	_ =	shalt  }
0x4f: {  	_ =	shalt  }
0x50: {  	_ =	shalt  }
0x51: {  	_ =	shalt  }
0x52: {  	_ =	shalt  }
0x53: {  	_ =	shalt  }
0x54: {  	_ =	shalt  }
0x55: {  	_ =	shalt  }
0x56: {  	_ =	shalt  }
0x57: {  	_ =	shalt  }
0x58: {  	_ =	shalt  }
0x59: {  	_ =	shalt  }
0x5a: {  	_ =	shalt  }
0x5b: {  	_ =	shalt  }
0x5c: {  	_ =	shalt  }
0x5d: {  	_ =	shalt  }
0x5e: {  	_ =	shalt  }
0x5f: {  	_ =	shalt  }
0x60: {  	_ =	shalt  }
0x61: {  	_ =	shalt  }
0x62: {  	_ =	shalt  }
0x63: {  	_ =	shalt  }
0x64: {  	_ =	shalt  }
0x65: {  	_ =	shalt  }
0x66: {  	_ =	shalt  }
0x67: {  	_ =	shalt  }
0x68: {  	_ =	shalt  }
0x69: {  	_ =	shalt  }
0x6a: {  	_ =	shalt  }
0x6b: {  	_ =	shalt  }
0x6c: {  	_ =	shalt  }
0x6d: {  	_ =	shalt  }
0x6e: {  	_ =	shalt  }
0x6f: {  	_ =	shalt  }
0x70: {  	_ =	shalt  }
0x71: {  	_ =	shalt  }
0x72: {  	_ =	shalt  }
0x73: {  	_ =	shalt  }
0x74: {  	_ =	shalt  }
0x75: {  	_ =	shalt  }
0x76: {  	_ =	shalt  }
0x77: {  	_ =	shalt  }
0x78: {  	_ =	shalt  }
0x79: {  	_ =	shalt  }
0x7a: {  	_ =	shalt  }
0x7b: {  	_ =	shalt  }
0x7c: {  	_ =	shalt  }
0x7d: {  	_ =	shalt  }
0x7e: {  	_ =	shalt  }
0x7f: {  	_ =	shalt  }
0x80: {  	_ =	shalt  }
0x81: {  	_ =	shalt  }
0x82: {  	_ =	shalt  }
0x83: {  	_ =	shalt  }
0x84: {  	_ =	shalt  }
0x85: {  	_ =	shalt  }
0x86: {  	_ =	shalt  }
0x87: {  	_ =	shalt  }
.Lfunc_end0:
.L_simem_size_0:
called_computation_lowered:
.L_overlay_start_0:
0x88: {  	s2 =	sld [smem:$0x3FD9]  }
0x89: {  	s3 =	sld [smem:$0x3FFE];
	_ =	sdelay $0x1  }
0x8a: {  	s1 =	srdreg.scid  }
0x8b: {  	s0 =	sand.u32 $0x1, s1  }
0x8c: {  	s17 =	sshll.u32 s0, $0xA;
	s2 =	sadd.s32 s3, s2  }
0x8d: {  	s2 =	sadd.s32 s2, s17  }
0x8e: {  	[smem:$0x3FBB] =	sst s2  }
0x8f: {  	_ = 	snop  }
0x90: {  	s2 =	sld [smem:$0x3FD0];
	(tm) =	ssettm $0x1  }
0x91: {  	s18 =	sld [smem:$0x3FFB];
	_ =	sdelay $0x3  }
0x92: {  	_ =	strace s18  }
0x93: {  	s3 =	sld [smem:$0x3FFC];
	_ =	sdelay $0x3  }
0x94: {  	_ =	strace s3  }
0x95: {  	s3 =	sld [smem:$0x3FFD];
	_ =	sdelay $0x3  }
0x96: {  	_ =	strace s3  }
0x97: {  	_ =	strace $0x8FFFFFFF  }
0x98: {  	s19 =	sld [smem:$0x3FDB];
	_ =	sdelay $0x1  }
0x99: {  	s4 =	simm.s32 $_scs_section_size  }
0x9a: {  	s5 =	simm.s32 $_size__tile_overlayer_lowered;
	s6 =	simm.s32 $_tile_overlayer_lowered  }
0x9b: {  	s22 =	simm.s32 $0x1BFF;
	s21 =	sshll.u32 s6, $0x1;
	s3 =	sadd.s32 s4, s19  }
0x9c: {  	s7 =	simm.s32 $0x0;
	s20 =	sshll.u32 s5, $0x1;
	s5 =	sadd.s32 s21, s3  }
0x9d: {  	[timem:s7], [sflag:s22] =	dma.local [hbm:s5], s20  }
0x9e: {  	_ =	swait.ge [sflag:s22], s20  }
0x9f: {  	s4 =	ssub.s32 $0x0, s20;
	[sflag:s22] =	ssyncset.done $0x0  }
0xa0: {  	[sflag:s22] =	ssyncadd.s32 s4;
	_ =	sdelay $0x1  }
0xa1: {  	s23 =	simm.s32 $0x1B8B  }
0xa2: {  	_ =	swait.ge [sflag:s23], $0x1  }
0xa3: {  	[sflag:s23] =	ssyncset.done $0x0  }
0xa4: {  	s25 =	simm.s32 $0x1B8E;
	s24 =	sld [smem:$0x3FFE];
	[sflag:s23] =	ssyncadd.s32 $0xFFFFFFFF  }
0xa5: {  	s26 =	simm.s32 $execute0_lowered;
	[smem:$0x3FD2] =	sst s25  }
0xa6: {  	s5 =	sshll.u32 s26, $0x1;
	_ =	strace $0x80000046;
	[dreg:$0x1] =	wrdreg $0xFFFFFFFF  }
0xa7: {  	s28 =	simm.s32 $_size_execute0_lowered;
	s3 =	sadd.s32 s3, s5;
	[dreg:$0x0] =	wrdreg $0x0  }
0xa8: {  	s5 =	sshll.u32 s28, $0x1;
	[dreg:$0x2] =	wrdreg s3  }
0xa9: {  	[dreg:$0x3] =	wrdreg s5  }
0xaa: {  	[dreg:$0x4] =	wrdreg $0xC0  }
0xab: {  	_ =	task [dreg:s7], $0x5FFFF  }
0xac: {  	[dreg:$0x1] =	wrdreg $0xFFFFFFFF  }
0xad: {  	[dreg:$0x0] =	wrdreg $0x60  }
0xae: {  	[dreg:$0x2] =	wrdreg s2  }
0xaf: {  	[dreg:$0x3] =	wrdreg s24  }
0xb0: {  	[dreg:$0x4] =	wrdreg $0x94700  }
0xb1: {  	[dreg:$0x5] =	wrdreg $0x9  }
0xb2: {  	_ =	task.clear_ibuf [dreg:s7], $0x6FFFF;
	_ =	strace $0x90000046  }
0xb3: {  	s29 =	simm.s32 $0x9;
	_ =	strace $0x80000048  }
0xb4: {  	_ =	swait.ge [sflag:s29], $0x1  }
0xb5: {  	[sflag:s29] =	ssyncadd.s32 $0xFFFFFFFF  }
0xb6: {  	_ =	strace $0x90000048  }
0xb7: {  	_ =	sfence  }
0xb8: {  	s30 =	sld [smem:$0x0];
	_ =	sdelay $0x2  }
0xb9: {  	s31 =	sshll.u32 s1, $0xD;
	s1 =	sshrl.u32 s1, $0x2  }
0xba: {  	s3 =	sand.u32 $0x4000, s31;
	s1 =	sadd.s32 s1, s30  }
0xbb: {  	s0 =	sor.u32 s3, s0;
	s1 =	sshll.u32 s1, $0x11  }
0xbc: {  	s0 =	sor.u32 s1, s0  }
0xbd: {  	s0 =	sadd.s32 $0x8F2B, s0  }
0xbe: {  	[sflag:s0] =	ssyncadd.remote.s32 $0x1  }
0xbf: {  	_ =	sfence.sel $0xFFFF  }
0xc0: {  	[dreg:$0x0] =	wrdreg $0xFFFFFFFF;
	(pc) =	sbr.abs _section_cstart, $3  }
0xc1: {  	[dreg:$0x1] =	wrdreg $0xFFFFFFFF  }
0xc2: {  	_ =	task.clear_ibuf [dreg:s7], $0x2FFFF;
	_ =	strace $0x9FFFFFFF  }
0xc3: {  	(tm) =	ssettm $0x7FFFFFFF  }
tec
execute0_lowered:
.L_overlay_start_1:
0x0: {  	(tag) =	ssettag $0x1  }
0x1: {  	s0 =	rddreg [dreg:$0x1]  }
0x2: {  	s2 =	rddreg [dreg:$0x2];
	s3 =	simm.s32 $0x0;
	s1 =	srdreg.scid  }
0x3: {  	s12 =	stileid.u32;
	[smem:$0x7FF] =	sst s3  }
0x4: {  	s5 =	sadd.s32 $0x1400, s0;
	s1 =	sand.u32 $0x1, s1;
	s4 =	sshll.u32 s12, $0x1  }
0x5: {  	s6 =	sadd.s32 $0x531600, s0;
	s10 =	smul.u32 $0x5A000, s12;
	s4 =	sor.u32 s1, s4  }
0x6: {  	s7 =	sadd.s32 $0x59400, s0;
	s8 =	sadd.s32 $0x4F600, s0;
	s13 =	smul.u32 $0x2710, s4  }
0x7: {  	s9 =	ssub.s32 $0x2, s1;
	s10 =	sshrl.u32 s10, $0x2;
	s4 =	smul.u32 $0x4E20, s4  }
0x8: {  	_ =	strace $0x80000047;
	s11 =	sshrl.u32 s9, $0x1;
	s17 =	sadd.s32 s10, s2  }
0x9: {  	s9 =	ssub.s32 s9, s11;
	s4 =	sadd.s32 s6, s4;
	[dreg:$0x4] =	wrdreg s17  }
0xa: {  	s14 =	sshrl.u32 s13, $0x3;
	s11 =	sadd.s32 $0x50, s13;
	[dreg:$0x7] =	wrdreg s4  }
0xb: {  	s22 =	sadd.s32 $0x28, s13;
	s13 =	sadd.s32 $0x78, s13;
	[dreg:$0xb] =	wrdreg s11  }
0xc: {  	s19 =	smul.u32 $0x280, s12;
	s9 =	smax.u32 s9, $0x1;
	[dreg:$0xc] =	wrdreg s13  }
0xd: {  	s1 =	smul.u32 $0x2800, s1;
	s10 =	sadd.s32 $0x8700, s17;
	[dreg:$0x1d] =	wrdreg s9  }
0xe: {  	s0 =	sadd.s32 $0x63200, s0;
	s20 =	sadd.s32 s7, s14;
	[smem:$0x7F1] =	sst s10  }
0xf: {  	s1 =	sadd.s32 s19, s1;
	s21 =	sadd.s32 s8, s14;
	[dreg:$0x5] =	wrdreg s20  }
0x10: {  	s24 =	smul.u32 $0x90, s1;
	s11 =	sadd.s32 $0x9D80, s17;
	[dreg:$0x6] =	wrdreg s21  }
0x11: {  	s23 =	sshrl.u32 s22, $0x3;
	s13 =	sadd.s32 $0xB400, s17;
	[smem:$0x7F2] =	sst s11  }
0x12: {  	s1 =	smul.u32 $0x12, s1;
	s25 =	sadd.s32 s7, s23;
	[smem:$0x7F3] =	sst s13  }
0x13: {  	s26 =	sshll.u32 s22, $0x1;
	s4 =	sadd.s32 s8, s23;
	[dreg:$0x8] =	wrdreg s25  }
0x14: {  	s2 =	sshrl.u32 s24, $0x3;
	[dreg:$0x9] =	wrdreg s4;
	s4 =	sadd.s32 s6, s26  }
0x15: {  	[dreg:$0xa] =	wrdreg s4;
	s4 =	sadd.s32 s0, s2;
	s0 =	sadd.s32 s0, s1  }
0x16: {  	[dreg:$0xd] =	wrdreg s0;
	s14 =	sadd.s32 $0x2D0, s4  }
0x17: {  	s15 =	sadd.s32 $0x5A0, s4;
	[dreg:$0xe] =	wrdreg s14  }
0x18: {  	s16 =	sadd.s32 $0x870, s4;
	[dreg:$0xf] =	wrdreg s15  }
0x19: {  	s18 =	sadd.s32 $0xB40, s4;
	[dreg:$0x10] =	wrdreg s16  }
0x1a: {  	s19 =	sadd.s32 $0xE10, s4;
	[dreg:$0x11] =	wrdreg s18  }
0x1b: {  	s20 =	sadd.s32 $0x10E0, s4;
	[dreg:$0x12] =	wrdreg s19  }
0x1c: {  	s21 =	sadd.s32 $0x13B0, s4;
	[dreg:$0x13] =	wrdreg s20  }
0x1d: {  	s12 =	smov.u32 s22;
	s22 =	sadd.s32 $0x1680, s4;
	[dreg:$0x14] =	wrdreg s21  }
0x1e: {  	s23 =	sadd.s32 $0x1950, s4;
	[dreg:$0x15] =	wrdreg s22  }
0x1f: {  	s24 =	sadd.s32 $0x1C20, s4;
	[dreg:$0x16] =	wrdreg s23  }
0x20: {  	s25 =	sadd.s32 $0x1EF0, s4;
	[dreg:$0x17] =	wrdreg s24  }
0x21: {  	s26 =	sadd.s32 $0x21C0, s4;
	[dreg:$0x18] =	wrdreg s25  }
0x22: {  	s1 =	sadd.s32 $0x2490, s4;
	[dreg:$0x19] =	wrdreg s26  }
0x23: {  	s2 =	sadd.s32 $0x2760, s4;
	[dreg:$0x1a] =	wrdreg s1  }
0x24: {  	s4 =	sadd.s32 $0x2A30, s4;
	[dreg:$0x1b] =	wrdreg s2  }
0x25: {  	s28 =	simm.s32 $0x2;
	[dreg:$0x1c] =	wrdreg s4;
	s14 =	sadd.s32 $0xCA80, s17  }
0x26: {  	s29 =	simm.s32 $0x5;
	s15 =	sadd.s32 $0xE100, s17;
	[smem:$0x7F4] =	sst s14  }
0x27: {  	s30 =	simm.s32 $0x3;
	s16 =	sadd.s32 $0xF780, s17;
	[smem:$0x7F5] =	sst s15  }
0x28: {  	s31 =	simm.s32 $0x8;
	s20 =	sadd.s32 $0x10E00, s17;
	[smem:$0x7F6] =	sst s16  }
0x29: {  	s11 =	simm.s32 $0x9;
	s22 =	sadd.s32 $0x12480, s17;
	[smem:$0x7F7] =	sst s20  }
0x2a: {  	s18 =	sadd.s32 $0x1680, s17;
	s23 =	sadd.s32 $0x13B00, s17;
	[smem:$0x7F8] =	sst s22  }
0x2b: {  	s19 =	sadd.s32 $0x2D00, s17;
	s26 =	sadd.s32 $0x15180, s17;
	[smem:$0x7F9] =	sst s23  }
0x2c: {  	s21 =	sadd.s32 $0x4380, s17;
	s24 =	sadd.s32 $0x5A00, s17;
	[smem:$0x7FA] =	sst s26  }
.Ltmp0:
0x2d: {  	s25 =	sadd.s32 $0x7080, s17;
	[dreg:$0x1e] =	wrdreg s18;
	(pc) =	sbr.rel .LBB2_1-.Ltmp0, $4  }
0x2e: {  	s4 =	simm.s32 $0x7DF0;
	s2 =	simm.s32 $0xA0;
	[dreg:$0x1f] =	wrdreg s19  }
0x2f: {  	s1 =	simm.s32 $0x0;
	s15 =	simm.s32 $0x28;
	[smem:$0x7FB] =	sst s21  }
0x30: {  	s20 =	simm.s32 $0x78;
	s22 =	simm.s32 $0x1;
	[smem:$0x7FC] =	sst s24  }
0x31: {  	v0 =	vimm.f32 $0.0e+00;
	s23 =	simm.s32 $0x6;
	s26 =	simm.s32 $0xC8;
	[smem:$0x7FD] =	sst s25  }
.LBB2_15:
0x32: {  	s0 =	simm.s32 $0x4  }
0x33: {  	_ =	swait.ge [sflag:s0], $0x1680  }
0x34: {  	[sflag:s0] =	ssyncset.done $0x0  }
0x35: {  	[sflag:s0] =	ssyncadd.s32 $0xFFFFE980  }
0x36: {  	[bflag:$0x0] =	sbarrier.arrive $0xFFFF  }
0x37: {  	s17 =	rddreg [dreg:$0x4]  }
0x38: {  	[tilespmem:s4], [sflag:$0x9] =	stream.linear.gather [spmem:s17], $0x1680, $0x38;
	[tilespmem:$0x1FC70] =	vst v63  }
0x39: {  	_ =	swait.ge [sflag:s11], $0x1680  }
0x3a: {  	[sflag:s11] =	ssyncset.done $0x0  }
0x3b: {  	s21 =	rddreg [dreg:$0xd];
	[sflag:s11] =	ssyncadd.s32 $0xFFFFE980  }
0x3c: {  	[hbm4b:s21+s3] =	stream.linear.scatter [tilespmem:s4], [sflag:$0x9], $0x1680, $0x38;
	[tilespmem:$0x1FC70] =	vst v63  }
0x3d: {  	_ =	swait.ge [sflag:s11], $0x1680  }
0x3e: {  	[sflag:s11] =	ssyncset.done $0x0  }
0x3f: {  	s18 =	rddreg [dreg:$0x1e];
	[sflag:s11] =	ssyncadd.s32 $0xFFFFE980  }
0x40: {  	[tilespmem:s4], [sflag:$0x9] =	stream.linear.gather [spmem:s18], $0x1680, $0x38;
	[tilespmem:$0x1FC70] =	vst v63  }
0x41: {  	_ =	swait.ge [sflag:s11], $0x1680  }
0x42: {  	[sflag:s11] =	ssyncset.done $0x0  }
0x43: {  	s24 =	rddreg [dreg:$0xe];
	[sflag:s11] =	ssyncadd.s32 $0xFFFFE980  }
0x44: {  	[hbm4b:s24+s3] =	stream.linear.scatter [tilespmem:s4], [sflag:$0x9], $0x1680, $0x38;
	[tilespmem:$0x1FC70] =	vst v63  }
0x45: {  	_ =	swait.ge [sflag:s11], $0x1680  }
0x46: {  	[sflag:s11] =	ssyncset.done $0x0  }
0x47: {  	s19 =	rddreg [dreg:$0x1f];
	[sflag:s11] =	ssyncadd.s32 $0xFFFFE980  }
0x48: {  	[tilespmem:s4], [sflag:$0x9] =	stream.linear.gather [spmem:s19], $0x1680, $0x38;
	[tilespmem:$0x1FC70] =	vst v63  }
0x49: {  	_ =	swait.ge [sflag:s11], $0x1680  }
0x4a: {  	[sflag:s11] =	ssyncset.done $0x0  }
0x4b: {  	s25 =	rddreg [dreg:$0xf];
	[sflag:s11] =	ssyncadd.s32 $0xFFFFE980  }
0x4c: {  	[hbm4b:s25+s3] =	stream.linear.scatter [tilespmem:s4], [sflag:$0x9], $0x1680, $0x38;
	[tilespmem:$0x1FC70] =	vst v63  }
0x4d: {  	_ =	swait.ge [sflag:s11], $0x1680  }
0x4e: {  	s21 =	sld [smem:$0x7FB]  }
0x4f: {  	[sflag:s11] =	ssyncset.done $0x0  }
0x50: {  	[sflag:s11] =	ssyncadd.s32 $0xFFFFE980  }
0x51: {  	[tilespmem:s4], [sflag:$0x9] =	stream.linear.gather [spmem:s21], $0x1680, $0x38;
	[tilespmem:$0x1FC70] =	vst v63  }
0x52: {  	_ =	swait.ge [sflag:s11], $0x1680  }
0x53: {  	[sflag:s11] =	ssyncset.done $0x0  }
0x54: {  	s1 =	rddreg [dreg:$0x10];
	[sflag:s11] =	ssyncadd.s32 $0xFFFFE980  }
0x55: {  	[hbm4b:s1+s3] =	stream.linear.scatter [tilespmem:s4], [sflag:$0x9], $0x1680, $0x38;
	[tilespmem:$0x1FC70] =	vst v63  }
0x56: {  	_ =	swait.ge [sflag:s11], $0x1680  }
0x57: {  	s24 =	sld [smem:$0x7FC]  }
0x58: {  	[sflag:s11] =	ssyncset.done $0x0  }
0x59: {  	[sflag:s11] =	ssyncadd.s32 $0xFFFFE980  }
0x5a: {  	[tilespmem:s4], [sflag:$0x9] =	stream.linear.gather [spmem:s24], $0x1680, $0x38;
	[tilespmem:$0x1FC70] =	vst v63  }
0x5b: {  	_ =	swait.ge [sflag:s11], $0x1680  }
0x5c: {  	[sflag:s11] =	ssyncset.done $0x0  }
0x5d: {  	s9 =	rddreg [dreg:$0x11];
	[sflag:s11] =	ssyncadd.s32 $0xFFFFE980  }
0x5e: {  	[hbm4b:s9+s3] =	stream.linear.scatter [tilespmem:s4], [sflag:$0x9], $0x1680, $0x38;
	[tilespmem:$0x1FC70] =	vst v63  }
0x5f: {  	_ =	swait.ge [sflag:s11], $0x1680  }
0x60: {  	s25 =	sld [smem:$0x7FD]  }
0x61: {  	[sflag:s11] =	ssyncset.done $0x0  }
0x62: {  	[sflag:s11] =	ssyncadd.s32 $0xFFFFE980  }
0x63: {  	[tilespmem:s4], [sflag:$0x9] =	stream.linear.gather [spmem:s25], $0x1680, $0x38;
	[tilespmem:$0x1FC70] =	vst v63  }
0x64: {  	_ =	swait.ge [sflag:s11], $0x1680  }
0x65: {  	[sflag:s11] =	ssyncset.done $0x0  }
0x66: {  	s10 =	rddreg [dreg:$0x12];
	[sflag:s11] =	ssyncadd.s32 $0xFFFFE980  }
0x67: {  	[hbm4b:s10+s3] =	stream.linear.scatter [tilespmem:s4], [sflag:$0x9], $0x1680, $0x38;
	[tilespmem:$0x1FC70] =	vst v63  }
0x68: {  	_ =	swait.ge [sflag:s11], $0x1680  }
0x69: {  	s13 =	sld [smem:$0x7F1]  }
0x6a: {  	[sflag:s11] =	ssyncset.done $0x0  }
0x6b: {  	[sflag:s11] =	ssyncadd.s32 $0xFFFFE980  }
0x6c: {  	[tilespmem:s4], [sflag:$0x9] =	stream.linear.gather [spmem:s13], $0x1680, $0x38;
	[tilespmem:$0x1FC70] =	vst v63  }
0x6d: {  	_ =	swait.ge [sflag:s11], $0x1680  }
0x6e: {  	[sflag:s11] =	ssyncset.done $0x0  }
0x6f: {  	s14 =	rddreg [dreg:$0x13];
	[sflag:s11] =	ssyncadd.s32 $0xFFFFE980  }
0x70: {  	[hbm4b:s14+s3] =	stream.linear.scatter [tilespmem:s4], [sflag:$0x9], $0x1680, $0x38;
	[tilespmem:$0x1FC70] =	vst v63  }
0x71: {  	_ =	swait.ge [sflag:s11], $0x1680  }
0x72: {  	s16 =	sld [smem:$0x7F2]  }
0x73: {  	[sflag:s11] =	ssyncset.done $0x0  }
0x74: {  	[sflag:s11] =	ssyncadd.s32 $0xFFFFE980  }
0x75: {  	[tilespmem:s4], [sflag:$0x9] =	stream.linear.gather [spmem:s16], $0x1680, $0x38;
	[tilespmem:$0x1FC70] =	vst v63  }
0x76: {  	_ =	swait.ge [sflag:s11], $0x1680  }
0x77: {  	[sflag:s11] =	ssyncset.done $0x0  }
0x78: {  	s1 =	rddreg [dreg:$0x14];
	[sflag:s11] =	ssyncadd.s32 $0xFFFFE980  }
0x79: {  	[hbm4b:s1+s3] =	stream.linear.scatter [tilespmem:s4], [sflag:$0x9], $0x1680, $0x38;
	[tilespmem:$0x1FC70] =	vst v63  }
0x7a: {  	_ =	swait.ge [sflag:s11], $0x1680  }
0x7b: {  	s9 =	sld [smem:$0x7F3]  }
0x7c: {  	[sflag:s11] =	ssyncset.done $0x0  }
0x7d: {  	[sflag:s11] =	ssyncadd.s32 $0xFFFFE980  }
0x7e: {  	[tilespmem:s4], [sflag:$0x9] =	stream.linear.gather [spmem:s9], $0x1680, $0x38;
	[tilespmem:$0x1FC70] =	vst v63  }
0x7f: {  	_ =	swait.ge [sflag:s11], $0x1680  }
0x80: {  	[sflag:s11] =	ssyncset.done $0x0  }
0x81: {  	s10 =	rddreg [dreg:$0x15];
	[sflag:s11] =	ssyncadd.s32 $0xFFFFE980  }
0x82: {  	[hbm4b:s10+s3] =	stream.linear.scatter [tilespmem:s4], [sflag:$0x9], $0x1680, $0x38;
	[tilespmem:$0x1FC70] =	vst v63  }
0x83: {  	_ =	swait.ge [sflag:s11], $0x1680  }
0x84: {  	s13 =	sld [smem:$0x7F4]  }
0x85: {  	[sflag:s11] =	ssyncset.done $0x0  }
0x86: {  	[sflag:s11] =	ssyncadd.s32 $0xFFFFE980  }
0x87: {  	[tilespmem:s4], [sflag:$0x9] =	stream.linear.gather [spmem:s13], $0x1680, $0x38;
	[tilespmem:$0x1FC70] =	vst v63  }
0x88: {  	_ =	swait.ge [sflag:s11], $0x1680  }
0x89: {  	[sflag:s11] =	ssyncset.done $0x0  }
0x8a: {  	s14 =	rddreg [dreg:$0x16];
	[sflag:s11] =	ssyncadd.s32 $0xFFFFE980  }
0x8b: {  	[hbm4b:s14+s3] =	stream.linear.scatter [tilespmem:s4], [sflag:$0x9], $0x1680, $0x38;
	[tilespmem:$0x1FC70] =	vst v63  }
0x8c: {  	_ =	swait.ge [sflag:s11], $0x1680  }
0x8d: {  	s16 =	sld [smem:$0x7F5]  }
0x8e: {  	[sflag:s11] =	ssyncset.done $0x0  }
0x8f: {  	[sflag:s11] =	ssyncadd.s32 $0xFFFFE980  }
0x90: {  	[tilespmem:s4], [sflag:$0x9] =	stream.linear.gather [spmem:s16], $0x1680, $0x38;
	[tilespmem:$0x1FC70] =	vst v63  }
0x91: {  	_ =	swait.ge [sflag:s11], $0x1680  }
0x92: {  	[sflag:s11] =	ssyncset.done $0x0  }
0x93: {  	s1 =	rddreg [dreg:$0x17];
	[sflag:s11] =	ssyncadd.s32 $0xFFFFE980  }
0x94: {  	[hbm4b:s1+s3] =	stream.linear.scatter [tilespmem:s4], [sflag:$0x9], $0x1680, $0x38;
	[tilespmem:$0x1FC70] =	vst v63  }
0x95: {  	_ =	swait.ge [sflag:s11], $0x1680  }
0x96: {  	s9 =	sld [smem:$0x7F6]  }
0x97: {  	[sflag:s11] =	ssyncset.done $0x0  }
0x98: {  	[sflag:s11] =	ssyncadd.s32 $0xFFFFE980  }
0x99: {  	[tilespmem:s4], [sflag:$0x9] =	stream.linear.gather [spmem:s9], $0x1680, $0x38;
	[tilespmem:$0x1FC70] =	vst v63  }
0x9a: {  	_ =	swait.ge [sflag:s11], $0x1680  }
0x9b: {  	[sflag:s11] =	ssyncset.done $0x0  }
0x9c: {  	s10 =	rddreg [dreg:$0x18];
	[sflag:s11] =	ssyncadd.s32 $0xFFFFE980  }
0x9d: {  	[hbm4b:s10+s3] =	stream.linear.scatter [tilespmem:s4], [sflag:$0x9], $0x1680, $0x38;
	[tilespmem:$0x1FC70] =	vst v63  }
0x9e: {  	_ =	swait.ge [sflag:s11], $0x1680  }
0x9f: {  	s13 =	sld [smem:$0x7F7]  }
0xa0: {  	[sflag:s11] =	ssyncset.done $0x0  }
0xa1: {  	[sflag:s11] =	ssyncadd.s32 $0xFFFFE980  }
0xa2: {  	[tilespmem:s4], [sflag:$0x9] =	stream.linear.gather [spmem:s13], $0x1680, $0x38;
	[tilespmem:$0x1FC70] =	vst v63  }
0xa3: {  	_ =	swait.ge [sflag:s11], $0x1680  }
0xa4: {  	[sflag:s11] =	ssyncset.done $0x0  }
0xa5: {  	s14 =	rddreg [dreg:$0x19];
	[sflag:s11] =	ssyncadd.s32 $0xFFFFE980  }
0xa6: {  	[hbm4b:s14+s3] =	stream.linear.scatter [tilespmem:s4], [sflag:$0x9], $0x1680, $0x38;
	[tilespmem:$0x1FC70] =	vst v63  }
0xa7: {  	_ =	swait.ge [sflag:s11], $0x1680  }
0xa8: {  	s16 =	sld [smem:$0x7F8]  }
0xa9: {  	[sflag:s11] =	ssyncset.done $0x0  }
0xaa: {  	[sflag:s11] =	ssyncadd.s32 $0xFFFFE980  }
0xab: {  	[tilespmem:s4], [sflag:$0x9] =	stream.linear.gather [spmem:s16], $0x1680, $0x38;
	[tilespmem:$0x1FC70] =	vst v63  }
0xac: {  	_ =	swait.ge [sflag:s11], $0x1680  }
0xad: {  	[sflag:s11] =	ssyncset.done $0x0  }
0xae: {  	s1 =	rddreg [dreg:$0x1a];
	[sflag:s11] =	ssyncadd.s32 $0xFFFFE980  }
0xaf: {  	[hbm4b:s1+s3] =	stream.linear.scatter [tilespmem:s4], [sflag:$0x9], $0x1680, $0x38;
	[tilespmem:$0x1FC70] =	vst v63  }
0xb0: {  	_ =	swait.ge [sflag:s11], $0x1680  }
0xb1: {  	s9 =	sld [smem:$0x7F9]  }
0xb2: {  	[sflag:s11] =	ssyncset.done $0x0  }
0xb3: {  	[sflag:s11] =	ssyncadd.s32 $0xFFFFE980  }
0xb4: {  	[tilespmem:s4], [sflag:$0x9] =	stream.linear.gather [spmem:s9], $0x1680, $0x38;
	[tilespmem:$0x1FC70] =	vst v63  }
0xb5: {  	_ =	swait.ge [sflag:s11], $0x1680  }
0xb6: {  	[sflag:s11] =	ssyncset.done $0x0  }
0xb7: {  	s10 =	rddreg [dreg:$0x1b];
	[sflag:s11] =	ssyncadd.s32 $0xFFFFE980  }
0xb8: {  	[hbm4b:s10+s3] =	stream.linear.scatter [tilespmem:s4], [sflag:$0x9], $0x1680, $0x38;
	[tilespmem:$0x1FC70] =	vst v63  }
0xb9: {  	_ =	swait.ge [sflag:s11], $0x1680  }
0xba: {  	s13 =	sld [smem:$0x7FA]  }
0xbb: {  	[sflag:s11] =	ssyncset.done $0x0  }
0xbc: {  	[sflag:s11] =	ssyncadd.s32 $0xFFFFE980  }
0xbd: {  	[tilespmem:s4], [sflag:$0x9] =	stream.linear.gather [spmem:s13], $0x1680, $0x38;
	[tilespmem:$0x1FC70] =	vst v63  }
0xbe: {  	_ =	swait.ge [sflag:s11], $0x1680  }
0xbf: {  	[sflag:s11] =	ssyncset.done $0x0  }
0xc0: {  	s14 =	rddreg [dreg:$0x1c];
	[sflag:s11] =	ssyncadd.s32 $0xFFFFE980  }
0xc1: {  	[hbm4b:s14+s3] =	stream.linear.scatter [tilespmem:s4], [sflag:$0x9], $0x1680, $0x38;
	[tilespmem:$0x1FC70] =	vst v63  }
0xc2: {  	_ =	swait.ge [sflag:s11], $0x1680  }
0xc3: {  	s1 =	sld [smem:$0x7F0];
	_ =	sdelay $0x2  }
0xc4: {  	s16 =	rddreg [dreg:$0x1d];
	s1 =	sadd.s32 $0x1, s1  }
0xc5: {  	p0 =	sne.s32 s1, s16  }
.Ltmp1:
0xc6: {  	_ = 	snop;
	(pc) =	sbr.rel @!p0 .LBB2_16-.Ltmp1, $3  }
0xc7: {  	_ =	sdelay $0x1  }
0xc8: {  	[sflag:s11] =	ssyncset.done $0x0  }
0xc9: {  	[sflag:s11] =	ssyncadd.s32 $0xFFFFE980  }
.LBB2_1:
0xca: {  	s0 =	smul.u32 $0xE38F, s3;
	_ =	sdelay $0x1  }
0xcb: {  	[smem:$0x7F0] =	sst s1;
	s1 =	sshrl.u32 s0, $0x13  }
0xcc: {  	s9 =	simm.s32 $0x0;
	s0 =	simm.s32 $0x1;
	s10 =	smul.u32 $0x9, s1  }
.LBB2_2:
0xcd: {  	s13 =	smul.u32 $0xE38F, s0  }
0xce: {  	s14 =	smov.u32 s0;
	s1 =	smul.u32 $0x240, s1;
	p0 =	sne.s32 s0, $0x167  }
.Ltmp2:
0xcf: {  	s9 =	ssub.s32 s9, s10;
	(pc) =	sbr.rel @p0 .LBB2_2-.Ltmp2, $4  }
0xd0: {  	s0 =	sadd.s32 $0x1, s0;
	s9 =	sand.u32 $0xFFFF, s9  }
0xd1: {  	s10 =	sshrl.u32 s1, $0x2;
	s16 =	sshll.u32 s9, $0x4;
	s9 =	smov.u32 s14  }
0xd2: {  	s1 =	sshrl.u32 s13, $0x13;
	s13 =	sadd.s32 s16, s10  }
0xd3: {  	s10 =	smul.u32 $0x9, s1;
	[tilespmem:s13+$0x7DF0] =	vst v0  }
0xd4: {  	_ = 	snop  }
0xd5: {  	s1 =	smul.u32 $0x240, s1;
	s0 =	ssub.s32 s9, s10  }
0xd6: {  	s0 =	sand.u32 $0xFFFF, s0  }
0xd7: {  	s1 =	sshrl.u32 s1, $0x2;
	s0 =	sshll.u32 s0, $0x4  }
0xd8: {  	s0 =	sadd.s32 s0, s1  }
0xd9: {  	[tilespmem:s0+$0x7DF0] =	vst v0  }
0xda: {  	[spmem:s17] =	stream.linear.scatter [tilespmem:s4], [sflag:$0x9], $0x1680, $0x38;
	[tilespmem:$0x1FC70] =	vst v63  }
0xdb: {  	_ =	swait.ge [sflag:s11], $0x1680  }
0xdc: {  	[sflag:s11] =	ssyncset.done $0x0  }
0xdd: {  	[sflag:s11] =	ssyncadd.s32 $0xFFFFE980  }
0xde: {  	[spmem:s18] =	stream.linear.scatter [tilespmem:s4], [sflag:$0x9], $0x1680, $0x38;
	[tilespmem:$0x1FC70] =	vst v63  }
0xdf: {  	_ =	swait.ge [sflag:s11], $0x1680  }
0xe0: {  	[sflag:s11] =	ssyncset.done $0x0  }
0xe1: {  	[sflag:s11] =	ssyncadd.s32 $0xFFFFE980  }
0xe2: {  	[spmem:s19] =	stream.linear.scatter [tilespmem:s4], [sflag:$0x9], $0x1680, $0x38;
	[tilespmem:$0x1FC70] =	vst v63  }
0xe3: {  	_ =	swait.ge [sflag:s11], $0x1680  }
0xe4: {  	[sflag:s11] =	ssyncset.done $0x0  }
0xe5: {  	[sflag:s11] =	ssyncadd.s32 $0xFFFFE980  }
0xe6: {  	[spmem:s21] =	stream.linear.scatter [tilespmem:s4], [sflag:$0x9], $0x1680, $0x38;
	[tilespmem:$0x1FC70] =	vst v63  }
0xe7: {  	_ =	swait.ge [sflag:s11], $0x1680  }
0xe8: {  	[sflag:s11] =	ssyncset.done $0x0  }
0xe9: {  	[sflag:s11] =	ssyncadd.s32 $0xFFFFE980  }
0xea: {  	[spmem:s24] =	stream.linear.scatter [tilespmem:s4], [sflag:$0x9], $0x1680, $0x38;
	[tilespmem:$0x1FC70] =	vst v63  }
0xeb: {  	_ =	swait.ge [sflag:s11], $0x1680  }
0xec: {  	[sflag:s11] =	ssyncset.done $0x0  }
0xed: {  	[sflag:s11] =	ssyncadd.s32 $0xFFFFE980  }
0xee: {  	[spmem:s25] =	stream.linear.scatter [tilespmem:s4], [sflag:$0x9], $0x1680, $0x38;
	[tilespmem:$0x1FC70] =	vst v63  }
0xef: {  	_ =	swait.ge [sflag:s11], $0x1680  }
0xf0: {  	s25 =	sld [smem:$0x7F1]  }
0xf1: {  	[sflag:s11] =	ssyncset.done $0x0  }
0xf2: {  	[sflag:s11] =	ssyncadd.s32 $0xFFFFE980  }
0xf3: {  	[spmem:s25] =	stream.linear.scatter [tilespmem:s4], [sflag:$0x9], $0x1680, $0x38;
	[tilespmem:$0x1FC70] =	vst v63  }
0xf4: {  	_ =	swait.ge [sflag:s11], $0x1680  }
0xf5: {  	s1 =	sld [smem:$0x7F2]  }
0xf6: {  	[sflag:s11] =	ssyncset.done $0x0  }
0xf7: {  	[sflag:s11] =	ssyncadd.s32 $0xFFFFE980  }
0xf8: {  	[spmem:s1] =	stream.linear.scatter [tilespmem:s4], [sflag:$0x9], $0x1680, $0x38;
	[tilespmem:$0x1FC70] =	vst v63  }
0xf9: {  	_ =	swait.ge [sflag:s11], $0x1680  }
0xfa: {  	s9 =	sld [smem:$0x7F3]  }
0xfb: {  	[sflag:s11] =	ssyncset.done $0x0  }
0xfc: {  	[sflag:s11] =	ssyncadd.s32 $0xFFFFE980  }
0xfd: {  	[spmem:s9] =	stream.linear.scatter [tilespmem:s4], [sflag:$0x9], $0x1680, $0x38;
	[tilespmem:$0x1FC70] =	vst v63  }
0xfe: {  	_ =	swait.ge [sflag:s11], $0x1680  }
0xff: {  	s10 =	sld [smem:$0x7F4]  }
0x100: {  	[sflag:s11] =	ssyncset.done $0x0  }
0x101: {  	[sflag:s11] =	ssyncadd.s32 $0xFFFFE980  }
0x102: {  	[spmem:s10] =	stream.linear.scatter [tilespmem:s4], [sflag:$0x9], $0x1680, $0x38;
	[tilespmem:$0x1FC70] =	vst v63  }
0x103: {  	_ =	swait.ge [sflag:s11], $0x1680  }
0x104: {  	s13 =	sld [smem:$0x7F5]  }
0x105: {  	[sflag:s11] =	ssyncset.done $0x0  }
0x106: {  	[sflag:s11] =	ssyncadd.s32 $0xFFFFE980  }
0x107: {  	[spmem:s13] =	stream.linear.scatter [tilespmem:s4], [sflag:$0x9], $0x1680, $0x38;
	[tilespmem:$0x1FC70] =	vst v63  }
0x108: {  	_ =	swait.ge [sflag:s11], $0x1680  }
0x109: {  	s14 =	sld [smem:$0x7F6]  }
0x10a: {  	[sflag:s11] =	ssyncset.done $0x0  }
0x10b: {  	[sflag:s11] =	ssyncadd.s32 $0xFFFFE980  }
0x10c: {  	[spmem:s14] =	stream.linear.scatter [tilespmem:s4], [sflag:$0x9], $0x1680, $0x38;
	[tilespmem:$0x1FC70] =	vst v63  }
0x10d: {  	_ =	swait.ge [sflag:s11], $0x1680  }
0x10e: {  	s16 =	sld [smem:$0x7F7]  }
0x10f: {  	[sflag:s11] =	ssyncset.done $0x0  }
0x110: {  	[sflag:s11] =	ssyncadd.s32 $0xFFFFE980  }
0x111: {  	[spmem:s16] =	stream.linear.scatter [tilespmem:s4], [sflag:$0x9], $0x1680, $0x38;
	[tilespmem:$0x1FC70] =	vst v63  }
0x112: {  	_ =	swait.ge [sflag:s11], $0x1680  }
0x113: {  	s17 =	sld [smem:$0x7F8]  }
0x114: {  	[sflag:s11] =	ssyncset.done $0x0  }
0x115: {  	[sflag:s11] =	ssyncadd.s32 $0xFFFFE980  }
0x116: {  	[spmem:s17] =	stream.linear.scatter [tilespmem:s4], [sflag:$0x9], $0x1680, $0x38;
	[tilespmem:$0x1FC70] =	vst v63  }
0x117: {  	_ =	swait.ge [sflag:s11], $0x1680  }
0x118: {  	s18 =	sld [smem:$0x7F9]  }
0x119: {  	[sflag:s11] =	ssyncset.done $0x0  }
0x11a: {  	[sflag:s11] =	ssyncadd.s32 $0xFFFFE980  }
0x11b: {  	[spmem:s18] =	stream.linear.scatter [tilespmem:s4], [sflag:$0x9], $0x1680, $0x38;
	[tilespmem:$0x1FC70] =	vst v63  }
0x11c: {  	_ =	swait.ge [sflag:s11], $0x1680  }
0x11d: {  	s19 =	sld [smem:$0x7FA]  }
0x11e: {  	[sflag:s11] =	ssyncset.done $0x0  }
0x11f: {  	[sflag:s11] =	ssyncadd.s32 $0xFFFFE980  }
0x120: {  	[spmem:s19] =	stream.linear.scatter [tilespmem:s4], [sflag:$0x9], $0x1680, $0x38;
	[tilespmem:$0x1FC70] =	vst v63  }
0x121: {  	_ =	swait.ge [sflag:s11], $0x1680  }
0x122: {  	[sflag:s11] =	ssyncset.done $0x0  }
0x123: {  	[sflag:s11] =	ssyncadd.s32 $0xFFFFE980  }
0x124: {  	[bflag:$0x0] =	sbarrier.arrive $0xFFFF  }
0x125: {  	s9 =	simm.s32 $0x0;
	s21 =	rddreg [dreg:$0x5]  }
0x126: {  	[tilespmem:s9], [sflag:$0x9] =	stream.linear.gather [hbm4b:s21+s9], $0x28, $0x38;
	[tilespmem:$0x1FC70] =	vst v63  }
0x127: {  	_ =	swait.ge [sflag:s11], $0x28  }
0x128: {  	[sflag:s11] =	ssyncset.done $0x0  }
0x129: {  	s25 =	simm.s32 $0x50;
	s24 =	rddreg [dreg:$0x6];
	[sflag:s11] =	ssyncadd.s32 $0xFFFFFFD8  }
0x12a: {  	[tilespmem:s25], [sflag:$0x9] =	stream.linear.gather [hbm4b:s24+s9], $0x28, $0x38;
	[tilespmem:$0x1FC70] =	vst v63  }
0x12b: {  	_ =	swait.ge [sflag:s11], $0x28  }
0x12c: {  	[sflag:s11] =	ssyncset.done $0x0  }
0x12d: {  	s13 =	simm.s32 $0x78F0;
	s14 =	rddreg [dreg:$0x7];
	[sflag:s11] =	ssyncadd.s32 $0xFFFFFFD8  }
0x12e: {  	[tilespmem:s13], [sflag:$0x9] =	stream.linear.gather [hbm4b:s14+s9], $0x280, $0x38;
	[tilespmem:$0x1FC70] =	vst v63  }
0x12f: {  	_ =	swait.ge [sflag:s11], $0x280  }
0x130: {  	[sflag:s11] =	ssyncset.done $0x0  }
0x131: {  	[sflag:s11] =	ssyncadd.s32 $0xFFFFFD80  }
0x132: {  	[tilespmem:s2], [sflag:$0x9] =	stream.linear.gather [hbm4b:s21+s9], $0x28, $0x38;
	[tilespmem:$0x1FC70] =	vst v63  }
0x133: {  	_ =	swait.ge [sflag:s11], $0x28  }
0x134: {  	[sflag:s11] =	ssyncset.done $0x0  }
0x135: {  	[sflag:s11] =	ssyncadd.s32 $0xFFFFFFD8  }
0x136: {  	s17 =	simm.s32 $0xF0;
	s16 =	rddreg [dreg:$0x0]  }
0x137: {  	[tilespmem:s17], [sflag:$0x1] =	stream.indirect.gather [hbm4b:s16+s15], $0x80, s9, s15, $0xb8;
	[tilespmem:$0x1FC70] =	vst v63  }
0x138: {  	s18 =	simm.s32 $0x28F0  }
0x139: {  	[tilespmem:s18], [sflag:$0x1] =	stream.indirect.gather [hbm4b:s5+s15], $0x100, s25, s15, $0xb8;
	[tilespmem:$0x1FC70] =	vst v63  }
0x13a: {  	s19 =	rddreg [dreg:$0x8]  }
0x13b: {  	[tilespmem:s15], [sflag:$0x6] =	stream.linear.gather [hbm4b:s19+s9], $0x28, $0x38;
	[tilespmem:$0x1FC70] =	vst v63  }
0x13c: {  	s21 =	rddreg [dreg:$0x9]  }
0x13d: {  	[tilespmem:s20], [sflag:$0x6] =	stream.linear.gather [hbm4b:s21+s9], $0x28, $0x38;
	[tilespmem:$0x1FC70] =	vst v63  }
0x13e: {  	s24 =	rddreg [dreg:$0xa];
	s25 =	simm.s32 $0x7B70  }
0x13f: {  	[tilespmem:s25], [sflag:$0x6] =	stream.linear.gather [hbm4b:s24+s9], $0x280, $0x38;
	[tilespmem:$0x1FC70] =	vst v63  }
.LBB2_4:
0x140: {  	_ =	swait.ge [sflag:s22], $0x1400  }
0x141: {  	[sflag:s22] =	ssyncset.done $0x0  }
0x142: {  	[sflag:s22] =	ssyncadd.s32 $0xFFFFEC00  }
0x143: {  	_ =	swait.ge [sflag:s22], $0x2800  }
0x144: {  	[sflag:s22] =	ssyncset.done $0x0  }
0x145: {  	[sflag:s22] =	ssyncadd.s32 $0xFFFFD800  }
0x146: {  	_ =	swait.ge [sflag:s23], $0x28  }
0x147: {  	[sflag:s23] =	ssyncset.done $0x0  }
0x148: {  	[sflag:s23] =	ssyncadd.s32 $0xFFFFFFD8  }
0x149: {  	_ =	swait.ge [sflag:s23], $0x28  }
0x14a: {  	[sflag:s23] =	ssyncset.done $0x0  }
0x14b: {  	[sflag:s23] =	ssyncadd.s32 $0xFFFFFFD8  }
0x14c: {  	_ =	swait.ge [sflag:s23], $0x280  }
0x14d: {  	[sflag:s23] =	ssyncset.done $0x0  }
0x14e: {  	[sflag:s23] =	ssyncadd.s32 $0xFFFFFD80  }
0x14f: {  	s1 =	simm.s32 $0x14F0;
	p0 =	seq.s32 s9, $0x0;
	s0 =	rddreg [dreg:$0x0]  }
0x150: {  	[tilespmem:s1], [sflag:$0x2] =	stream.indirect.gather [hbm4b:s0+s15], $0x80, s15, s15, $0xb8;
	[tilespmem:$0x1FC70] =	vst v63  }
0x151: {  	s18 =	simm.s32 $0x50F0;
	s14 =	smul.u32 $0x50, s9;
	s0 =	simm.s32 @!p0 $0x4  }
0x152: {  	[tilespmem:s18], [sflag:$0x2] =	stream.indirect.gather [hbm4b:s5+s15], $0x100, s20, s15, $0xb8;
	[tilespmem:$0x1FC70] =	vst v63  }
0x153: {  	s19 =	sadd.s32 s14, s12;
	_ =	swait.ge @!p0 [sflag:s0], $0x1680  }
0x154: {  	s1 =	sshrl.u32 s19, $0x3;
	[sflag:s0] =	ssyncset.done @!p0 $0x0  }
0x155: {  	s24 =	simm.s32 $0x1F0;
	s21 =	sadd.s32 s7, s1;
	[sflag:s0] =	ssyncadd.s32 @!p0 $0xFFFFE980  }
0x156: {  	[tilespmem:s26], [sflag:$0x8] =	stream.linear.gather [hbm4b:s21+s3], $0x28, $0x38;
	[tilespmem:$0x1FC70] =	vst v63  }
0x157: {  	s17 =	simm.s32 $0x2AF0;
	v1 =	vld [tilespmem:s24+$0x80]  }
0x158: {  	v2 =	vld [tilespmem:s17+$0x100]  }
0x159: {  	v3 =	vld [tilespmem:s24+$0x90]  }
0x15a: {  	v4 =	vld [tilespmem:s17+$0x110]  }
0x15b: {  	v5 =	vld [tilespmem:s24+$0xA0]  }
0x15c: {  	v6 =	vld [tilespmem:s17+$0x120]  }
0x15d: {  	v7 =	vld [tilespmem:s24+$0xB0]  }
0x15e: {  	v8 =	vld [tilespmem:s17+$0x130]  }
0x15f: {  	v10 =	vld [tilespmem:s24+$0x0]  }
0x160: {  	v11 =	vld [tilespmem:s24+$0x10]  }
0x161: {  	v12 =	vld [tilespmem:s17+$0x10]  }
0x162: {  	v13 =	vld [tilespmem:s24+$0xFFFFFF00]  }
0x163: {  	v14 =	vld [tilespmem:s17+$0x180]  }
0x164: {  	v15 =	vld [tilespmem:s24+$0xFFFFFF20]  }
0x165: {  	v16 =	vld [tilespmem:s17+$0xFFFFFE20]  }
0x166: {  	v17 =	vld [tilespmem:s24+$0xFFFFFFA0]  }
0x167: {  	v18 =	vld [tilespmem:s17+$0xFFFFFF20]  }
0x168: {  	v19 =	vld [tilespmem:s24+$0x20]  }
0x169: {  	v20 =	vld [tilespmem:s17+$0x20]  }
0x16a: {  	v21 =	vld [tilespmem:s24+$0xFFFFFF30]  }
0x16b: {  	v22 =	vld [tilespmem:s17+$0xFFFFFE30]  }
0x16c: {  	v23 =	vld [tilespmem:s24+$0xFFFFFFB0]  }
0x16d: {  	v24 =	vld [tilespmem:s17+$0xFFFFFF30]  }
0x16e: {  	v25 =	vld [tilespmem:s24+$0x30]  }
0x16f: {  	v26 =	vld [tilespmem:s17+$0x30]  }
0x170: {  	v27 =	vld [tilespmem:s24+$0xFFFFFF40]  }
0x171: {  	v28 =	vld [tilespmem:s17+$0xFFFFFE40]  }
0x172: {  	v29 =	vld [tilespmem:s24+$0xFFFFFFC0]  }
0x173: {  	v30 =	vld [tilespmem:s17+$0xFFFFFF40]  }
0x174: {  	v31 =	vld [tilespmem:s24+$0x40]  }
0x175: {  	v32 =	vld [tilespmem:s17+$0x40]  }
0x176: {  	v33 =	vld [tilespmem:s24+$0xFFFFFF50]  }
0x177: {  	v34 =	vld [tilespmem:s17+$0xFFFFFE50]  }
0x178: {  	v35 =	vld [tilespmem:s24+$0xFFFFFFD0]  }
0x179: {  	v1 =	vmul.f32 v2, v1;
	v2 =	vmul.f32 v4, v3;
	v3 =	vld [tilespmem:s24+$0xC0]  }
0x17a: {  	v4 =	vld [tilespmem:s17+$0x140]  }
0x17b: {  	v1 =	vadd.f32 v2, v1;
	v2 =	vmul.f32 v6, v5;
	v5 =	vld [tilespmem:s24+$0xD0]  }
0x17c: {  	v6 =	vld [tilespmem:s17+$0x150]  }
0x17d: {  	v1 =	vadd.f32 v2, v1;
	v2 =	vmul.f32 v8, v7;
	v7 =	vld [tilespmem:s24+$0xE0]  }
0x17e: {  	v8 =	vld [tilespmem:s17+$0x160]  }
0x17f: {  	v1 =	vadd.f32 v2, v1;
	v2 =	vmul.f32 v4, v3;
	v3 =	vld [tilespmem:s24+$0xF0]  }
0x180: {  	v4 =	vld [tilespmem:s17+$0x170]  }
0x181: {  	v36 =	vld [tilespmem:s17+$0xFFFFFF50];
	v1 =	vadd.f32 v2, v1;
	v2 =	vmul.f32 v6, v5  }
0x182: {  	v37 =	vld [tilespmem:s24+$0x50]  }
0x183: {  	v38 =	vld [tilespmem:s17+$0x50];
	v1 =	vadd.f32 v2, v1;
	v2 =	vmul.f32 v8, v7  }
0x184: {  	v39 =	vld [tilespmem:s24+$0xFFFFFF60]  }
0x185: {  	s25 =	simm.s32 $0x7910;
	v40 =	vld [tilespmem:s17+$0xFFFFFE60];
	v1 =	vadd.f32 v2, v1;
	v2 =	vmul.f32 v4, v3  }
0x186: {  	v3 =	vld [tilespmem:s25+$0x10]  }
0x187: {  	v41 =	vld [tilespmem:s24+$0xFFFFFFE0];
	v1 =	vadd.f32 v2, v1  }
0x188: {  	s19 =	simm.s32 $0x2EF0;
	v42 =	vld [tilespmem:s17+$0xFFFFFF60]  }
0x189: {  	s1 =	simm.s32 $0x3F0;
	v56 =	vld [tilespmem:s19+$0xFFFFFF10];
	v1 =	vmul.f32 $3.535533850e-01, v1  }
0x18a: {  	v57 =	vld [tilespmem:s1+$0xFFFFFF00]  }
0x18b: {  	v58 =	vld [tilespmem:s1+$0xFFFFFF20];
	v1 =	vadd.f32 v1, v3  }
0x18c: {  	v59 =	vld [tilespmem:s19+$0xFFFFFE20]  }
0x18d: {  	v60 =	vld [tilespmem:s1+$0xFFFFFFA0];
	v1 =	vmul.f32 $1.442695020e+00, v1  }
0x18e: {  	v61 =	vld [tilespmem:s19+$0xFFFFFF20]  }
0x18f: {  	v62 =	vld [tilespmem:s1+$0xFFFFFF30];
	(erf) = vpow2.f32 v1  }
0x190: {  	v63 =	vld [tilespmem:s19+$0xFFFFFE30]  }
0x191: {  	v44 =	vld [tilespmem:s1+$0xFFFFFFB0]  }
0x192: {  	v45 =	vld [tilespmem:s19+$0xFFFFFF30]  }
0x193: {  	v46 =	vld [tilespmem:s1+$0xFFFFFF40]  }
0x194: {  	v47 =	vld [tilespmem:s19+$0xFFFFFE40]  }
0x195: {  	v48 =	vld [tilespmem:s1+$0xFFFFFFC0]  }
0x196: {  	v49 =	vld [tilespmem:s19+$0xFFFFFF40]  }
0x197: {  	v50 =	vld [tilespmem:s1+$0xFFFFFF50]  }
0x198: {  	v51 =	vld [tilespmem:s19+$0xFFFFFE50];
	v9 =	vpop (erf)  }
0x199: {  	v52 =	vld [tilespmem:s1+$0xFFFFFFD0];
	v14 =	vmul.f32 v9, v14  }
0x19a: {  	s16 =	simm.s32 $0x7F10;
	v53 =	vld [tilespmem:s19+$0xFFFFFE60]  }
0x19b: {  	v54 =	vld [tilespmem:s1+$0xFFFFFFE0];
	[tilespmem:s16+$0x90] =	vst v14  }
0x19c: {  	v14 =	vld [tilespmem:s17+$0x190]  }
0x19d: {  	v55 =	vld [tilespmem:s19+$0xFFFFFF60]  }
0x19e: {  	v5 =	vld [tilespmem:s17+$0xFFFFFE10]  }
0x19f: {  	v6 =	vld [tilespmem:s24+$0xFFFFFF80]  }
0x1a0: {  	v4 =	vld [tilespmem:s24+$0xFFFFFF10]  }
0x1a1: {  	v2 =	vld [tilespmem:s17+$0xFFFFFE00];
	v14 =	vmul.f32 v9, v14  }
0x1a2: {  	v7 =	vld [tilespmem:s24+$0xFFFFFF90]  }
0x1a3: {  	v8 =	vld [tilespmem:s17+$0xFFFFFF10];
	[tilespmem:s16+$0xA0] =	vst v14  }
0x1a4: {  	v14 =	vld [tilespmem:s17+$0x1A0]  }
0x1a5: {  	v3 =	vld [tilespmem:s17+$0xFFFFFF00]  }
0x1a6: {  	v43 =	vld [tilespmem:s19+$0x60];
	v4 =	vmul.f32 v5, v4;
	v2 =	vmul.f32 v2, v13  }
0x1a7: {  	v13 =	vld [tilespmem:s24+$0xFFFFFFF0]  }
0x1a8: {  	v2 =	vadd.f32 v4, v2;
	v4 =	vmul.f32 v16, v15;
	v15 =	vld [tilespmem:s24+$0x70]  }
0x1a9: {  	v1 =	vld [tilespmem:s17+$0x0];
	v14 =	vmul.f32 v9, v14  }
0x1aa: {  	v3 =	vmul.f32 v3, v6;
	v6 =	vmul.f32 v8, v7;
	v7 =	vld [tilespmem:s24+$0x60]  }
0x1ab: {  	v8 =	vmul.f32 v12, v11;
	v12 =	vld [tilespmem:s17+$0xFFFFFE70];
	[tilespmem:s16+$0xB0] =	vst v14  }
0x1ac: {  	v14 =	vld [tilespmem:s17+$0x1B0]  }
0x1ad: {  	v11 =	vmul.f32 v20, v19;
	v19 =	vld [tilespmem:s17+$0xFFFFFE80]  }
0x1ae: {  	v20 =	vld [tilespmem:s1+$0x20]  }
0x1af: {  	v2 =	vadd.f32 v4, v2;
	v4 =	vmul.f32 v22, v21;
	v21 =	vld [tilespmem:s19+$0x20]  }
0x1b0: {  	v22 =	vld [tilespmem:s1+$0x30]  }
0x1b1: {  	v3 =	vadd.f32 v6, v3;
	v6 =	vld [tilespmem:s24+$0xFFFFFF70];
	s24 =	simm.s32 $0x32F0;
	v14 =	vmul.f32 v14, v9  }
0x1b2: {  	v2 =	vadd.f32 v4, v2;
	v4 =	vmul.f32 v26, v25;
	v26 =	vld [tilespmem:s24+$0xFFFFFE00]  }
0x1b3: {  	v16 =	vmul.f32 v36, v35;
	v35 =	vld [tilespmem:s24+$0x20];
	[tilespmem:s16+$0xC0] =	vst v14  }
0x1b4: {  	v1 =	vmul.f32 v1, v10;
	v5 =	vld [tilespmem:s17+$0x1C0]  }
0x1b5: {  	v10 =	vld [tilespmem:s17+$0x60]  }
0x1b6: {  	v1 =	vadd.f32 v8, v1;
	v8 =	vmul.f32 v18, v17;
	v17 =	vld [tilespmem:s25+$0xFFFFFFE0]  }
0x1b7: {  	v18 =	vld [tilespmem:s25+$0xFFFFFFF0]  }
0x1b8: {  	v6 =	vmul.f32 v12, v6;
	v12 =	vld [tilespmem:s1+$0xA0];
	v3 =	vadd.f32 v8, v3  }
0x1b9: {  	v1 =	vadd.f32 v11, v1;
	v8 =	vmul.f32 v24, v23;
	v11 =	vld [tilespmem:s17+$0xFFFFFF70];
	v5 =	vmul.f32 v5, v9  }
0x1ba: {  	s10 =	simm.s32 $0x5F0;
	v23 =	vld [tilespmem:s1+$0xFFFFFF90]  }
0x1bb: {  	v24 =	vld [tilespmem:s10+$0x0];
	v3 =	vadd.f32 v8, v3;
	v14 =	vmul.f32 v28, v27;
	[tilespmem:s16+$0xD0] =	vst v5;
	v5 =	vmul.f32 v30, v29  }
0x1bc: {  	s18 =	simm.s32 $0x7F0;
	v1 =	vadd.f32 v4, v1;
	v4 =	vmul.f32 v32, v31;
	v32 =	vld [tilespmem:s10+$0xFFFFFFA0]  }
0x1bd: {  	v31 =	vld [tilespmem:s18+$0xFFFFFF80];
	v2 =	vadd.f32 v14, v2;
	v3 =	vadd.f32 v5, v3;
	v5 =	vmul.f32 v34, v33  }
0x1be: {  	v1 =	vadd.f32 v4, v1;
	v4 =	vmul.f32 v38, v37;
	v37 =	vld [tilespmem:s10+$0xFFFFFF30]  }
0x1bf: {  	v14 =	vld [tilespmem:s17+$0x70];
	v2 =	vadd.f32 v5, v2;
	v5 =	vmul.f32 v40, v39  }
0x1c0: {  	v1 =	vadd.f32 v4, v1;
	v4 =	vmul.f32 v42, v41;
	v8 =	vld [tilespmem:s17+$0x1D0];
	v3 =	vadd.f32 v16, v3  }
0x1c1: {  	v38 =	vld [tilespmem:s24+$0xFFFFFE30];
	v2 =	vadd.f32 v5, v2  }
0x1c2: {  	v42 =	vld [tilespmem:s1+$0x60];
	v5 =	vmul.f32 v10, v7;
	v3 =	vadd.f32 v4, v3;
	v4 =	vmul.f32 v11, v13  }
0x1c3: {  	v16 =	vld [tilespmem:s25+$0x0];
	v2 =	vadd.f32 v6, v2  }
0x1c4: {  	v10 =	vld [tilespmem:s19+$0x110];
	v1 =	vadd.f32 v5, v1;
	v5 =	vmul.f32 v14, v15;
	v3 =	vadd.f32 v4, v3  }
0x1c5: {  	v8 =	vmul.f32 v8, v9;
	v4 =	vld [tilespmem:s1+$0x80];
	v2 =	vmul.f32 $3.535533850e-01, v2  }
0x1c6: {  	v1 =	vadd.f32 v5, v1;
	v5 =	vld [tilespmem:s19+$0x100];
	v3 =	vmul.f32 $3.535533850e-01, v3  }
0x1c7: {  	[tilespmem:s16+$0xE0] =	vst v8;
	v8 =	vld [tilespmem:s1+$0x90];
	v2 =	vadd.f32 v2, v17  }
0x1c8: {  	v37 =	vmul.f32 v38, v37;
	v38 =	vld [tilespmem:s10+$0x60];
	v1 =	vmul.f32 $3.535533850e-01, v1;
	v3 =	vadd.f32 v3, v18  }
0x1c9: {  	v13 =	vld [tilespmem:s19+$0x120];
	v2 =	vmul.f32 $1.442695020e+00, v2  }
0x1ca: {  	v14 =	vld [tilespmem:s1+$0xB0];
	v1 =	vadd.f32 v1, v16;
	v3 =	vmul.f32 $1.442695020e+00, v3  }
0x1cb: {  	v4 =	vmul.f32 v5, v4;
	(erf) = vpow2.f32 v2;
	v2 =	vld [tilespmem:s19+$0x130]  }
0x1cc: {  	v5 =	vmul.f32 v10, v8;
	v8 =	vld [tilespmem:s1+$0xC0];
	v1 =	vmul.f32 $1.442695020e+00, v1  }
0x1cd: {  	(erf) = vpow2.f32 v3;
	v3 =	vld [tilespmem:s19+$0x140]  }
0x1ce: {  	(erf) = vpow2.f32 v1;
	v1 =	vadd.f32 v5, v4;
	v4 =	vmul.f32 v13, v12;
	v5 =	vld [tilespmem:s1+$0xD0]  }
0x1cf: {  	v12 =	vld [tilespmem:s19+$0x150]  }
0x1d0: {  	v13 =	vld [tilespmem:s19+$0x160];
	v1 =	vadd.f32 v4, v1;
	v2 =	vmul.f32 v2, v14  }
0x1d1: {  	v4 =	vld [tilespmem:s1+$0xE0]  }
0x1d2: {  	v1 =	vadd.f32 v2, v1;
	v2 =	vmul.f32 v3, v8;
	v3 =	vld [tilespmem:s1+$0xF0]  }
0x1d3: {  	v8 =	vld [tilespmem:s19+$0x170]  }
0x1d4: {  	v27 =	vld [tilespmem:s24+$0x0];
	v5 =	vmul.f32 v12, v5;
	v1 =	vadd.f32 v2, v1  }
0x1d5: {  	v28 =	vld [tilespmem:s10+$0x10]  }
0x1d6: {  	v29 =	vld [tilespmem:s18+$0xFFFFFF10];
	v4 =	vmul.f32 v13, v4;
	v5 =	vadd.f32 v5, v1  }
0x1d7: {  	v33 =	vld [tilespmem:s24+$0xFFFFFF20]  }
0x1d8: {  	s2 =	simm.s32 $0x7950;
	v34 =	vld [tilespmem:s10+$0x20];
	v3 =	vmul.f32 v8, v3;
	v4 =	vadd.f32 v4, v5  }
0x1d9: {  	v5 =	vld [tilespmem:s2+$0x10]  }
0x1da: {  	v39 =	vld [tilespmem:s10+$0xFFFFFFB0];
	v3 =	vadd.f32 v3, v4  }
0x1db: {  	v7 =	vld [tilespmem:s17+$0xFFFFFF80]  }
0x1dc: {  	v11 =	vld [tilespmem:s17+$0x80];
	v3 =	vmul.f32 $3.535533850e-01, v3  }
0x1dd: {  	v17 =	vld [tilespmem:s19+$0xFFFFFF00]  }
0x1de: {  	s13 =	simm.s32 $0x7990;
	v16 =	vld [tilespmem:s1+$0xFFFFFF80];
	v3 =	vadd.f32 v3, v5  }
0x1df: {  	v40 =	vmul.f32 v35, v34;
	v35 =	vld [tilespmem:s13+$0x0]  }
0x1e0: {  	v15 =	vld [tilespmem:s19+$0x0];
	v10 =	vpop (erf);
	v3 =	vmul.f32 $1.442695020e+00, v3  }
0x1e1: {  	v6 =	vld [tilespmem:s17+$0x1E0];
	v2 =	vpop (erf)  }
0x1e2: {  	v18 =	vld [tilespmem:s1+$0x10];
	v1 =	vpop (erf);
	(erf) = vpow2.f32 v3  }
0x1e3: {  	v16 =	vmul.f32 v17, v16;
	v17 =	vmul.f32 v56, v23;
	v23 =	vld [tilespmem:s1+$0xFFFFFF60]  }
0x1e4: {  	v56 =	vld [tilespmem:s1+$0xFFFFFF70]  }
0x1e5: {  	v14 =	vld [tilespmem:s19+$0xFFFFFE10]  }
0x1e6: {  	v16 =	vadd.f32 v17, v16;
	v17 =	vmul.f32 v61, v60;
	v60 =	vld [tilespmem:s2+$0xFFFFFFE0]  }
0x1e7: {  	v3 =	vld [tilespmem:s19+$0x180]  }
0x1e8: {  	v61 =	vld [tilespmem:s19+$0x40]  }
0x1e9: {  	v16 =	vadd.f32 v17, v16;
	v17 =	vmul.f32 v45, v44;
	v44 =	vld [tilespmem:s1+$0x70]  }
0x1ea: {  	v6 =	vmul.f32 v6, v9;
	v45 =	vld [tilespmem:s19+$0x70]  }
0x1eb: {  	v16 =	vadd.f32 v17, v16;
	v17 =	vmul.f32 v49, v48;
	v49 =	vld [tilespmem:s10+$0x80];
	v12 =	vmul.f32 v10, v19;
	v13 =	vpop (erf)  }
0x1ec: {  	[tilespmem:s16+$0xF0] =	vst v6;
	v19 =	vld [tilespmem:s19+$0x10];
	v3 =	vmul.f32 v13, v3  }
0x1ed: {  	s21 =	simm.s32 $0x8150;
	v16 =	vadd.f32 v17, v16;
	v17 =	vld [tilespmem:s19+$0xFFFFFF70];
	[tilespmem:s16+$0xFFFFFEE0] =	vst v12;
	v6 =	vmul.f32 v2, v7  }
0x1ee: {  	v12 =	vld [tilespmem:s17+$0x1F0];
	[tilespmem:s21+$0x90] =	vst v3  }
0x1ef: {  	v11 =	vmul.f32 v1, v11;
	[tilespmem:s16+$0xFFFFFF70] =	vst v6;
	v3 =	vld [tilespmem:s19+$0x190]  }
0x1f0: {  	v6 =	vld [tilespmem:s17+$0xFFFFFF90]  }
0x1f1: {  	[tilespmem:s16+$0x0] =	vst v11;
	v11 =	vld [tilespmem:s1+$0xFFFFFF10]  }
0x1f2: {  	v4 =	vld [tilespmem:s17+$0x90]  }
0x1f3: {  	v8 =	vld [tilespmem:s19+$0xFFFFFE00]  }
0x1f4: {  	v7 =	vld [tilespmem:s17+$0xFFFFFE90];
	v3 =	vmul.f32 v13, v3  }
0x1f5: {  	v5 =	vld [tilespmem:s1+$0x0]  }
0x1f6: {  	v6 =	vmul.f32 v2, v6;
	v11 =	vmul.f32 v14, v11;
	v14 =	vld [tilespmem:s19+$0xFFFFFF50];
	[tilespmem:s21+$0xA0] =	vst v3  }
0x1f7: {  	v4 =	vmul.f32 v1, v4;
	v3 =	vld [tilespmem:s19+$0x1A0]  }
0x1f8: {  	v8 =	vmul.f32 v8, v57;
	v57 =	vld [tilespmem:s19+$0xFFFFFE70];
	[tilespmem:s16+$0xFFFFFF80] =	vst v6  }
0x1f9: {  	[tilespmem:s16+$0x10] =	vst v4;
	v4 =	vld [tilespmem:s17+$0xFFFFFFA0]  }
0x1fa: {  	v5 =	vmul.f32 v15, v5;
	v15 =	vmul.f32 v19, v18;
	v18 =	vld [tilespmem:s24+$0x130]  }
0x1fb: {  	v14 =	vmul.f32 v14, v52;
	v52 =	vld [tilespmem:s24+$0x110]  }
0x1fc: {  	v5 =	vadd.f32 v15, v5;
	v15 =	vmul.f32 v21, v20;
	v20 =	vld [tilespmem:s24+$0x140];
	v3 =	vmul.f32 v13, v3  }
0x1fd: {  	v14 =	vadd.f32 v14, v16;
	v16 =	vmul.f32 v57, v56;
	v57 =	vld [tilespmem:s10+$0xC0]  }
0x1fe: {  	[tilespmem:s21+$0xB0] =	vst v3;
	v3 =	vadd.f32 v11, v8;
	v8 =	vmul.f32 v59, v58;
	v58 =	vld [tilespmem:s1+$0xFFFFFFF0]  }
0x1ff: {  	v59 =	vld [tilespmem:s1+$0x40]  }
0x200: {  	v11 =	vld [tilespmem:s19+$0x1B0];
	v3 =	vadd.f32 v8, v3;
	v8 =	vmul.f32 v63, v62  }
0x201: {  	v62 =	vld [tilespmem:s1+$0x50]  }
0x202: {  	v63 =	vld [tilespmem:s19+$0x50];
	v3 =	vadd.f32 v8, v3;
	v8 =	vmul.f32 v47, v46  }
0x203: {  	v47 =	vld [tilespmem:s2+$0x0]  }
0x204: {  	v3 =	vadd.f32 v8, v3;
	v8 =	vmul.f32 v51, v50;
	v50 =	vld [tilespmem:s24+$0x100]  }
0x205: {  	v11 =	vmul.f32 v11, v13;
	v51 =	vld [tilespmem:s10+$0x90]  }
0x206: {  	v3 =	vadd.f32 v8, v3;
	v8 =	vmul.f32 v53, v23;
	v23 =	vld [tilespmem:s19+$0x30]  }
0x207: {  	[tilespmem:s21+$0xC0] =	vst v11;
	v53 =	vld [tilespmem:s10+$0xA0]  }
0x208: {  	v11 =	vld [tilespmem:s19+$0x1C0]  }
0x209: {  	v3 =	vadd.f32 v8, v3;
	v8 =	vmul.f32 v55, v54;
	v54 =	vld [tilespmem:s24+$0x120]  }
0x20a: {  	v55 =	vld [tilespmem:s10+$0xB0]  }
0x20b: {  	v19 =	vmul.f32 v50, v49;
	v49 =	vld [tilespmem:s10+$0xFFFFFF50]  }
0x20c: {  	v50 =	vld [tilespmem:s24+$0xFFFFFE50]  }
0x20d: {  	v56 =	vmul.f32 v52, v51;
	v51 =	vld [tilespmem:s10+$0xFFFFFFD0]  }
0x20e: {  	v52 =	vld [tilespmem:s24+$0xFFFFFF50]  }
0x20f: {  	v3 =	vadd.f32 v16, v3;
	v16 =	vld [tilespmem:s2+$0xFFFFFFF0]  }
0x210: {  	v8 =	vadd.f32 v8, v14;
	v14 =	vmul.f32 v17, v58;
	v17 =	vld [tilespmem:s19+$0x80]  }
0x211: {  	v58 =	vld [tilespmem:s10+$0xD0]  }
0x212: {  	v5 =	vadd.f32 v15, v5;
	v15 =	vmul.f32 v23, v22;
	v22 =	vld [tilespmem:s24+$0x150]  }
0x213: {  	v23 =	vld [tilespmem:s24+$0x160]  }
0x214: {  	v19 =	vadd.f32 v56, v19;
	v56 =	vld [tilespmem:s24+$0x180]  }
0x215: {  	v11 =	vmul.f32 v11, v13;
	v5 =	vadd.f32 v15, v5;
	v15 =	vmul.f32 v61, v59;
	v59 =	vld [tilespmem:s24+$0x170]  }
0x216: {  	v3 =	vmul.f32 $3.535533850e-01, v3;
	v21 =	vmul.f32 v54, v53;
	v61 =	vld [tilespmem:s10+$0xFFFFFF00]  }
0x217: {  	v7 =	vmul.f32 v10, v7;
	v8 =	vadd.f32 v14, v8;
	v53 =	vld [tilespmem:s10+$0x50];
	[tilespmem:s21+$0xD0] =	vst v11  }
0x218: {  	v18 =	vmul.f32 v18, v55;
	v3 =	vadd.f32 v3, v60;
	v11 =	vld [tilespmem:s19+$0x1D0];
	v19 =	vadd.f32 v21, v19  }
0x219: {  	v8 =	vmul.f32 $3.535533850e-01, v8;
	v21 =	vld [tilespmem:s10+$0xE0];
	v5 =	vadd.f32 v15, v5;
	v15 =	vmul.f32 v63, v62  }
0x21a: {  	v54 =	vld [tilespmem:s24+$0x50];
	v49 =	vmul.f32 v50, v49;
	v18 =	vadd.f32 v18, v19;
	v19 =	vmul.f32 v20, v57  }
0x21b: {  	[tilespmem:s16+$0xFFFFFEF0] =	vst v7;
	v7 =	vadd.f32 v8, v16;
	v20 =	vld [tilespmem:s10+$0xF0];
	v5 =	vadd.f32 v15, v5;
	v15 =	vmul.f32 v43, v42  }
0x21c: {  	v55 =	vld [tilespmem:s10+$0xFFFFFF60];
	v3 =	vmul.f32 $1.442695020e+00, v3;
	v18 =	vadd.f32 v19, v18;
	v19 =	vmul.f32 v22, v58  }
0x21d: {  	v60 =	vld [tilespmem:s24+$0xFFFFFE10];
	v6 =	vmul.f32 $1.442695020e+00, v7;
	v5 =	vadd.f32 v15, v5;
	v15 =	vmul.f32 v45, v44  }
0x21e: {  	v50 =	vld [tilespmem:s10+$0xFFFFFFF0];
	v7 =	vmul.f32 v11, v13;
	v18 =	vadd.f32 v19, v18;
	v19 =	vmul.f32 v23, v21  }
0x21f: {  	(erf) = vpow2.f32 v3;
	v3 =	vld [tilespmem:s17+$0xA0]  }
0x220: {  	v5 =	vadd.f32 v15, v5;
	v15 =	vld [tilespmem:s13+$0x10];
	[tilespmem:s21+$0xE0] =	vst v7;
	v18 =	vadd.f32 v19, v18;
	v19 =	vmul.f32 v59, v20  }
0x221: {  	(erf) = vpow2.f32 v6;
	v7 =	vld [tilespmem:s19+$0x1E0]  }
0x222: {  	v4 =	vmul.f32 v2, v4;
	v62 =	vld [tilespmem:s10+$0xFFFFFF20];
	v18 =	vadd.f32 v19, v18  }
0x223: {  	v63 =	vld [tilespmem:s24+$0xFFFFFE20];
	v5 =	vmul.f32 $3.535533850e-01, v5  }
0x224: {  	[tilespmem:s16+$0xFFFFFF90] =	vst v4;
	v8 =	vld [tilespmem:s17+$0xFFFFFEA0];
	v3 =	vmul.f32 v1, v3;
	v18 =	vmul.f32 $3.535533850e-01, v18  }
0x225: {  	v16 =	vld [tilespmem:s17+$0xFFFFFFB0];
	v5 =	vadd.f32 v5, v47  }
0x226: {  	v57 =	vld [tilespmem:s24+$0xFFFFFF30];
	[tilespmem:s16+$0x20] =	vst v3;
	v3 =	vmul.f32 v7, v13;
	v15 =	vadd.f32 v18, v15  }
0x227: {  	v43 =	vld [tilespmem:s10+$0xFFFFFF40];
	v5 =	vmul.f32 $1.442695020e+00, v5  }
0x228: {  	v42 =	vld [tilespmem:s18+$0xB0];
	v15 =	vmul.f32 $1.442695020e+00, v15  }
0x229: {  	v22 =	vld [tilespmem:s10+$0xFFFFFF10];
	v4 =	vpop (erf);
	(erf) = vpow2.f32 v5  }
0x22a: {  	v58 =	vld [tilespmem:s10+$0x30];
	[tilespmem:s21+$0xF0] =	vst v3;
	v3 =	vpop (erf);
	(erf) = vpow2.f32 v15  }
0x22b: {  	v44 =	vld [tilespmem:s24+$0xFFFFFE40]  }
0x22c: {  	v45 =	vld [tilespmem:s10+$0xFFFFFFC0]  }
0x22d: {  	v11 =	vld [tilespmem:s19+$0xFFFFFF80]  }
0x22e: {  	v6 =	vmul.f32 v10, v8;
	v8 =	vld [tilespmem:s19+$0xFFFFFE80]  }
0x22f: {  	v21 =	vld [tilespmem:s10+$0xFFFFFF80]  }
0x230: {  	v23 =	vld [tilespmem:s24+$0xFFFFFF00]  }
0x231: {  	v48 =	vmul.f32 v16, v2;
	v20 =	vld [tilespmem:s10+$0xFFFFFF90]  }
0x232: {  	[tilespmem:s16+$0xFFFFFF00] =	vst v6;
	v59 =	vld [tilespmem:s24+$0x30];
	v5 =	vpop (erf)  }
0x233: {  	[tilespmem:s16+$0xFFFFFFA0] =	vst v48;
	v48 =	vld [tilespmem:s24+$0x40];
	v15 =	vpop (erf)  }
0x234: {  	v6 =	vld [tilespmem:s17+$0xFFFFFEB0];
	v36 =	vmul.f32 v15, v56  }
0x235: {  	s25 =	simm.s32 $0x8390;
	v22 =	vmul.f32 v60, v22;
	v60 =	vmul.f32 v26, v61;
	v61 =	vld [tilespmem:s24+$0xFFFFFE60]  }
0x236: {  	v43 =	vmul.f32 v44, v43;
	v44 =	vld [tilespmem:s10+$0xFFFFFF70];
	[tilespmem:s25+$0x90] =	vst v36  }
0x237: {  	v36 =	vld [tilespmem:s24+$0x190]  }
0x238: {  	v19 =	vld [tilespmem:s24+$0xFFFFFF10]  }
0x239: {  	v62 =	vmul.f32 v63, v62;
	v47 =	vld [tilespmem:s10+$0x40];
	v22 =	vadd.f32 v22, v60  }
0x23a: {  	v46 =	vld [tilespmem:s17+$0xB0]  }
0x23b: {  	v22 =	vadd.f32 v62, v22;
	v62 =	vld [tilespmem:s13+$0xFFFFFFE0]  }
0x23c: {  	v18 =	vld [tilespmem:s24+$0x10];
	v36 =	vmul.f32 v15, v36  }
0x23d: {  	v19 =	vmul.f32 v19, v20;
	v20 =	vld [tilespmem:s10+$0xFFFFFFE0]  }
0x23e: {  	v6 =	vmul.f32 v6, v10;
	v14 =	vld [tilespmem:s19+$0x1F0];
	[tilespmem:s25+$0xA0] =	vst v36  }
0x23f: {  	v7 =	vmul.f32 v4, v8;
	v36 =	vld [tilespmem:s24+$0x1A0]  }
0x240: {  	v21 =	vmul.f32 v23, v21;
	[tilespmem:s16+$0xFFFFFF10] =	vst v6;
	v6 =	vmul.f32 v46, v1;
	v46 =	vld [tilespmem:s24+$0xFFFFFF40]  }
0x241: {  	[tilespmem:s21+$0xFFFFFEE0] =	vst v7;
	v8 =	vld [tilespmem:s17+$0xFFFFFEC0]  }
0x242: {  	v19 =	vadd.f32 v19, v21;
	v21 =	vmul.f32 v33, v32;
	v7 =	vmul.f32 v3, v11;
	v11 =	vld [tilespmem:s19+$0xFFFFFE90];
	[tilespmem:s16+$0x30] =	vst v6  }
0x243: {  	v6 =	vld [tilespmem:s17+$0xC0]  }
0x244: {  	v19 =	vadd.f32 v21, v19;
	v21 =	vmul.f32 v57, v39;
	v57 =	vld [tilespmem:s24+$0xFFFFFF70];
	v36 =	vmul.f32 v15, v36  }
0x245: {  	v23 =	vmul.f32 v27, v24;
	v18 =	vmul.f32 v18, v28;
	v28 =	vld [tilespmem:s18+$0xFFFFFF90]  }
0x246: {  	v22 =	vadd.f32 v37, v22;
	v19 =	vadd.f32 v21, v19;
	v21 =	vmul.f32 v46, v45;
	v46 =	vld [tilespmem:s24+$0xFFFFFE70];
	[tilespmem:s25+$0xB0] =	vst v36  }
0x247: {  	v63 =	vld [tilespmem:s24+$0x1B0]  }
0x248: {  	v22 =	vadd.f32 v43, v22;
	v18 =	vadd.f32 v18, v23;
	v36 =	vld [tilespmem:s24+$0xFFFFFF60]  }
0x249: {  	[tilespmem:s21+$0xFFFFFF70] =	vst v7;
	v7 =	vld [tilespmem:s17+$0xFFFFFFC0];
	v19 =	vadd.f32 v21, v19;
	v21 =	vmul.f32 v52, v51  }
0x24a: {  	v22 =	vadd.f32 v49, v22;
	v16 =	vld [tilespmem:s19+$0xFFFFFF90];
	v18 =	vadd.f32 v40, v18;
	v56 =	vmul.f32 v59, v58  }
0x24b: {  	v23 =	vld [tilespmem:s24+$0x60];
	v17 =	vmul.f32 v5, v17;
	v19 =	vadd.f32 v21, v19;
	v58 =	vmul.f32 v61, v55  }
0x24c: {  	v45 =	vld [tilespmem:s18+$0xC0];
	v59 =	vmul.f32 v48, v47;
	v18 =	vadd.f32 v56, v18;
	v25 =	vmul.f32 v63, v15  }
0x24d: {  	v21 =	vld [tilespmem:s10+$0x70];
	v60 =	vmul.f32 v46, v44;
	[tilespmem:s21+$0x0] =	vst v17;
	v22 =	vadd.f32 v58, v22;
	v20 =	vmul.f32 v36, v20  }
0x24e: {  	v11 =	vmul.f32 v4, v11;
	v61 =	vld [tilespmem:s24+$0x70];
	v17 =	vadd.f32 v59, v18;
	[tilespmem:s25+$0xC0] =	vst v25  }
0x24f: {  	v18 =	vmul.f32 v54, v53;
	v19 =	vadd.f32 v20, v19;
	v20 =	vadd.f32 v60, v22;
	v25 =	vld [tilespmem:s24+$0x1C0]  }
0x250: {  	v7 =	vmul.f32 v7, v2;
	v63 =	vld [tilespmem:s19+$0x90];
	v22 =	vmul.f32 v57, v50  }
0x251: {  	v17 =	vadd.f32 v18, v17;
	v18 =	vmul.f32 v23, v38;
	v23 =	vld [tilespmem:s13+$0xFFFFFFF0];
	v20 =	vmul.f32 $3.535533850e-01, v20  }
0x252: {  	v40 =	vld [tilespmem:s18+$0xA0];
	v6 =	vmul.f32 v6, v1;
	[tilespmem:s21+$0xFFFFFEF0] =	vst v11;
	v16 =	vmul.f32 v3, v16;
	v19 =	vadd.f32 v22, v19  }
0x253: {  	v51 =	vld [tilespmem:s18+$0xE0];
	[tilespmem:s16+$0xFFFFFFB0] =	vst v7;
	v21 =	vmul.f32 v61, v21;
	v17 =	vadd.f32 v18, v17;
	v20 =	vadd.f32 v20, v62  }
0x254: {  	[tilespmem:s16+$0x40] =	vst v6;
	v6 =	vld [tilespmem:s17+$0xFFFFFFD0];
	v19 =	vmul.f32 $3.535533850e-01, v19;
	v34 =	vmul.f32 v25, v15  }
0x255: {  	[tilespmem:s21+$0xFFFFFF80] =	vst v16;
	v17 =	vadd.f32 v21, v17;
	v11 =	vmul.f32 v5, v63;
	v16 =	vmul.f32 $1.442695020e+00, v20;
	v20 =	vld [tilespmem:s19+$0xFFFFFEA0]  }
0x256: {  	v8 =	vmul.f32 v8, v10;
	v48 =	vld [tilespmem:s18+$0xD0];
	v19 =	vadd.f32 v19, v23;
	[tilespmem:s25+$0xD0] =	vst v34  }
0x257: {  	[tilespmem:s21+$0x10] =	vst v11;
	v11 =	vmul.f32 $3.535533850e-01, v17;
	v22 =	vld [tilespmem:s24+$0x1D0]  }
0x258: {  	[tilespmem:s16+$0xFFFFFF20] =	vst v8;
	s10 =	simm.s32 $0x79D0;
	v54 =	vld [tilespmem:s18+$0xF0];
	v8 =	vmul.f32 $1.442695020e+00, v19  }
0x259: {  	v59 =	vld [tilespmem:s10+$0x10];
	(erf) = vpow2.f32 v16;
	v7 =	vadd.f32 v11, v35  }
0x25a: {  	v16 =	vld [tilespmem:s19+$0xA0];
	(erf) = vpow2.f32 v8;
	v8 =	vmul.f32 v4, v20  }
0x25b: {  	s13 =	simm.s32 $0x36F0;
	v38 =	vld [tilespmem:s18+$0x90];
	v7 =	vmul.f32 $1.442695020e+00, v7  }
0x25c: {  	v37 =	vld [tilespmem:s13+$0x100];
	[tilespmem:s21+$0xFFFFFF00] =	vst v8;
	v11 =	vmul.f32 v22, v15  }
0x25d: {  	(erf) = vpow2.f32 v7;
	v8 =	vld [tilespmem:s19+$0xFFFFFEB0]  }
0x25e: {  	[tilespmem:s25+$0xE0] =	vst v11;
	v11 =	vld [tilespmem:s17+$0xD0]  }
0x25f: {  	v39 =	vld [tilespmem:s13+$0x110];
	v7 =	vmul.f32 v5, v16  }
0x260: {  	v6 =	vmul.f32 v6, v2;
	v36 =	vld [tilespmem:s24+$0xFFFFFF80]  }
0x261: {  	v41 =	vld [tilespmem:s13+$0x120]  }
0x262: {  	v21 =	vld [tilespmem:s24+$0x80];
	v8 =	vmul.f32 v8, v4  }
0x263: {  	v43 =	vld [tilespmem:s13+$0x130];
	[tilespmem:s21+$0x20] =	vst v7;
	v7 =	vpop (erf);
	v11 =	vmul.f32 v11, v1  }
0x264: {  	[tilespmem:s16+$0xFFFFFFC0] =	vst v6;
	v46 =	vld [tilespmem:s13+$0x140];
	v6 =	vpop (erf)  }
0x265: {  	v49 =	vld [tilespmem:s13+$0x150];
	[tilespmem:s16+$0x50] =	vst v11;
	v11 =	vmul.f32 v6, v36  }
0x266: {  	v52 =	vld [tilespmem:s13+$0x160];
	[tilespmem:s21+$0xFFFFFF10] =	vst v8;
	v8 =	vpop (erf)  }
0x267: {  	v55 =	vld [tilespmem:s13+$0x170];
	[tilespmem:s25+$0xFFFFFF70] =	vst v11;
	v11 =	vmul.f32 v8, v21  }
0x268: {  	v33 =	vld [tilespmem:s13+$0xFFFFFE00]  }
0x269: {  	[tilespmem:s25+$0x0] =	vst v11;
	v11 =	vld [tilespmem:s18+$0x80]  }
0x26a: {  	v30 =	vld [tilespmem:s13+$0xFFFFFE10]  }
0x26b: {  	v32 =	vld [tilespmem:s13+$0xFFFFFF00]  }
0x26c: {  	v26 =	vld [tilespmem:s13+$0xFFFFFF10]  }
0x26d: {  	v27 =	vld [tilespmem:s13+$0x10]  }
0x26e: {  	v18 =	vld [tilespmem:s24+$0xFFFFFE80];
	v44 =	vmul.f32 v39, v38;
	v11 =	vmul.f32 v37, v11  }
0x26f: {  	v38 =	vld [tilespmem:s18+$0xFFFFFF20]  }
0x270: {  	v47 =	vmul.f32 v41, v40;
	v39 =	vld [tilespmem:s13+$0xFFFFFE20];
	v11 =	vadd.f32 v44, v11  }
0x271: {  	v40 =	vld [tilespmem:s18+$0xFFFFFFA0]  }
0x272: {  	v41 =	vld [tilespmem:s13+$0xFFFFFF20];
	v50 =	vmul.f32 v43, v42;
	v11 =	vadd.f32 v47, v11  }
0x273: {  	v53 =	vmul.f32 v46, v45;
	v45 =	vld [tilespmem:s18+$0xFFFFFF30]  }
0x274: {  	v46 =	vld [tilespmem:s13+$0xFFFFFE30];
	v11 =	vadd.f32 v50, v11  }
0x275: {  	v56 =	vmul.f32 v49, v48;
	v48 =	vld [tilespmem:s13+$0xFFFFFF30]  }
0x276: {  	v49 =	vld [tilespmem:s18+$0x30];
	v11 =	vadd.f32 v53, v11  }
0x277: {  	v58 =	vmul.f32 v55, v54;
	v54 =	vld [tilespmem:s13+$0xFFFFFF40]  }
0x278: {  	v55 =	vld [tilespmem:s18+$0x40];
	v57 =	vmul.f32 v52, v51;
	v11 =	vadd.f32 v56, v11  }
0x279: {  	v29 =	vmul.f32 v30, v29;
	v30 =	vld [tilespmem:s18+$0x50]  }
0x27a: {  	v26 =	vmul.f32 v26, v28;
	v28 =	vld [tilespmem:s13+$0x50];
	v11 =	vadd.f32 v57, v11  }
0x27b: {  	v46 =	vmul.f32 v46, v45;
	v45 =	vld [tilespmem:s13+$0xFFFFFE70]  }
0x27c: {  	v42 =	vld [tilespmem:s18+$0x20];
	v11 =	vadd.f32 v58, v11  }
0x27d: {  	v43 =	vld [tilespmem:s13+$0x20]  }
0x27e: {  	v60 =	vld [tilespmem:s13+$0x180];
	v11 =	vmul.f32 $3.535533850e-01, v11  }
0x27f: {  	v17 =	vld [tilespmem:s19+$0xFFFFFFA0]  }
0x280: {  	v51 =	vld [tilespmem:s18+$0xFFFFFF40];
	v11 =	vadd.f32 v11, v59  }
0x281: {  	v52 =	vld [tilespmem:s13+$0xFFFFFE40]  }
0x282: {  	v19 =	vld [tilespmem:s17+$0xFFFFFED0];
	v11 =	vmul.f32 $1.442695020e+00, v11  }
0x283: {  	v35 =	vld [tilespmem:s13+$0x0]  }
0x284: {  	v34 =	vld [tilespmem:s18+$0x0];
	v17 =	vmul.f32 v3, v17;
	(erf) = vpow2.f32 v11  }
0x285: {  	v63 =	vmul.f32 v39, v38;
	v38 =	vld [tilespmem:s13+$0xFFFFFF60]  }
0x286: {  	v39 =	vld [tilespmem:s18+$0x60];
	[tilespmem:s21+$0xFFFFFF90] =	vst v17  }
0x287: {  	v16 =	vmul.f32 v19, v10;
	v19 =	vld [tilespmem:s19+$0xFFFFFFB0]  }
0x288: {  	v20 =	vld [tilespmem:s24+$0x1E0]  }
0x289: {  	v34 =	vmul.f32 v35, v34;
	v35 =	vld [tilespmem:s13+$0xFFFFFE60];
	v18 =	vmul.f32 v7, v18  }
0x28a: {  	[tilespmem:s16+$0xFFFFFF30] =	vst v16;
	v16 =	vld [tilespmem:s17+$0xFFFFFFE0]  }
0x28b: {  	v22 =	vld [tilespmem:s19+$0xB0];
	[tilespmem:s25+$0xFFFFFEE0] =	vst v18  }
0x28c: {  	v23 =	vld [tilespmem:s24+$0xFFFFFE90]  }
0x28d: {  	v24 =	vld [tilespmem:s19+$0xFFFFFEC0];
	v17 =	vmul.f32 v20, v15;
	v11 =	vpop (erf)  }
0x28e: {  	v20 =	vld [tilespmem:s17+$0xFFFFFEE0];
	v44 =	vmul.f32 v11, v60  }
0x28f: {  	s1 =	simm.s32 $0x85D0;
	v18 =	vmul.f32 v19, v3;
	v36 =	vld [tilespmem:s18+$0x10];
	[tilespmem:s25+$0xF0] =	vst v17  }
0x290: {  	v17 =	vld [tilespmem:s17+$0xE0];
	[tilespmem:s1+$0x90] =	vst v44  }
0x291: {  	v19 =	vmul.f32 v22, v5;
	[tilespmem:s21+$0xFFFFFFA0] =	vst v18;
	v44 =	vld [tilespmem:s13+$0x190]  }
0x292: {  	v21 =	vld [tilespmem:s19+$0xFFFFFFC0]  }
0x293: {  	[tilespmem:s21+$0x30] =	vst v19;
	v22 =	vld [tilespmem:s24+$0xFFFFFF90]  }
0x294: {  	v18 =	vmul.f32 v20, v10;
	v20 =	vld [tilespmem:s19+$0xC0]  }
0x295: {  	v37 =	vld [tilespmem:s18+$0xFFFFFF00]  }
0x296: {  	v27 =	vmul.f32 v27, v36;
	v36 =	vld [tilespmem:s18+$0xFFFFFFE0];
	[tilespmem:s16+$0xFFFFFF40] =	vst v18;
	v44 =	vmul.f32 v11, v44  }
0x297: {  	v18 =	vld [tilespmem:s17+$0xFFFFFEF0]  }
0x298: {  	v47 =	vld [tilespmem:s18+$0xFFFFFFB0];
	[tilespmem:s1+$0xA0] =	vst v44  }
0x299: {  	v44 =	vld [tilespmem:s13+$0x1A0]  }
0x29a: {  	v61 =	vmul.f32 v33, v37;
	v33 =	vld [tilespmem:s18+$0xFFFFFF60]  }
0x29b: {  	v37 =	vld [tilespmem:s13+$0x60]  }
0x29c: {  	v50 =	vld [tilespmem:s13+$0x30]  }
0x29d: {  	v53 =	vld [tilespmem:s18+$0xFFFFFFC0]  }
0x29e: {  	v31 =	vmul.f32 v32, v31;
	v56 =	vld [tilespmem:s13+$0x40];
	v62 =	vmul.f32 v11, v44  }
0x29f: {  	v12 =	vmul.f32 v12, v9;
	v14 =	vmul.f32 v14, v13;
	v29 =	vadd.f32 v29, v61;
	v57 =	vld [tilespmem:s18+$0xFFFFFF50]  }
0x2a0: {  	v26 =	vadd.f32 v26, v31;
	v41 =	vmul.f32 v41, v40;
	v16 =	vmul.f32 v16, v2;
	v58 =	vld [tilespmem:s13+$0xFFFFFE50];
	[tilespmem:s1+$0xB0] =	vst v62  }
0x2a1: {  	[tilespmem:s21+$0x110] =	vst v13;
	v13 =	vmul.f32 v7, v23;
	v27 =	vadd.f32 v27, v34;
	v29 =	vadd.f32 v63, v29;
	v34 =	vld [tilespmem:s13+$0x1B0]  }
0x2a2: {  	v26 =	vadd.f32 v41, v26;
	v24 =	vmul.f32 v24, v4;
	v48 =	vmul.f32 v48, v47;
	v59 =	vld [tilespmem:s18+$0xFFFFFFD0]  }
0x2a3: {  	v61 =	vmul.f32 v52, v51;
	v29 =	vadd.f32 v46, v29;
	v60 =	vld [tilespmem:s13+$0xFFFFFF50];
	v44 =	vmul.f32 v43, v42  }
0x2a4: {  	v51 =	vmul.f32 v35, v33;
	v50 =	vmul.f32 v50, v49;
	v26 =	vadd.f32 v48, v26;
	v62 =	vld [tilespmem:s18+$0xFFFFFF70]  }
0x2a5: {  	[tilespmem:s16+$0x100] =	vst v12;
	v48 =	vld [tilespmem:s18+$0xFFFFFFF0];
	v12 =	vadd.f32 v61, v29;
	v47 =	vmul.f32 v58, v57;
	v27 =	vadd.f32 v44, v27  }
0x2a6: {  	v63 =	vmul.f32 v54, v53;
	v54 =	vld [tilespmem:s18+$0x70];
	v34 =	vmul.f32 v34, v11  }
0x2a7: {  	[tilespmem:s16+$0x110] =	vst v9;
	v46 =	vmul.f32 v56, v55;
	v12 =	vadd.f32 v47, v12;
	v27 =	vadd.f32 v50, v27;
	v50 =	vld [tilespmem:s13+$0xFFFFFF70]  }
0x2a8: {  	v26 =	vadd.f32 v63, v26;
	v55 =	vld [tilespmem:s13+$0x70];
	v56 =	vmul.f32 v28, v30;
	v49 =	vmul.f32 v60, v59;
	[tilespmem:s1+$0xC0] =	vst v34  }
0x2a9: {  	[tilespmem:s21+$0x100] =	vst v14;
	v12 =	vadd.f32 v51, v12;
	v9 =	vadd.f32 v46, v27;
	v23 =	vmul.f32 v45, v62;
	v52 =	vld [tilespmem:s13+$0x1C0]  }
0x2aa: {  	[tilespmem:s25+$0xFFFFFEF0] =	vst v13;
	v13 =	vmul.f32 v6, v22;
	v53 =	vmul.f32 v38, v36;
	v57 =	vld [tilespmem:s10+$0xFFFFFFE0];
	v14 =	vadd.f32 v49, v26  }
0x2ab: {  	[tilespmem:s16+$0xFFFFFFD0] =	vst v16;
	v19 =	vld [tilespmem:s24+$0x90];
	v58 =	vmul.f32 v37, v39;
	v9 =	vadd.f32 v56, v9;
	v12 =	vadd.f32 v23, v12  }
0x2ac: {  	v25 =	vld [tilespmem:s24+$0x1F0];
	[tilespmem:s25+$0xFFFFFF80] =	vst v13;
	v13 =	vmul.f32 v21, v3;
	v14 =	vadd.f32 v53, v14;
	v22 =	vmul.f32 v50, v48  }
0x2ad: {  	[tilespmem:s21+$0xFFFFFF20] =	vst v24;
	v16 =	vld [tilespmem:s24+$0xFFFFFFA0];
	v18 =	vmul.f32 v18, v10;
	v9 =	vadd.f32 v58, v9;
	v12 =	vmul.f32 $3.535533850e-01, v12  }
0x2ae: {  	[tilespmem:s21+$0xFFFFFFB0] =	vst v13;
	v23 =	vld [tilespmem:s10+$0xFFFFFFF0];
	v14 =	vadd.f32 v22, v14;
	v22 =	vmul.f32 v55, v54;
	v60 =	vmul.f32 v52, v11  }
0x2af: {  	[tilespmem:s16+$0xFFFFFF50] =	vst v18;
	v59 =	vld [tilespmem:s10+$0x0];
	v12 =	vadd.f32 v12, v57  }
0x2b0: {  	v20 =	vmul.f32 v20, v5;
	v13 =	vmul.f32 v8, v19;
	v18 =	vld [tilespmem:s19+$0xFFFFFED0];
	v9 =	vadd.f32 v22, v9;
	[tilespmem:s1+$0xD0] =	vst v60  }
0x2b1: {  	[tilespmem:s25+$0x110] =	vst v15;
	v14 =	vmul.f32 $3.535533850e-01, v14;
	v12 =	vmul.f32 $1.442695020e+00, v12;
	v19 =	vld [tilespmem:s13+$0x1D0]  }
0x2b2: {  	[tilespmem:s25+$0x10] =	vst v13;
	v13 =	vmul.f32 v17, v1;
	v17 =	vld [tilespmem:s24+$0xFFFFFEA0];
	v9 =	vmul.f32 $3.535533850e-01, v9  }
0x2b3: {  	[tilespmem:s21+$0x40] =	vst v20;
	v16 =	vmul.f32 v6, v16;
	v14 =	vadd.f32 v14, v23;
	(erf) = vpow2.f32 v12;
	v12 =	vld [tilespmem:s24+$0xA0]  }
0x2b4: {  	v21 =	vld [tilespmem:s13+$0xFFFFFE80];
	[tilespmem:s16+$0x60] =	vst v13;
	v9 =	vadd.f32 v9, v59  }
0x2b5: {  	v20 =	vld [tilespmem:s13+$0x80];
	[tilespmem:s25+$0xFFFFFF90] =	vst v16;
	v16 =	vmul.f32 v18, v4;
	v13 =	vmul.f32 $1.442695020e+00, v14  }
0x2b6: {  	[tilespmem:s16+$0xFFFFFF60] =	vst v10;
	v10 =	vld [tilespmem:s19+$0xFFFFFFD0];
	v9 =	vmul.f32 $1.442695020e+00, v9;
	v14 =	vmul.f32 v19, v11  }
0x2b7: {  	[tilespmem:s21+$0xFFFFFF30] =	vst v16;
	v61 =	vld [tilespmem:s13+$0xFFFFFF80];
	(erf) = vpow2.f32 v13;
	v13 =	vmul.f32 v7, v17  }
0x2b8: {  	v16 =	vld [tilespmem:s19+$0xFFFFFEE0];
	(erf) = vpow2.f32 v9;
	v9 =	vmul.f32 v8, v12;
	[tilespmem:s1+$0xE0] =	vst v14  }
0x2b9: {  	v25 =	vmul.f32 v25, v15;
	[tilespmem:s25+$0xFFFFFF00] =	vst v13;
	v15 =	vld [tilespmem:s13+$0x1E0]  }
0x2ba: {  	v12 =	vld [tilespmem:s24+$0xFFFFFEB0]  }
0x2bb: {  	v14 =	vld [tilespmem:s19+$0xD0]  }
0x2bc: {  	v10 =	vmul.f32 v10, v3;
	v17 =	vld [tilespmem:s24+$0xFFFFFFB0];
	[tilespmem:s25+$0x20] =	vst v9;
	v9 =	vpop (erf)  }
0x2bd: {  	[tilespmem:s25+$0x100] =	vst v25;
	v13 =	vld [tilespmem:s17+$0xFFFFFFF0];
	v19 =	vmul.f32 v9, v21  }
0x2be: {  	[tilespmem:s21+$0xFFFFFFC0] =	vst v10;
	v18 =	vld [tilespmem:s24+$0xB0];
	v15 =	vmul.f32 v15, v11  }
0x2bf: {  	v21 =	vld [tilespmem:s19+$0xFFFFFFE0];
	v12 =	vmul.f32 v12, v7;
	[tilespmem:s1+$0xFFFFFEE0] =	vst v19  }
0x2c0: {  	v10 =	vpop (erf);
	v22 =	vld [tilespmem:s13+$0xFFFFFE90];
	v14 =	vmul.f32 v14, v5;
	[tilespmem:s1+$0xF0] =	vst v15  }
0x2c1: {  	[tilespmem:s25+$0xFFFFFF10] =	vst v12;
	v15 =	vmul.f32 v10, v61;
	v19 =	vld [tilespmem:s13+$0x1F0]  }
0x2c2: {  	v17 =	vmul.f32 v17, v6;
	v62 =	vld [tilespmem:s24+$0xFFFFFEC0];
	[tilespmem:s21+$0x50] =	vst v14  }
0x2c3: {  	v23 =	vmul.f32 v18, v8;
	v12 =	vpop (erf);
	v14 =	vld [tilespmem:s19+$0xE0];
	[tilespmem:s1+$0xFFFFFF70] =	vst v15  }
0x2c4: {  	[tilespmem:s25+$0xFFFFFFA0] =	vst v17;
	v15 =	vmul.f32 v12, v20;
	v63 =	vld [tilespmem:s13+$0xFFFFFF90]  }
0x2c5: {  	v16 =	vmul.f32 v16, v4;
	v18 =	vld [tilespmem:s24+$0xFFFFFFC0];
	[tilespmem:s25+$0x30] =	vst v23  }
0x2c6: {  	v22 =	vmul.f32 v9, v22;
	[tilespmem:s1+$0x0] =	vst v15;
	v17 =	vmul.f32 v19, v11;
	v19 =	vld [tilespmem:s24+$0xC0]  }
0x2c7: {  	[tilespmem:s21+$0xFFFFFF40] =	vst v16;
	v13 =	vmul.f32 v13, v2;
	v20 =	vld [tilespmem:s13+$0x90]  }
0x2c8: {  	v16 =	vld [tilespmem:s19+$0xFFFFFEF0];
	[tilespmem:s1+$0xFFFFFEF0] =	vst v22;
	v15 =	vmul.f32 v21, v3;
	v21 =	vmul.f32 v62, v7  }
0x2c9: {  	s0 =	simm.s32 $0xC;
	s18 =	simm.s32 $0x9F0;
	v14 =	vmul.f32 v14, v5;
	[tilespmem:s1+$0x100] =	vst v17;
	v22 =	vmul.f32 v10, v63;
	v17 =	vld [tilespmem:s17+$0xF0]  }
.LBB2_5:
0x2ca: {  	v23 =	vld [tilespmem:s18+$0x80];
	[tilespmem:s25+$0xFFFFFF20] =	vst v21;
	v18 =	vmul.f32 v18, v6;
	s17 =	smov.u32 s13;
	s13 =	sadd.s32 $0x400, s13  }
0x2cb: {  	v21 =	vld [tilespmem:s13+$0x100];
	[tilespmem:s1+$0xFFFFFF80] =	vst v22;
	v19 =	vmul.f32 v19, v8  }
0x2cc: {  	v22 =	vld [tilespmem:s18+$0x90];
	v20 =	vmul.f32 v12, v20;
	[tilespmem:s25+$0xFFFFFFB0] =	vst v18  }
0x2cd: {  	s0 =	sadd.s32 $0x4, s0;
	v18 =	vld [tilespmem:s13+$0x110];
	[tilespmem:s25+$0x40] =	vst v19;
	v16 =	vmul.f32 v16, v4  }
0x2ce: {  	p0 =	slt.u32 s0, $0x24;
	v19 =	vld [tilespmem:s18+$0xA0];
	[tilespmem:s1+$0x10] =	vst v20;
	v17 =	vmul.f32 v17, v1  }
0x2cf: {  	v20 =	vld [tilespmem:s13+$0x120];
	[tilespmem:s21+$0xFFFFFFD0] =	vst v15  }
0x2d0: {  	v15 =	vld [tilespmem:s18+$0xB0];
	[tilespmem:s21+$0x60] =	vst v14  }
0x2d1: {  	v14 =	vld [tilespmem:s13+$0x130];
	[tilespmem:s21+$0xFFFFFF50] =	vst v16  }
0x2d2: {  	v16 =	vmul.f32 v21, v23;
	v18 =	vmul.f32 v18, v22;
	v21 =	vld [tilespmem:s18+$0xC0];
	[tilespmem:s16+$0xFFFFFFE0] =	vst v13  }
0x2d3: {  	v13 =	vld [tilespmem:s13+$0x140];
	[tilespmem:s16+$0x70] =	vst v17  }
0x2d4: {  	v16 =	vadd.f32 v18, v16;
	v17 =	vmul.f32 v20, v19;
	v18 =	vld [tilespmem:s18+$0xD0];
	[tilespmem:s21+$0xFFFFFF60] =	vst v4;
	v4 =	vmovc v7;
	v7 =	vmov v9  }
0x2d5: {  	v9 =	vld [tilespmem:s13+$0x150];
	[tilespmem:s16+$0xFFFFFFF0] =	vst v2;
	v2 =	vmov v3;
	v3 =	vmov v6;
	v6 =	vmov v10  }
0x2d6: {  	v10 =	vadd.f32 v17, v16;
	v14 =	vmul.f32 v14, v15;
	v15 =	vld [tilespmem:s18+$0xE0];
	[tilespmem:s16+$0x80] =	vst v1;
	v1 =	vmovc v5;
	v5 =	vmov v8;
	s16 =	smov.u32 s21;
	s21 =	smov.u32 s25;
	s25 =	smov.u32 s1  }
0x2d7: {  	v8 =	vmov v12;
	v16 =	vld [tilespmem:s13+$0x160];
	[tilespmem:s1+$0x110] =	vst v11  }
0x2d8: {  	v10 =	vadd.f32 v14, v10;
	v11 =	vmul.f32 v13, v21;
	v12 =	vld [tilespmem:s18+$0xF0]  }
0x2d9: {  	v13 =	vld [tilespmem:s13+$0x170]  }
0x2da: {  	v14 =	vld [tilespmem:s13+$0xFFFFFE00];
	v10 =	vadd.f32 v11, v10;
	v9 =	vmul.f32 v9, v18  }
0x2db: {  	v11 =	vld [tilespmem:s18+$0xFFFFFF10]  }
0x2dc: {  	v17 =	vld [tilespmem:s13+$0xFFFFFE10];
	v9 =	vadd.f32 v9, v10;
	v10 =	vmul.f32 v16, v15  }
0x2dd: {  	v15 =	vld [tilespmem:s18+$0xFFFFFF80]  }
0x2de: {  	s10 =	sadd.s32 $0x40, s10;
	v16 =	vld [tilespmem:s13+$0xFFFFFF00];
	v9 =	vadd.f32 v10, v9;
	v10 =	vmul.f32 v13, v12  }
0x2df: {  	v12 =	vld [tilespmem:s10+$0x10]  }
0x2e0: {  	v13 =	vld [tilespmem:s18+$0xFFFFFF90];
	v9 =	vadd.f32 v10, v9  }
0x2e1: {  	v10 =	vmul.f32 v17, v11;
	v11 =	vld [tilespmem:s13+$0xFFFFFF10]  }
0x2e2: {  	v17 =	vld [tilespmem:s18+$0x0];
	v9 =	vmul.f32 $3.535533850e-01, v9  }
0x2e3: {  	v15 =	vmul.f32 v16, v15;
	v16 =	vld [tilespmem:s13+$0x0]  }
0x2e4: {  	v18 =	vld [tilespmem:s18+$0x10];
	v9 =	vadd.f32 v9, v12  }
0x2e5: {  	v12 =	vld [tilespmem:s13+$0x10]  }
0x2e6: {  	v19 =	vld [tilespmem:s18+$0xFFFFFF00];
	v11 =	vmul.f32 v11, v13;
	v9 =	vmul.f32 $1.442695020e+00, v9  }
0x2e7: {  	v13 =	vld [tilespmem:s18+$0xFFFFFF20]  }
0x2e8: {  	v20 =	vld [tilespmem:s13+$0xFFFFFE20];
	v11 =	vadd.f32 v11, v15;
	v15 =	vmul.f32 v16, v17;
	(erf) = vpow2.f32 v9  }
0x2e9: {  	v9 =	vld [tilespmem:s18+$0xFFFFFFA0]  }
0x2ea: {  	v16 =	vld [tilespmem:s13+$0xFFFFFF20];
	v12 =	vmul.f32 v12, v18  }
0x2eb: {  	v14 =	vmul.f32 v14, v19;
	v17 =	vld [tilespmem:s18+$0x20]  }
0x2ec: {  	v12 =	vadd.f32 v12, v15;
	v15 =	vld [tilespmem:s13+$0x20]  }
0x2ed: {  	v10 =	vadd.f32 v10, v14;
	v13 =	vmul.f32 v20, v13;
	v14 =	vld [tilespmem:s13+$0x180]  }
0x2ee: {  	v18 =	vld [tilespmem:s18+$0xFFFFFF30]  }
0x2ef: {  	v10 =	vadd.f32 v13, v10;
	v13 =	vld [tilespmem:s13+$0xFFFFFE30];
	v9 =	vmul.f32 v16, v9  }
0x2f0: {  	v16 =	vld [tilespmem:s18+$0xFFFFFFB0]  }
0x2f1: {  	v9 =	vadd.f32 v9, v11;
	v19 =	vld [tilespmem:s13+$0xFFFFFF30];
	v15 =	vmul.f32 v15, v17;
	v11 =	vpop (erf)  }
0x2f2: {  	v17 =	vld [tilespmem:s18+$0x30];
	v14 =	vmul.f32 v11, v14  }
0x2f3: {  	s1 =	sadd.s32 $0x240, s1;
	v12 =	vadd.f32 v15, v12;
	v15 =	vld [tilespmem:s13+$0x30]  }
0x2f4: {  	v13 =	vmul.f32 v13, v18;
	v18 =	vld [tilespmem:s18+$0xFFFFFF40];
	[tilespmem:s1+$0x90] =	vst v14  }
0x2f5: {  	v14 =	vld [tilespmem:s13+$0x190]  }
0x2f6: {  	v10 =	vadd.f32 v13, v10;
	v13 =	vld [tilespmem:s13+$0xFFFFFE40];
	v16 =	vmul.f32 v19, v16  }
0x2f7: {  	v19 =	vld [tilespmem:s18+$0xFFFFFFC0]  }
0x2f8: {  	v9 =	vadd.f32 v16, v9;
	v16 =	vld [tilespmem:s13+$0xFFFFFF40];
	v15 =	vmul.f32 v15, v17  }
0x2f9: {  	v17 =	vld [tilespmem:s18+$0x40]  }
0x2fa: {  	v12 =	vadd.f32 v15, v12;
	v15 =	vld [tilespmem:s13+$0x40];
	v14 =	vmul.f32 v11, v14  }
0x2fb: {  	v13 =	vmul.f32 v13, v18;
	v18 =	vld [tilespmem:s18+$0xFFFFFF50]  }
0x2fc: {  	v20 =	vld [tilespmem:s13+$0xFFFFFE50];
	[tilespmem:s1+$0xA0] =	vst v14  }
0x2fd: {  	v10 =	vadd.f32 v13, v10;
	v13 =	vmul.f32 v16, v19;
	v14 =	vld [tilespmem:s13+$0x1A0]  }
0x2fe: {  	v16 =	vld [tilespmem:s18+$0xFFFFFFD0]  }
0x2ff: {  	v9 =	vadd.f32 v13, v9;
	v13 =	vld [tilespmem:s13+$0xFFFFFF50];
	v15 =	vmul.f32 v15, v17  }
0x300: {  	v17 =	vld [tilespmem:s18+$0x50]  }
0x301: {  	v18 =	vmul.f32 v20, v18;
	v12 =	vadd.f32 v15, v12;
	v15 =	vld [tilespmem:s13+$0x50]  }
0x302: {  	v19 =	vld [tilespmem:s18+$0xFFFFFF60];
	v14 =	vmul.f32 v11, v14  }
0x303: {  	v10 =	vadd.f32 v18, v10;
	v18 =	vld [tilespmem:s13+$0xFFFFFE60]  }
0x304: {  	v13 =	vmul.f32 v13, v16;
	v16 =	vld [tilespmem:s18+$0xFFFFFFE0];
	[tilespmem:s1+$0xB0] =	vst v14  }
0x305: {  	v14 =	vld [tilespmem:s13+$0x1B0]  }
0x306: {  	v9 =	vadd.f32 v13, v9;
	v13 =	vld [tilespmem:s13+$0xFFFFFF60];
	v15 =	vmul.f32 v15, v17  }
0x307: {  	v17 =	vld [tilespmem:s18+$0x60]  }
0x308: {  	v18 =	vmul.f32 v18, v19;
	v12 =	vadd.f32 v15, v12;
	v15 =	vld [tilespmem:s13+$0x60]  }
0x309: {  	v19 =	vld [tilespmem:s18+$0xFFFFFF70]  }
0x30a: {  	v10 =	vadd.f32 v18, v10;
	v18 =	vld [tilespmem:s13+$0xFFFFFE70];
	v14 =	vmul.f32 v14, v11  }
0x30b: {  	v13 =	vmul.f32 v13, v16;
	v16 =	vld [tilespmem:s18+$0xFFFFFFF0]  }
0x30c: {  	v20 =	vld [tilespmem:s13+$0xFFFFFF70];
	[tilespmem:s1+$0xC0] =	vst v14  }
0x30d: {  	v9 =	vadd.f32 v13, v9;
	v13 =	vmul.f32 v15, v17;
	v14 =	vld [tilespmem:s13+$0x1C0]  }
0x30e: {  	v15 =	vld [tilespmem:s18+$0x70]  }
0x30f: {  	v17 =	vmul.f32 v18, v19;
	v12 =	vadd.f32 v13, v12;
	v13 =	vld [tilespmem:s13+$0x70]  }
0x310: {  	v18 =	vld [tilespmem:s10+$0xFFFFFFE0]  }
0x311: {  	v10 =	vadd.f32 v17, v10;
	v16 =	vmul.f32 v20, v16;
	v17 =	vld [tilespmem:s10+$0xFFFFFFF0]  }
0x312: {  	v19 =	vld [tilespmem:s10+$0x0];
	v14 =	vmul.f32 v14, v11  }
0x313: {  	v10 =	vmul.f32 $3.535533850e-01, v10;
	v20 =	vld [tilespmem:s13+$0xFFFFFE80];
	v9 =	vadd.f32 v16, v9  }
0x314: {  	v16 =	vld [tilespmem:s13+$0xFFFFFF80];
	v13 =	vmul.f32 v13, v15;
	[tilespmem:s1+$0xD0] =	vst v14  }
0x315: {  	v10 =	vadd.f32 v10, v18;
	v9 =	vmul.f32 $3.535533850e-01, v9;
	v14 =	vld [tilespmem:s13+$0x1D0]  }
0x316: {  	v12 =	vadd.f32 v13, v12;
	v15 =	vld [tilespmem:s13+$0x80]  }
0x317: {  	v10 =	vmul.f32 $1.442695020e+00, v10;
	v9 =	vadd.f32 v9, v17;
	v13 =	vld [tilespmem:s17+$0xFFFFFEA0]  }
0x318: {  	v12 =	vmul.f32 $3.535533850e-01, v12;
	v17 =	vld [tilespmem:s17+$0xFFFFFFA0]  }
0x319: {  	v9 =	vmul.f32 $1.442695020e+00, v9;
	(erf) = vpow2.f32 v10;
	v10 =	vld [tilespmem:s17+$0xA0]  }
0x31a: {  	v12 =	vadd.f32 v12, v19;
	v14 =	vmul.f32 v14, v11;
	v18 =	vld [tilespmem:s24+$0xFFFFFED0]  }
0x31b: {  	(erf) = vpow2.f32 v9;
	v9 =	vld [tilespmem:s24+$0xFFFFFFD0]  }
0x31c: {  	v12 =	vmul.f32 $1.442695020e+00, v12;
	[tilespmem:s1+$0xE0] =	vst v14;
	v13 =	vmul.f32 v7, v13;
	v14 =	vld [tilespmem:s24+$0xD0]  }
0x31d: {  	v19 =	vld [tilespmem:s13+$0x1E0];
	v17 =	vmul.f32 v6, v17  }
0x31e: {  	(erf) = vpow2.f32 v12;
	[tilespmem:s25+$0xFFFFFF00] =	vst v13;
	v10 =	vmul.f32 v8, v10;
	v12 =	vld [tilespmem:s19+$0xFFFFFFF0]  }
0x31f: {  	v21 =	vld [tilespmem:s17+$0xFFFFFEB0];
	[tilespmem:s25+$0xFFFFFF90] =	vst v17;
	v13 =	vmul.f32 v18, v4  }
0x320: {  	v17 =	vld [tilespmem:s17+$0xFFFFFFB0];
	[tilespmem:s25+$0x20] =	vst v10;
	v10 =	vmul.f32 v9, v3  }
0x321: {  	v18 =	vld [tilespmem:s17+$0xB0];
	[tilespmem:s21+$0xFFFFFF30] =	vst v13;
	v13 =	vmul.f32 v14, v5  }
0x322: {  	v14 =	vmul.f32 v19, v11;
	v9 =	vpop (erf);
	v19 =	vld [tilespmem:s24+$0xFFFFFEE0];
	[tilespmem:s21+$0xFFFFFFC0] =	vst v10  }
0x323: {  	v20 =	vmul.f32 v9, v20;
	v22 =	vld [tilespmem:s24+$0xFFFFFFE0];
	[tilespmem:s21+$0x50] =	vst v13;
	v13 =	vmul.f32 v12, v2  }
0x324: {  	[tilespmem:s1+$0xF0] =	vst v14;
	v10 =	vpop (erf);
	v24 =	vmul.f32 v21, v7;
	v14 =	vld [tilespmem:s24+$0xE0]  }
0x325: {  	[tilespmem:s1+$0xFFFFFEE0] =	vst v20;
	v16 =	vmul.f32 v10, v16;
	v20 =	vld [tilespmem:s13+$0x1F0];
	v17 =	vmul.f32 v17, v6  }
0x326: {  	v21 =	vld [tilespmem:s13+$0xFFFFFE90];
	[tilespmem:s25+$0xFFFFFF10] =	vst v24;
	v23 =	vmul.f32 v18, v8  }
0x327: {  	[tilespmem:s1+$0xFFFFFF70] =	vst v16;
	v12 =	vpop (erf);
	v16 =	vld [tilespmem:s17+$0xFFFFFEC0];
	v24 =	vmul.f32 v19, v4  }
0x328: {  	v25 =	vld [tilespmem:s13+$0xFFFFFF90];
	v19 =	vmul.f32 v12, v15;
	[tilespmem:s25+$0xFFFFFFA0] =	vst v17;
	v15 =	vmul.f32 v22, v3  }
.Ltmp3:
0x329: {  	v18 =	vld [tilespmem:s17+$0xFFFFFFC0];
	[tilespmem:s25+$0x30] =	vst v23;
	v14 =	vmul.f32 v14, v5;
	(pc) =	sbr.rel @p0 .LBB2_5-.Ltmp3, $4  }
0x32a: {  	[tilespmem:s1+$0x0] =	vst v19;
	v17 =	vmul.f32 v20, v11;
	v19 =	vld [tilespmem:s17+$0xC0]  }
0x32b: {  	v22 =	vmul.f32 v9, v21;
	v20 =	vld [tilespmem:s13+$0x90];
	[tilespmem:s21+$0xFFFFFF40] =	vst v24  }
0x32c: {  	[tilespmem:s1+$0x100] =	vst v17;
	v21 =	vmul.f32 v16, v7;
	v16 =	vld [tilespmem:s24+$0xFFFFFEF0]  }
0x32d: {  	s18 =	sadd.s32 $0x200, s18;
	[tilespmem:s1+$0xFFFFFEF0] =	vst v22;
	v22 =	vmul.f32 v10, v25;
	v17 =	vld [tilespmem:s19+$0xF0];
	s19 =	smov.u32 s24;
	s24 =	smov.u32 s17  }
0x32e: {  	v23 =	vld [tilespmem:s13+$0xFFFFFEA0];
	_ =	sdelay $0x3  }
0x32f: {  	[tilespmem:s25+$0xFFFFFF20] =	vst v21;
	v20 =	vmul.f32 v12, v20  }
0x330: {  	[tilespmem:s1+$0xFFFFFF80] =	vst v22;
	v30 =	vmul.f32 v9, v23  }
0x331: {  	v31 =	vld [tilespmem:s13+$0xFFFFFFA0];
	[tilespmem:s1+$0x10] =	vst v20  }
0x332: {  	v32 =	vld [tilespmem:s13+$0xA0];
	[tilespmem:s1+$0xFFFFFF00] =	vst v30  }
0x333: {  	[tilespmem:s21+$0xFFFFFFD0] =	vst v15;
	v22 =	vld [tilespmem:s13+$0xFFFFFEB0]  }
0x334: {  	[tilespmem:s21+$0x60] =	vst v14  }
0x335: {  	[tilespmem:s16+$0xFFFFFFE0] =	vst v13  }
0x336: {  	[tilespmem:s21+$0xFFFFFF60] =	vst v4;
	v33 =	vmul.f32 v10, v31  }
0x337: {  	[tilespmem:s16+$0xFFFFFFF0] =	vst v2;
	v34 =	vmul.f32 v12, v32  }
0x338: {  	[tilespmem:s1+$0xFFFFFF90] =	vst v33;
	v36 =	vmul.f32 v22, v9  }
0x339: {  	v37 =	vld [tilespmem:s13+$0xFFFFFFB0];
	[tilespmem:s1+$0x20] =	vst v34  }
0x33a: {  	v39 =	vld [tilespmem:s13+$0xB0];
	[tilespmem:s1+$0xFFFFFF10] =	vst v36  }
0x33b: {  	[tilespmem:s16+$0x80] =	vst v1;
	v19 =	vmul.f32 v19, v8;
	v40 =	vld [tilespmem:s13+$0xFFFFFEC0]  }
0x33c: {  	v18 =	vmul.f32 v18, v6;
	[tilespmem:s1+$0x110] =	vst v11  }
0x33d: {  	v35 =	vld [tilespmem:s24+$0xFFFFFED0];
	[tilespmem:s25+$0x40] =	vst v19;
	v17 =	vmul.f32 v17, v1  }
0x33e: {  	[tilespmem:s25+$0xFFFFFFB0] =	vst v18;
	v44 =	vld [tilespmem:s24+$0xD0];
	v43 =	vmul.f32 v37, v10  }
0x33f: {  	v42 =	vld [tilespmem:s24+$0xFFFFFFD0];
	[tilespmem:s16+$0x70] =	vst v17;
	v45 =	vmul.f32 v39, v12  }
0x340: {  	v55 =	vld [tilespmem:s19+$0xFFFFFFF0];
	[tilespmem:s1+$0xFFFFFFA0] =	vst v43;
	v14 =	vmul.f32 v40, v9  }
0x341: {  	v17 =	vld [tilespmem:s13+$0xFFFFFFC0];
	[tilespmem:s1+$0x30] =	vst v45  }
0x342: {  	v41 =	vmul.f32 v35, v7;
	v13 =	vld [tilespmem:s13+$0xC0];
	[tilespmem:s1+$0xFFFFFF20] =	vst v14  }
0x343: {  	[tilespmem:s21+$0xFFFFFFF0] =	vst v3;
	v2 =	vmul.f32 v44, v8;
	v14 =	vld [tilespmem:s13+$0xFFFFFED0]  }
0x344: {  	v57 =	vld [tilespmem:s19+$0xF0];
	[tilespmem:s25+$0xFFFFFF30] =	vst v41;
	v47 =	vmul.f32 v42, v6  }
0x345: {  	v46 =	vld [tilespmem:s24+$0xFFFFFEE0];
	[tilespmem:s25+$0x50] =	vst v2  }
0x346: {  	[tilespmem:s25+$0xFFFFFFC0] =	vst v47;
	v50 =	vld [tilespmem:s24+$0xE0];
	v2 =	vmul.f32 v17, v10  }
0x347: {  	[tilespmem:s21+$0x80] =	vst v5;
	v49 =	vld [tilespmem:s24+$0xFFFFFFE0];
	v51 =	vmul.f32 v13, v12  }
0x348: {  	[tilespmem:s1+$0xFFFFFFB0] =	vst v2;
	v2 =	vmul.f32 v14, v9  }
0x349: {  	v38 =	vmul.f32 v16, v4;
	v53 =	vld [tilespmem:s13+$0xFFFFFFD0];
	[tilespmem:s1+$0x40] =	vst v51  }
0x34a: {  	v48 =	vmul.f32 v46, v7;
	v54 =	vld [tilespmem:s13+$0xD0];
	[tilespmem:s1+$0xFFFFFF30] =	vst v2  }
0x34b: {  	[tilespmem:s21+$0xFFFFFF50] =	vst v38;
	v56 =	vmul.f32 v50, v8;
	v2 =	vld [tilespmem:s13+$0xFFFFFEE0]  }
0x34c: {  	[tilespmem:s25+$0xFFFFFF40] =	vst v48;
	v1 =	vmul.f32 v49, v6  }
0x34d: {  	v60 =	vmul.f32 v57, v5;
	[tilespmem:s25+$0x60] =	vst v56  }
0x34e: {  	[tilespmem:s25+$0xFFFFFFD0] =	vst v1;
	v62 =	vld [tilespmem:s24+$0xF0];
	v1 =	vmul.f32 v53, v10  }
0x34f: {  	[tilespmem:s21+$0x70] =	vst v60;
	v52 =	vld [tilespmem:s24+$0xFFFFFEF0];
	v58 =	vmul.f32 v54, v12  }
0x350: {  	[tilespmem:s1+$0xFFFFFFC0] =	vst v1;
	v1 =	vmul.f32 v2, v9  }
0x351: {  	v59 =	vld [tilespmem:s13+$0xFFFFFFE0];
	[tilespmem:s1+$0x50] =	vst v58  }
0x352: {  	v61 =	vld [tilespmem:s13+$0xE0];
	[tilespmem:s1+$0xFFFFFF40] =	vst v1  }
0x353: {  	[tilespmem:s25+$0xFFFFFF60] =	vst v7;
	v4 =	vmul.f32 v62, v8;
	v1 =	vld [tilespmem:s13+$0xFFFFFEF0]  }
0x354: {  	[tilespmem:s25+$0x80] =	vst v8;
	v13 =	vmul.f32 v52, v7  }
0x355: {  	[tilespmem:s25+$0x70] =	vst v4;
	v2 =	vmul.f32 v55, v3  }
0x356: {  	[tilespmem:s25+$0xFFFFFF50] =	vst v13;
	v3 =	vmul.f32 v59, v10  }
0x357: {  	[tilespmem:s21+$0xFFFFFFE0] =	vst v2;
	v2 =	vld [tilespmem:s24+$0xFFFFFFF0];
	v63 =	vmul.f32 v61, v12  }
0x358: {  	[tilespmem:s1+$0xFFFFFFD0] =	vst v3;
	v1 =	vmul.f32 v1, v9  }
0x359: {  	v3 =	vld [tilespmem:s13+$0xFFFFFFF0];
	[tilespmem:s1+$0x60] =	vst v63  }
0x35a: {  	[tilespmem:s1+$0xFFFFFF50] =	vst v1;
	v1 =	vld [tilespmem:s13+$0xF0]  }
0x35b: {  	[tilespmem:s25+$0xFFFFFFF0] =	vst v6  }
0x35c: {  	p0 =	sne.s32 s9, $0x0;
	[tilespmem:s1+$0xFFFFFF60] =	vst v9;
	v2 =	vmul.f32 v2, v6  }
.Ltmp4:
0x35d: {  	[tilespmem:s1+$0xFFFFFFF0] =	vst v10;
	(pc) =	sbr.rel @!p0 .LBB2_7-.Ltmp4, $4  }
0x35e: {  	[tilespmem:s25+$0xFFFFFFE0] =	vst v2;
	v2 =	vmul.f32 v3, v10  }
0x35f: {  	[tilespmem:s1+$0x80] =	vst v12;
	v1 =	vmul.f32 v1, v12  }
0x360: {  	[tilespmem:s1+$0xFFFFFFE0] =	vst v2  }
0x361: {  	[tilespmem:s1+$0x70] =	vst v1  }
0x362: {  	s0 =	simm.s32 $0x7;
	p0 =	sne.s32 s9, $0x7C  }
.Ltmp5:
0x363: {  	_ =	swait.ge [sflag:s0], $0x28;
	(pc) =	sbr.rel @p0 .LBB2_8-.Ltmp5, $4  }
0x364: {  	[sflag:s0] =	ssyncset.done $0x0  }
0x365: {  	[sflag:s0] =	ssyncadd.s32 $0xFFFFFFD8  }
0x366: {  	s16 =	simm.s32 $0xA0;
	s0 =	rddreg [dreg:$0x2]  }
0x367: {  	[spmem:s0] =	stream.indirect.scatter.add.f32 [tilespmem:s4], [sflag:$0x3], $0x90, s16, s15, $0xb8;
	[tilespmem:$0x1FC70] =	vst v63  }
0x368: {  	_ =	swait.ge [sflag:s28], $0x1400  }
0x369: {  	[sflag:s28] =	ssyncset.done $0x0  }
0x36a: {  	[sflag:s28] =	ssyncadd.s32 $0xFFFFEC00  }
0x36b: {  	_ =	swait.ge [sflag:s28], $0x2800  }
.Ltmp6:
0x36c: {  	[sflag:s28] =	ssyncset.done $0x0;
	(pc) =	sbr.rel .LBB2_11-.Ltmp6, $4  }
0x36d: {  	[sflag:s28] =	ssyncadd.s32 $0xFFFFD800  }
0x36e: {  	_ =	swait.ge [sflag:s30], $0x1680  }
0x36f: {  	[sflag:s30] =	ssyncset.done $0x0  }
0x370: {  	s2 =	simm.s32 $0xA0;
	[sflag:s30] =	ssyncadd.s32 $0xFFFFE980  }
.LBB2_7:
0x371: {  	s16 =	simm.s32 $0xA0;
	s0 =	rddreg [dreg:$0x2]  }
0x372: {  	[spmem:s0] =	stream.indirect.scatter.add.f32 [tilespmem:s4], [sflag:$0x3], $0x90, s16, s15, $0xb8;
	[tilespmem:$0x1FC70] =	vst v63  }
.LBB2_8:
0x373: {  	s0 =	rddreg [dreg:$0xb]  }
0x374: {  	s0 =	sadd.s32 s14, s0  }
0x375: {  	s1 =	sshrl.u32 s0, $0x3  }
0x376: {  	s0 =	sshll.u32 s0, $0x1;
	s10 =	sadd.s32 s7, s1  }
0x377: {  	[tilespmem:s3], [sflag:$0x5] =	stream.linear.gather [hbm4b:s10+s3], $0x28, $0x38;
	[tilespmem:$0x1FC70] =	vst v63  }
0x378: {  	s13 =	simm.s32 $0x50;
	s1 =	sadd.s32 s8, s1;
	s0 =	sand.u32 $0x1FFFFFE0, s0  }
0x379: {  	[tilespmem:s13], [sflag:$0x5] =	stream.linear.gather [hbm4b:s1+s3], $0x28, $0x38;
	[tilespmem:$0x1FC70] =	vst v63  }
0x37a: {  	s19 =	simm.s32 $0x78F0;
	s0 =	sadd.s32 s6, s0  }
0x37b: {  	[tilespmem:s19], [sflag:$0x5] =	stream.linear.gather [hbm4b:s0+s3], $0x280, $0x38;
	[tilespmem:$0x1FC70] =	vst v63  }
0x37c: {  	_ =	swait.ge [sflag:s28], $0x1400  }
0x37d: {  	[sflag:s28] =	ssyncset.done $0x0  }
0x37e: {  	[sflag:s28] =	ssyncadd.s32 $0xFFFFEC00  }
0x37f: {  	_ =	swait.ge [sflag:s28], $0x2800  }
0x380: {  	[sflag:s28] =	ssyncset.done $0x0  }
0x381: {  	[sflag:s28] =	ssyncadd.s32 $0xFFFFD800  }
0x382: {  	_ =	swait.ge [sflag:s29], $0x28  }
0x383: {  	[sflag:s29] =	ssyncset.done $0x0  }
0x384: {  	[sflag:s29] =	ssyncadd.s32 $0xFFFFFFD8  }
0x385: {  	_ =	swait.ge [sflag:s29], $0x28  }
0x386: {  	[sflag:s29] =	ssyncset.done $0x0  }
0x387: {  	[sflag:s29] =	ssyncadd.s32 $0xFFFFFFD8  }
0x388: {  	_ =	swait.ge [sflag:s29], $0x280  }
0x389: {  	[sflag:s29] =	ssyncset.done $0x0  }
0x38a: {  	[sflag:s29] =	ssyncadd.s32 $0xFFFFFD80  }
0x38b: {  	s24 =	simm.s32 $0xF0;
	s21 =	rddreg [dreg:$0x0]  }
0x38c: {  	[tilespmem:s24], [sflag:$0x1] =	stream.indirect.gather [hbm4b:s21+s15], $0x80, s3, s15, $0xb8;
	[tilespmem:$0x1FC70] =	vst v63  }
0x38d: {  	s25 =	simm.s32 $0x28F0  }
0x38e: {  	[tilespmem:s25], [sflag:$0x1] =	stream.indirect.gather [hbm4b:s5+s15], $0x100, s13, s15, $0xb8;
	[tilespmem:$0x1FC70] =	vst v63  }
0x38f: {  	_ =	swait.ge [sflag:s30], $0x1680  }
0x390: {  	[sflag:s30] =	ssyncset.done $0x0  }
0x391: {  	s2 =	simm.s32 $0xA0;
	[sflag:s30] =	ssyncadd.s32 $0xFFFFE980  }
0x392: {  	[tilespmem:s16], [sflag:$0x7] =	stream.linear.gather [hbm4b:s10+s3], $0x28, $0x38;
	[tilespmem:$0x1FC70] =	vst v63  }
.LBB2_11:
0x393: {  	s0 =	simm.s32 $0x15F0  }
0x394: {  	s17 =	simm.s32 $0x52F0;
	v1 =	vld [tilespmem:s0+$0x80]  }
0x395: {  	v2 =	vld [tilespmem:s17+$0x100]  }
0x396: {  	v3 =	vld [tilespmem:s0+$0x90]  }
0x397: {  	v4 =	vld [tilespmem:s17+$0x110]  }
0x398: {  	v5 =	vld [tilespmem:s0+$0xA0]  }
0x399: {  	v6 =	vld [tilespmem:s17+$0x120]  }
0x39a: {  	v7 =	vld [tilespmem:s0+$0xB0]  }
0x39b: {  	v8 =	vld [tilespmem:s17+$0x130]  }
0x39c: {  	v10 =	vld [tilespmem:s0+$0x0]  }
0x39d: {  	v11 =	vld [tilespmem:s0+$0x10]  }
0x39e: {  	v12 =	vld [tilespmem:s17+$0x10]  }
0x39f: {  	v13 =	vld [tilespmem:s0+$0xFFFFFF00]  }
0x3a0: {  	v14 =	vld [tilespmem:s17+$0x180]  }
0x3a1: {  	v15 =	vld [tilespmem:s0+$0xFFFFFF20]  }
0x3a2: {  	v16 =	vld [tilespmem:s17+$0xFFFFFE20]  }
0x3a3: {  	v17 =	vld [tilespmem:s0+$0xFFFFFFA0]  }
0x3a4: {  	v18 =	vld [tilespmem:s17+$0xFFFFFF20]  }
0x3a5: {  	v19 =	vld [tilespmem:s0+$0x20]  }
0x3a6: {  	v20 =	vld [tilespmem:s17+$0x20]  }
0x3a7: {  	v21 =	vld [tilespmem:s0+$0xFFFFFF30]  }
0x3a8: {  	v22 =	vld [tilespmem:s17+$0xFFFFFE30]  }
0x3a9: {  	v23 =	vld [tilespmem:s0+$0xFFFFFFB0]  }
0x3aa: {  	v24 =	vld [tilespmem:s17+$0xFFFFFF30]  }
0x3ab: {  	v25 =	vld [tilespmem:s0+$0x30]  }
0x3ac: {  	v1 =	vmul.f32 v2, v1;
	v2 =	vmul.f32 v4, v3;
	v3 =	vld [tilespmem:s0+$0xC0]  }
0x3ad: {  	v4 =	vld [tilespmem:s17+$0x140]  }
0x3ae: {  	v1 =	vadd.f32 v2, v1;
	v2 =	vmul.f32 v6, v5;
	v5 =	vld [tilespmem:s0+$0xD0]  }
0x3af: {  	v6 =	vld [tilespmem:s17+$0x150]  }
0x3b0: {  	v1 =	vadd.f32 v2, v1;
	v2 =	vmul.f32 v8, v7;
	v7 =	vld [tilespmem:s0+$0xE0]  }
0x3b1: {  	v8 =	vld [tilespmem:s17+$0x160]  }
0x3b2: {  	v1 =	vadd.f32 v2, v1;
	v2 =	vmul.f32 v4, v3;
	v3 =	vld [tilespmem:s0+$0xF0]  }
0x3b3: {  	v4 =	vld [tilespmem:s17+$0x170]  }
0x3b4: {  	v26 =	vld [tilespmem:s17+$0x30];
	v1 =	vadd.f32 v2, v1;
	v2 =	vmul.f32 v6, v5  }
0x3b5: {  	v27 =	vld [tilespmem:s0+$0xFFFFFF40]  }
0x3b6: {  	v28 =	vld [tilespmem:s17+$0xFFFFFE40];
	v1 =	vadd.f32 v2, v1;
	v2 =	vmul.f32 v8, v7  }
0x3b7: {  	v29 =	vld [tilespmem:s0+$0xFFFFFFC0]  }
0x3b8: {  	s1 =	simm.s32 $0x7B90;
	v30 =	vld [tilespmem:s17+$0xFFFFFF40];
	v1 =	vadd.f32 v2, v1;
	v2 =	vmul.f32 v4, v3  }
0x3b9: {  	v3 =	vld [tilespmem:s1+$0x10]  }
0x3ba: {  	v31 =	vld [tilespmem:s0+$0x40];
	v1 =	vadd.f32 v2, v1  }
0x3bb: {  	v32 =	vld [tilespmem:s17+$0x40]  }
0x3bc: {  	v33 =	vld [tilespmem:s0+$0xFFFFFF50];
	v1 =	vmul.f32 $3.535533850e-01, v1  }
0x3bd: {  	v34 =	vld [tilespmem:s17+$0xFFFFFE50]  }
0x3be: {  	v35 =	vld [tilespmem:s0+$0xFFFFFFD0];
	v1 =	vadd.f32 v1, v3  }
0x3bf: {  	v36 =	vld [tilespmem:s17+$0xFFFFFF50]  }
0x3c0: {  	v37 =	vld [tilespmem:s0+$0x50];
	v1 =	vmul.f32 $1.442695020e+00, v1  }
0x3c1: {  	v38 =	vld [tilespmem:s17+$0x50]  }
0x3c2: {  	v39 =	vld [tilespmem:s0+$0xFFFFFF60];
	(erf) = vpow2.f32 v1  }
0x3c3: {  	v40 =	vld [tilespmem:s17+$0xFFFFFE60]  }
0x3c4: {  	v41 =	vld [tilespmem:s0+$0xFFFFFFE0]  }
0x3c5: {  	s19 =	simm.s32 $0x56F0;
	v42 =	vld [tilespmem:s17+$0xFFFFFF60]  }
0x3c6: {  	s24 =	simm.s32 $0x17F0;
	v56 =	vld [tilespmem:s19+$0xFFFFFF10]  }
0x3c7: {  	v57 =	vld [tilespmem:s24+$0xFFFFFF00]  }
0x3c8: {  	v58 =	vld [tilespmem:s24+$0xFFFFFF20]  }
0x3c9: {  	v59 =	vld [tilespmem:s19+$0xFFFFFE20]  }
0x3ca: {  	v60 =	vld [tilespmem:s24+$0xFFFFFFA0]  }
0x3cb: {  	v61 =	vld [tilespmem:s19+$0xFFFFFF20];
	v9 =	vpop (erf)  }
0x3cc: {  	v62 =	vld [tilespmem:s24+$0xFFFFFF30];
	v14 =	vmul.f32 v9, v14  }
0x3cd: {  	s16 =	simm.s32 $0x7F10;
	v63 =	vld [tilespmem:s19+$0xFFFFFE30]  }
0x3ce: {  	v44 =	vld [tilespmem:s24+$0xFFFFFFB0];
	[tilespmem:s16+$0x90] =	vst v14  }
0x3cf: {  	v14 =	vld [tilespmem:s17+$0x190]  }
0x3d0: {  	v45 =	vld [tilespmem:s19+$0xFFFFFF30]  }
0x3d1: {  	v46 =	vld [tilespmem:s24+$0xFFFFFF40]  }
0x3d2: {  	v47 =	vld [tilespmem:s19+$0xFFFFFE40]  }
0x3d3: {  	v48 =	vld [tilespmem:s24+$0xFFFFFFC0]  }
0x3d4: {  	v49 =	vld [tilespmem:s19+$0xFFFFFF40];
	v14 =	vmul.f32 v9, v14  }
0x3d5: {  	v50 =	vld [tilespmem:s24+$0xFFFFFF50]  }
0x3d6: {  	v51 =	vld [tilespmem:s19+$0xFFFFFE50];
	[tilespmem:s16+$0xA0] =	vst v14  }
0x3d7: {  	v14 =	vld [tilespmem:s17+$0x1A0]  }
0x3d8: {  	v52 =	vld [tilespmem:s24+$0xFFFFFFD0]  }
0x3d9: {  	v53 =	vld [tilespmem:s19+$0xFFFFFE60]  }
0x3da: {  	v54 =	vld [tilespmem:s24+$0xFFFFFFE0]  }
0x3db: {  	v5 =	vld [tilespmem:s17+$0xFFFFFE10]  }
0x3dc: {  	v6 =	vld [tilespmem:s0+$0xFFFFFF80];
	v14 =	vmul.f32 v9, v14  }
0x3dd: {  	v4 =	vld [tilespmem:s0+$0xFFFFFF10]  }
0x3de: {  	v2 =	vld [tilespmem:s17+$0xFFFFFE00];
	[tilespmem:s16+$0xB0] =	vst v14  }
0x3df: {  	v14 =	vld [tilespmem:s17+$0x1B0]  }
0x3e0: {  	v7 =	vld [tilespmem:s0+$0xFFFFFF90]  }
0x3e1: {  	v8 =	vld [tilespmem:s17+$0xFFFFFF10]  }
0x3e2: {  	v3 =	vld [tilespmem:s17+$0xFFFFFF00]  }
0x3e3: {  	v4 =	vmul.f32 v5, v4;
	v1 =	vld [tilespmem:s17+$0x0]  }
0x3e4: {  	v55 =	vld [tilespmem:s19+$0xFFFFFF60];
	v2 =	vmul.f32 v2, v13;
	v14 =	vmul.f32 v14, v9  }
0x3e5: {  	v43 =	vld [tilespmem:s19+$0x60]  }
0x3e6: {  	v13 =	vld [tilespmem:s0+$0xFFFFFFF0];
	v2 =	vadd.f32 v4, v2;
	v4 =	vmul.f32 v16, v15;
	[tilespmem:s16+$0xC0] =	vst v14  }
0x3e7: {  	v3 =	vmul.f32 v3, v6;
	v6 =	vmul.f32 v8, v7;
	v5 =	vld [tilespmem:s17+$0x1C0]  }
0x3e8: {  	v15 =	vld [tilespmem:s0+$0x70];
	v8 =	vmul.f32 v12, v11;
	v1 =	vmul.f32 v1, v10  }
0x3e9: {  	v7 =	vld [tilespmem:s0+$0x60]  }
0x3ea: {  	v12 =	vld [tilespmem:s17+$0xFFFFFE70];
	v3 =	vadd.f32 v6, v3;
	v1 =	vadd.f32 v8, v1;
	v8 =	vmul.f32 v18, v17  }
0x3eb: {  	v11 =	vmul.f32 v20, v19;
	v2 =	vadd.f32 v4, v2;
	v4 =	vmul.f32 v22, v21;
	v19 =	vld [tilespmem:s17+$0xFFFFFE80]  }
0x3ec: {  	v20 =	vld [tilespmem:s24+$0x20];
	v3 =	vadd.f32 v8, v3;
	v8 =	vmul.f32 v24, v23;
	v5 =	vmul.f32 v5, v9  }
0x3ed: {  	v21 =	vld [tilespmem:s19+$0x20];
	v2 =	vadd.f32 v4, v2;
	v4 =	vmul.f32 v26, v25;
	v1 =	vadd.f32 v11, v1  }
0x3ee: {  	v6 =	vld [tilespmem:s0+$0xFFFFFF70];
	v3 =	vadd.f32 v8, v3;
	v14 =	vmul.f32 v28, v27;
	[tilespmem:s16+$0xD0] =	vst v5;
	v5 =	vmul.f32 v30, v29  }
0x3ef: {  	v10 =	vld [tilespmem:s17+$0x60];
	v1 =	vadd.f32 v4, v1;
	v4 =	vmul.f32 v32, v31  }
0x3f0: {  	v11 =	vld [tilespmem:s17+$0xFFFFFF70];
	v2 =	vadd.f32 v14, v2;
	v3 =	vadd.f32 v5, v3;
	v5 =	vmul.f32 v34, v33  }
0x3f1: {  	v16 =	vmul.f32 v36, v35;
	v22 =	vld [tilespmem:s24+$0x30];
	v1 =	vadd.f32 v4, v1;
	v4 =	vmul.f32 v38, v37  }
0x3f2: {  	v14 =	vld [tilespmem:s17+$0x70];
	v2 =	vadd.f32 v5, v2;
	v5 =	vmul.f32 v40, v39  }
0x3f3: {  	v1 =	vadd.f32 v4, v1;
	v4 =	vmul.f32 v42, v41;
	v8 =	vld [tilespmem:s17+$0x1D0];
	v3 =	vadd.f32 v16, v3  }
0x3f4: {  	v17 =	vld [tilespmem:s1+$0xFFFFFFE0];
	v6 =	vmul.f32 v12, v6;
	v2 =	vadd.f32 v5, v2  }
0x3f5: {  	v18 =	vld [tilespmem:s1+$0xFFFFFFF0];
	v5 =	vmul.f32 v10, v7;
	v3 =	vadd.f32 v4, v3;
	v4 =	vmul.f32 v11, v13  }
0x3f6: {  	v16 =	vld [tilespmem:s1+$0x0];
	v2 =	vadd.f32 v6, v2  }
0x3f7: {  	v10 =	vld [tilespmem:s19+$0x110];
	v1 =	vadd.f32 v5, v1;
	v5 =	vmul.f32 v14, v15;
	v3 =	vadd.f32 v4, v3  }
0x3f8: {  	v8 =	vmul.f32 v8, v9;
	v4 =	vld [tilespmem:s24+$0x80];
	v2 =	vmul.f32 $3.535533850e-01, v2  }
0x3f9: {  	v1 =	vadd.f32 v5, v1;
	v5 =	vld [tilespmem:s19+$0x100];
	v3 =	vmul.f32 $3.535533850e-01, v3  }
0x3fa: {  	[tilespmem:s16+$0xE0] =	vst v8;
	v8 =	vld [tilespmem:s24+$0x90];
	v2 =	vadd.f32 v2, v17  }
0x3fb: {  	v12 =	vld [tilespmem:s24+$0xA0];
	v1 =	vmul.f32 $3.535533850e-01, v1;
	v3 =	vadd.f32 v3, v18  }
0x3fc: {  	v13 =	vld [tilespmem:s19+$0x120];
	v2 =	vmul.f32 $1.442695020e+00, v2  }
0x3fd: {  	v14 =	vld [tilespmem:s24+$0xB0];
	v1 =	vadd.f32 v1, v16;
	v3 =	vmul.f32 $1.442695020e+00, v3  }
0x3fe: {  	v4 =	vmul.f32 v5, v4;
	(erf) = vpow2.f32 v2;
	v2 =	vld [tilespmem:s19+$0x130]  }
0x3ff: {  	v5 =	vmul.f32 v10, v8;
	v8 =	vld [tilespmem:s24+$0xC0];
	v1 =	vmul.f32 $1.442695020e+00, v1  }
0x400: {  	(erf) = vpow2.f32 v3;
	v3 =	vld [tilespmem:s19+$0x140]  }
0x401: {  	(erf) = vpow2.f32 v1;
	v1 =	vadd.f32 v5, v4;
	v4 =	vmul.f32 v13, v12;
	v5 =	vld [tilespmem:s24+$0xD0]  }
0x402: {  	v12 =	vld [tilespmem:s19+$0x150]  }
0x403: {  	v13 =	vld [tilespmem:s19+$0x160];
	v1 =	vadd.f32 v4, v1;
	v2 =	vmul.f32 v2, v14  }
0x404: {  	v4 =	vld [tilespmem:s24+$0xE0]  }
0x405: {  	v1 =	vadd.f32 v2, v1;
	v2 =	vmul.f32 v3, v8;
	v3 =	vld [tilespmem:s24+$0xF0]  }
0x406: {  	v8 =	vld [tilespmem:s19+$0x170]  }
0x407: {  	s10 =	simm.s32 $0x19F0;
	v23 =	vld [tilespmem:s24+$0xFFFFFF90];
	v5 =	vmul.f32 v12, v5;
	v1 =	vadd.f32 v2, v1  }
0x408: {  	v24 =	vld [tilespmem:s10+$0x0]  }
0x409: {  	s18 =	simm.s32 $0x1BF0;
	v32 =	vld [tilespmem:s10+$0xFFFFFFA0];
	v4 =	vmul.f32 v13, v4;
	v5 =	vadd.f32 v5, v1  }
0x40a: {  	v31 =	vld [tilespmem:s18+$0xFFFFFF80]  }
0x40b: {  	s25 =	simm.s32 $0x7BD0;
	v37 =	vld [tilespmem:s10+$0xFFFFFF30];
	v3 =	vmul.f32 v8, v3;
	v4 =	vadd.f32 v4, v5  }
0x40c: {  	v5 =	vld [tilespmem:s25+$0x10]  }
0x40d: {  	v42 =	vld [tilespmem:s24+$0x60];
	v3 =	vadd.f32 v3, v4  }
0x40e: {  	v28 =	vld [tilespmem:s10+$0x10]  }
0x40f: {  	v29 =	vld [tilespmem:s18+$0xFFFFFF10];
	v3 =	vmul.f32 $3.535533850e-01, v3  }
0x410: {  	v34 =	vld [tilespmem:s10+$0x20]  }
0x411: {  	v39 =	vld [tilespmem:s10+$0xFFFFFFB0];
	v3 =	vadd.f32 v3, v5  }
0x412: {  	v7 =	vld [tilespmem:s17+$0xFFFFFF80]  }
0x413: {  	v17 =	vld [tilespmem:s19+$0xFFFFFF00];
	v10 =	vpop (erf);
	v3 =	vmul.f32 $1.442695020e+00, v3  }
0x414: {  	v16 =	vld [tilespmem:s24+$0xFFFFFF80];
	v2 =	vpop (erf)  }
0x415: {  	v11 =	vld [tilespmem:s17+$0x80];
	v1 =	vpop (erf);
	(erf) = vpow2.f32 v3  }
0x416: {  	v15 =	vld [tilespmem:s19+$0x0]  }
0x417: {  	v6 =	vld [tilespmem:s17+$0x1E0]  }
0x418: {  	v18 =	vld [tilespmem:s24+$0x10]  }
0x419: {  	v16 =	vmul.f32 v17, v16;
	v17 =	vmul.f32 v56, v23;
	v23 =	vld [tilespmem:s24+$0xFFFFFF60]  }
0x41a: {  	v3 =	vld [tilespmem:s19+$0x180]  }
0x41b: {  	v56 =	vld [tilespmem:s24+$0xFFFFFF70]  }
0x41c: {  	v14 =	vld [tilespmem:s19+$0xFFFFFE10]  }
0x41d: {  	v16 =	vadd.f32 v17, v16;
	v17 =	vmul.f32 v61, v60;
	v60 =	vld [tilespmem:s25+$0xFFFFFFE0]  }
0x41e: {  	v61 =	vld [tilespmem:s19+$0x40];
	v13 =	vpop (erf)  }
0x41f: {  	v16 =	vadd.f32 v17, v16;
	v17 =	vmul.f32 v45, v44;
	v44 =	vld [tilespmem:s24+$0x70];
	v3 =	vmul.f32 v13, v3  }
0x420: {  	s21 =	simm.s32 $0x8150;
	v45 =	vld [tilespmem:s19+$0x70]  }
0x421: {  	v6 =	vmul.f32 v6, v9;
	v16 =	vadd.f32 v17, v16;
	v17 =	vmul.f32 v49, v48;
	v49 =	vld [tilespmem:s10+$0x80];
	[tilespmem:s21+$0x90] =	vst v3  }
0x422: {  	v11 =	vmul.f32 v1, v11;
	v3 =	vld [tilespmem:s19+$0x190]  }
0x423: {  	[tilespmem:s16+$0xF0] =	vst v6;
	v12 =	vmul.f32 v10, v19;
	v19 =	vld [tilespmem:s19+$0x10]  }
0x424: {  	v6 =	vmul.f32 v2, v7;
	[tilespmem:s16+$0x0] =	vst v11;
	v11 =	vld [tilespmem:s24+$0xFFFFFF10]  }
0x425: {  	v16 =	vadd.f32 v17, v16;
	v17 =	vld [tilespmem:s19+$0xFFFFFF70]  }
0x426: {  	v8 =	vld [tilespmem:s19+$0xFFFFFE00];
	[tilespmem:s16+$0xFFFFFF70] =	vst v6  }
0x427: {  	v6 =	vld [tilespmem:s17+$0xFFFFFF90];
	v3 =	vmul.f32 v13, v3  }
0x428: {  	v4 =	vld [tilespmem:s17+$0x90]  }
0x429: {  	v11 =	vmul.f32 v14, v11;
	v14 =	vld [tilespmem:s19+$0xFFFFFF50];
	[tilespmem:s21+$0xA0] =	vst v3  }
0x42a: {  	v3 =	vld [tilespmem:s19+$0x1A0]  }
0x42b: {  	v8 =	vmul.f32 v8, v57;
	v57 =	vld [tilespmem:s19+$0xFFFFFE70]  }
0x42c: {  	[tilespmem:s16+$0xFFFFFEE0] =	vst v12;
	v12 =	vld [tilespmem:s17+$0x1F0];
	v6 =	vmul.f32 v2, v6  }
0x42d: {  	v7 =	vld [tilespmem:s17+$0xFFFFFE90];
	v4 =	vmul.f32 v1, v4  }
0x42e: {  	v5 =	vld [tilespmem:s24+$0x0];
	[tilespmem:s16+$0xFFFFFF80] =	vst v6;
	v14 =	vmul.f32 v14, v52  }
0x42f: {  	[tilespmem:s16+$0x10] =	vst v4;
	v4 =	vld [tilespmem:s17+$0xFFFFFFA0];
	v3 =	vmul.f32 v13, v3  }
0x430: {  	v14 =	vadd.f32 v14, v16;
	v16 =	vmul.f32 v57, v56;
	v57 =	vld [tilespmem:s10+$0xC0]  }
0x431: {  	[tilespmem:s21+$0xB0] =	vst v3;
	v3 =	vadd.f32 v11, v8;
	v8 =	vmul.f32 v59, v58;
	v58 =	vld [tilespmem:s24+$0xFFFFFFF0]  }
0x432: {  	v59 =	vld [tilespmem:s24+$0x40]  }
0x433: {  	v11 =	vld [tilespmem:s19+$0x1B0]  }
0x434: {  	v3 =	vadd.f32 v8, v3;
	v8 =	vmul.f32 v63, v62;
	v62 =	vld [tilespmem:s24+$0x50]  }
0x435: {  	v63 =	vld [tilespmem:s19+$0x50];
	s24 =	simm.s32 $0x5AF0  }
0x436: {  	v5 =	vmul.f32 v15, v5;
	v15 =	vmul.f32 v19, v18;
	v52 =	vld [tilespmem:s24+$0x110]  }
0x437: {  	v18 =	vld [tilespmem:s24+$0x130]  }
0x438: {  	v5 =	vadd.f32 v15, v5;
	v15 =	vmul.f32 v21, v20;
	v20 =	vld [tilespmem:s24+$0x140]  }
0x439: {  	v26 =	vld [tilespmem:s24+$0xFFFFFE00]  }
0x43a: {  	v27 =	vld [tilespmem:s24+$0x0]  }
0x43b: {  	v33 =	vld [tilespmem:s24+$0xFFFFFF20]  }
0x43c: {  	v35 =	vld [tilespmem:s24+$0x20]  }
0x43d: {  	v38 =	vld [tilespmem:s24+$0xFFFFFE30];
	v3 =	vadd.f32 v8, v3;
	v8 =	vmul.f32 v47, v46  }
0x43e: {  	v47 =	vld [tilespmem:s25+$0x0]  }
0x43f: {  	v3 =	vadd.f32 v8, v3;
	v8 =	vmul.f32 v51, v50;
	v50 =	vld [tilespmem:s24+$0x100]  }
0x440: {  	v51 =	vld [tilespmem:s10+$0x90]  }
0x441: {  	v3 =	vadd.f32 v8, v3;
	v8 =	vmul.f32 v53, v23;
	v23 =	vld [tilespmem:s19+$0x30]  }
0x442: {  	v11 =	vmul.f32 v11, v13;
	v53 =	vld [tilespmem:s10+$0xA0]  }
0x443: {  	s13 =	simm.s32 $0x7C10;
	v37 =	vmul.f32 v38, v37;
	v38 =	vld [tilespmem:s10+$0x60]  }
0x444: {  	[tilespmem:s21+$0xC0] =	vst v11;
	v40 =	vmul.f32 v35, v34;
	v35 =	vld [tilespmem:s13+$0x0]  }
0x445: {  	v11 =	vld [tilespmem:s19+$0x1C0]  }
0x446: {  	v3 =	vadd.f32 v8, v3;
	v8 =	vmul.f32 v55, v54;
	v54 =	vld [tilespmem:s24+$0x120]  }
0x447: {  	v55 =	vld [tilespmem:s10+$0xB0]  }
0x448: {  	v19 =	vmul.f32 v50, v49;
	v49 =	vld [tilespmem:s10+$0xFFFFFF50]  }
0x449: {  	v50 =	vld [tilespmem:s24+$0xFFFFFE50]  }
0x44a: {  	v56 =	vmul.f32 v52, v51;
	v51 =	vld [tilespmem:s10+$0xFFFFFFD0]  }
0x44b: {  	v52 =	vld [tilespmem:s24+$0xFFFFFF50]  }
0x44c: {  	v3 =	vadd.f32 v16, v3;
	v16 =	vld [tilespmem:s25+$0xFFFFFFF0]  }
0x44d: {  	v8 =	vadd.f32 v8, v14;
	v14 =	vmul.f32 v17, v58;
	v17 =	vld [tilespmem:s19+$0x80]  }
0x44e: {  	v58 =	vld [tilespmem:s10+$0xD0]  }
0x44f: {  	v5 =	vadd.f32 v15, v5;
	v15 =	vmul.f32 v23, v22;
	v22 =	vld [tilespmem:s24+$0x150]  }
0x450: {  	v23 =	vld [tilespmem:s24+$0x160]  }
0x451: {  	v19 =	vadd.f32 v56, v19;
	v56 =	vld [tilespmem:s24+$0x180]  }
0x452: {  	v11 =	vmul.f32 v11, v13;
	v5 =	vadd.f32 v15, v5;
	v15 =	vmul.f32 v61, v59;
	v59 =	vld [tilespmem:s24+$0x170]  }
0x453: {  	v3 =	vmul.f32 $3.535533850e-01, v3;
	v21 =	vmul.f32 v54, v53;
	v61 =	vld [tilespmem:s10+$0xFFFFFF00]  }
0x454: {  	v7 =	vmul.f32 v10, v7;
	v8 =	vadd.f32 v14, v8;
	v53 =	vld [tilespmem:s10+$0x50];
	[tilespmem:s21+$0xD0] =	vst v11  }
0x455: {  	v18 =	vmul.f32 v18, v55;
	v3 =	vadd.f32 v3, v60;
	v11 =	vld [tilespmem:s19+$0x1D0];
	v19 =	vadd.f32 v21, v19  }
0x456: {  	v8 =	vmul.f32 $3.535533850e-01, v8;
	v21 =	vld [tilespmem:s10+$0xE0];
	v5 =	vadd.f32 v15, v5;
	v15 =	vmul.f32 v63, v62  }
0x457: {  	v54 =	vld [tilespmem:s24+$0x50];
	v49 =	vmul.f32 v50, v49;
	v18 =	vadd.f32 v18, v19;
	v19 =	vmul.f32 v20, v57  }
0x458: {  	[tilespmem:s16+$0xFFFFFEF0] =	vst v7;
	v7 =	vadd.f32 v8, v16;
	v20 =	vld [tilespmem:s10+$0xF0];
	v5 =	vadd.f32 v15, v5;
	v15 =	vmul.f32 v43, v42  }
0x459: {  	v55 =	vld [tilespmem:s10+$0xFFFFFF60];
	v3 =	vmul.f32 $1.442695020e+00, v3;
	v18 =	vadd.f32 v19, v18;
	v19 =	vmul.f32 v22, v58  }
0x45a: {  	v60 =	vld [tilespmem:s24+$0xFFFFFE10];
	v6 =	vmul.f32 $1.442695020e+00, v7;
	v5 =	vadd.f32 v15, v5;
	v15 =	vmul.f32 v45, v44  }
0x45b: {  	v50 =	vld [tilespmem:s10+$0xFFFFFFF0];
	v7 =	vmul.f32 v11, v13;
	v18 =	vadd.f32 v19, v18;
	v19 =	vmul.f32 v23, v21  }
0x45c: {  	(erf) = vpow2.f32 v3;
	v3 =	vld [tilespmem:s17+$0xA0]  }
0x45d: {  	v5 =	vadd.f32 v15, v5;
	v15 =	vld [tilespmem:s13+$0x10];
	[tilespmem:s21+$0xE0] =	vst v7;
	v18 =	vadd.f32 v19, v18;
	v19 =	vmul.f32 v59, v20  }
0x45e: {  	(erf) = vpow2.f32 v6;
	v7 =	vld [tilespmem:s19+$0x1E0]  }
0x45f: {  	v4 =	vmul.f32 v2, v4;
	v62 =	vld [tilespmem:s10+$0xFFFFFF20];
	v18 =	vadd.f32 v19, v18  }
0x460: {  	v63 =	vld [tilespmem:s24+$0xFFFFFE20];
	v5 =	vmul.f32 $3.535533850e-01, v5  }
0x461: {  	[tilespmem:s16+$0xFFFFFF90] =	vst v4;
	v8 =	vld [tilespmem:s17+$0xFFFFFEA0];
	v3 =	vmul.f32 v1, v3;
	v18 =	vmul.f32 $3.535533850e-01, v18  }
0x462: {  	v16 =	vld [tilespmem:s17+$0xFFFFFFB0];
	v5 =	vadd.f32 v5, v47  }
0x463: {  	v57 =	vld [tilespmem:s24+$0xFFFFFF30];
	[tilespmem:s16+$0x20] =	vst v3;
	v3 =	vmul.f32 v7, v13;
	v15 =	vadd.f32 v18, v15  }
0x464: {  	v43 =	vld [tilespmem:s10+$0xFFFFFF40];
	v5 =	vmul.f32 $1.442695020e+00, v5  }
0x465: {  	v42 =	vld [tilespmem:s18+$0xB0];
	v15 =	vmul.f32 $1.442695020e+00, v15  }
0x466: {  	v22 =	vld [tilespmem:s10+$0xFFFFFF10];
	v4 =	vpop (erf);
	(erf) = vpow2.f32 v5  }
0x467: {  	v58 =	vld [tilespmem:s10+$0x30];
	[tilespmem:s21+$0xF0] =	vst v3;
	v3 =	vpop (erf);
	(erf) = vpow2.f32 v15  }
0x468: {  	v44 =	vld [tilespmem:s24+$0xFFFFFE40]  }
0x469: {  	v45 =	vld [tilespmem:s10+$0xFFFFFFC0]  }
0x46a: {  	v11 =	vld [tilespmem:s19+$0xFFFFFF80]  }
0x46b: {  	v6 =	vmul.f32 v10, v8;
	v8 =	vld [tilespmem:s19+$0xFFFFFE80]  }
0x46c: {  	v21 =	vld [tilespmem:s10+$0xFFFFFF80]  }
0x46d: {  	v23 =	vld [tilespmem:s24+$0xFFFFFF00]  }
0x46e: {  	v48 =	vmul.f32 v16, v2;
	v20 =	vld [tilespmem:s10+$0xFFFFFF90]  }
0x46f: {  	[tilespmem:s16+$0xFFFFFF00] =	vst v6;
	v59 =	vld [tilespmem:s24+$0x30];
	v5 =	vpop (erf)  }
0x470: {  	[tilespmem:s16+$0xFFFFFFA0] =	vst v48;
	v48 =	vld [tilespmem:s24+$0x40];
	v15 =	vpop (erf)  }
0x471: {  	v6 =	vld [tilespmem:s17+$0xFFFFFEB0];
	v36 =	vmul.f32 v15, v56  }
0x472: {  	s25 =	simm.s32 $0x8390;
	v22 =	vmul.f32 v60, v22;
	v60 =	vmul.f32 v26, v61;
	v61 =	vld [tilespmem:s24+$0xFFFFFE60]  }
0x473: {  	v43 =	vmul.f32 v44, v43;
	v44 =	vld [tilespmem:s10+$0xFFFFFF70];
	[tilespmem:s25+$0x90] =	vst v36  }
0x474: {  	v36 =	vld [tilespmem:s24+$0x190]  }
0x475: {  	v19 =	vld [tilespmem:s24+$0xFFFFFF10]  }
0x476: {  	v62 =	vmul.f32 v63, v62;
	v47 =	vld [tilespmem:s10+$0x40];
	v22 =	vadd.f32 v22, v60  }
0x477: {  	v46 =	vld [tilespmem:s17+$0xB0]  }
0x478: {  	v22 =	vadd.f32 v62, v22;
	v62 =	vld [tilespmem:s13+$0xFFFFFFE0]  }
0x479: {  	v18 =	vld [tilespmem:s24+$0x10];
	v36 =	vmul.f32 v15, v36  }
0x47a: {  	v19 =	vmul.f32 v19, v20;
	v20 =	vld [tilespmem:s10+$0xFFFFFFE0]  }
0x47b: {  	v6 =	vmul.f32 v6, v10;
	v14 =	vld [tilespmem:s19+$0x1F0];
	[tilespmem:s25+$0xA0] =	vst v36  }
0x47c: {  	v7 =	vmul.f32 v4, v8;
	v36 =	vld [tilespmem:s24+$0x1A0]  }
0x47d: {  	v21 =	vmul.f32 v23, v21;
	[tilespmem:s16+$0xFFFFFF10] =	vst v6;
	v6 =	vmul.f32 v46, v1;
	v46 =	vld [tilespmem:s24+$0xFFFFFF40]  }
0x47e: {  	[tilespmem:s21+$0xFFFFFEE0] =	vst v7;
	v8 =	vld [tilespmem:s17+$0xFFFFFEC0]  }
0x47f: {  	v19 =	vadd.f32 v19, v21;
	v21 =	vmul.f32 v33, v32;
	v7 =	vmul.f32 v3, v11;
	v11 =	vld [tilespmem:s19+$0xFFFFFE90];
	[tilespmem:s16+$0x30] =	vst v6  }
0x480: {  	v6 =	vld [tilespmem:s17+$0xC0]  }
0x481: {  	v19 =	vadd.f32 v21, v19;
	v21 =	vmul.f32 v57, v39;
	v57 =	vld [tilespmem:s24+$0xFFFFFF70];
	v36 =	vmul.f32 v15, v36  }
0x482: {  	v23 =	vmul.f32 v27, v24;
	v18 =	vmul.f32 v18, v28;
	v28 =	vld [tilespmem:s18+$0xFFFFFF90]  }
0x483: {  	v22 =	vadd.f32 v37, v22;
	v19 =	vadd.f32 v21, v19;
	v21 =	vmul.f32 v46, v45;
	v46 =	vld [tilespmem:s24+$0xFFFFFE70];
	[tilespmem:s25+$0xB0] =	vst v36  }
0x484: {  	v63 =	vld [tilespmem:s24+$0x1B0]  }
0x485: {  	v22 =	vadd.f32 v43, v22;
	v18 =	vadd.f32 v18, v23;
	v36 =	vld [tilespmem:s24+$0xFFFFFF60]  }
0x486: {  	[tilespmem:s21+$0xFFFFFF70] =	vst v7;
	v7 =	vld [tilespmem:s17+$0xFFFFFFC0];
	v19 =	vadd.f32 v21, v19;
	v21 =	vmul.f32 v52, v51  }
0x487: {  	v22 =	vadd.f32 v49, v22;
	v16 =	vld [tilespmem:s19+$0xFFFFFF90];
	v18 =	vadd.f32 v40, v18;
	v56 =	vmul.f32 v59, v58  }
0x488: {  	v23 =	vld [tilespmem:s24+$0x60];
	v17 =	vmul.f32 v5, v17;
	v19 =	vadd.f32 v21, v19;
	v58 =	vmul.f32 v61, v55  }
0x489: {  	v45 =	vld [tilespmem:s18+$0xC0];
	v59 =	vmul.f32 v48, v47;
	v18 =	vadd.f32 v56, v18;
	v25 =	vmul.f32 v63, v15  }
0x48a: {  	v21 =	vld [tilespmem:s10+$0x70];
	v60 =	vmul.f32 v46, v44;
	[tilespmem:s21+$0x0] =	vst v17;
	v22 =	vadd.f32 v58, v22;
	v20 =	vmul.f32 v36, v20  }
0x48b: {  	v11 =	vmul.f32 v4, v11;
	v61 =	vld [tilespmem:s24+$0x70];
	v17 =	vadd.f32 v59, v18;
	[tilespmem:s25+$0xC0] =	vst v25  }
0x48c: {  	v18 =	vmul.f32 v54, v53;
	v19 =	vadd.f32 v20, v19;
	v20 =	vadd.f32 v60, v22;
	v25 =	vld [tilespmem:s24+$0x1C0]  }
0x48d: {  	v7 =	vmul.f32 v7, v2;
	v63 =	vld [tilespmem:s19+$0x90];
	v22 =	vmul.f32 v57, v50  }
0x48e: {  	v17 =	vadd.f32 v18, v17;
	v18 =	vmul.f32 v23, v38;
	v23 =	vld [tilespmem:s13+$0xFFFFFFF0];
	v20 =	vmul.f32 $3.535533850e-01, v20  }
0x48f: {  	v40 =	vld [tilespmem:s18+$0xA0];
	v6 =	vmul.f32 v6, v1;
	[tilespmem:s21+$0xFFFFFEF0] =	vst v11;
	v16 =	vmul.f32 v3, v16;
	v19 =	vadd.f32 v22, v19  }
0x490: {  	v51 =	vld [tilespmem:s18+$0xE0];
	[tilespmem:s16+$0xFFFFFFB0] =	vst v7;
	v21 =	vmul.f32 v61, v21;
	v17 =	vadd.f32 v18, v17;
	v20 =	vadd.f32 v20, v62  }
0x491: {  	[tilespmem:s16+$0x40] =	vst v6;
	v6 =	vld [tilespmem:s17+$0xFFFFFFD0];
	v19 =	vmul.f32 $3.535533850e-01, v19;
	v34 =	vmul.f32 v25, v15  }
0x492: {  	[tilespmem:s21+$0xFFFFFF80] =	vst v16;
	v17 =	vadd.f32 v21, v17;
	v11 =	vmul.f32 v5, v63;
	v16 =	vmul.f32 $1.442695020e+00, v20;
	v20 =	vld [tilespmem:s19+$0xFFFFFEA0]  }
0x493: {  	v8 =	vmul.f32 v8, v10;
	v48 =	vld [tilespmem:s18+$0xD0];
	v19 =	vadd.f32 v19, v23;
	[tilespmem:s25+$0xD0] =	vst v34  }
0x494: {  	[tilespmem:s21+$0x10] =	vst v11;
	v11 =	vmul.f32 $3.535533850e-01, v17;
	v22 =	vld [tilespmem:s24+$0x1D0]  }
0x495: {  	[tilespmem:s16+$0xFFFFFF20] =	vst v8;
	s10 =	simm.s32 $0x7C50;
	v54 =	vld [tilespmem:s18+$0xF0];
	v8 =	vmul.f32 $1.442695020e+00, v19  }
0x496: {  	v59 =	vld [tilespmem:s10+$0x10];
	(erf) = vpow2.f32 v16;
	v7 =	vadd.f32 v11, v35  }
0x497: {  	v16 =	vld [tilespmem:s19+$0xA0];
	(erf) = vpow2.f32 v8;
	v8 =	vmul.f32 v4, v20  }
0x498: {  	s13 =	simm.s32 $0x5EF0;
	v38 =	vld [tilespmem:s18+$0x90];
	v7 =	vmul.f32 $1.442695020e+00, v7  }
0x499: {  	v37 =	vld [tilespmem:s13+$0x100];
	[tilespmem:s21+$0xFFFFFF00] =	vst v8;
	v11 =	vmul.f32 v22, v15  }
0x49a: {  	(erf) = vpow2.f32 v7;
	v8 =	vld [tilespmem:s19+$0xFFFFFEB0]  }
0x49b: {  	[tilespmem:s25+$0xE0] =	vst v11;
	v11 =	vld [tilespmem:s17+$0xD0]  }
0x49c: {  	v39 =	vld [tilespmem:s13+$0x110];
	v7 =	vmul.f32 v5, v16  }
0x49d: {  	v6 =	vmul.f32 v6, v2;
	v36 =	vld [tilespmem:s24+$0xFFFFFF80]  }
0x49e: {  	v41 =	vld [tilespmem:s13+$0x120]  }
0x49f: {  	v21 =	vld [tilespmem:s24+$0x80];
	v8 =	vmul.f32 v8, v4  }
0x4a0: {  	v43 =	vld [tilespmem:s13+$0x130];
	[tilespmem:s21+$0x20] =	vst v7;
	v7 =	vpop (erf);
	v11 =	vmul.f32 v11, v1  }
0x4a1: {  	[tilespmem:s16+$0xFFFFFFC0] =	vst v6;
	v46 =	vld [tilespmem:s13+$0x140];
	v6 =	vpop (erf)  }
0x4a2: {  	v49 =	vld [tilespmem:s13+$0x150];
	[tilespmem:s16+$0x50] =	vst v11;
	v11 =	vmul.f32 v6, v36  }
0x4a3: {  	v52 =	vld [tilespmem:s13+$0x160];
	[tilespmem:s21+$0xFFFFFF10] =	vst v8;
	v8 =	vpop (erf)  }
0x4a4: {  	v55 =	vld [tilespmem:s13+$0x170];
	[tilespmem:s25+$0xFFFFFF70] =	vst v11;
	v11 =	vmul.f32 v8, v21  }
0x4a5: {  	v33 =	vld [tilespmem:s13+$0xFFFFFE00]  }
0x4a6: {  	[tilespmem:s25+$0x0] =	vst v11;
	v11 =	vld [tilespmem:s18+$0x80]  }
0x4a7: {  	v30 =	vld [tilespmem:s13+$0xFFFFFE10]  }
0x4a8: {  	v32 =	vld [tilespmem:s13+$0xFFFFFF00]  }
0x4a9: {  	v26 =	vld [tilespmem:s13+$0xFFFFFF10]  }
0x4aa: {  	v27 =	vld [tilespmem:s13+$0x10]  }
0x4ab: {  	v18 =	vld [tilespmem:s24+$0xFFFFFE80];
	v44 =	vmul.f32 v39, v38;
	v11 =	vmul.f32 v37, v11  }
0x4ac: {  	v38 =	vld [tilespmem:s18+$0xFFFFFF20]  }
0x4ad: {  	v47 =	vmul.f32 v41, v40;
	v39 =	vld [tilespmem:s13+$0xFFFFFE20];
	v11 =	vadd.f32 v44, v11  }
0x4ae: {  	v40 =	vld [tilespmem:s18+$0xFFFFFFA0]  }
0x4af: {  	v41 =	vld [tilespmem:s13+$0xFFFFFF20];
	v50 =	vmul.f32 v43, v42;
	v11 =	vadd.f32 v47, v11  }
0x4b0: {  	v53 =	vmul.f32 v46, v45;
	v45 =	vld [tilespmem:s18+$0xFFFFFF30]  }
0x4b1: {  	v46 =	vld [tilespmem:s13+$0xFFFFFE30];
	v11 =	vadd.f32 v50, v11  }
0x4b2: {  	v56 =	vmul.f32 v49, v48;
	v48 =	vld [tilespmem:s13+$0xFFFFFF30]  }
0x4b3: {  	v49 =	vld [tilespmem:s18+$0x30];
	v11 =	vadd.f32 v53, v11  }
0x4b4: {  	v58 =	vmul.f32 v55, v54;
	v54 =	vld [tilespmem:s13+$0xFFFFFF40]  }
0x4b5: {  	v55 =	vld [tilespmem:s18+$0x40];
	v57 =	vmul.f32 v52, v51;
	v11 =	vadd.f32 v56, v11  }
0x4b6: {  	v29 =	vmul.f32 v30, v29;
	v30 =	vld [tilespmem:s18+$0x50]  }
0x4b7: {  	v26 =	vmul.f32 v26, v28;
	v28 =	vld [tilespmem:s13+$0x50];
	v11 =	vadd.f32 v57, v11  }
0x4b8: {  	v46 =	vmul.f32 v46, v45;
	v45 =	vld [tilespmem:s13+$0xFFFFFE70]  }
0x4b9: {  	v42 =	vld [tilespmem:s18+$0x20];
	v11 =	vadd.f32 v58, v11  }
0x4ba: {  	v43 =	vld [tilespmem:s13+$0x20]  }
0x4bb: {  	v60 =	vld [tilespmem:s13+$0x180];
	v11 =	vmul.f32 $3.535533850e-01, v11  }
0x4bc: {  	v17 =	vld [tilespmem:s19+$0xFFFFFFA0]  }
0x4bd: {  	v51 =	vld [tilespmem:s18+$0xFFFFFF40];
	v11 =	vadd.f32 v11, v59  }
0x4be: {  	v52 =	vld [tilespmem:s13+$0xFFFFFE40]  }
0x4bf: {  	v19 =	vld [tilespmem:s17+$0xFFFFFED0];
	v11 =	vmul.f32 $1.442695020e+00, v11  }
0x4c0: {  	v35 =	vld [tilespmem:s13+$0x0]  }
0x4c1: {  	v34 =	vld [tilespmem:s18+$0x0];
	v17 =	vmul.f32 v3, v17;
	(erf) = vpow2.f32 v11  }
0x4c2: {  	v63 =	vmul.f32 v39, v38;
	v38 =	vld [tilespmem:s13+$0xFFFFFF60]  }
0x4c3: {  	v39 =	vld [tilespmem:s18+$0x60];
	[tilespmem:s21+$0xFFFFFF90] =	vst v17  }
0x4c4: {  	v16 =	vmul.f32 v19, v10;
	v19 =	vld [tilespmem:s19+$0xFFFFFFB0]  }
0x4c5: {  	v20 =	vld [tilespmem:s24+$0x1E0]  }
0x4c6: {  	v34 =	vmul.f32 v35, v34;
	v35 =	vld [tilespmem:s13+$0xFFFFFE60];
	v18 =	vmul.f32 v7, v18  }
0x4c7: {  	[tilespmem:s16+$0xFFFFFF30] =	vst v16;
	v16 =	vld [tilespmem:s17+$0xFFFFFFE0]  }
0x4c8: {  	v22 =	vld [tilespmem:s19+$0xB0];
	[tilespmem:s25+$0xFFFFFEE0] =	vst v18  }
0x4c9: {  	v23 =	vld [tilespmem:s24+$0xFFFFFE90]  }
0x4ca: {  	v24 =	vld [tilespmem:s19+$0xFFFFFEC0];
	v17 =	vmul.f32 v20, v15;
	v11 =	vpop (erf)  }
0x4cb: {  	v20 =	vld [tilespmem:s17+$0xFFFFFEE0];
	v44 =	vmul.f32 v11, v60  }
0x4cc: {  	s1 =	simm.s32 $0x85D0;
	v18 =	vmul.f32 v19, v3;
	v36 =	vld [tilespmem:s18+$0x10];
	[tilespmem:s25+$0xF0] =	vst v17  }
0x4cd: {  	v17 =	vld [tilespmem:s17+$0xE0];
	[tilespmem:s1+$0x90] =	vst v44  }
0x4ce: {  	v19 =	vmul.f32 v22, v5;
	[tilespmem:s21+$0xFFFFFFA0] =	vst v18;
	v44 =	vld [tilespmem:s13+$0x190]  }
0x4cf: {  	v21 =	vld [tilespmem:s19+$0xFFFFFFC0]  }
0x4d0: {  	[tilespmem:s21+$0x30] =	vst v19;
	v22 =	vld [tilespmem:s24+$0xFFFFFF90]  }
0x4d1: {  	v18 =	vmul.f32 v20, v10;
	v20 =	vld [tilespmem:s19+$0xC0]  }
0x4d2: {  	v37 =	vld [tilespmem:s18+$0xFFFFFF00]  }
0x4d3: {  	v27 =	vmul.f32 v27, v36;
	v36 =	vld [tilespmem:s18+$0xFFFFFFE0];
	[tilespmem:s16+$0xFFFFFF40] =	vst v18;
	v44 =	vmul.f32 v11, v44  }
0x4d4: {  	v18 =	vld [tilespmem:s17+$0xFFFFFEF0]  }
0x4d5: {  	v47 =	vld [tilespmem:s18+$0xFFFFFFB0];
	[tilespmem:s1+$0xA0] =	vst v44  }
0x4d6: {  	v44 =	vld [tilespmem:s13+$0x1A0]  }
0x4d7: {  	v61 =	vmul.f32 v33, v37;
	v33 =	vld [tilespmem:s18+$0xFFFFFF60]  }
0x4d8: {  	v37 =	vld [tilespmem:s13+$0x60]  }
0x4d9: {  	v50 =	vld [tilespmem:s13+$0x30]  }
0x4da: {  	v53 =	vld [tilespmem:s18+$0xFFFFFFC0]  }
0x4db: {  	v31 =	vmul.f32 v32, v31;
	v56 =	vld [tilespmem:s13+$0x40];
	v62 =	vmul.f32 v11, v44  }
0x4dc: {  	v12 =	vmul.f32 v12, v9;
	v14 =	vmul.f32 v14, v13;
	v29 =	vadd.f32 v29, v61;
	v57 =	vld [tilespmem:s18+$0xFFFFFF50]  }
0x4dd: {  	v26 =	vadd.f32 v26, v31;
	v41 =	vmul.f32 v41, v40;
	v16 =	vmul.f32 v16, v2;
	v58 =	vld [tilespmem:s13+$0xFFFFFE50];
	[tilespmem:s1+$0xB0] =	vst v62  }
0x4de: {  	[tilespmem:s21+$0x110] =	vst v13;
	v13 =	vmul.f32 v7, v23;
	v27 =	vadd.f32 v27, v34;
	v29 =	vadd.f32 v63, v29;
	v34 =	vld [tilespmem:s13+$0x1B0]  }
0x4df: {  	v26 =	vadd.f32 v41, v26;
	v24 =	vmul.f32 v24, v4;
	v48 =	vmul.f32 v48, v47;
	v59 =	vld [tilespmem:s18+$0xFFFFFFD0]  }
0x4e0: {  	v61 =	vmul.f32 v52, v51;
	v29 =	vadd.f32 v46, v29;
	v60 =	vld [tilespmem:s13+$0xFFFFFF50];
	v44 =	vmul.f32 v43, v42  }
0x4e1: {  	v51 =	vmul.f32 v35, v33;
	v50 =	vmul.f32 v50, v49;
	v26 =	vadd.f32 v48, v26;
	v62 =	vld [tilespmem:s18+$0xFFFFFF70]  }
0x4e2: {  	[tilespmem:s16+$0x100] =	vst v12;
	v48 =	vld [tilespmem:s18+$0xFFFFFFF0];
	v12 =	vadd.f32 v61, v29;
	v47 =	vmul.f32 v58, v57;
	v27 =	vadd.f32 v44, v27  }
0x4e3: {  	v63 =	vmul.f32 v54, v53;
	v54 =	vld [tilespmem:s18+$0x70];
	v34 =	vmul.f32 v34, v11  }
0x4e4: {  	[tilespmem:s16+$0x110] =	vst v9;
	v46 =	vmul.f32 v56, v55;
	v12 =	vadd.f32 v47, v12;
	v27 =	vadd.f32 v50, v27;
	v50 =	vld [tilespmem:s13+$0xFFFFFF70]  }
0x4e5: {  	v26 =	vadd.f32 v63, v26;
	v55 =	vld [tilespmem:s13+$0x70];
	v56 =	vmul.f32 v28, v30;
	v49 =	vmul.f32 v60, v59;
	[tilespmem:s1+$0xC0] =	vst v34  }
0x4e6: {  	[tilespmem:s21+$0x100] =	vst v14;
	v12 =	vadd.f32 v51, v12;
	v9 =	vadd.f32 v46, v27;
	v23 =	vmul.f32 v45, v62;
	v52 =	vld [tilespmem:s13+$0x1C0]  }
0x4e7: {  	[tilespmem:s25+$0xFFFFFEF0] =	vst v13;
	v13 =	vmul.f32 v6, v22;
	v53 =	vmul.f32 v38, v36;
	v57 =	vld [tilespmem:s10+$0xFFFFFFE0];
	v14 =	vadd.f32 v49, v26  }
0x4e8: {  	[tilespmem:s16+$0xFFFFFFD0] =	vst v16;
	v19 =	vld [tilespmem:s24+$0x90];
	v58 =	vmul.f32 v37, v39;
	v9 =	vadd.f32 v56, v9;
	v12 =	vadd.f32 v23, v12  }
0x4e9: {  	v25 =	vld [tilespmem:s24+$0x1F0];
	[tilespmem:s25+$0xFFFFFF80] =	vst v13;
	v13 =	vmul.f32 v21, v3;
	v14 =	vadd.f32 v53, v14;
	v22 =	vmul.f32 v50, v48  }
0x4ea: {  	[tilespmem:s21+$0xFFFFFF20] =	vst v24;
	v16 =	vld [tilespmem:s24+$0xFFFFFFA0];
	v18 =	vmul.f32 v18, v10;
	v9 =	vadd.f32 v58, v9;
	v12 =	vmul.f32 $3.535533850e-01, v12  }
0x4eb: {  	[tilespmem:s21+$0xFFFFFFB0] =	vst v13;
	v23 =	vld [tilespmem:s10+$0xFFFFFFF0];
	v14 =	vadd.f32 v22, v14;
	v22 =	vmul.f32 v55, v54;
	v60 =	vmul.f32 v52, v11  }
0x4ec: {  	[tilespmem:s16+$0xFFFFFF50] =	vst v18;
	v59 =	vld [tilespmem:s10+$0x0];
	v12 =	vadd.f32 v12, v57  }
0x4ed: {  	v20 =	vmul.f32 v20, v5;
	v13 =	vmul.f32 v8, v19;
	v18 =	vld [tilespmem:s19+$0xFFFFFED0];
	v9 =	vadd.f32 v22, v9;
	[tilespmem:s1+$0xD0] =	vst v60  }
0x4ee: {  	[tilespmem:s25+$0x110] =	vst v15;
	v14 =	vmul.f32 $3.535533850e-01, v14;
	v12 =	vmul.f32 $1.442695020e+00, v12;
	v19 =	vld [tilespmem:s13+$0x1D0]  }
0x4ef: {  	[tilespmem:s25+$0x10] =	vst v13;
	v13 =	vmul.f32 v17, v1;
	v17 =	vld [tilespmem:s24+$0xFFFFFEA0];
	v9 =	vmul.f32 $3.535533850e-01, v9  }
0x4f0: {  	[tilespmem:s21+$0x40] =	vst v20;
	v16 =	vmul.f32 v6, v16;
	v14 =	vadd.f32 v14, v23;
	(erf) = vpow2.f32 v12;
	v12 =	vld [tilespmem:s24+$0xA0]  }
0x4f1: {  	v21 =	vld [tilespmem:s13+$0xFFFFFE80];
	[tilespmem:s16+$0x60] =	vst v13;
	v9 =	vadd.f32 v9, v59  }
0x4f2: {  	v20 =	vld [tilespmem:s13+$0x80];
	[tilespmem:s25+$0xFFFFFF90] =	vst v16;
	v16 =	vmul.f32 v18, v4;
	v13 =	vmul.f32 $1.442695020e+00, v14  }
0x4f3: {  	[tilespmem:s16+$0xFFFFFF60] =	vst v10;
	v10 =	vld [tilespmem:s19+$0xFFFFFFD0];
	v9 =	vmul.f32 $1.442695020e+00, v9;
	v14 =	vmul.f32 v19, v11  }
0x4f4: {  	[tilespmem:s21+$0xFFFFFF30] =	vst v16;
	v61 =	vld [tilespmem:s13+$0xFFFFFF80];
	(erf) = vpow2.f32 v13;
	v13 =	vmul.f32 v7, v17  }
0x4f5: {  	v16 =	vld [tilespmem:s19+$0xFFFFFEE0];
	(erf) = vpow2.f32 v9;
	v9 =	vmul.f32 v8, v12;
	[tilespmem:s1+$0xE0] =	vst v14  }
0x4f6: {  	v25 =	vmul.f32 v25, v15;
	[tilespmem:s25+$0xFFFFFF00] =	vst v13;
	v15 =	vld [tilespmem:s13+$0x1E0]  }
0x4f7: {  	v12 =	vld [tilespmem:s24+$0xFFFFFEB0]  }
0x4f8: {  	v14 =	vld [tilespmem:s19+$0xD0]  }
0x4f9: {  	v10 =	vmul.f32 v10, v3;
	v17 =	vld [tilespmem:s24+$0xFFFFFFB0];
	[tilespmem:s25+$0x20] =	vst v9;
	v9 =	vpop (erf)  }
0x4fa: {  	[tilespmem:s25+$0x100] =	vst v25;
	v13 =	vld [tilespmem:s17+$0xFFFFFFF0];
	v19 =	vmul.f32 v9, v21  }
0x4fb: {  	[tilespmem:s21+$0xFFFFFFC0] =	vst v10;
	v18 =	vld [tilespmem:s24+$0xB0];
	v15 =	vmul.f32 v15, v11  }
0x4fc: {  	v21 =	vld [tilespmem:s19+$0xFFFFFFE0];
	v12 =	vmul.f32 v12, v7;
	[tilespmem:s1+$0xFFFFFEE0] =	vst v19  }
0x4fd: {  	v10 =	vpop (erf);
	v22 =	vld [tilespmem:s13+$0xFFFFFE90];
	v14 =	vmul.f32 v14, v5;
	[tilespmem:s1+$0xF0] =	vst v15  }
0x4fe: {  	[tilespmem:s25+$0xFFFFFF10] =	vst v12;
	v15 =	vmul.f32 v10, v61;
	v19 =	vld [tilespmem:s13+$0x1F0]  }
0x4ff: {  	v17 =	vmul.f32 v17, v6;
	v62 =	vld [tilespmem:s24+$0xFFFFFEC0];
	[tilespmem:s21+$0x50] =	vst v14  }
0x500: {  	v23 =	vmul.f32 v18, v8;
	v12 =	vpop (erf);
	v14 =	vld [tilespmem:s19+$0xE0];
	[tilespmem:s1+$0xFFFFFF70] =	vst v15  }
0x501: {  	[tilespmem:s25+$0xFFFFFFA0] =	vst v17;
	v15 =	vmul.f32 v12, v20;
	v63 =	vld [tilespmem:s13+$0xFFFFFF90]  }
0x502: {  	v16 =	vmul.f32 v16, v4;
	v18 =	vld [tilespmem:s24+$0xFFFFFFC0];
	[tilespmem:s25+$0x30] =	vst v23  }
0x503: {  	v22 =	vmul.f32 v9, v22;
	[tilespmem:s1+$0x0] =	vst v15;
	v17 =	vmul.f32 v19, v11;
	v19 =	vld [tilespmem:s24+$0xC0]  }
0x504: {  	[tilespmem:s21+$0xFFFFFF40] =	vst v16;
	v13 =	vmul.f32 v13, v2;
	v20 =	vld [tilespmem:s13+$0x90]  }
0x505: {  	v16 =	vld [tilespmem:s19+$0xFFFFFEF0];
	[tilespmem:s1+$0xFFFFFEF0] =	vst v22;
	v15 =	vmul.f32 v21, v3;
	v21 =	vmul.f32 v62, v7  }
0x506: {  	s0 =	simm.s32 $0xC;
	s18 =	simm.s32 $0x1DF0;
	v14 =	vmul.f32 v14, v5;
	[tilespmem:s1+$0x100] =	vst v17;
	v22 =	vmul.f32 v10, v63;
	v17 =	vld [tilespmem:s17+$0xF0]  }
.LBB2_12:
0x507: {  	v23 =	vld [tilespmem:s18+$0x80];
	[tilespmem:s25+$0xFFFFFF20] =	vst v21;
	v18 =	vmul.f32 v18, v6;
	s17 =	smov.u32 s13;
	s13 =	sadd.s32 $0x400, s13  }
0x508: {  	v21 =	vld [tilespmem:s13+$0x100];
	[tilespmem:s1+$0xFFFFFF80] =	vst v22;
	v19 =	vmul.f32 v19, v8  }
0x509: {  	v22 =	vld [tilespmem:s18+$0x90];
	v20 =	vmul.f32 v12, v20;
	[tilespmem:s25+$0xFFFFFFB0] =	vst v18  }
0x50a: {  	s0 =	sadd.s32 $0x4, s0;
	v18 =	vld [tilespmem:s13+$0x110];
	[tilespmem:s25+$0x40] =	vst v19;
	v16 =	vmul.f32 v16, v4  }
0x50b: {  	p0 =	slt.u32 s0, $0x24;
	v19 =	vld [tilespmem:s18+$0xA0];
	[tilespmem:s1+$0x10] =	vst v20;
	v17 =	vmul.f32 v17, v1  }
0x50c: {  	v20 =	vld [tilespmem:s13+$0x120];
	[tilespmem:s21+$0xFFFFFFD0] =	vst v15  }
0x50d: {  	v15 =	vld [tilespmem:s18+$0xB0];
	[tilespmem:s21+$0x60] =	vst v14  }
0x50e: {  	v14 =	vld [tilespmem:s13+$0x130];
	[tilespmem:s21+$0xFFFFFF50] =	vst v16  }
0x50f: {  	v16 =	vmul.f32 v21, v23;
	v18 =	vmul.f32 v18, v22;
	v21 =	vld [tilespmem:s18+$0xC0];
	[tilespmem:s16+$0xFFFFFFE0] =	vst v13  }
0x510: {  	v13 =	vld [tilespmem:s13+$0x140];
	[tilespmem:s16+$0x70] =	vst v17  }
0x511: {  	v16 =	vadd.f32 v18, v16;
	v17 =	vmul.f32 v20, v19;
	v18 =	vld [tilespmem:s18+$0xD0];
	[tilespmem:s21+$0xFFFFFF60] =	vst v4;
	v4 =	vmovc v7;
	v7 =	vmov v9  }
0x512: {  	v9 =	vld [tilespmem:s13+$0x150];
	[tilespmem:s16+$0xFFFFFFF0] =	vst v2;
	v2 =	vmov v3;
	v3 =	vmov v6;
	v6 =	vmov v10  }
0x513: {  	v10 =	vadd.f32 v17, v16;
	v14 =	vmul.f32 v14, v15;
	v15 =	vld [tilespmem:s18+$0xE0];
	[tilespmem:s16+$0x80] =	vst v1;
	v1 =	vmovc v5;
	v5 =	vmov v8;
	s16 =	smov.u32 s21;
	s21 =	smov.u32 s25;
	s25 =	smov.u32 s1  }
0x514: {  	v8 =	vmov v12;
	v16 =	vld [tilespmem:s13+$0x160];
	[tilespmem:s1+$0x110] =	vst v11  }
0x515: {  	v10 =	vadd.f32 v14, v10;
	v11 =	vmul.f32 v13, v21;
	v12 =	vld [tilespmem:s18+$0xF0]  }
0x516: {  	v13 =	vld [tilespmem:s13+$0x170]  }
0x517: {  	v14 =	vld [tilespmem:s13+$0xFFFFFE00];
	v10 =	vadd.f32 v11, v10;
	v9 =	vmul.f32 v9, v18  }
0x518: {  	v11 =	vld [tilespmem:s18+$0xFFFFFF10]  }
0x519: {  	v17 =	vld [tilespmem:s13+$0xFFFFFE10];
	v9 =	vadd.f32 v9, v10;
	v10 =	vmul.f32 v16, v15  }
0x51a: {  	v15 =	vld [tilespmem:s18+$0xFFFFFF80]  }
0x51b: {  	s10 =	sadd.s32 $0x40, s10;
	v16 =	vld [tilespmem:s13+$0xFFFFFF00];
	v9 =	vadd.f32 v10, v9;
	v10 =	vmul.f32 v13, v12  }
0x51c: {  	v12 =	vld [tilespmem:s10+$0x10]  }
0x51d: {  	v13 =	vld [tilespmem:s18+$0xFFFFFF90];
	v9 =	vadd.f32 v10, v9  }
0x51e: {  	v10 =	vmul.f32 v17, v11;
	v11 =	vld [tilespmem:s13+$0xFFFFFF10]  }
0x51f: {  	v17 =	vld [tilespmem:s18+$0x0];
	v9 =	vmul.f32 $3.535533850e-01, v9  }
0x520: {  	v15 =	vmul.f32 v16, v15;
	v16 =	vld [tilespmem:s13+$0x0]  }
0x521: {  	v18 =	vld [tilespmem:s18+$0x10];
	v9 =	vadd.f32 v9, v12  }
0x522: {  	v12 =	vld [tilespmem:s13+$0x10]  }
0x523: {  	v19 =	vld [tilespmem:s18+$0xFFFFFF00];
	v11 =	vmul.f32 v11, v13;
	v9 =	vmul.f32 $1.442695020e+00, v9  }
0x524: {  	v13 =	vld [tilespmem:s18+$0xFFFFFF20]  }
0x525: {  	v20 =	vld [tilespmem:s13+$0xFFFFFE20];
	v11 =	vadd.f32 v11, v15;
	v15 =	vmul.f32 v16, v17;
	(erf) = vpow2.f32 v9  }
0x526: {  	v9 =	vld [tilespmem:s18+$0xFFFFFFA0]  }
0x527: {  	v16 =	vld [tilespmem:s13+$0xFFFFFF20];
	v12 =	vmul.f32 v12, v18  }
0x528: {  	v14 =	vmul.f32 v14, v19;
	v17 =	vld [tilespmem:s18+$0x20]  }
0x529: {  	v12 =	vadd.f32 v12, v15;
	v15 =	vld [tilespmem:s13+$0x20]  }
0x52a: {  	v10 =	vadd.f32 v10, v14;
	v13 =	vmul.f32 v20, v13;
	v14 =	vld [tilespmem:s13+$0x180]  }
0x52b: {  	v18 =	vld [tilespmem:s18+$0xFFFFFF30]  }
0x52c: {  	v10 =	vadd.f32 v13, v10;
	v13 =	vld [tilespmem:s13+$0xFFFFFE30];
	v9 =	vmul.f32 v16, v9  }
0x52d: {  	v16 =	vld [tilespmem:s18+$0xFFFFFFB0]  }
0x52e: {  	v9 =	vadd.f32 v9, v11;
	v19 =	vld [tilespmem:s13+$0xFFFFFF30];
	v15 =	vmul.f32 v15, v17;
	v11 =	vpop (erf)  }
0x52f: {  	v17 =	vld [tilespmem:s18+$0x30];
	v14 =	vmul.f32 v11, v14  }
0x530: {  	s1 =	sadd.s32 $0x240, s1;
	v12 =	vadd.f32 v15, v12;
	v15 =	vld [tilespmem:s13+$0x30]  }
0x531: {  	v13 =	vmul.f32 v13, v18;
	v18 =	vld [tilespmem:s18+$0xFFFFFF40];
	[tilespmem:s1+$0x90] =	vst v14  }
0x532: {  	v14 =	vld [tilespmem:s13+$0x190]  }
0x533: {  	v10 =	vadd.f32 v13, v10;
	v13 =	vld [tilespmem:s13+$0xFFFFFE40];
	v16 =	vmul.f32 v19, v16  }
0x534: {  	v19 =	vld [tilespmem:s18+$0xFFFFFFC0]  }
0x535: {  	v9 =	vadd.f32 v16, v9;
	v16 =	vld [tilespmem:s13+$0xFFFFFF40];
	v15 =	vmul.f32 v15, v17  }
0x536: {  	v17 =	vld [tilespmem:s18+$0x40]  }
0x537: {  	v12 =	vadd.f32 v15, v12;
	v15 =	vld [tilespmem:s13+$0x40];
	v14 =	vmul.f32 v11, v14  }
0x538: {  	v13 =	vmul.f32 v13, v18;
	v18 =	vld [tilespmem:s18+$0xFFFFFF50]  }
0x539: {  	v20 =	vld [tilespmem:s13+$0xFFFFFE50];
	[tilespmem:s1+$0xA0] =	vst v14  }
0x53a: {  	v10 =	vadd.f32 v13, v10;
	v13 =	vmul.f32 v16, v19;
	v14 =	vld [tilespmem:s13+$0x1A0]  }
0x53b: {  	v16 =	vld [tilespmem:s18+$0xFFFFFFD0]  }
0x53c: {  	v9 =	vadd.f32 v13, v9;
	v13 =	vld [tilespmem:s13+$0xFFFFFF50];
	v15 =	vmul.f32 v15, v17  }
0x53d: {  	v17 =	vld [tilespmem:s18+$0x50]  }
0x53e: {  	v18 =	vmul.f32 v20, v18;
	v12 =	vadd.f32 v15, v12;
	v15 =	vld [tilespmem:s13+$0x50]  }
0x53f: {  	v19 =	vld [tilespmem:s18+$0xFFFFFF60];
	v14 =	vmul.f32 v11, v14  }
0x540: {  	v10 =	vadd.f32 v18, v10;
	v18 =	vld [tilespmem:s13+$0xFFFFFE60]  }
0x541: {  	v13 =	vmul.f32 v13, v16;
	v16 =	vld [tilespmem:s18+$0xFFFFFFE0];
	[tilespmem:s1+$0xB0] =	vst v14  }
0x542: {  	v14 =	vld [tilespmem:s13+$0x1B0]  }
0x543: {  	v9 =	vadd.f32 v13, v9;
	v13 =	vld [tilespmem:s13+$0xFFFFFF60];
	v15 =	vmul.f32 v15, v17  }
0x544: {  	v17 =	vld [tilespmem:s18+$0x60]  }
0x545: {  	v18 =	vmul.f32 v18, v19;
	v12 =	vadd.f32 v15, v12;
	v15 =	vld [tilespmem:s13+$0x60]  }
0x546: {  	v19 =	vld [tilespmem:s18+$0xFFFFFF70]  }
0x547: {  	v10 =	vadd.f32 v18, v10;
	v18 =	vld [tilespmem:s13+$0xFFFFFE70];
	v14 =	vmul.f32 v14, v11  }
0x548: {  	v13 =	vmul.f32 v13, v16;
	v16 =	vld [tilespmem:s18+$0xFFFFFFF0]  }
0x549: {  	v20 =	vld [tilespmem:s13+$0xFFFFFF70];
	[tilespmem:s1+$0xC0] =	vst v14  }
0x54a: {  	v9 =	vadd.f32 v13, v9;
	v13 =	vmul.f32 v15, v17;
	v14 =	vld [tilespmem:s13+$0x1C0]  }
0x54b: {  	v15 =	vld [tilespmem:s18+$0x70]  }
0x54c: {  	v17 =	vmul.f32 v18, v19;
	v12 =	vadd.f32 v13, v12;
	v13 =	vld [tilespmem:s13+$0x70]  }
0x54d: {  	v18 =	vld [tilespmem:s10+$0xFFFFFFE0]  }
0x54e: {  	v10 =	vadd.f32 v17, v10;
	v16 =	vmul.f32 v20, v16;
	v17 =	vld [tilespmem:s10+$0xFFFFFFF0]  }
0x54f: {  	v19 =	vld [tilespmem:s10+$0x0];
	v14 =	vmul.f32 v14, v11  }
0x550: {  	v10 =	vmul.f32 $3.535533850e-01, v10;
	v20 =	vld [tilespmem:s13+$0xFFFFFE80];
	v9 =	vadd.f32 v16, v9  }
0x551: {  	v16 =	vld [tilespmem:s13+$0xFFFFFF80];
	v13 =	vmul.f32 v13, v15;
	[tilespmem:s1+$0xD0] =	vst v14  }
0x552: {  	v10 =	vadd.f32 v10, v18;
	v9 =	vmul.f32 $3.535533850e-01, v9;
	v14 =	vld [tilespmem:s13+$0x1D0]  }
0x553: {  	v12 =	vadd.f32 v13, v12;
	v15 =	vld [tilespmem:s13+$0x80]  }
0x554: {  	v10 =	vmul.f32 $1.442695020e+00, v10;
	v9 =	vadd.f32 v9, v17;
	v13 =	vld [tilespmem:s17+$0xFFFFFEA0]  }
0x555: {  	v12 =	vmul.f32 $3.535533850e-01, v12;
	v17 =	vld [tilespmem:s17+$0xFFFFFFA0]  }
0x556: {  	v9 =	vmul.f32 $1.442695020e+00, v9;
	(erf) = vpow2.f32 v10;
	v10 =	vld [tilespmem:s17+$0xA0]  }
0x557: {  	v12 =	vadd.f32 v12, v19;
	v14 =	vmul.f32 v14, v11;
	v18 =	vld [tilespmem:s24+$0xFFFFFED0]  }
0x558: {  	(erf) = vpow2.f32 v9;
	v9 =	vld [tilespmem:s24+$0xFFFFFFD0]  }
0x559: {  	v12 =	vmul.f32 $1.442695020e+00, v12;
	[tilespmem:s1+$0xE0] =	vst v14;
	v13 =	vmul.f32 v7, v13;
	v14 =	vld [tilespmem:s24+$0xD0]  }
0x55a: {  	v19 =	vld [tilespmem:s13+$0x1E0];
	v17 =	vmul.f32 v6, v17  }
0x55b: {  	(erf) = vpow2.f32 v12;
	[tilespmem:s25+$0xFFFFFF00] =	vst v13;
	v10 =	vmul.f32 v8, v10;
	v12 =	vld [tilespmem:s19+$0xFFFFFFF0]  }
0x55c: {  	v21 =	vld [tilespmem:s17+$0xFFFFFEB0];
	[tilespmem:s25+$0xFFFFFF90] =	vst v17;
	v13 =	vmul.f32 v18, v4  }
0x55d: {  	v17 =	vld [tilespmem:s17+$0xFFFFFFB0];
	[tilespmem:s25+$0x20] =	vst v10;
	v10 =	vmul.f32 v9, v3  }
0x55e: {  	v18 =	vld [tilespmem:s17+$0xB0];
	[tilespmem:s21+$0xFFFFFF30] =	vst v13;
	v13 =	vmul.f32 v14, v5  }
0x55f: {  	v14 =	vmul.f32 v19, v11;
	v9 =	vpop (erf);
	v19 =	vld [tilespmem:s24+$0xFFFFFEE0];
	[tilespmem:s21+$0xFFFFFFC0] =	vst v10  }
0x560: {  	v20 =	vmul.f32 v9, v20;
	v22 =	vld [tilespmem:s24+$0xFFFFFFE0];
	[tilespmem:s21+$0x50] =	vst v13;
	v13 =	vmul.f32 v12, v2  }
0x561: {  	[tilespmem:s1+$0xF0] =	vst v14;
	v10 =	vpop (erf);
	v24 =	vmul.f32 v21, v7;
	v14 =	vld [tilespmem:s24+$0xE0]  }
0x562: {  	[tilespmem:s1+$0xFFFFFEE0] =	vst v20;
	v16 =	vmul.f32 v10, v16;
	v20 =	vld [tilespmem:s13+$0x1F0];
	v17 =	vmul.f32 v17, v6  }
0x563: {  	v21 =	vld [tilespmem:s13+$0xFFFFFE90];
	[tilespmem:s25+$0xFFFFFF10] =	vst v24;
	v23 =	vmul.f32 v18, v8  }
0x564: {  	[tilespmem:s1+$0xFFFFFF70] =	vst v16;
	v12 =	vpop (erf);
	v16 =	vld [tilespmem:s17+$0xFFFFFEC0];
	v24 =	vmul.f32 v19, v4  }
0x565: {  	v25 =	vld [tilespmem:s13+$0xFFFFFF90];
	v19 =	vmul.f32 v12, v15;
	[tilespmem:s25+$0xFFFFFFA0] =	vst v17;
	v15 =	vmul.f32 v22, v3  }
.Ltmp7:
0x566: {  	v18 =	vld [tilespmem:s17+$0xFFFFFFC0];
	[tilespmem:s25+$0x30] =	vst v23;
	v14 =	vmul.f32 v14, v5;
	(pc) =	sbr.rel @p0 .LBB2_12-.Ltmp7, $4  }
0x567: {  	[tilespmem:s1+$0x0] =	vst v19;
	v17 =	vmul.f32 v20, v11;
	v19 =	vld [tilespmem:s17+$0xC0]  }
0x568: {  	v22 =	vmul.f32 v9, v21;
	v20 =	vld [tilespmem:s13+$0x90];
	[tilespmem:s21+$0xFFFFFF40] =	vst v24  }
0x569: {  	[tilespmem:s1+$0x100] =	vst v17;
	v21 =	vmul.f32 v16, v7;
	v16 =	vld [tilespmem:s24+$0xFFFFFEF0]  }
0x56a: {  	s18 =	sadd.s32 $0x200, s18;
	[tilespmem:s1+$0xFFFFFEF0] =	vst v22;
	v22 =	vmul.f32 v10, v25;
	v17 =	vld [tilespmem:s19+$0xF0];
	s19 =	smov.u32 s24;
	s24 =	smov.u32 s17  }
0x56b: {  	v23 =	vld [tilespmem:s13+$0xFFFFFEA0];
	_ =	sdelay $0x3  }
0x56c: {  	[tilespmem:s25+$0xFFFFFF20] =	vst v21;
	v20 =	vmul.f32 v12, v20  }
0x56d: {  	[tilespmem:s1+$0xFFFFFF80] =	vst v22;
	v30 =	vmul.f32 v9, v23  }
0x56e: {  	v31 =	vld [tilespmem:s13+$0xFFFFFFA0];
	[tilespmem:s1+$0x10] =	vst v20  }
0x56f: {  	v32 =	vld [tilespmem:s13+$0xA0];
	[tilespmem:s1+$0xFFFFFF00] =	vst v30  }
0x570: {  	[tilespmem:s21+$0xFFFFFFD0] =	vst v15;
	v22 =	vld [tilespmem:s13+$0xFFFFFEB0]  }
0x571: {  	[tilespmem:s21+$0x60] =	vst v14  }
0x572: {  	[tilespmem:s16+$0xFFFFFFE0] =	vst v13  }
0x573: {  	[tilespmem:s21+$0xFFFFFF60] =	vst v4;
	v33 =	vmul.f32 v10, v31  }
0x574: {  	[tilespmem:s16+$0xFFFFFFF0] =	vst v2;
	v34 =	vmul.f32 v12, v32  }
0x575: {  	[tilespmem:s1+$0xFFFFFF90] =	vst v33;
	v36 =	vmul.f32 v22, v9  }
0x576: {  	v37 =	vld [tilespmem:s13+$0xFFFFFFB0];
	[tilespmem:s1+$0x20] =	vst v34  }
0x577: {  	v39 =	vld [tilespmem:s13+$0xB0];
	[tilespmem:s1+$0xFFFFFF10] =	vst v36  }
0x578: {  	[tilespmem:s16+$0x80] =	vst v1;
	v19 =	vmul.f32 v19, v8;
	v40 =	vld [tilespmem:s13+$0xFFFFFEC0]  }
0x579: {  	v18 =	vmul.f32 v18, v6;
	[tilespmem:s1+$0x110] =	vst v11  }
0x57a: {  	v35 =	vld [tilespmem:s24+$0xFFFFFED0];
	[tilespmem:s25+$0x40] =	vst v19;
	v17 =	vmul.f32 v17, v1  }
0x57b: {  	[tilespmem:s25+$0xFFFFFFB0] =	vst v18;
	v44 =	vld [tilespmem:s24+$0xD0];
	v43 =	vmul.f32 v37, v10  }
0x57c: {  	v42 =	vld [tilespmem:s24+$0xFFFFFFD0];
	[tilespmem:s16+$0x70] =	vst v17;
	v45 =	vmul.f32 v39, v12  }
0x57d: {  	v55 =	vld [tilespmem:s19+$0xFFFFFFF0];
	[tilespmem:s1+$0xFFFFFFA0] =	vst v43;
	v14 =	vmul.f32 v40, v9  }
0x57e: {  	v17 =	vld [tilespmem:s13+$0xFFFFFFC0];
	[tilespmem:s1+$0x30] =	vst v45  }
0x57f: {  	v41 =	vmul.f32 v35, v7;
	v13 =	vld [tilespmem:s13+$0xC0];
	[tilespmem:s1+$0xFFFFFF20] =	vst v14  }
0x580: {  	[tilespmem:s21+$0xFFFFFFF0] =	vst v3;
	v2 =	vmul.f32 v44, v8;
	v14 =	vld [tilespmem:s13+$0xFFFFFED0]  }
0x581: {  	v57 =	vld [tilespmem:s19+$0xF0];
	[tilespmem:s25+$0xFFFFFF30] =	vst v41;
	v47 =	vmul.f32 v42, v6  }
0x582: {  	v46 =	vld [tilespmem:s24+$0xFFFFFEE0];
	[tilespmem:s25+$0x50] =	vst v2  }
0x583: {  	[tilespmem:s25+$0xFFFFFFC0] =	vst v47;
	v50 =	vld [tilespmem:s24+$0xE0];
	v2 =	vmul.f32 v17, v10  }
0x584: {  	[tilespmem:s21+$0x80] =	vst v5;
	v49 =	vld [tilespmem:s24+$0xFFFFFFE0];
	v51 =	vmul.f32 v13, v12  }
0x585: {  	[tilespmem:s1+$0xFFFFFFB0] =	vst v2;
	v2 =	vmul.f32 v14, v9  }
0x586: {  	v38 =	vmul.f32 v16, v4;
	v53 =	vld [tilespmem:s13+$0xFFFFFFD0];
	[tilespmem:s1+$0x40] =	vst v51  }
0x587: {  	v48 =	vmul.f32 v46, v7;
	v54 =	vld [tilespmem:s13+$0xD0];
	[tilespmem:s1+$0xFFFFFF30] =	vst v2  }
0x588: {  	[tilespmem:s21+$0xFFFFFF50] =	vst v38;
	v56 =	vmul.f32 v50, v8;
	v2 =	vld [tilespmem:s13+$0xFFFFFEE0]  }
0x589: {  	[tilespmem:s25+$0xFFFFFF40] =	vst v48;
	v1 =	vmul.f32 v49, v6  }
0x58a: {  	v60 =	vmul.f32 v57, v5;
	[tilespmem:s25+$0x60] =	vst v56  }
0x58b: {  	[tilespmem:s25+$0xFFFFFFD0] =	vst v1;
	v62 =	vld [tilespmem:s24+$0xF0];
	v1 =	vmul.f32 v53, v10  }
0x58c: {  	[tilespmem:s21+$0x70] =	vst v60;
	v52 =	vld [tilespmem:s24+$0xFFFFFEF0];
	v58 =	vmul.f32 v54, v12  }
0x58d: {  	[tilespmem:s1+$0xFFFFFFC0] =	vst v1;
	v1 =	vmul.f32 v2, v9  }
0x58e: {  	v59 =	vld [tilespmem:s13+$0xFFFFFFE0];
	[tilespmem:s1+$0x50] =	vst v58  }
0x58f: {  	v61 =	vld [tilespmem:s13+$0xE0];
	[tilespmem:s1+$0xFFFFFF40] =	vst v1  }
0x590: {  	[tilespmem:s25+$0xFFFFFF60] =	vst v7;
	v4 =	vmul.f32 v62, v8;
	v1 =	vld [tilespmem:s13+$0xFFFFFEF0]  }
0x591: {  	[tilespmem:s25+$0x80] =	vst v8;
	v13 =	vmul.f32 v52, v7  }
0x592: {  	[tilespmem:s25+$0x70] =	vst v4;
	v2 =	vmul.f32 v55, v3  }
0x593: {  	[tilespmem:s25+$0xFFFFFF50] =	vst v13;
	v3 =	vmul.f32 v59, v10  }
0x594: {  	[tilespmem:s21+$0xFFFFFFE0] =	vst v2;
	v2 =	vld [tilespmem:s24+$0xFFFFFFF0];
	v63 =	vmul.f32 v61, v12  }
0x595: {  	[tilespmem:s1+$0xFFFFFFD0] =	vst v3;
	v1 =	vmul.f32 v1, v9  }
0x596: {  	v3 =	vld [tilespmem:s13+$0xFFFFFFF0];
	[tilespmem:s1+$0x60] =	vst v63  }
0x597: {  	[tilespmem:s1+$0xFFFFFF50] =	vst v1;
	v1 =	vld [tilespmem:s13+$0xF0]  }
0x598: {  	[tilespmem:s25+$0xFFFFFFF0] =	vst v6  }
0x599: {  	[tilespmem:s1+$0xFFFFFF60] =	vst v9;
	v2 =	vmul.f32 v2, v6  }
0x59a: {  	[tilespmem:s1+$0xFFFFFFF0] =	vst v10  }
0x59b: {  	[tilespmem:s25+$0xFFFFFFE0] =	vst v2;
	v2 =	vmul.f32 v3, v10  }
0x59c: {  	[tilespmem:s1+$0x80] =	vst v12;
	v1 =	vmul.f32 v1, v12  }
0x59d: {  	[tilespmem:s1+$0xFFFFFFE0] =	vst v2  }
0x59e: {  	p0 =	seq.s32 s9, $0x7C;
	[tilespmem:s1+$0x70] =	vst v1  }
.Ltmp8:
0x59f: {  	_ =	swait.ge [sflag:s31], $0x28;
	(pc) =	sbr.rel @p0 .LBB2_15-.Ltmp8, $4  }
0x5a0: {  	[sflag:s31] =	ssyncset.done $0x0  }
0x5a1: {  	[sflag:s31] =	ssyncadd.s32 $0xFFFFFFD8  }
0x5a2: {  	s0 =	rddreg [dreg:$0x2]  }
0x5a3: {  	[spmem:s0] =	stream.indirect.scatter.add.f32 [tilespmem:s4], [sflag:$0x4], $0x90, s26, s15, $0xb8;
	[tilespmem:$0x1FC70] =	vst v63  }
0x5a4: {  	s0 =	rddreg [dreg:$0xc]  }
0x5a5: {  	s0 =	sadd.s32 s14, s0  }
0x5a6: {  	s1 =	sshrl.u32 s0, $0x3  }
0x5a7: {  	s10 =	sadd.s32 s7, s1  }
0x5a8: {  	[tilespmem:s15], [sflag:$0x6] =	stream.linear.gather [hbm4b:s10+s3], $0x28, $0x38;
	[tilespmem:$0x1FC70] =	vst v63  }
.Ltmp9:
0x5a9: {  	s0 =	sshll.u32 s0, $0x1;
	(pc) =	sbr.rel .LBB2_4-.Ltmp9, $4  }
0x5aa: {  	s1 =	sadd.s32 s8, s1;
	s0 =	sand.u32 $0x1FFFFFF0, s0  }
0x5ab: {  	[tilespmem:s20], [sflag:$0x6] =	stream.linear.gather [hbm4b:s1+s3], $0x28, $0x38;
	[tilespmem:$0x1FC70] =	vst v63  }
0x5ac: {  	s25 =	simm.s32 $0x7B70;
	s9 =	sadd.s32 $0x1, s9;
	s0 =	sadd.s32 s6, s0  }
0x5ad: {  	[tilespmem:s25], [sflag:$0x6] =	stream.linear.gather [hbm4b:s0+s3], $0x280, $0x38;
	[tilespmem:$0x1FC70] =	vst v63  }
.LBB2_16:
0x5ae: {  	_ =	sfence.sel $0x180000  }
0x5af: {  	[bflag:$0x0] =	sbarrier.arrive $0xFFFF  }
0x5b0: {  	_ =	strace $0x90000047  }
0x5b1: {  	s0 =	stileid.u32;
	[bflag:$0x2] =	sbarrier.arrive $0xFFFF  }
0x5b2: {  	p0 =	sne.s32 s0, $0x0;
	s0 =	rddreg [dreg:$0x3]  }
0x5b3: {  	s0 =	sadd.s32 @!p0 $0x100000, s0  }
0x5b4: {  	[sflag:s0] =	ssyncadd.tile.s32 @!p0 $0x1;
	_ =	shalt  }
.Lfunc_end2:
_tile_overlayer_lowered:
.L_overlay_start_2:
0x5b5: {  	(tag) =	ssettag $0x2  }
0x5b6: {  	s0 =	rddreg [dreg:$0x0];
	s2 =	stileid.u32  }
0x5b7: {  	s1 =	rddreg [dreg:$0x1];
	p0 =	sne.s32 s2, $0x0  }
0x5b8: {  	s3 =	rddreg [dreg:$0x2];
	[bflag:$0x3] =	sbarrier.arrive $0xFFFF;
	s2 =	simm.s32 @!p0 $0x1C09  }
0x5b9: {  	[timem:s3], [sflag:s2] =	dma.local @!p0 [hbm:s0], s1  }
0x5ba: {  	s0 =	simm.s32 @!p0 $0x9  }
0x5bb: {  	_ =	swait.ge @!p0 [sflag:s0], s1  }
0x5bc: {  	s1 =	ssub.s32 @!p0 $0x0, s1;
	[sflag:s0] =	ssyncset.done @!p0 $0x0  }
0x5bd: {  	[sflag:s0] =	ssyncadd.s32 @!p0 s1  }
0x5be: {  	[bflag:$0x3] =	sbarrier.arrive $0xFFFF  }
0x5bf: {  	_ =	shalt  }

</sc_bundles>
